<compile_context>
chip_gen: v7x
topology: tpu7x:2x2x1
jax: 0.10.2.dev20260603
libtpu: 0.0.44.dev20260713+nightly
codegen_flags: <defaults>
</compile_context>

<pallas_src>
import jax
import jax.numpy as jnp
from jax import lax
from jax.experimental import pallas as pl
from jax.experimental.pallas import tpu as pltpu
from jax.experimental.pallas import tpu_sc as plsc

N = 10000
E = 320000
F_IN = 128
H = 12
C = 8
FD = H * C
FDH = 128
NUM_CLASSES = 40

NP = 10240
NC, NS, L = 2, 16, 16
NW = NC * NS
K = 80
KH = K // 2
W = 128
NE = E + N
R = -(-NE // (NW * K))
EP = NW * K * R
ROWS_PER_SUB = NP // NS
SLABS = ROWS_PER_SUB // K
NCC = FD // L



def _proj_body(x_ref, wl_ref, bl_ref, wr_ref, br_ref, xl_ref, xr_ref):
    xv = x_ref[...]
    xl_ref[...] = jnp.dot(xv, wl_ref[...], preferred_element_type=jnp.float32) + bl_ref[...]
    xr_ref[...] = jnp.dot(xv, wr_ref[...], preferred_element_type=jnp.float32) + br_ref[...]


def _proj(x, wl, bl, wr, br):
    rb = 1024
    fin = x.shape[1]
    return pl.pallas_call(
        _proj_body,
        grid=(NP // rb,),
        in_specs=[
            pl.BlockSpec((rb, fin), lambda i: (i, 0)),
            pl.BlockSpec((fin, FDH), lambda i: (0, 0)),
            pl.BlockSpec((1, FDH), lambda i: (0, 0)),
            pl.BlockSpec((fin, FDH), lambda i: (0, 0)),
            pl.BlockSpec((1, FDH), lambda i: (0, 0)),
        ],
        out_specs=[
            pl.BlockSpec((rb, FDH), lambda i: (i, 0)),
            pl.BlockSpec((rb, FDH), lambda i: (i, 0)),
        ],
        out_shape=[
            jax.ShapeDtypeStruct((NP, FDH), jnp.float32),
            jax.ShapeDtypeStruct((NP, FDH), jnp.float32),
        ],
    )(x, wl, bl, wr, br)


def _combine_body(p_ref, pnum_ref, pden_ref, b_ref, wl_ref, bl_ref, wr_ref,
                  br_ref, xl_ref, xr_ref):
    s = p_ref[0] + p_ref[1]
    num = jnp.dot(s, pnum_ref[...], preferred_element_type=jnp.float32)
    den = jnp.dot(s, pden_ref[...], preferred_element_type=jnp.float32)
    h = num / (den + 1e-30) + b_ref[...]
    h = jnp.where(h > 0, h, jnp.exp(h) - 1.0)
    xl_ref[...] = jnp.dot(h, wl_ref[...], preferred_element_type=jnp.float32) + bl_ref[...]
    xr_ref[...] = jnp.dot(h, wr_ref[...], preferred_element_type=jnp.float32) + br_ref[...]


def _combine_proj(p, pnum, pden, b, wl, bl, wr, br):
    rb = 1024
    return pl.pallas_call(
        _combine_body,
        grid=(NP // rb,),
        in_specs=[
            pl.BlockSpec((2, rb, W), lambda i: (0, i, 0)),
            pl.BlockSpec((W, FD), lambda i: (0, 0)),
            pl.BlockSpec((W, FD), lambda i: (0, 0)),
            pl.BlockSpec((1, FD), lambda i: (0, 0)),
            pl.BlockSpec((FD, FDH), lambda i: (0, 0)),
            pl.BlockSpec((1, FDH), lambda i: (0, 0)),
            pl.BlockSpec((FD, FDH), lambda i: (0, 0)),
            pl.BlockSpec((1, FDH), lambda i: (0, 0)),
        ],
        out_specs=[
            pl.BlockSpec((rb, FDH), lambda i: (i, 0)),
            pl.BlockSpec((rb, FDH), lambda i: (i, 0)),
        ],
        out_shape=[
            jax.ShapeDtypeStruct((NP, FDH), jnp.float32),
            jax.ShapeDtypeStruct((NP, FDH), jnp.float32),
        ],
    )(p, pnum, pden, b, wl, bl, wr, br)


def _head_body(p_ref, pnum_ref, pden_ref, b_ref, w3_ref, b3_ref, w4_ref,
               b4_ref, out_ref):
    s = p_ref[0] + p_ref[1]
    num = jnp.dot(s, pnum_ref[...], preferred_element_type=jnp.float32)
    den = jnp.dot(s, pden_ref[...], preferred_element_type=jnp.float32)
    h = num / (den + 1e-30) + b_ref[...]
    h = jnp.where(h > 0, h, jnp.exp(h) - 1.0)
    h = jnp.dot(h, w3_ref[...], preferred_element_type=jnp.float32) + b3_ref[...]
    h = jnp.where(h > 0, h, jnp.exp(h) - 1.0)
    z = jnp.dot(h, w4_ref[...], preferred_element_type=jnp.float32) + b4_ref[...]
    m = jnp.max(z, axis=-1, keepdims=True)
    zs = z - m
    out_ref[...] = zs - jnp.log(jnp.sum(jnp.exp(zs), axis=-1, keepdims=True))


def _head(p, pnum, pden, b, w3, b3, w4, b4):
    rb = 1024
    return pl.pallas_call(
        _head_body,
        grid=(NP // rb,),
        in_specs=[
            pl.BlockSpec((2, rb, W), lambda i: (0, i, 0)),
            pl.BlockSpec((W, FD), lambda i: (0, 0)),
            pl.BlockSpec((W, FD), lambda i: (0, 0)),
            pl.BlockSpec((1, FD), lambda i: (0, 0)),
            pl.BlockSpec((FD, C), lambda i: (0, 0)),
            pl.BlockSpec((1, C), lambda i: (0, 0)),
            pl.BlockSpec((C, NUM_CLASSES), lambda i: (0, 0)),
            pl.BlockSpec((1, NUM_CLASSES), lambda i: (0, 0)),
        ],
        out_specs=pl.BlockSpec((rb, NUM_CLASSES), lambda i: (i, 0)),
        out_shape=jax.ShapeDtypeStruct((NP, NUM_CLASSES), jnp.float32),
    )(p, pnum, pden, b.reshape(1, FD), w3, b3.reshape(1, C), w4,
      b4.reshape(1, NUM_CLASSES))



def _perm(v, idx):
    return v.at[idx].get(mode="promise_in_bounds")


def _edge_body(xl_hbm, xr_hbm, src_hbm, dst_hbm, misc_hbm, out_hbm,
               a0_v, b0_v, a1_v, b1_v, contrib_v, srci_v, dsti_v, misc_v,
               acc_s, sa0, sb0, sa1, sb1, isem, sc0, sc1):
    cid = lax.axis_index("c")
    sid = lax.axis_index("s")
    wid = sid * NC + cid

    pltpu.sync_copy(misc_hbm, misc_v)

    def _zrow(i, _):
        for cc in range(W // L):
            contrib_v[i, pl.ds(cc * L, L)] = jnp.zeros((L,), jnp.float32)
        return _
    lax.fori_loop(0, K, _zrow, None)
    offs = 0
    while offs < ROWS_PER_SUB:
        n = min(K, ROWS_PER_SUB - offs)
        pltpu.sync_copy(contrib_v.at[pl.ds(0, n)],
                        acc_s.at[pl.ds(sid * ROWS_PER_SUB + offs, n)])
        offs += n
    plsc.subcore_barrier()

    iota = lax.iota(jnp.int32, L)
    bfly1 = iota ^ 1
    bfly2 = iota ^ 2
    bfly4 = iota ^ 4
    atts = tuple(misc_v[pl.ds(cc * L, L)] for cc in range(NCC))
    masks = tuple(misc_v[pl.ds((NCC + cc) * L, L)] for cc in range(NCC))

    def _fire_idx(r, islot):
        for half in range(2):
            pltpu.async_copy(src_hbm.at[wid, 2 * r + half],
                             srci_v.at[2 * islot + half], isem)
            pltpu.async_copy(dst_hbm.at[wid, 2 * r + half],
                             dsti_v.at[2 * islot + half], isem)

    def _wait_idx(islot):
        for half in range(2):
            pltpu.make_async_copy(src_hbm.at[wid, 0],
                                  srci_v.at[2 * islot + half], isem).wait()
            pltpu.make_async_copy(dst_hbm.at[wid, 0],
                                  dsti_v.at[2 * islot + half], isem).wait()

    def _fire_half(islot, half, av, bv, sa, sb):
        pltpu.async_copy(xl_hbm.at[srci_v.at[2 * islot + half]], av, sa)
        pltpu.async_copy(xr_hbm.at[dsti_v.at[2 * islot + half]], bv, sb)

    def _wait_half(islot, half, av, bv, sa, sb):
        pltpu.make_async_copy(xl_hbm.at[srci_v.at[2 * islot + half]], av, sa).wait()
        pltpu.make_async_copy(xr_hbm.at[dsti_v.at[2 * islot + half]], bv, sb).wait()

    def _fire_scatter(islot, half, sem):
        pltpu.async_copy(contrib_v.at[pl.ds(half * KH, KH)],
                         acc_s.at[dsti_v.at[2 * islot + half]], sem, add=True)

    def _wait_scatter(half, sem):
        pltpu.make_async_copy(contrib_v.at[pl.ds(half * KH, KH)],
                              acc_s.at[dsti_v.at[0]], sem).wait()

    pltpu.sync_copy(src_hbm.at[wid, 0], srci_v.at[0])
    pltpu.sync_copy(dst_hbm.at[wid, 0], dsti_v.at[0])
    pltpu.sync_copy(src_hbm.at[wid, 1], srci_v.at[1])
    pltpu.sync_copy(dst_hbm.at[wid, 1], dsti_v.at[1])
    _fire_half(0, 0, a0_v, b0_v, sa0, sb0)
    _fire_half(0, 1, a1_v, b1_v, sa1, sb1)
    _fire_idx(1, 1)

    def _compute_half(av, bv, rbase, carry):
        def _edge(e, ec):
            catts, cmasks = ec
            denv = jnp.zeros((L,), jnp.float32)
            for cc in range(NCC):
                va = av[e, pl.ds(cc * L, L)]
                vb = bv[e, pl.ds(cc * L, L)]
                s = va + vb
                t = jnp.maximum(s, 0.2 * s)
                u = t * catts[cc]
                u = u + _perm(u, bfly1)
                u = u + _perm(u, bfly2)
                u = u + _perm(u, bfly4)
                w = jnp.exp(u)
                contrib_v[rbase + e, pl.ds(cc * L, L)] = w * va
                denv = denv + w * cmasks[cc]
            contrib_v[rbase + e, pl.ds(FD, L)] = denv
            return ec
        return lax.fori_loop(0, KH, _edge, carry)

    def _round(r, carry):
        islot = lax.rem(r, 3)
        nislot = lax.rem(r + 1, 3)

        _wait_half(islot, 0, a0_v, b0_v, sa0, sb0)

        @pl.when(r > 0)
        def _():
            _wait_scatter(0, sc0)
        carry = _compute_half(a0_v, b0_v, 0, carry)
        _fire_scatter(islot, 0, sc0)

        @pl.when(r + 1 < R)
        def _():
            _wait_idx(nislot)
            _fire_half(nislot, 0, a0_v, b0_v, sa0, sb0)

        _wait_half(islot, 1, a1_v, b1_v, sa1, sb1)

        @pl.when(r > 0)
        def _():
            _wait_scatter(1, sc1)
        carry = _compute_half(a1_v, b1_v, KH, carry)
        _fire_scatter(islot, 1, sc1)

        @pl.when(r + 1 < R)
        def _():
            _fire_half(nislot, 1, a1_v, b1_v, sa1, sb1)

        @pl.when(r + 2 < R)
        def _():
            _fire_idx(r + 2, lax.rem(r + 2, 3))
        return carry
    lax.fori_loop(0, R, _round, (atts, masks))

    _wait_scatter(0, sc0)
    _wait_scatter(1, sc1)
    plsc.subcore_barrier()
    base = sid * ROWS_PER_SUB
    pltpu.sync_copy(acc_s.at[pl.ds(base, ROWS_PER_SUB)],
                    out_hbm.at[cid, pl.ds(base, ROWS_PER_SUB)])


def _edge_pass(xl, xr, src3, dst3, misc):
    mesh = plsc.VectorSubcoreMesh(core_axis_name="c", subcore_axis_name="s")
    f = pl.kernel(
        _edge_body,
        out_type=jax.ShapeDtypeStruct((NC, NP, W), jnp.float32),
        mesh=mesh,
        scratch_types=[
            pltpu.VMEM((KH, FDH), jnp.float32),
            pltpu.VMEM((KH, FDH), jnp.float32),
            pltpu.VMEM((KH, FDH), jnp.float32),
            pltpu.VMEM((KH, FDH), jnp.float32),
            pltpu.VMEM((K, W), jnp.float32),
            pltpu.VMEM((6, KH), jnp.int32),
            pltpu.VMEM((6, KH), jnp.int32),
            pltpu.VMEM((16 * L,), jnp.float32),
            pltpu.VMEM_SHARED((NP, W), jnp.float32),
            pltpu.SemaphoreType.DMA,
            pltpu.SemaphoreType.DMA,
            pltpu.SemaphoreType.DMA,
            pltpu.SemaphoreType.DMA,
            pltpu.SemaphoreType.DMA,
            pltpu.SemaphoreType.DMA,
            pltpu.SemaphoreType.DMA,
        ],
    )
    return f(xl, xr, src3, dst3, misc)



def _pad_w(w):
    return jnp.pad(w, ((0, 0), (0, FDH - FD)))


def _pad_b(b):
    return jnp.pad(b, (0, FDH - FD)).reshape(1, FDH)


def _misc_table(att):
    att_pairs = att.reshape(NCC, L).astype(jnp.float32)
    lanes = jnp.arange(L)[None, :] % 8
    masks = (lanes == jnp.arange(NCC)[:, None]).astype(jnp.float32)
    return jnp.concatenate(
        [att_pairs, masks, jnp.zeros((16 - 2 * NCC, L), jnp.float32)]).reshape(16 * L)


def kernel(x, edge_index, Wl1, bl1, Wr1, br1, att1, b1, Wl2, bl2, Wr2, br2,
           att2, b2, W3, b3, W4, b4):
    f32 = jnp.float32
    x_p = jnp.pad(x, ((0, NP - N), (0, 0)))
    loop = jnp.arange(N, dtype=edge_index.dtype)
    src = jnp.concatenate([edge_index[0], loop])
    dst = jnp.concatenate([edge_index[1], loop])
    pad = EP - NE
    src3 = jnp.concatenate([src, jnp.zeros((pad,), src.dtype)]).astype(jnp.int32).reshape(NW, 2 * R, KH)
    dst3 = jnp.concatenate([dst, jnp.full((pad,), N, dst.dtype)]).astype(jnp.int32).reshape(NW, 2 * R, KH)

    misc1 = _misc_table(att1)
    misc2 = _misc_table(att2)

    jj = jnp.arange(W)[:, None]
    kk = jnp.arange(FD)[None, :]
    hh = kk // C
    pnum = (jj == kk).astype(f32)
    pden = (jj == (FD + (hh // 2) + 8 * (hh % 2))).astype(f32)

    xl1, xr1 = _proj(x_p, _pad_w(Wl1), _pad_b(bl1), _pad_w(Wr1), _pad_b(br1))
    p1 = _edge_pass(xl1, xr1, src3, dst3, misc1)
    xl2, xr2 = _combine_proj(p1, pnum, pden, b1.reshape(1, FD),
                             _pad_w(Wl2), _pad_b(bl2), _pad_w(Wr2), _pad_b(br2))
    p2 = _edge_pass(xl2, xr2, src3, dst3, misc2)
    out = _head(p2, pnum, pden, b2, W3, b3, W4, b4)
    return out[:N]

# --- scband reference (transcript-rebuilt; emitter-appended) ---
"""Pipeline reference for scband-gatclassifier-linear-85272280695082 (READ-ONLY COPY).

The authoritative reference and input builder live on the scoring server;
editing this copy changes nothing except your own understanding.
"""

import jax, jax.numpy as jnp
import numpy as np

N = 10000
E = 320000
F_IN = 128
H = 12
C = 8  # hidden_dim
NUM_CLASSES = 40


def gatv2_layer(x, edge_index, Wl, bl, Wr, br, att, bias):
    n = x.shape[0]
    h, c = att.shape
    src = edge_index[0]
    dst = edge_index[1]
    loop = jnp.arange(n, dtype=src.dtype)
    src = jnp.concatenate([src, loop])
    dst = jnp.concatenate([dst, loop])
    xl = (x @ Wl + bl).reshape(n, h, c)
    xr = (x @ Wr + br).reshape(n, h, c)
    e = jax.nn.leaky_relu(xl[src] + xr[dst], negative_slope=0.2)
    logits = jnp.sum(e * att[None, :, :], axis=-1)  # [E+n, H]
    m = jax.ops.segment_max(logits, dst, num_segments=n)
    m = jnp.where(jnp.isfinite(m), m, 0.0)
    a = jnp.exp(logits - m[dst])
    denom = jax.ops.segment_sum(a, dst, num_segments=n)
    alpha = a / (denom[dst] + 1e-16)
    out = jax.ops.segment_sum(xl[src] * alpha[:, :, None], dst, num_segments=n)
    return out.reshape(n, h * c) + bias


def setup_inputs(seed: int = 0):
    key = jax.random.key(seed)
    ks = jax.random.split(key, 20)
    s = 0.1
    inp = {}
    inp["x"] = jax.random.normal(ks[0], (N, F_IN), dtype=jnp.float32)
    inp["edge_index"] = jax.random.randint(ks[1], (2, E), 0, N, dtype=jnp.int32)
    # GATv2 layer 1: in=128 -> H*C=96
    inp["Wl1"] = jax.random.normal(ks[2], (F_IN, H * C), dtype=jnp.float32) * s
    inp["bl1"] = jnp.zeros((H * C,), dtype=jnp.float32)
    inp["Wr1"] = jax.random.normal(ks[3], (F_IN, H * C), dtype=jnp.float32) * s
    inp["br1"] = jnp.zeros((H * C,), dtype=jnp.float32)
    inp["att1"] = jax.random.normal(ks[4], (H, C), dtype=jnp.float32) * s
    inp["b1"] = jnp.zeros((H * C,), dtype=jnp.float32)
    # GATv2 layer 2: in=96 -> H*C=96
    inp["Wl2"] = jax.random.normal(ks[5], (H * C, H * C), dtype=jnp.float32) * s
    inp["bl2"] = jnp.zeros((H * C,), dtype=jnp.float32)
    inp["Wr2"] = jax.random.normal(ks[6], (H * C, H * C), dtype=jnp.float32) * s
    inp["br2"] = jnp.zeros((H * C,), dtype=jnp.float32)
    inp["att2"] = jax.random.normal(ks[7], (H, C), dtype=jnp.float32) * s
    inp["b2"] = jnp.zeros((H * C,), dtype=jnp.float32)
    # linear1: 96 -> 8, linear2: 8 -> 40
    inp["W3"] = jax.random.normal(ks[8], (H * C, C), dtype=jnp.float32) * s
    inp["b3"] = jnp.zeros((C,), dtype=jnp.float32)
    inp["W4"] = jax.random.normal(ks[9], (C, NUM_CLASSES), dtype=jnp.float32) * s
    inp["b4"] = jnp.zeros((NUM_CLASSES,), dtype=jnp.float32)
    return inp


def reference(x, edge_index, Wl1, bl1, Wr1, br1, att1, b1, Wl2, bl2, Wr2, br2, att2, b2, W3, b3, W4, b4):
    # dropout is identity in eval mode
    h = gatv2_layer(x, edge_index, Wl1, bl1, Wr1, br1, att1, b1)
    h = jax.nn.elu(h)
    h = gatv2_layer(h, edge_index, Wl2, bl2, Wr2, br2, att2, b2)
    h = jax.nn.elu(h)
    h = jax.nn.elu(h @ W3 + b3)
    h = h @ W4 + b4
    return jax.nn.log_softmax(h, axis=1)

if __name__ == "__main__":
    import jax
    _d = setup_inputs()
    print(jax.jit(kernel)(*tuple(_d.values())))

</pallas_src>

<mosaic_0001>
#map = affine_map<(d0, d1) -> (0, 0)>
#map1 = affine_map<(d0, d1) -> (0, 0, 0)>
#map2 = affine_map<(d0, d1) -> (0)>
module attributes {stable_mosaic.version = 14 : i64} {
  func.func @_edge_body(%arg0: i32, %arg1: i32, %arg2: memref<10240x128xf32, #tpu.memory_space<hbm>>, %arg3: memref<10240x128xf32, #tpu.memory_space<hbm>>, %arg4: memref<32x258x40xi32, #tpu.memory_space<hbm>>, %arg5: memref<32x258x40xi32, #tpu.memory_space<hbm>>, %arg6: memref<256xf32, #tpu.memory_space<hbm>>, %arg7: memref<2x10240x128xf32, #tpu.memory_space<hbm>>, %arg8: memref<40x128xf32, #tpu.memory_space<vmem>>, %arg9: memref<40x128xf32, #tpu.memory_space<vmem>>, %arg10: memref<40x128xf32, #tpu.memory_space<vmem>>, %arg11: memref<40x128xf32, #tpu.memory_space<vmem>>, %arg12: memref<80x128xf32, #tpu.memory_space<vmem>>, %arg13: memref<6x40xi32, #tpu.memory_space<vmem>>, %arg14: memref<6x40xi32, #tpu.memory_space<vmem>>, %arg15: memref<256xf32, #tpu.memory_space<vmem>>, %arg16: memref<10240x128xf32, #tpu.memory_space<vmem_shared>>, %arg17: memref<!tpu.dma_semaphore, #tpu.memory_space<semaphore_mem>>, %arg18: memref<!tpu.dma_semaphore, #tpu.memory_space<semaphore_mem>>, %arg19: memref<!tpu.dma_semaphore, #tpu.memory_space<semaphore_mem>>, %arg20: memref<!tpu.dma_semaphore, #tpu.memory_space<semaphore_mem>>, %arg21: memref<!tpu.dma_semaphore, #tpu.memory_space<semaphore_mem>>, %arg22: memref<!tpu.dma_semaphore, #tpu.memory_space<semaphore_mem>>, %arg23: memref<!tpu.dma_semaphore, #tpu.memory_space<semaphore_mem>>) attributes {dimension_semantics = [#tpu.dimension_semantics<core_parallel>, #tpu.dimension_semantics<subcore_parallel>], iteration_bounds = array<i64: 2, 16>, scalar_prefetch = 0 : i64, scratch_operands = 16 : i64, tpu.core_type = #tpu.core_type<sc_vector_subcore>, window_params = [{transform_indices = #map}, {transform_indices = #map}, {transform_indices = #map1}, {transform_indices = #map1}, {transform_indices = #map2}, {transform_indices = #map1}]} {
    %mul3A = arith.constant 2 : i32
    %mul3A_0 = arith.muli %arg1, %mul3A : i32
    %add3A = arith.addi %mul3A_0, %arg0 : i32
    "tpu.region"() ({
      %run_scoped3A_197 = tpu.sem_alloc : memref<!tpu.dma_semaphore, #tpu.memory_space<semaphore_mem>>
      tpu.enqueue_dma source(%arg6 : memref<256xf32, #tpu.memory_space<hbm>>) target(%arg15 : memref<256xf32, #tpu.memory_space<vmem>>) target_semaphore(%run_scoped3A_197 : memref<!tpu.dma_semaphore, #tpu.memory_space<semaphore_mem>>)
      tpu.wait_dma2 semaphore(%run_scoped3A_197 : memref<!tpu.dma_semaphore, #tpu.memory_space<semaphore_mem>>) src(%arg6 : memref<256xf32, #tpu.memory_space<hbm>>) dst(%arg15 : memref<256xf32, #tpu.memory_space<vmem>>)
      tpu.yield
    }) : () -> ()
    %scan3A = arith.constant 0 : i32
    %scan3A_1 = arith.constant 80 : i32
    %scan3A_2 = arith.addi %scan3A, %scan3A_1 : i32
    %scan3A_3 = arith.constant 1 : i32
    scf.for %scan3A_197 = %scan3A to %scan3A_2 step %scan3A_3  : i32 {
      %broadcast_in_dim3A = arith.constant 0.000000e+00 : f32
      %broadcast_in_dim3A_198 = vector.broadcast %broadcast_in_dim3A : f32 to vector<16xf32>
      %swap3A = arith.index_cast %scan3A_197 : i32 to index
      %swap3A_199 = arith.constant 0 : index
      %swap3A_200 = tpu.vector_load %arg12[%swap3A, %swap3A_199] {strides = array<i32>} : memref<80x128xf32, #tpu.memory_space<vmem>>, vector<1x16xf32>,
      %swap3A_201 = vector.shape_cast %swap3A_200 : vector<1x16xf32> to vector<16xf32>
      %swap3A_202 = vector.shape_cast %broadcast_in_dim3A_198 : vector<16xf32> to vector<1x16xf32>
      tpu.vector_store %arg12[%swap3A, %swap3A_199], %swap3A_202 {strides = array<i32>} : memref<80x128xf32, #tpu.memory_space<vmem>>, vector<1x16xf32>,
      %broadcast_in_dim3A_203 = arith.constant 0.000000e+00 : f32
      %broadcast_in_dim3A_204 = vector.broadcast %broadcast_in_dim3A_203 : f32 to vector<16xf32>
      %swap3A_205 = arith.index_cast %scan3A_197 : i32 to index
      %swap3A_206 = arith.constant 16 : index
      %swap3A_207 = tpu.vector_load %arg12[%swap3A_205, %swap3A_206] {strides = array<i32>} : memref<80x128xf32, #tpu.memory_space<vmem>>, vector<1x16xf32>,
      %swap3A_208 = vector.shape_cast %swap3A_207 : vector<1x16xf32> to vector<16xf32>
      %swap3A_209 = vector.shape_cast %broadcast_in_dim3A_204 : vector<16xf32> to vector<1x16xf32>
      tpu.vector_store %arg12[%swap3A_205, %swap3A_206], %swap3A_209 {strides = array<i32>} : memref<80x128xf32, #tpu.memory_space<vmem>>, vector<1x16xf32>,
      %broadcast_in_dim3A_210 = arith.constant 0.000000e+00 : f32
      %broadcast_in_dim3A_211 = vector.broadcast %broadcast_in_dim3A_210 : f32 to vector<16xf32>
      %swap3A_212 = arith.index_cast %scan3A_197 : i32 to index
      %swap3A_213 = arith.constant 32 : index
      %swap3A_214 = tpu.vector_load %arg12[%swap3A_212, %swap3A_213] {strides = array<i32>} : memref<80x128xf32, #tpu.memory_space<vmem>>, vector<1x16xf32>,
      %swap3A_215 = vector.shape_cast %swap3A_214 : vector<1x16xf32> to vector<16xf32>
      %swap3A_216 = vector.shape_cast %broadcast_in_dim3A_211 : vector<16xf32> to vector<1x16xf32>
      tpu.vector_store %arg12[%swap3A_212, %swap3A_213], %swap3A_216 {strides = array<i32>} : memref<80x128xf32, #tpu.memory_space<vmem>>, vector<1x16xf32>,
      %broadcast_in_dim3A_217 = arith.constant 0.000000e+00 : f32
      %broadcast_in_dim3A_218 = vector.broadcast %broadcast_in_dim3A_217 : f32 to vector<16xf32>
      %swap3A_219 = arith.index_cast %scan3A_197 : i32 to index
      %swap3A_220 = arith.constant 48 : index
      %swap3A_221 = tpu.vector_load %arg12[%swap3A_219, %swap3A_220] {strides = array<i32>} : memref<80x128xf32, #tpu.memory_space<vmem>>, vector<1x16xf32>,
      %swap3A_222 = vector.shape_cast %swap3A_221 : vector<1x16xf32> to vector<16xf32>
      %swap3A_223 = vector.shape_cast %broadcast_in_dim3A_218 : vector<16xf32> to vector<1x16xf32>
      tpu.vector_store %arg12[%swap3A_219, %swap3A_220], %swap3A_223 {strides = array<i32>} : memref<80x128xf32, #tpu.memory_space<vmem>>, vector<1x16xf32>,
      %broadcast_in_dim3A_224 = arith.constant 0.000000e+00 : f32
      %broadcast_in_dim3A_225 = vector.broadcast %broadcast_in_dim3A_224 : f32 to vector<16xf32>
      %swap3A_226 = arith.index_cast %scan3A_197 : i32 to index
      %swap3A_227 = arith.constant 64 : index
      %swap3A_228 = tpu.vector_load %arg12[%swap3A_226, %swap3A_227] {strides = array<i32>} : memref<80x128xf32, #tpu.memory_space<vmem>>, vector<1x16xf32>,
      %swap3A_229 = vector.shape_cast %swap3A_228 : vector<1x16xf32> to vector<16xf32>
      %swap3A_230 = vector.shape_cast %broadcast_in_dim3A_225 : vector<16xf32> to vector<1x16xf32>
      tpu.vector_store %arg12[%swap3A_226, %swap3A_227], %swap3A_230 {strides = array<i32>} : memref<80x128xf32, #tpu.memory_space<vmem>>, vector<1x16xf32>,
      %broadcast_in_dim3A_231 = arith.constant 0.000000e+00 : f32
      %broadcast_in_dim3A_232 = vector.broadcast %broadcast_in_dim3A_231 : f32 to vector<16xf32>
      %swap3A_233 = arith.index_cast %scan3A_197 : i32 to index
      %swap3A_234 = arith.constant 80 : index
      %swap3A_235 = tpu.vector_load %arg12[%swap3A_233, %swap3A_234] {strides = array<i32>} : memref<80x128xf32, #tpu.memory_space<vmem>>, vector<1x16xf32>,
      %swap3A_236 = vector.shape_cast %swap3A_235 : vector<1x16xf32> to vector<16xf32>
      %swap3A_237 = vector.shape_cast %broadcast_in_dim3A_232 : vector<16xf32> to vector<1x16xf32>
      tpu.vector_store %arg12[%swap3A_233, %swap3A_234], %swap3A_237 {strides = array<i32>} : memref<80x128xf32, #tpu.memory_space<vmem>>, vector<1x16xf32>,
      %broadcast_in_dim3A_238 = arith.constant 0.000000e+00 : f32
      %broadcast_in_dim3A_239 = vector.broadcast %broadcast_in_dim3A_238 : f32 to vector<16xf32>
      %swap3A_240 = arith.index_cast %scan3A_197 : i32 to index
      %swap3A_241 = arith.constant 96 : index
      %swap3A_242 = tpu.vector_load %arg12[%swap3A_240, %swap3A_241] {strides = array<i32>} : memref<80x128xf32, #tpu.memory_space<vmem>>, vector<1x16xf32>,
      %swap3A_243 = vector.shape_cast %swap3A_242 : vector<1x16xf32> to vector<16xf32>
      %swap3A_244 = vector.shape_cast %broadcast_in_dim3A_239 : vector<16xf32> to vector<1x16xf32>
      tpu.vector_store %arg12[%swap3A_240, %swap3A_241], %swap3A_244 {strides = array<i32>} : memref<80x128xf32, #tpu.memory_space<vmem>>, vector<1x16xf32>,
      %broadcast_in_dim3A_245 = arith.constant 0.000000e+00 : f32
      %broadcast_in_dim3A_246 = vector.broadcast %broadcast_in_dim3A_245 : f32 to vector<16xf32>
      %swap3A_247 = arith.index_cast %scan3A_197 : i32 to index
      %swap3A_248 = arith.constant 112 : index
      %swap3A_249 = tpu.vector_load %arg12[%swap3A_247, %swap3A_248] {strides = array<i32>} : memref<80x128xf32, #tpu.memory_space<vmem>>, vector<1x16xf32>,
      %swap3A_250 = vector.shape_cast %swap3A_249 : vector<1x16xf32> to vector<16xf32>
      %swap3A_251 = vector.shape_cast %broadcast_in_dim3A_246 : vector<16xf32> to vector<1x16xf32>
      tpu.vector_store %arg12[%swap3A_247, %swap3A_248], %swap3A_251 {strides = array<i32>} : memref<80x128xf32, #tpu.memory_space<vmem>>, vector<1x16xf32>,
    }
    %scan3A_4 = arith.constant 80 : i32
    %mul3A_5 = arith.constant 640 : i32
    %mul3A_6 = arith.muli %arg1, %mul3A_5 : i32
    %add3A_7 = arith.constant 0 : i32
    %add3A_8 = arith.addi %mul3A_6, %add3A_7 : i32
    "tpu.region"() ({
      %run_scoped3A_197 = tpu.sem_alloc : memref<!tpu.dma_semaphore, #tpu.memory_space<semaphore_mem>>
      %dma_start3A_198 = arith.constant 0 : i32
      %dma_start3A_199 = arith.constant 0 : i32
      %dma_start3A_200 = tpu.memref_slice %arg12[%dma_start3A_198, %dma_start3A_199] : memref<80x128xf32, #tpu.memory_space<vmem>> -> memref<80x128xf32, #tpu.memory_space<vmem>>
      %dma_start3A_201 = arith.constant 0 : i32
      %dma_start3A_202 = tpu.memref_slice %arg16[%add3A_8, %dma_start3A_201] : memref<10240x128xf32, #tpu.memory_space<vmem_shared>> -> memref<80x128xf32, #tpu.memory_space<vmem_shared>>
      %dma_start3A_203 = arith.constant 0 : i32
      %dma_start3A_204 = tpu.memref_slice %arg16[%add3A_8, %dma_start3A_203] : memref<10240x128xf32, #tpu.memory_space<vmem_shared>> -> memref<80x128xf32, #tpu.memory_space<vmem_shared>>
      %dma_start3A_205 = arith.constant 0 : i32
      %dma_start3A_206 = arith.constant 0 : i32
      %dma_start3A_207 = tpu.memref_slice %arg12[%dma_start3A_205, %dma_start3A_206] : memref<80x128xf32, #tpu.memory_space<vmem>> -> memref<80x128xf32, #tpu.memory_space<vmem>>
      tpu.enqueue_dma source(%dma_start3A_207 : memref<80x128xf32, #tpu.memory_space<vmem>>) target(%dma_start3A_204 : memref<80x128xf32, #tpu.memory_space<vmem_shared>>) target_semaphore(%run_scoped3A_197 : memref<!tpu.dma_semaphore, #tpu.memory_space<semaphore_mem>>)
      %dma_wait3A_208 = arith.constant 0 : i32
      %dma_wait3A_209 = arith.constant 0 : i32
      %dma_wait3A_210 = tpu.memref_slice %arg12[%dma_wait3A_208, %dma_wait3A_209] : memref<80x128xf32, #tpu.memory_space<vmem>> -> memref<80x128xf32, #tpu.memory_space<vmem>>
      %dma_wait3A_211 = arith.constant 0 : i32
      %dma_wait3A_212 = tpu.memref_slice %arg16[%add3A_8, %dma_wait3A_211] : memref<10240x128xf32, #tpu.memory_space<vmem_shared>> -> memref<80x128xf32, #tpu.memory_space<vmem_shared>>
      %dma_wait3A_213 = arith.constant 0 : i32
      %dma_wait3A_214 = tpu.memref_slice %arg16[%add3A_8, %dma_wait3A_213] : memref<10240x128xf32, #tpu.memory_space<vmem_shared>> -> memref<80x128xf32, #tpu.memory_space<vmem_shared>>
      %dma_wait3A_215 = arith.constant 0 : i32
      %dma_wait3A_216 = arith.constant 0 : i32
      %dma_wait3A_217 = tpu.memref_slice %arg12[%dma_wait3A_215, %dma_wait3A_216] : memref<80x128xf32, #tpu.memory_space<vmem>> -> memref<80x128xf32, #tpu.memory_space<vmem>>
      tpu.wait_dma2 semaphore(%run_scoped3A_197 : memref<!tpu.dma_semaphore, #tpu.memory_space<semaphore_mem>>) src(%dma_wait3A_217 : memref<80x128xf32, #tpu.memory_space<vmem>>) dst(%dma_wait3A_214 : memref<80x128xf32, #tpu.memory_space<vmem_shared>>)
      tpu.yield
    }) : () -> ()
    %mul3A_9 = arith.constant 640 : i32
    %mul3A_10 = arith.muli %arg1, %mul3A_9 : i32
    %add3A_11 = arith.constant 80 : i32
    %add3A_12 = arith.addi %mul3A_10, %add3A_11 : i32
    "tpu.region"() ({
      %run_scoped3A_197 = tpu.sem_alloc : memref<!tpu.dma_semaphore, #tpu.memory_space<semaphore_mem>>
      %dma_start3A_198 = arith.constant 0 : i32
      %dma_start3A_199 = arith.constant 0 : i32
      %dma_start3A_200 = tpu.memref_slice %arg12[%dma_start3A_198, %dma_start3A_199] : memref<80x128xf32, #tpu.memory_space<vmem>> -> memref<80x128xf32, #tpu.memory_space<vmem>>
      %dma_start3A_201 = arith.constant 0 : i32
      %dma_start3A_202 = tpu.memref_slice %arg16[%add3A_12, %dma_start3A_201] : memref<10240x128xf32, #tpu.memory_space<vmem_shared>> -> memref<80x128xf32, #tpu.memory_space<vmem_shared>>
      %dma_start3A_203 = arith.constant 0 : i32
      %dma_start3A_204 = tpu.memref_slice %arg16[%add3A_12, %dma_start3A_203] : memref<10240x128xf32, #tpu.memory_space<vmem_shared>> -> memref<80x128xf32, #tpu.memory_space<vmem_shared>>
      %dma_start3A_205 = arith.constant 0 : i32
      %dma_start3A_206 = arith.constant 0 : i32
      %dma_start3A_207 = tpu.memref_slice %arg12[%dma_start3A_205, %dma_start3A_206] : memref<80x128xf32, #tpu.memory_space<vmem>> -> memref<80x128xf32, #tpu.memory_space<vmem>>
      tpu.enqueue_dma source(%dma_start3A_207 : memref<80x128xf32, #tpu.memory_space<vmem>>) target(%dma_start3A_204 : memref<80x128xf32, #tpu.memory_space<vmem_shared>>) target_semaphore(%run_scoped3A_197 : memref<!tpu.dma_semaphore, #tpu.memory_space<semaphore_mem>>)
      %dma_wait3A_208 = arith.constant 0 : i32
      %dma_wait3A_209 = arith.constant 0 : i32
      %dma_wait3A_210 = tpu.memref_slice %arg12[%dma_wait3A_208, %dma_wait3A_209] : memref<80x128xf32, #tpu.memory_space<vmem>> -> memref<80x128xf32, #tpu.memory_space<vmem>>
      %dma_wait3A_211 = arith.constant 0 : i32
      %dma_wait3A_212 = tpu.memref_slice %arg16[%add3A_12, %dma_wait3A_211] : memref<10240x128xf32, #tpu.memory_space<vmem_shared>> -> memref<80x128xf32, #tpu.memory_space<vmem_shared>>
      %dma_wait3A_213 = arith.constant 0 : i32
      %dma_wait3A_214 = tpu.memref_slice %arg16[%add3A_12, %dma_wait3A_213] : memref<10240x128xf32, #tpu.memory_space<vmem_shared>> -> memref<80x128xf32, #tpu.memory_space<vmem_shared>>
      %dma_wait3A_215 = arith.constant 0 : i32
      %dma_wait3A_216 = arith.constant 0 : i32
      %dma_wait3A_217 = tpu.memref_slice %arg12[%dma_wait3A_215, %dma_wait3A_216] : memref<80x128xf32, #tpu.memory_space<vmem>> -> memref<80x128xf32, #tpu.memory_space<vmem>>
      tpu.wait_dma2 semaphore(%run_scoped3A_197 : memref<!tpu.dma_semaphore, #tpu.memory_space<semaphore_mem>>) src(%dma_wait3A_217 : memref<80x128xf32, #tpu.memory_space<vmem>>) dst(%dma_wait3A_214 : memref<80x128xf32, #tpu.memory_space<vmem_shared>>)
      tpu.yield
    }) : () -> ()
    %mul3A_13 = arith.constant 640 : i32
    %mul3A_14 = arith.muli %arg1, %mul3A_13 : i32
    %add3A_15 = arith.constant 160 : i32
    %add3A_16 = arith.addi %mul3A_14, %add3A_15 : i32
    "tpu.region"() ({
      %run_scoped3A_197 = tpu.sem_alloc : memref<!tpu.dma_semaphore, #tpu.memory_space<semaphore_mem>>
      %dma_start3A_198 = arith.constant 0 : i32
      %dma_start3A_199 = arith.constant 0 : i32
      %dma_start3A_200 = tpu.memref_slice %arg12[%dma_start3A_198, %dma_start3A_199] : memref<80x128xf32, #tpu.memory_space<vmem>> -> memref<80x128xf32, #tpu.memory_space<vmem>>
      %dma_start3A_201 = arith.constant 0 : i32
      %dma_start3A_202 = tpu.memref_slice %arg16[%add3A_16, %dma_start3A_201] : memref<10240x128xf32, #tpu.memory_space<vmem_shared>> -> memref<80x128xf32, #tpu.memory_space<vmem_shared>>
      %dma_start3A_203 = arith.constant 0 : i32
      %dma_start3A_204 = tpu.memref_slice %arg16[%add3A_16, %dma_start3A_203] : memref<10240x128xf32, #tpu.memory_space<vmem_shared>> -> memref<80x128xf32, #tpu.memory_space<vmem_shared>>
      %dma_start3A_205 = arith.constant 0 : i32
      %dma_start3A_206 = arith.constant 0 : i32
      %dma_start3A_207 = tpu.memref_slice %arg12[%dma_start3A_205, %dma_start3A_206] : memref<80x128xf32, #tpu.memory_space<vmem>> -> memref<80x128xf32, #tpu.memory_space<vmem>>
      tpu.enqueue_dma source(%dma_start3A_207 : memref<80x128xf32, #tpu.memory_space<vmem>>) target(%dma_start3A_204 : memref<80x128xf32, #tpu.memory_space<vmem_shared>>) target_semaphore(%run_scoped3A_197 : memref<!tpu.dma_semaphore, #tpu.memory_space<semaphore_mem>>)
      %dma_wait3A_208 = arith.constant 0 : i32
      %dma_wait3A_209 = arith.constant 0 : i32
      %dma_wait3A_210 = tpu.memref_slice %arg12[%dma_wait3A_208, %dma_wait3A_209] : memref<80x128xf32, #tpu.memory_space<vmem>> -> memref<80x128xf32, #tpu.memory_space<vmem>>
      %dma_wait3A_211 = arith.constant 0 : i32
      %dma_wait3A_212 = tpu.memref_slice %arg16[%add3A_16, %dma_wait3A_211] : memref<10240x128xf32, #tpu.memory_space<vmem_shared>> -> memref<80x128xf32, #tpu.memory_space<vmem_shared>>
      %dma_wait3A_213 = arith.constant 0 : i32
      %dma_wait3A_214 = tpu.memref_slice %arg16[%add3A_16, %dma_wait3A_213] : memref<10240x128xf32, #tpu.memory_space<vmem_shared>> -> memref<80x128xf32, #tpu.memory_space<vmem_shared>>
      %dma_wait3A_215 = arith.constant 0 : i32
      %dma_wait3A_216 = arith.constant 0 : i32
      %dma_wait3A_217 = tpu.memref_slice %arg12[%dma_wait3A_215, %dma_wait3A_216] : memref<80x128xf32, #tpu.memory_space<vmem>> -> memref<80x128xf32, #tpu.memory_space<vmem>>
      tpu.wait_dma2 semaphore(%run_scoped3A_197 : memref<!tpu.dma_semaphore, #tpu.memory_space<semaphore_mem>>) src(%dma_wait3A_217 : memref<80x128xf32, #tpu.memory_space<vmem>>) dst(%dma_wait3A_214 : memref<80x128xf32, #tpu.memory_space<vmem_shared>>)
      tpu.yield
    }) : () -> ()
    %mul3A_17 = arith.constant 640 : i32
    %mul3A_18 = arith.muli %arg1, %mul3A_17 : i32
    %add3A_19 = arith.constant 240 : i32
    %add3A_20 = arith.addi %mul3A_18, %add3A_19 : i32
    "tpu.region"() ({
      %run_scoped3A_197 = tpu.sem_alloc : memref<!tpu.dma_semaphore, #tpu.memory_space<semaphore_mem>>
      %dma_start3A_198 = arith.constant 0 : i32
      %dma_start3A_199 = arith.constant 0 : i32
      %dma_start3A_200 = tpu.memref_slice %arg12[%dma_start3A_198, %dma_start3A_199] : memref<80x128xf32, #tpu.memory_space<vmem>> -> memref<80x128xf32, #tpu.memory_space<vmem>>
      %dma_start3A_201 = arith.constant 0 : i32
      %dma_start3A_202 = tpu.memref_slice %arg16[%add3A_20, %dma_start3A_201] : memref<10240x128xf32, #tpu.memory_space<vmem_shared>> -> memref<80x128xf32, #tpu.memory_space<vmem_shared>>
      %dma_start3A_203 = arith.constant 0 : i32
      %dma_start3A_204 = tpu.memref_slice %arg16[%add3A_20, %dma_start3A_203] : memref<10240x128xf32, #tpu.memory_space<vmem_shared>> -> memref<80x128xf32, #tpu.memory_space<vmem_shared>>
      %dma_start3A_205 = arith.constant 0 : i32
      %dma_start3A_206 = arith.constant 0 : i32
      %dma_start3A_207 = tpu.memref_slice %arg12[%dma_start3A_205, %dma_start3A_206] : memref<80x128xf32, #tpu.memory_space<vmem>> -> memref<80x128xf32, #tpu.memory_space<vmem>>
      tpu.enqueue_dma source(%dma_start3A_207 : memref<80x128xf32, #tpu.memory_space<vmem>>) target(%dma_start3A_204 : memref<80x128xf32, #tpu.memory_space<vmem_shared>>) target_semaphore(%run_scoped3A_197 : memref<!tpu.dma_semaphore, #tpu.memory_space<semaphore_mem>>)
      %dma_wait3A_208 = arith.constant 0 : i32
      %dma_wait3A_209 = arith.constant 0 : i32
      %dma_wait3A_210 = tpu.memref_slice %arg12[%dma_wait3A_208, %dma_wait3A_209] : memref<80x128xf32, #tpu.memory_space<vmem>> -> memref<80x128xf32, #tpu.memory_space<vmem>>
      %dma_wait3A_211 = arith.constant 0 : i32
      %dma_wait3A_212 = tpu.memref_slice %arg16[%add3A_20, %dma_wait3A_211] : memref<10240x128xf32, #tpu.memory_space<vmem_shared>> -> memref<80x128xf32, #tpu.memory_space<vmem_shared>>
      %dma_wait3A_213 = arith.constant 0 : i32
      %dma_wait3A_214 = tpu.memref_slice %arg16[%add3A_20, %dma_wait3A_213] : memref<10240x128xf32, #tpu.memory_space<vmem_shared>> -> memref<80x128xf32, #tpu.memory_space<vmem_shared>>
      %dma_wait3A_215 = arith.constant 0 : i32
      %dma_wait3A_216 = arith.constant 0 : i32
      %dma_wait3A_217 = tpu.memref_slice %arg12[%dma_wait3A_215, %dma_wait3A_216] : memref<80x128xf32, #tpu.memory_space<vmem>> -> memref<80x128xf32, #tpu.memory_space<vmem>>
      tpu.wait_dma2 semaphore(%run_scoped3A_197 : memref<!tpu.dma_semaphore, #tpu.memory_space<semaphore_mem>>) src(%dma_wait3A_217 : memref<80x128xf32, #tpu.memory_space<vmem>>) dst(%dma_wait3A_214 : memref<80x128xf32, #tpu.memory_space<vmem_shared>>)
      tpu.yield
    }) : () -> ()
    %mul3A_21 = arith.constant 640 : i32
    %mul3A_22 = arith.muli %arg1, %mul3A_21 : i32
    %add3A_23 = arith.constant 320 : i32
    %add3A_24 = arith.addi %mul3A_22, %add3A_23 : i32
    "tpu.region"() ({
      %run_scoped3A_197 = tpu.sem_alloc : memref<!tpu.dma_semaphore, #tpu.memory_space<semaphore_mem>>
      %dma_start3A_198 = arith.constant 0 : i32
      %dma_start3A_199 = arith.constant 0 : i32
      %dma_start3A_200 = tpu.memref_slice %arg12[%dma_start3A_198, %dma_start3A_199] : memref<80x128xf32, #tpu.memory_space<vmem>> -> memref<80x128xf32, #tpu.memory_space<vmem>>
      %dma_start3A_201 = arith.constant 0 : i32
      %dma_start3A_202 = tpu.memref_slice %arg16[%add3A_24, %dma_start3A_201] : memref<10240x128xf32, #tpu.memory_space<vmem_shared>> -> memref<80x128xf32, #tpu.memory_space<vmem_shared>>
      %dma_start3A_203 = arith.constant 0 : i32
      %dma_start3A_204 = tpu.memref_slice %arg16[%add3A_24, %dma_start3A_203] : memref<10240x128xf32, #tpu.memory_space<vmem_shared>> -> memref<80x128xf32, #tpu.memory_space<vmem_shared>>
      %dma_start3A_205 = arith.constant 0 : i32
      %dma_start3A_206 = arith.constant 0 : i32
      %dma_start3A_207 = tpu.memref_slice %arg12[%dma_start3A_205, %dma_start3A_206] : memref<80x128xf32, #tpu.memory_space<vmem>> -> memref<80x128xf32, #tpu.memory_space<vmem>>
      tpu.enqueue_dma source(%dma_start3A_207 : memref<80x128xf32, #tpu.memory_space<vmem>>) target(%dma_start3A_204 : memref<80x128xf32, #tpu.memory_space<vmem_shared>>) target_semaphore(%run_scoped3A_197 : memref<!tpu.dma_semaphore, #tpu.memory_space<semaphore_mem>>)
      %dma_wait3A_208 = arith.constant 0 : i32
      %dma_wait3A_209 = arith.constant 0 : i32
      %dma_wait3A_210 = tpu.memref_slice %arg12[%dma_wait3A_208, %dma_wait3A_209] : memref<80x128xf32, #tpu.memory_space<vmem>> -> memref<80x128xf32, #tpu.memory_space<vmem>>
      %dma_wait3A_211 = arith.constant 0 : i32
      %dma_wait3A_212 = tpu.memref_slice %arg16[%add3A_24, %dma_wait3A_211] : memref<10240x128xf32, #tpu.memory_space<vmem_shared>> -> memref<80x128xf32, #tpu.memory_space<vmem_shared>>
      %dma_wait3A_213 = arith.constant 0 : i32
      %dma_wait3A_214 = tpu.memref_slice %arg16[%add3A_24, %dma_wait3A_213] : memref<10240x128xf32, #tpu.memory_space<vmem_shared>> -> memref<80x128xf32, #tpu.memory_space<vmem_shared>>
      %dma_wait3A_215 = arith.constant 0 : i32
      %dma_wait3A_216 = arith.constant 0 : i32
      %dma_wait3A_217 = tpu.memref_slice %arg12[%dma_wait3A_215, %dma_wait3A_216] : memref<80x128xf32, #tpu.memory_space<vmem>> -> memref<80x128xf32, #tpu.memory_space<vmem>>
      tpu.wait_dma2 semaphore(%run_scoped3A_197 : memref<!tpu.dma_semaphore, #tpu.memory_space<semaphore_mem>>) src(%dma_wait3A_217 : memref<80x128xf32, #tpu.memory_space<vmem>>) dst(%dma_wait3A_214 : memref<80x128xf32, #tpu.memory_space<vmem_shared>>)
      tpu.yield
    }) : () -> ()
    %mul3A_25 = arith.constant 640 : i32
    %mul3A_26 = arith.muli %arg1, %mul3A_25 : i32
    %add3A_27 = arith.constant 400 : i32
    %add3A_28 = arith.addi %mul3A_26, %add3A_27 : i32
    "tpu.region"() ({
      %run_scoped3A_197 = tpu.sem_alloc : memref<!tpu.dma_semaphore, #tpu.memory_space<semaphore_mem>>
      %dma_start3A_198 = arith.constant 0 : i32
      %dma_start3A_199 = arith.constant 0 : i32
      %dma_start3A_200 = tpu.memref_slice %arg12[%dma_start3A_198, %dma_start3A_199] : memref<80x128xf32, #tpu.memory_space<vmem>> -> memref<80x128xf32, #tpu.memory_space<vmem>>
      %dma_start3A_201 = arith.constant 0 : i32
      %dma_start3A_202 = tpu.memref_slice %arg16[%add3A_28, %dma_start3A_201] : memref<10240x128xf32, #tpu.memory_space<vmem_shared>> -> memref<80x128xf32, #tpu.memory_space<vmem_shared>>
      %dma_start3A_203 = arith.constant 0 : i32
      %dma_start3A_204 = tpu.memref_slice %arg16[%add3A_28, %dma_start3A_203] : memref<10240x128xf32, #tpu.memory_space<vmem_shared>> -> memref<80x128xf32, #tpu.memory_space<vmem_shared>>
      %dma_start3A_205 = arith.constant 0 : i32
      %dma_start3A_206 = arith.constant 0 : i32
      %dma_start3A_207 = tpu.memref_slice %arg12[%dma_start3A_205, %dma_start3A_206] : memref<80x128xf32, #tpu.memory_space<vmem>> -> memref<80x128xf32, #tpu.memory_space<vmem>>
      tpu.enqueue_dma source(%dma_start3A_207 : memref<80x128xf32, #tpu.memory_space<vmem>>) target(%dma_start3A_204 : memref<80x128xf32, #tpu.memory_space<vmem_shared>>) target_semaphore(%run_scoped3A_197 : memref<!tpu.dma_semaphore, #tpu.memory_space<semaphore_mem>>)
      %dma_wait3A_208 = arith.constant 0 : i32
      %dma_wait3A_209 = arith.constant 0 : i32
      %dma_wait3A_210 = tpu.memref_slice %arg12[%dma_wait3A_208, %dma_wait3A_209] : memref<80x128xf32, #tpu.memory_space<vmem>> -> memref<80x128xf32, #tpu.memory_space<vmem>>
      %dma_wait3A_211 = arith.constant 0 : i32
      %dma_wait3A_212 = tpu.memref_slice %arg16[%add3A_28, %dma_wait3A_211] : memref<10240x128xf32, #tpu.memory_space<vmem_shared>> -> memref<80x128xf32, #tpu.memory_space<vmem_shared>>
      %dma_wait3A_213 = arith.constant 0 : i32
      %dma_wait3A_214 = tpu.memref_slice %arg16[%add3A_28, %dma_wait3A_213] : memref<10240x128xf32, #tpu.memory_space<vmem_shared>> -> memref<80x128xf32, #tpu.memory_space<vmem_shared>>
      %dma_wait3A_215 = arith.constant 0 : i32
      %dma_wait3A_216 = arith.constant 0 : i32
      %dma_wait3A_217 = tpu.memref_slice %arg12[%dma_wait3A_215, %dma_wait3A_216] : memref<80x128xf32, #tpu.memory_space<vmem>> -> memref<80x128xf32, #tpu.memory_space<vmem>>
      tpu.wait_dma2 semaphore(%run_scoped3A_197 : memref<!tpu.dma_semaphore, #tpu.memory_space<semaphore_mem>>) src(%dma_wait3A_217 : memref<80x128xf32, #tpu.memory_space<vmem>>) dst(%dma_wait3A_214 : memref<80x128xf32, #tpu.memory_space<vmem_shared>>)
      tpu.yield
    }) : () -> ()
    %mul3A_29 = arith.constant 640 : i32
    %mul3A_30 = arith.muli %arg1, %mul3A_29 : i32
    %add3A_31 = arith.constant 480 : i32
    %add3A_32 = arith.addi %mul3A_30, %add3A_31 : i32
    "tpu.region"() ({
      %run_scoped3A_197 = tpu.sem_alloc : memref<!tpu.dma_semaphore, #tpu.memory_space<semaphore_mem>>
      %dma_start3A_198 = arith.constant 0 : i32
      %dma_start3A_199 = arith.constant 0 : i32
      %dma_start3A_200 = tpu.memref_slice %arg12[%dma_start3A_198, %dma_start3A_199] : memref<80x128xf32, #tpu.memory_space<vmem>> -> memref<80x128xf32, #tpu.memory_space<vmem>>
      %dma_start3A_201 = arith.constant 0 : i32
      %dma_start3A_202 = tpu.memref_slice %arg16[%add3A_32, %dma_start3A_201] : memref<10240x128xf32, #tpu.memory_space<vmem_shared>> -> memref<80x128xf32, #tpu.memory_space<vmem_shared>>
      %dma_start3A_203 = arith.constant 0 : i32
      %dma_start3A_204 = tpu.memref_slice %arg16[%add3A_32, %dma_start3A_203] : memref<10240x128xf32, #tpu.memory_space<vmem_shared>> -> memref<80x128xf32, #tpu.memory_space<vmem_shared>>
      %dma_start3A_205 = arith.constant 0 : i32
      %dma_start3A_206 = arith.constant 0 : i32
      %dma_start3A_207 = tpu.memref_slice %arg12[%dma_start3A_205, %dma_start3A_206] : memref<80x128xf32, #tpu.memory_space<vmem>> -> memref<80x128xf32, #tpu.memory_space<vmem>>
      tpu.enqueue_dma source(%dma_start3A_207 : memref<80x128xf32, #tpu.memory_space<vmem>>) target(%dma_start3A_204 : memref<80x128xf32, #tpu.memory_space<vmem_shared>>) target_semaphore(%run_scoped3A_197 : memref<!tpu.dma_semaphore, #tpu.memory_space<semaphore_mem>>)
      %dma_wait3A_208 = arith.constant 0 : i32
      %dma_wait3A_209 = arith.constant 0 : i32
      %dma_wait3A_210 = tpu.memref_slice %arg12[%dma_wait3A_208, %dma_wait3A_209] : memref<80x128xf32, #tpu.memory_space<vmem>> -> memref<80x128xf32, #tpu.memory_space<vmem>>
      %dma_wait3A_211 = arith.constant 0 : i32
      %dma_wait3A_212 = tpu.memref_slice %arg16[%add3A_32, %dma_wait3A_211] : memref<10240x128xf32, #tpu.memory_space<vmem_shared>> -> memref<80x128xf32, #tpu.memory_space<vmem_shared>>
      %dma_wait3A_213 = arith.constant 0 : i32
      %dma_wait3A_214 = tpu.memref_slice %arg16[%add3A_32, %dma_wait3A_213] : memref<10240x128xf32, #tpu.memory_space<vmem_shared>> -> memref<80x128xf32, #tpu.memory_space<vmem_shared>>
      %dma_wait3A_215 = arith.constant 0 : i32
      %dma_wait3A_216 = arith.constant 0 : i32
      %dma_wait3A_217 = tpu.memref_slice %arg12[%dma_wait3A_215, %dma_wait3A_216] : memref<80x128xf32, #tpu.memory_space<vmem>> -> memref<80x128xf32, #tpu.memory_space<vmem>>
      tpu.wait_dma2 semaphore(%run_scoped3A_197 : memref<!tpu.dma_semaphore, #tpu.memory_space<semaphore_mem>>) src(%dma_wait3A_217 : memref<80x128xf32, #tpu.memory_space<vmem>>) dst(%dma_wait3A_214 : memref<80x128xf32, #tpu.memory_space<vmem_shared>>)
      tpu.yield
    }) : () -> ()
    %mul3A_33 = arith.constant 640 : i32
    %mul3A_34 = arith.muli %arg1, %mul3A_33 : i32
    %add3A_35 = arith.constant 560 : i32
    %add3A_36 = arith.addi %mul3A_34, %add3A_35 : i32
    "tpu.region"() ({
      %run_scoped3A_197 = tpu.sem_alloc : memref<!tpu.dma_semaphore, #tpu.memory_space<semaphore_mem>>
      %dma_start3A_198 = arith.constant 0 : i32
      %dma_start3A_199 = arith.constant 0 : i32
      %dma_start3A_200 = tpu.memref_slice %arg12[%dma_start3A_198, %dma_start3A_199] : memref<80x128xf32, #tpu.memory_space<vmem>> -> memref<80x128xf32, #tpu.memory_space<vmem>>
      %dma_start3A_201 = arith.constant 0 : i32
      %dma_start3A_202 = tpu.memref_slice %arg16[%add3A_36, %dma_start3A_201] : memref<10240x128xf32, #tpu.memory_space<vmem_shared>> -> memref<80x128xf32, #tpu.memory_space<vmem_shared>>
      %dma_start3A_203 = arith.constant 0 : i32
      %dma_start3A_204 = tpu.memref_slice %arg16[%add3A_36, %dma_start3A_203] : memref<10240x128xf32, #tpu.memory_space<vmem_shared>> -> memref<80x128xf32, #tpu.memory_space<vmem_shared>>
      %dma_start3A_205 = arith.constant 0 : i32
      %dma_start3A_206 = arith.constant 0 : i32
      %dma_start3A_207 = tpu.memref_slice %arg12[%dma_start3A_205, %dma_start3A_206] : memref<80x128xf32, #tpu.memory_space<vmem>> -> memref<80x128xf32, #tpu.memory_space<vmem>>
      tpu.enqueue_dma source(%dma_start3A_207 : memref<80x128xf32, #tpu.memory_space<vmem>>) target(%dma_start3A_204 : memref<80x128xf32, #tpu.memory_space<vmem_shared>>) target_semaphore(%run_scoped3A_197 : memref<!tpu.dma_semaphore, #tpu.memory_space<semaphore_mem>>)
      %dma_wait3A_208 = arith.constant 0 : i32
      %dma_wait3A_209 = arith.constant 0 : i32
      %dma_wait3A_210 = tpu.memref_slice %arg12[%dma_wait3A_208, %dma_wait3A_209] : memref<80x128xf32, #tpu.memory_space<vmem>> -> memref<80x128xf32, #tpu.memory_space<vmem>>
      %dma_wait3A_211 = arith.constant 0 : i32
      %dma_wait3A_212 = tpu.memref_slice %arg16[%add3A_36, %dma_wait3A_211] : memref<10240x128xf32, #tpu.memory_space<vmem_shared>> -> memref<80x128xf32, #tpu.memory_space<vmem_shared>>
      %dma_wait3A_213 = arith.constant 0 : i32
      %dma_wait3A_214 = tpu.memref_slice %arg16[%add3A_36, %dma_wait3A_213] : memref<10240x128xf32, #tpu.memory_space<vmem_shared>> -> memref<80x128xf32, #tpu.memory_space<vmem_shared>>
      %dma_wait3A_215 = arith.constant 0 : i32
      %dma_wait3A_216 = arith.constant 0 : i32
      %dma_wait3A_217 = tpu.memref_slice %arg12[%dma_wait3A_215, %dma_wait3A_216] : memref<80x128xf32, #tpu.memory_space<vmem>> -> memref<80x128xf32, #tpu.memory_space<vmem>>
      tpu.wait_dma2 semaphore(%run_scoped3A_197 : memref<!tpu.dma_semaphore, #tpu.memory_space<semaphore_mem>>) src(%dma_wait3A_217 : memref<80x128xf32, #tpu.memory_space<vmem>>) dst(%dma_wait3A_214 : memref<80x128xf32, #tpu.memory_space<vmem_shared>>)
      tpu.yield
    }) : () -> ()
    %barrier3A = arith.constant 0 : index
    tpu.barrier barrier_id(%barrier3A)
    %iota3A = tpu.iota {dimensions = array<i32: 0>} : vector<16xi32>
    %xor3A = arith.constant 1 : i32
    %xor3A_37 = vector.broadcast %xor3A : i32 to vector<16xi32>
    %xor3A_38 = arith.xori %iota3A, %xor3A_37 : vector<16xi32>
    %xor3A_39 = arith.constant 2 : i32
    %xor3A_40 = vector.broadcast %xor3A_39 : i32 to vector<16xi32>
    %xor3A_41 = arith.xori %iota3A, %xor3A_40 : vector<16xi32>
    %xor3A_42 = arith.constant 4 : i32
    %xor3A_43 = vector.broadcast %xor3A_42 : i32 to vector<16xi32>
    %xor3A_44 = arith.xori %iota3A, %xor3A_43 : vector<16xi32>
    %get3A = arith.constant 0 : index
    %get3A_45 = tpu.vector_load %arg15[%get3A] {strides = array<i32>} : memref<256xf32, #tpu.memory_space<vmem>>, vector<16xf32>,
    %get3A_46 = vector.shape_cast %get3A_45 : vector<16xf32> to vector<16xf32>
    %get3A_47 = arith.constant 16 : index
    %get3A_48 = tpu.vector_load %arg15[%get3A_47] {strides = array<i32>} : memref<256xf32, #tpu.memory_space<vmem>>, vector<16xf32>,
    %get3A_49 = vector.shape_cast %get3A_48 : vector<16xf32> to vector<16xf32>
    %get3A_50 = arith.constant 32 : index
    %get3A_51 = tpu.vector_load %arg15[%get3A_50] {strides = array<i32>} : memref<256xf32, #tpu.memory_space<vmem>>, vector<16xf32>,
    %get3A_52 = vector.shape_cast %get3A_51 : vector<16xf32> to vector<16xf32>
    %get3A_53 = arith.constant 48 : index
    %get3A_54 = tpu.vector_load %arg15[%get3A_53] {strides = array<i32>} : memref<256xf32, #tpu.memory_space<vmem>>, vector<16xf32>,
    %get3A_55 = vector.shape_cast %get3A_54 : vector<16xf32> to vector<16xf32>
    %get3A_56 = arith.constant 64 : index
    %get3A_57 = tpu.vector_load %arg15[%get3A_56] {strides = array<i32>} : memref<256xf32, #tpu.memory_space<vmem>>, vector<16xf32>,
    %get3A_58 = vector.shape_cast %get3A_57 : vector<16xf32> to vector<16xf32>
    %get3A_59 = arith.constant 80 : index
    %get3A_60 = tpu.vector_load %arg15[%get3A_59] {strides = array<i32>} : memref<256xf32, #tpu.memory_space<vmem>>, vector<16xf32>,
    %get3A_61 = vector.shape_cast %get3A_60 : vector<16xf32> to vector<16xf32>
    %get3A_62 = arith.constant 96 : index
    %get3A_63 = tpu.vector_load %arg15[%get3A_62] {strides = array<i32>} : memref<256xf32, #tpu.memory_space<vmem>>, vector<16xf32>,
    %get3A_64 = vector.shape_cast %get3A_63 : vector<16xf32> to vector<16xf32>
    %get3A_65 = arith.constant 112 : index
    %get3A_66 = tpu.vector_load %arg15[%get3A_65] {strides = array<i32>} : memref<256xf32, #tpu.memory_space<vmem>>, vector<16xf32>,
    %get3A_67 = vector.shape_cast %get3A_66 : vector<16xf32> to vector<16xf32>
    %get3A_68 = arith.constant 128 : index
    %get3A_69 = tpu.vector_load %arg15[%get3A_68] {strides = array<i32>} : memref<256xf32, #tpu.memory_space<vmem>>, vector<16xf32>,
    %get3A_70 = vector.shape_cast %get3A_69 : vector<16xf32> to vector<16xf32>
    %get3A_71 = arith.constant 144 : index
    %get3A_72 = tpu.vector_load %arg15[%get3A_71] {strides = array<i32>} : memref<256xf32, #tpu.memory_space<vmem>>, vector<16xf32>,
    %get3A_73 = vector.shape_cast %get3A_72 : vector<16xf32> to vector<16xf32>
    %get3A_74 = arith.constant 160 : index
    %get3A_75 = tpu.vector_load %arg15[%get3A_74] {strides = array<i32>} : memref<256xf32, #tpu.memory_space<vmem>>, vector<16xf32>,
    %get3A_76 = vector.shape_cast %get3A_75 : vector<16xf32> to vector<16xf32>
    %get3A_77 = arith.constant 176 : index
    %get3A_78 = tpu.vector_load %arg15[%get3A_77] {strides = array<i32>} : memref<256xf32, #tpu.memory_space<vmem>>, vector<16xf32>,
    %get3A_79 = vector.shape_cast %get3A_78 : vector<16xf32> to vector<16xf32>
    %run_scoped3A = arith.constant 0 : i32
    %run_scoped3A_80 = arith.constant 0 : i32
    "tpu.region"() ({
      %run_scoped3A_197 = tpu.sem_alloc : memref<!tpu.dma_semaphore, #tpu.memory_space<semaphore_mem>>
      %dma_start3A_198 = arith.constant 0 : i32
      %dma_start3A_199 = tpu.memref_slice %arg13[%run_scoped3A_80, %dma_start3A_198] : memref<6x40xi32, #tpu.memory_space<vmem>> -> memref<1x40xi32, #tpu.memory_space<vmem>>
      %dma_start3A_200 = tpu.memref_squeeze %dma_start3A_199 : memref<1x40xi32, #tpu.memory_space<vmem>> -> memref<40xi32, #tpu.memory_space<vmem>>
      %dma_start3A_201 = arith.constant 0 : i32
      %dma_start3A_202 = tpu.memref_slice %arg4[%add3A, %run_scoped3A, %dma_start3A_201] : memref<32x258x40xi32, #tpu.memory_space<hbm>> -> memref<1x1x40xi32, #tpu.memory_space<hbm>>
      %dma_start3A_203 = tpu.memref_squeeze %dma_start3A_202 : memref<1x1x40xi32, #tpu.memory_space<hbm>> -> memref<40xi32, #tpu.memory_space<hbm>>
      %dma_start3A_204 = arith.constant 0 : i32
      %dma_start3A_205 = tpu.memref_slice %arg13[%run_scoped3A_80, %dma_start3A_204] : memref<6x40xi32, #tpu.memory_space<vmem>> -> memref<1x40xi32, #tpu.memory_space<vmem>>
      %dma_start3A_206 = tpu.memref_squeeze %dma_start3A_205 : memref<1x40xi32, #tpu.memory_space<vmem>> -> memref<40xi32, #tpu.memory_space<vmem>>
      %dma_start3A_207 = arith.constant 0 : i32
      %dma_start3A_208 = tpu.memref_slice %arg4[%add3A, %run_scoped3A, %dma_start3A_207] : memref<32x258x40xi32, #tpu.memory_space<hbm>> -> memref<1x1x40xi32, #tpu.memory_space<hbm>>
      %dma_start3A_209 = tpu.memref_squeeze %dma_start3A_208 : memref<1x1x40xi32, #tpu.memory_space<hbm>> -> memref<40xi32, #tpu.memory_space<hbm>>
      tpu.enqueue_dma source(%dma_start3A_209 : memref<40xi32, #tpu.memory_space<hbm>>) target(%dma_start3A_206 : memref<40xi32, #tpu.memory_space<vmem>>) target_semaphore(%run_scoped3A_197 : memref<!tpu.dma_semaphore, #tpu.memory_space<semaphore_mem>>)
      %dma_wait3A_210 = arith.constant 0 : i32
      %dma_wait3A_211 = tpu.memref_slice %arg13[%run_scoped3A_80, %dma_wait3A_210] : memref<6x40xi32, #tpu.memory_space<vmem>> -> memref<1x40xi32, #tpu.memory_space<vmem>>
      %dma_wait3A_212 = tpu.memref_squeeze %dma_wait3A_211 : memref<1x40xi32, #tpu.memory_space<vmem>> -> memref<40xi32, #tpu.memory_space<vmem>>
      %dma_wait3A_213 = arith.constant 0 : i32
      %dma_wait3A_214 = tpu.memref_slice %arg4[%add3A, %run_scoped3A, %dma_wait3A_213] : memref<32x258x40xi32, #tpu.memory_space<hbm>> -> memref<1x1x40xi32, #tpu.memory_space<hbm>>
      %dma_wait3A_215 = tpu.memref_squeeze %dma_wait3A_214 : memref<1x1x40xi32, #tpu.memory_space<hbm>> -> memref<40xi32, #tpu.memory_space<hbm>>
      %dma_wait3A_216 = arith.constant 0 : i32
      %dma_wait3A_217 = tpu.memref_slice %arg13[%run_scoped3A_80, %dma_wait3A_216] : memref<6x40xi32, #tpu.memory_space<vmem>> -> memref<1x40xi32, #tpu.memory_space<vmem>>
      %dma_wait3A_218 = tpu.memref_squeeze %dma_wait3A_217 : memref<1x40xi32, #tpu.memory_space<vmem>> -> memref<40xi32, #tpu.memory_space<vmem>>
      %dma_wait3A_219 = arith.constant 0 : i32
      %dma_wait3A_220 = tpu.memref_slice %arg4[%add3A, %run_scoped3A, %dma_wait3A_219] : memref<32x258x40xi32, #tpu.memory_space<hbm>> -> memref<1x1x40xi32, #tpu.memory_space<hbm>>
      %dma_wait3A_221 = tpu.memref_squeeze %dma_wait3A_220 : memref<1x1x40xi32, #tpu.memory_space<hbm>> -> memref<40xi32, #tpu.memory_space<hbm>>
      tpu.wait_dma2 semaphore(%run_scoped3A_197 : memref<!tpu.dma_semaphore, #tpu.memory_space<semaphore_mem>>) src(%dma_wait3A_221 : memref<40xi32, #tpu.memory_space<hbm>>) dst(%dma_wait3A_218 : memref<40xi32, #tpu.memory_space<vmem>>)
      tpu.yield
    }) : () -> ()
    %run_scoped3A_81 = arith.constant 0 : i32
    %run_scoped3A_82 = arith.constant 0 : i32
    "tpu.region"() ({
      %run_scoped3A_197 = tpu.sem_alloc : memref<!tpu.dma_semaphore, #tpu.memory_space<semaphore_mem>>
      %dma_start3A_198 = arith.constant 0 : i32
      %dma_start3A_199 = tpu.memref_slice %arg14[%run_scoped3A_82, %dma_start3A_198] : memref<6x40xi32, #tpu.memory_space<vmem>> -> memref<1x40xi32, #tpu.memory_space<vmem>>
      %dma_start3A_200 = tpu.memref_squeeze %dma_start3A_199 : memref<1x40xi32, #tpu.memory_space<vmem>> -> memref<40xi32, #tpu.memory_space<vmem>>
      %dma_start3A_201 = arith.constant 0 : i32
      %dma_start3A_202 = tpu.memref_slice %arg5[%add3A, %run_scoped3A_81, %dma_start3A_201] : memref<32x258x40xi32, #tpu.memory_space<hbm>> -> memref<1x1x40xi32, #tpu.memory_space<hbm>>
      %dma_start3A_203 = tpu.memref_squeeze %dma_start3A_202 : memref<1x1x40xi32, #tpu.memory_space<hbm>> -> memref<40xi32, #tpu.memory_space<hbm>>
      %dma_start3A_204 = arith.constant 0 : i32
      %dma_start3A_205 = tpu.memref_slice %arg14[%run_scoped3A_82, %dma_start3A_204] : memref<6x40xi32, #tpu.memory_space<vmem>> -> memref<1x40xi32, #tpu.memory_space<vmem>>
      %dma_start3A_206 = tpu.memref_squeeze %dma_start3A_205 : memref<1x40xi32, #tpu.memory_space<vmem>> -> memref<40xi32, #tpu.memory_space<vmem>>
      %dma_start3A_207 = arith.constant 0 : i32
      %dma_start3A_208 = tpu.memref_slice %arg5[%add3A, %run_scoped3A_81, %dma_start3A_207] : memref<32x258x40xi32, #tpu.memory_space<hbm>> -> memref<1x1x40xi32, #tpu.memory_space<hbm>>
      %dma_start3A_209 = tpu.memref_squeeze %dma_start3A_208 : memref<1x1x40xi32, #tpu.memory_space<hbm>> -> memref<40xi32, #tpu.memory_space<hbm>>
      tpu.enqueue_dma source(%dma_start3A_209 : memref<40xi32, #tpu.memory_space<hbm>>) target(%dma_start3A_206 : memref<40xi32, #tpu.memory_space<vmem>>) target_semaphore(%run_scoped3A_197 : memref<!tpu.dma_semaphore, #tpu.memory_space<semaphore_mem>>)
      %dma_wait3A_210 = arith.constant 0 : i32
      %dma_wait3A_211 = tpu.memref_slice %arg14[%run_scoped3A_82, %dma_wait3A_210] : memref<6x40xi32, #tpu.memory_space<vmem>> -> memref<1x40xi32, #tpu.memory_space<vmem>>
      %dma_wait3A_212 = tpu.memref_squeeze %dma_wait3A_211 : memref<1x40xi32, #tpu.memory_space<vmem>> -> memref<40xi32, #tpu.memory_space<vmem>>
      %dma_wait3A_213 = arith.constant 0 : i32
      %dma_wait3A_214 = tpu.memref_slice %arg5[%add3A, %run_scoped3A_81, %dma_wait3A_213] : memref<32x258x40xi32, #tpu.memory_space<hbm>> -> memref<1x1x40xi32, #tpu.memory_space<hbm>>
      %dma_wait3A_215 = tpu.memref_squeeze %dma_wait3A_214 : memref<1x1x40xi32, #tpu.memory_space<hbm>> -> memref<40xi32, #tpu.memory_space<hbm>>
      %dma_wait3A_216 = arith.constant 0 : i32
      %dma_wait3A_217 = tpu.memref_slice %arg14[%run_scoped3A_82, %dma_wait3A_216] : memref<6x40xi32, #tpu.memory_space<vmem>> -> memref<1x40xi32, #tpu.memory_space<vmem>>
      %dma_wait3A_218 = tpu.memref_squeeze %dma_wait3A_217 : memref<1x40xi32, #tpu.memory_space<vmem>> -> memref<40xi32, #tpu.memory_space<vmem>>
      %dma_wait3A_219 = arith.constant 0 : i32
      %dma_wait3A_220 = tpu.memref_slice %arg5[%add3A, %run_scoped3A_81, %dma_wait3A_219] : memref<32x258x40xi32, #tpu.memory_space<hbm>> -> memref<1x1x40xi32, #tpu.memory_space<hbm>>
      %dma_wait3A_221 = tpu.memref_squeeze %dma_wait3A_220 : memref<1x1x40xi32, #tpu.memory_space<hbm>> -> memref<40xi32, #tpu.memory_space<hbm>>
      tpu.wait_dma2 semaphore(%run_scoped3A_197 : memref<!tpu.dma_semaphore, #tpu.memory_space<semaphore_mem>>) src(%dma_wait3A_221 : memref<40xi32, #tpu.memory_space<hbm>>) dst(%dma_wait3A_218 : memref<40xi32, #tpu.memory_space<vmem>>)
      tpu.yield
    }) : () -> ()
    %run_scoped3A_83 = arith.constant 1 : i32
    %run_scoped3A_84 = arith.constant 1 : i32
    "tpu.region"() ({
      %run_scoped3A_197 = tpu.sem_alloc : memref<!tpu.dma_semaphore, #tpu.memory_space<semaphore_mem>>
      %dma_start3A_198 = arith.constant 0 : i32
      %dma_start3A_199 = tpu.memref_slice %arg13[%run_scoped3A_84, %dma_start3A_198] : memref<6x40xi32, #tpu.memory_space<vmem>> -> memref<1x40xi32, #tpu.memory_space<vmem>>
      %dma_start3A_200 = tpu.memref_squeeze %dma_start3A_199 : memref<1x40xi32, #tpu.memory_space<vmem>> -> memref<40xi32, #tpu.memory_space<vmem>>
      %dma_start3A_201 = arith.constant 0 : i32
      %dma_start3A_202 = tpu.memref_slice %arg4[%add3A, %run_scoped3A_83, %dma_start3A_201] : memref<32x258x40xi32, #tpu.memory_space<hbm>> -> memref<1x1x40xi32, #tpu.memory_space<hbm>>
      %dma_start3A_203 = tpu.memref_squeeze %dma_start3A_202 : memref<1x1x40xi32, #tpu.memory_space<hbm>> -> memref<40xi32, #tpu.memory_space<hbm>>
      %dma_start3A_204 = arith.constant 0 : i32
      %dma_start3A_205 = tpu.memref_slice %arg13[%run_scoped3A_84, %dma_start3A_204] : memref<6x40xi32, #tpu.memory_space<vmem>> -> memref<1x40xi32, #tpu.memory_space<vmem>>
      %dma_start3A_206 = tpu.memref_squeeze %dma_start3A_205 : memref<1x40xi32, #tpu.memory_space<vmem>> -> memref<40xi32, #tpu.memory_space<vmem>>
      %dma_start3A_207 = arith.constant 0 : i32
      %dma_start3A_208 = tpu.memref_slice %arg4[%add3A, %run_scoped3A_83, %dma_start3A_207] : memref<32x258x40xi32, #tpu.memory_space<hbm>> -> memref<1x1x40xi32, #tpu.memory_space<hbm>>
      %dma_start3A_209 = tpu.memref_squeeze %dma_start3A_208 : memref<1x1x40xi32, #tpu.memory_space<hbm>> -> memref<40xi32, #tpu.memory_space<hbm>>
      tpu.enqueue_dma source(%dma_start3A_209 : memref<40xi32, #tpu.memory_space<hbm>>) target(%dma_start3A_206 : memref<40xi32, #tpu.memory_space<vmem>>) target_semaphore(%run_scoped3A_197 : memref<!tpu.dma_semaphore, #tpu.memory_space<semaphore_mem>>)
      %dma_wait3A_210 = arith.constant 0 : i32
      %dma_wait3A_211 = tpu.memref_slice %arg13[%run_scoped3A_84, %dma_wait3A_210] : memref<6x40xi32, #tpu.memory_space<vmem>> -> memref<1x40xi32, #tpu.memory_space<vmem>>
      %dma_wait3A_212 = tpu.memref_squeeze %dma_wait3A_211 : memref<1x40xi32, #tpu.memory_space<vmem>> -> memref<40xi32, #tpu.memory_space<vmem>>
      %dma_wait3A_213 = arith.constant 0 : i32
      %dma_wait3A_214 = tpu.memref_slice %arg4[%add3A, %run_scoped3A_83, %dma_wait3A_213] : memref<32x258x40xi32, #tpu.memory_space<hbm>> -> memref<1x1x40xi32, #tpu.memory_space<hbm>>
      %dma_wait3A_215 = tpu.memref_squeeze %dma_wait3A_214 : memref<1x1x40xi32, #tpu.memory_space<hbm>> -> memref<40xi32, #tpu.memory_space<hbm>>
      %dma_wait3A_216 = arith.constant 0 : i32
      %dma_wait3A_217 = tpu.memref_slice %arg13[%run_scoped3A_84, %dma_wait3A_216] : memref<6x40xi32, #tpu.memory_space<vmem>> -> memref<1x40xi32, #tpu.memory_space<vmem>>
      %dma_wait3A_218 = tpu.memref_squeeze %dma_wait3A_217 : memref<1x40xi32, #tpu.memory_space<vmem>> -> memref<40xi32, #tpu.memory_space<vmem>>
      %dma_wait3A_219 = arith.constant 0 : i32
      %dma_wait3A_220 = tpu.memref_slice %arg4[%add3A, %run_scoped3A_83, %dma_wait3A_219] : memref<32x258x40xi32, #tpu.memory_space<hbm>> -> memref<1x1x40xi32, #tpu.memory_space<hbm>>
      %dma_wait3A_221 = tpu.memref_squeeze %dma_wait3A_220 : memref<1x1x40xi32, #tpu.memory_space<hbm>> -> memref<40xi32, #tpu.memory_space<hbm>>
      tpu.wait_dma2 semaphore(%run_scoped3A_197 : memref<!tpu.dma_semaphore, #tpu.memory_space<semaphore_mem>>) src(%dma_wait3A_221 : memref<40xi32, #tpu.memory_space<hbm>>) dst(%dma_wait3A_218 : memref<40xi32, #tpu.memory_space<vmem>>)
      tpu.yield
    }) : () -> ()
    %run_scoped3A_85 = arith.constant 1 : i32
    %run_scoped3A_86 = arith.constant 1 : i32
    "tpu.region"() ({
      %run_scoped3A_197 = tpu.sem_alloc : memref<!tpu.dma_semaphore, #tpu.memory_space<semaphore_mem>>
      %dma_start3A_198 = arith.constant 0 : i32
      %dma_start3A_199 = tpu.memref_slice %arg14[%run_scoped3A_86, %dma_start3A_198] : memref<6x40xi32, #tpu.memory_space<vmem>> -> memref<1x40xi32, #tpu.memory_space<vmem>>
      %dma_start3A_200 = tpu.memref_squeeze %dma_start3A_199 : memref<1x40xi32, #tpu.memory_space<vmem>> -> memref<40xi32, #tpu.memory_space<vmem>>
      %dma_start3A_201 = arith.constant 0 : i32
      %dma_start3A_202 = tpu.memref_slice %arg5[%add3A, %run_scoped3A_85, %dma_start3A_201] : memref<32x258x40xi32, #tpu.memory_space<hbm>> -> memref<1x1x40xi32, #tpu.memory_space<hbm>>
      %dma_start3A_203 = tpu.memref_squeeze %dma_start3A_202 : memref<1x1x40xi32, #tpu.memory_space<hbm>> -> memref<40xi32, #tpu.memory_space<hbm>>
      %dma_start3A_204 = arith.constant 0 : i32
      %dma_start3A_205 = tpu.memref_slice %arg14[%run_scoped3A_86, %dma_start3A_204] : memref<6x40xi32, #tpu.memory_space<vmem>> -> memref<1x40xi32, #tpu.memory_space<vmem>>
      %dma_start3A_206 = tpu.memref_squeeze %dma_start3A_205 : memref<1x40xi32, #tpu.memory_space<vmem>> -> memref<40xi32, #tpu.memory_space<vmem>>
      %dma_start3A_207 = arith.constant 0 : i32
      %dma_start3A_208 = tpu.memref_slice %arg5[%add3A, %run_scoped3A_85, %dma_start3A_207] : memref<32x258x40xi32, #tpu.memory_space<hbm>> -> memref<1x1x40xi32, #tpu.memory_space<hbm>>
      %dma_start3A_209 = tpu.memref_squeeze %dma_start3A_208 : memref<1x1x40xi32, #tpu.memory_space<hbm>> -> memref<40xi32, #tpu.memory_space<hbm>>
      tpu.enqueue_dma source(%dma_start3A_209 : memref<40xi32, #tpu.memory_space<hbm>>) target(%dma_start3A_206 : memref<40xi32, #tpu.memory_space<vmem>>) target_semaphore(%run_scoped3A_197 : memref<!tpu.dma_semaphore, #tpu.memory_space<semaphore_mem>>)
      %dma_wait3A_210 = arith.constant 0 : i32
      %dma_wait3A_211 = tpu.memref_slice %arg14[%run_scoped3A_86, %dma_wait3A_210] : memref<6x40xi32, #tpu.memory_space<vmem>> -> memref<1x40xi32, #tpu.memory_space<vmem>>
      %dma_wait3A_212 = tpu.memref_squeeze %dma_wait3A_211 : memref<1x40xi32, #tpu.memory_space<vmem>> -> memref<40xi32, #tpu.memory_space<vmem>>
      %dma_wait3A_213 = arith.constant 0 : i32
      %dma_wait3A_214 = tpu.memref_slice %arg5[%add3A, %run_scoped3A_85, %dma_wait3A_213] : memref<32x258x40xi32, #tpu.memory_space<hbm>> -> memref<1x1x40xi32, #tpu.memory_space<hbm>>
      %dma_wait3A_215 = tpu.memref_squeeze %dma_wait3A_214 : memref<1x1x40xi32, #tpu.memory_space<hbm>> -> memref<40xi32, #tpu.memory_space<hbm>>
      %dma_wait3A_216 = arith.constant 0 : i32
      %dma_wait3A_217 = tpu.memref_slice %arg14[%run_scoped3A_86, %dma_wait3A_216] : memref<6x40xi32, #tpu.memory_space<vmem>> -> memref<1x40xi32, #tpu.memory_space<vmem>>
      %dma_wait3A_218 = tpu.memref_squeeze %dma_wait3A_217 : memref<1x40xi32, #tpu.memory_space<vmem>> -> memref<40xi32, #tpu.memory_space<vmem>>
      %dma_wait3A_219 = arith.constant 0 : i32
      %dma_wait3A_220 = tpu.memref_slice %arg5[%add3A, %run_scoped3A_85, %dma_wait3A_219] : memref<32x258x40xi32, #tpu.memory_space<hbm>> -> memref<1x1x40xi32, #tpu.memory_space<hbm>>
      %dma_wait3A_221 = tpu.memref_squeeze %dma_wait3A_220 : memref<1x1x40xi32, #tpu.memory_space<hbm>> -> memref<40xi32, #tpu.memory_space<hbm>>
      tpu.wait_dma2 semaphore(%run_scoped3A_197 : memref<!tpu.dma_semaphore, #tpu.memory_space<semaphore_mem>>) src(%dma_wait3A_221 : memref<40xi32, #tpu.memory_space<hbm>>) dst(%dma_wait3A_218 : memref<40xi32, #tpu.memory_space<vmem>>)
      tpu.yield
    }) : () -> ()
    %dma_start3A = arith.constant 0 : i32
    %dma_start3A_87 = arith.constant 0 : i32
    %dma_start3A_88 = tpu.memref_slice %arg13[%dma_start3A, %dma_start3A_87] : memref<6x40xi32, #tpu.memory_space<vmem>> -> memref<1x40xi32, #tpu.memory_space<vmem>>
    %dma_start3A_89 = tpu.memref_squeeze %dma_start3A_88 : memref<1x40xi32, #tpu.memory_space<vmem>> -> memref<40xi32, #tpu.memory_space<vmem>>
    %dma_start3A_90 = arith.constant 0 : i32
    %dma_start3A_91 = arith.constant 0 : i32
    %dma_start3A_92 = tpu.memref_slice %arg2[%dma_start3A_90, %dma_start3A_91] : memref<10240x128xf32, #tpu.memory_space<hbm>> -> memref<10240x128xf32, #tpu.memory_space<hbm>>
    tpu.enqueue_indirect_dma source(%dma_start3A_92 : memref<10240x128xf32, #tpu.memory_space<hbm>>) target(%arg8 : memref<40x128xf32, #tpu.memory_space<vmem>>) offsets(%dma_start3A_89 : memref<40xi32, #tpu.memory_space<vmem>>) semaphore(%arg17 : memref<!tpu.dma_semaphore, #tpu.memory_space<semaphore_mem>>)
    %dma_start3A_93 = arith.constant 0 : i32
    %dma_start3A_94 = arith.constant 0 : i32
    %dma_start3A_95 = tpu.memref_slice %arg14[%dma_start3A_93, %dma_start3A_94] : memref<6x40xi32, #tpu.memory_space<vmem>> -> memref<1x40xi32, #tpu.memory_space<vmem>>
    %dma_start3A_96 = tpu.memref_squeeze %dma_start3A_95 : memref<1x40xi32, #tpu.memory_space<vmem>> -> memref<40xi32, #tpu.memory_space<vmem>>
    %dma_start3A_97 = arith.constant 0 : i32
    %dma_start3A_98 = arith.constant 0 : i32
    %dma_start3A_99 = tpu.memref_slice %arg3[%dma_start3A_97, %dma_start3A_98] : memref<10240x128xf32, #tpu.memory_space<hbm>> -> memref<10240x128xf32, #tpu.memory_space<hbm>>
    tpu.enqueue_indirect_dma source(%dma_start3A_99 : memref<10240x128xf32, #tpu.memory_space<hbm>>) target(%arg9 : memref<40x128xf32, #tpu.memory_space<vmem>>) offsets(%dma_start3A_96 : memref<40xi32, #tpu.memory_space<vmem>>) semaphore(%arg18 : memref<!tpu.dma_semaphore, #tpu.memory_space<semaphore_mem>>)
    %dma_start3A_100 = arith.constant 1 : i32
    %dma_start3A_101 = arith.constant 0 : i32
    %dma_start3A_102 = tpu.memref_slice %arg13[%dma_start3A_100, %dma_start3A_101] : memref<6x40xi32, #tpu.memory_space<vmem>> -> memref<1x40xi32, #tpu.memory_space<vmem>>
    %dma_start3A_103 = tpu.memref_squeeze %dma_start3A_102 : memref<1x40xi32, #tpu.memory_space<vmem>> -> memref<40xi32, #tpu.memory_space<vmem>>
    %dma_start3A_104 = arith.constant 0 : i32
    %dma_start3A_105 = arith.constant 0 : i32
    %dma_start3A_106 = tpu.memref_slice %arg2[%dma_start3A_104, %dma_start3A_105] : memref<10240x128xf32, #tpu.memory_space<hbm>> -> memref<10240x128xf32, #tpu.memory_space<hbm>>
    tpu.enqueue_indirect_dma source(%dma_start3A_106 : memref<10240x128xf32, #tpu.memory_space<hbm>>) target(%arg10 : memref<40x128xf32, #tpu.memory_space<vmem>>) offsets(%dma_start3A_103 : memref<40xi32, #tpu.memory_space<vmem>>) semaphore(%arg19 : memref<!tpu.dma_semaphore, #tpu.memory_space<semaphore_mem>>)
    %dma_start3A_107 = arith.constant 1 : i32
    %dma_start3A_108 = arith.constant 0 : i32
    %dma_start3A_109 = tpu.memref_slice %arg14[%dma_start3A_107, %dma_start3A_108] : memref<6x40xi32, #tpu.memory_space<vmem>> -> memref<1x40xi32, #tpu.memory_space<vmem>>
    %dma_start3A_110 = tpu.memref_squeeze %dma_start3A_109 : memref<1x40xi32, #tpu.memory_space<vmem>> -> memref<40xi32, #tpu.memory_space<vmem>>
    %dma_start3A_111 = arith.constant 0 : i32
    %dma_start3A_112 = arith.constant 0 : i32
    %dma_start3A_113 = tpu.memref_slice %arg3[%dma_start3A_111, %dma_start3A_112] : memref<10240x128xf32, #tpu.memory_space<hbm>> -> memref<10240x128xf32, #tpu.memory_space<hbm>>
    tpu.enqueue_indirect_dma source(%dma_start3A_113 : memref<10240x128xf32, #tpu.memory_space<hbm>>) target(%arg11 : memref<40x128xf32, #tpu.memory_space<vmem>>) offsets(%dma_start3A_110 : memref<40xi32, #tpu.memory_space<vmem>>) semaphore(%arg20 : memref<!tpu.dma_semaphore, #tpu.memory_space<semaphore_mem>>)
    %dma_start3A_114 = arith.constant 2 : i32
    %dma_start3A_115 = arith.constant 2 : i32
    %dma_start3A_116 = arith.constant 0 : i32
    %dma_start3A_117 = tpu.memref_slice %arg13[%dma_start3A_115, %dma_start3A_116] : memref<6x40xi32, #tpu.memory_space<vmem>> -> memref<1x40xi32, #tpu.memory_space<vmem>>
    %dma_start3A_118 = tpu.memref_squeeze %dma_start3A_117 : memref<1x40xi32, #tpu.memory_space<vmem>> -> memref<40xi32, #tpu.memory_space<vmem>>
    %dma_start3A_119 = arith.constant 0 : i32
    %dma_start3A_120 = tpu.memref_slice %arg4[%add3A, %dma_start3A_114, %dma_start3A_119] : memref<32x258x40xi32, #tpu.memory_space<hbm>> -> memref<1x1x40xi32, #tpu.memory_space<hbm>>
    %dma_start3A_121 = tpu.memref_squeeze %dma_start3A_120 : memref<1x1x40xi32, #tpu.memory_space<hbm>> -> memref<40xi32, #tpu.memory_space<hbm>>
    %dma_start3A_122 = arith.constant 0 : i32
    %dma_start3A_123 = tpu.memref_slice %arg13[%dma_start3A_115, %dma_start3A_122] : memref<6x40xi32, #tpu.memory_space<vmem>> -> memref<1x40xi32, #tpu.memory_space<vmem>>
    %dma_start3A_124 = tpu.memref_squeeze %dma_start3A_123 : memref<1x40xi32, #tpu.memory_space<vmem>> -> memref<40xi32, #tpu.memory_space<vmem>>
    %dma_start3A_125 = arith.constant 0 : i32
    %dma_start3A_126 = tpu.memref_slice %arg4[%add3A, %dma_start3A_114, %dma_start3A_125] : memref<32x258x40xi32, #tpu.memory_space<hbm>> -> memref<1x1x40xi32, #tpu.memory_space<hbm>>
    %dma_start3A_127 = tpu.memref_squeeze %dma_start3A_126 : memref<1x1x40xi32, #tpu.memory_space<hbm>> -> memref<40xi32, #tpu.memory_space<hbm>>
    tpu.enqueue_dma source(%dma_start3A_127 : memref<40xi32, #tpu.memory_space<hbm>>) target(%dma_start3A_124 : memref<40xi32, #tpu.memory_space<vmem>>) target_semaphore(%arg21 : memref<!tpu.dma_semaphore, #tpu.memory_space<semaphore_mem>>)
    %dma_start3A_128 = arith.constant 2 : i32
    %dma_start3A_129 = arith.constant 2 : i32
    %dma_start3A_130 = arith.constant 0 : i32
    %dma_start3A_131 = tpu.memref_slice %arg14[%dma_start3A_129, %dma_start3A_130] : memref<6x40xi32, #tpu.memory_space<vmem>> -> memref<1x40xi32, #tpu.memory_space<vmem>>
    %dma_start3A_132 = tpu.memref_squeeze %dma_start3A_131 : memref<1x40xi32, #tpu.memory_space<vmem>> -> memref<40xi32, #tpu.memory_space<vmem>>
    %dma_start3A_133 = arith.constant 0 : i32
    %dma_start3A_134 = tpu.memref_slice %arg5[%add3A, %dma_start3A_128, %dma_start3A_133] : memref<32x258x40xi32, #tpu.memory_space<hbm>> -> memref<1x1x40xi32, #tpu.memory_space<hbm>>
    %dma_start3A_135 = tpu.memref_squeeze %dma_start3A_134 : memref<1x1x40xi32, #tpu.memory_space<hbm>> -> memref<40xi32, #tpu.memory_space<hbm>>
    %dma_start3A_136 = arith.constant 0 : i32
    %dma_start3A_137 = tpu.memref_slice %arg14[%dma_start3A_129, %dma_start3A_136] : memref<6x40xi32, #tpu.memory_space<vmem>> -> memref<1x40xi32, #tpu.memory_space<vmem>>
    %dma_start3A_138 = tpu.memref_squeeze %dma_start3A_137 : memref<1x40xi32, #tpu.memory_space<vmem>> -> memref<40xi32, #tpu.memory_space<vmem>>
    %dma_start3A_139 = arith.constant 0 : i32
    %dma_start3A_140 = tpu.memref_slice %arg5[%add3A, %dma_start3A_128, %dma_start3A_139] : memref<32x258x40xi32, #tpu.memory_space<hbm>> -> memref<1x1x40xi32, #tpu.memory_space<hbm>>
    %dma_start3A_141 = tpu.memref_squeeze %dma_start3A_140 : memref<1x1x40xi32, #tpu.memory_space<hbm>> -> memref<40xi32, #tpu.memory_space<hbm>>
    tpu.enqueue_dma source(%dma_start3A_141 : memref<40xi32, #tpu.memory_space<hbm>>) target(%dma_start3A_138 : memref<40xi32, #tpu.memory_space<vmem>>) target_semaphore(%arg21 : memref<!tpu.dma_semaphore, #tpu.memory_space<semaphore_mem>>)
    %dma_start3A_142 = arith.constant 3 : i32
    %dma_start3A_143 = arith.constant 3 : i32
    %dma_start3A_144 = arith.constant 0 : i32
    %dma_start3A_145 = tpu.memref_slice %arg13[%dma_start3A_143, %dma_start3A_144] : memref<6x40xi32, #tpu.memory_space<vmem>> -> memref<1x40xi32, #tpu.memory_space<vmem>>
    %dma_start3A_146 = tpu.memref_squeeze %dma_start3A_145 : memref<1x40xi32, #tpu.memory_space<vmem>> -> memref<40xi32, #tpu.memory_space<vmem>>
    %dma_start3A_147 = arith.constant 0 : i32
    %dma_start3A_148 = tpu.memref_slice %arg4[%add3A, %dma_start3A_142, %dma_start3A_147] : memref<32x258x40xi32, #tpu.memory_space<hbm>> -> memref<1x1x40xi32, #tpu.memory_space<hbm>>
    %dma_start3A_149 = tpu.memref_squeeze %dma_start3A_148 : memref<1x1x40xi32, #tpu.memory_space<hbm>> -> memref<40xi32, #tpu.memory_space<hbm>>
    %dma_start3A_150 = arith.constant 0 : i32
    %dma_start3A_151 = tpu.memref_slice %arg13[%dma_start3A_143, %dma_start3A_150] : memref<6x40xi32, #tpu.memory_space<vmem>> -> memref<1x40xi32, #tpu.memory_space<vmem>>
    %dma_start3A_152 = tpu.memref_squeeze %dma_start3A_151 : memref<1x40xi32, #tpu.memory_space<vmem>> -> memref<40xi32, #tpu.memory_space<vmem>>
    %dma_start3A_153 = arith.constant 0 : i32
    %dma_start3A_154 = tpu.memref_slice %arg4[%add3A, %dma_start3A_142, %dma_start3A_153] : memref<32x258x40xi32, #tpu.memory_space<hbm>> -> memref<1x1x40xi32, #tpu.memory_space<hbm>>
    %dma_start3A_155 = tpu.memref_squeeze %dma_start3A_154 : memref<1x1x40xi32, #tpu.memory_space<hbm>> -> memref<40xi32, #tpu.memory_space<hbm>>
    tpu.enqueue_dma source(%dma_start3A_155 : memref<40xi32, #tpu.memory_space<hbm>>) target(%dma_start3A_152 : memref<40xi32, #tpu.memory_space<vmem>>) target_semaphore(%arg21 : memref<!tpu.dma_semaphore, #tpu.memory_space<semaphore_mem>>)
    %dma_start3A_156 = arith.constant 3 : i32
    %dma_start3A_157 = arith.constant 3 : i32
    %dma_start3A_158 = arith.constant 0 : i32
    %dma_start3A_159 = tpu.memref_slice %arg14[%dma_start3A_157, %dma_start3A_158] : memref<6x40xi32, #tpu.memory_space<vmem>> -> memref<1x40xi32, #tpu.memory_space<vmem>>
    %dma_start3A_160 = tpu.memref_squeeze %dma_start3A_159 : memref<1x40xi32, #tpu.memory_space<vmem>> -> memref<40xi32, #tpu.memory_space<vmem>>
    %dma_start3A_161 = arith.constant 0 : i32
    %dma_start3A_162 = tpu.memref_slice %arg5[%add3A, %dma_start3A_156, %dma_start3A_161] : memref<32x258x40xi32, #tpu.memory_space<hbm>> -> memref<1x1x40xi32, #tpu.memory_space<hbm>>
    %dma_start3A_163 = tpu.memref_squeeze %dma_start3A_162 : memref<1x1x40xi32, #tpu.memory_space<hbm>> -> memref<40xi32, #tpu.memory_space<hbm>>
    %dma_start3A_164 = arith.constant 0 : i32
    %dma_start3A_165 = tpu.memref_slice %arg14[%dma_start3A_157, %dma_start3A_164] : memref<6x40xi32, #tpu.memory_space<vmem>> -> memref<1x40xi32, #tpu.memory_space<vmem>>
    %dma_start3A_166 = tpu.memref_squeeze %dma_start3A_165 : memref<1x40xi32, #tpu.memory_space<vmem>> -> memref<40xi32, #tpu.memory_space<vmem>>
    %dma_start3A_167 = arith.constant 0 : i32
    %dma_start3A_168 = tpu.memref_slice %arg5[%add3A, %dma_start3A_156, %dma_start3A_167] : memref<32x258x40xi32, #tpu.memory_space<hbm>> -> memref<1x1x40xi32, #tpu.memory_space<hbm>>
    %dma_start3A_169 = tpu.memref_squeeze %dma_start3A_168 : memref<1x1x40xi32, #tpu.memory_space<hbm>> -> memref<40xi32, #tpu.memory_space<hbm>>
    tpu.enqueue_dma source(%dma_start3A_169 : memref<40xi32, #tpu.memory_space<hbm>>) target(%dma_start3A_166 : memref<40xi32, #tpu.memory_space<vmem>>) target_semaphore(%arg21 : memref<!tpu.dma_semaphore, #tpu.memory_space<semaphore_mem>>)
    %scan3A_170 = arith.constant 0 : i32
    %scan3A_171 = arith.constant 129 : i32
    %scan3A_172 = arith.addi %scan3A_170, %scan3A_171 : i32
    %scan3A_173 = arith.constant 1 : i32
    scf.for %scan3A_197 = %scan3A_170 to %scan3A_172 step %scan3A_173  : i32 {
      %rem3A = arith.constant 3 : i32
      %rem3A_198 = arith.remsi %scan3A_197, %rem3A : i32
      %add3A_199 = arith.constant 1 : i32
      %add3A_200 = arith.addi %scan3A_197, %add3A_199 : i32
      %rem3A_201 = arith.constant 3 : i32
      %rem3A_202 = arith.remsi %add3A_200, %rem3A_201 : i32
      %mul3A_203 = arith.constant 2 : i32
      %mul3A_204 = arith.muli %mul3A_203, %rem3A_198 : i32
      %add3A_205 = arith.constant 0 : i32
      %add3A_206 = arith.addi %mul3A_204, %add3A_205 : i32
      %dma_wait3A_207 = arith.constant 0 : i32
      %dma_wait3A_208 = tpu.memref_slice %arg13[%add3A_206, %dma_wait3A_207] : memref<6x40xi32, #tpu.memory_space<vmem>> -> memref<1x40xi32, #tpu.memory_space<vmem>>
      %dma_wait3A_209 = tpu.memref_squeeze %dma_wait3A_208 : memref<1x40xi32, #tpu.memory_space<vmem>> -> memref<40xi32, #tpu.memory_space<vmem>>
      %dma_wait3A_210 = arith.constant 0 : i32
      %dma_wait3A_211 = arith.constant 0 : i32
      %dma_wait3A_212 = tpu.memref_slice %arg2[%dma_wait3A_210, %dma_wait3A_211] : memref<10240x128xf32, #tpu.memory_space<hbm>> -> memref<10240x128xf32, #tpu.memory_space<hbm>>
      tpu.wait_indirect_dma semaphore(%arg17 : memref<!tpu.dma_semaphore, #tpu.memory_space<semaphore_mem>>) src(%dma_wait3A_212 : memref<10240x128xf32, #tpu.memory_space<hbm>>) dst(%arg8 : memref<40x128xf32, #tpu.memory_space<vmem>>)
      %mul3A_213 = arith.constant 2 : i32
      %mul3A_214 = arith.muli %mul3A_213, %rem3A_198 : i32
      %add3A_215 = arith.constant 0 : i32
      %add3A_216 = arith.addi %mul3A_214, %add3A_215 : i32
      %dma_wait3A_217 = arith.constant 0 : i32
      %dma_wait3A_218 = tpu.memref_slice %arg14[%add3A_216, %dma_wait3A_217] : memref<6x40xi32, #tpu.memory_space<vmem>> -> memref<1x40xi32, #tpu.memory_space<vmem>>
      %dma_wait3A_219 = tpu.memref_squeeze %dma_wait3A_218 : memref<1x40xi32, #tpu.memory_space<vmem>> -> memref<40xi32, #tpu.memory_space<vmem>>
      %dma_wait3A_220 = arith.constant 0 : i32
      %dma_wait3A_221 = arith.constant 0 : i32
      %dma_wait3A_222 = tpu.memref_slice %arg3[%dma_wait3A_220, %dma_wait3A_221] : memref<10240x128xf32, #tpu.memory_space<hbm>> -> memref<10240x128xf32, #tpu.memory_space<hbm>>
      tpu.wait_indirect_dma semaphore(%arg18 : memref<!tpu.dma_semaphore, #tpu.memory_space<semaphore_mem>>) src(%dma_wait3A_222 : memref<10240x128xf32, #tpu.memory_space<hbm>>) dst(%arg9 : memref<40x128xf32, #tpu.memory_space<vmem>>)
      %gt3A = arith.constant 0 : i32
      %gt3A_223 = arith.cmpi sgt, %scan3A_197, %gt3A : i32
      %convert_element_type3A = arith.extui %gt3A_223 : i1 to i32
      %cond3A = arith.constant 0 : i32
      %cond3A_224 = arith.cmpi ne, %convert_element_type3A, %cond3A : i32
      scf.if %cond3A_224 {
        %dma_wait3A_306 = arith.constant 0 : i32
        %dma_wait3A_307 = arith.constant 0 : i32
        %dma_wait3A_308 = arith.constant 0 : i32
        %dma_wait3A_309 = tpu.memref_slice %arg12[%dma_wait3A_307, %dma_wait3A_308] : memref<80x128xf32, #tpu.memory_space<vmem>> -> memref<40x128xf32, #tpu.memory_space<vmem>>
        %dma_wait3A_310 = arith.constant 0 : i32
        %dma_wait3A_311 = tpu.memref_slice %arg14[%dma_wait3A_306, %dma_wait3A_310] : memref<6x40xi32, #tpu.memory_space<vmem>> -> memref<1x40xi32, #tpu.memory_space<vmem>>
        %dma_wait3A_312 = tpu.memref_squeeze %dma_wait3A_311 : memref<1x40xi32, #tpu.memory_space<vmem>> -> memref<40xi32, #tpu.memory_space<vmem>>
        %dma_wait3A_313 = arith.constant 0 : i32
        %dma_wait3A_314 = arith.constant 0 : i32
        %dma_wait3A_315 = tpu.memref_slice %arg16[%dma_wait3A_313, %dma_wait3A_314] : memref<10240x128xf32, #tpu.memory_space<vmem_shared>> -> memref<10240x128xf32, #tpu.memory_space<vmem_shared>>
        tpu.wait_indirect_dma semaphore(%arg22 : memref<!tpu.dma_semaphore, #tpu.memory_space<semaphore_mem>>) src(%dma_wait3A_309 : memref<40x128xf32, #tpu.memory_space<vmem>>) dst(%dma_wait3A_315 : memref<10240x128xf32, #tpu.memory_space<vmem_shared>>)
      } else {
      }
      %scan3A_225 = arith.constant 0 : i32
      %scan3A_226 = arith.constant 40 : i32
      %scan3A_227 = arith.addi %scan3A_225, %scan3A_226 : i32
      %scan3A_228 = arith.constant 1 : i32
      scf.for %scan3A_306 = %scan3A_225 to %scan3A_227 step %scan3A_228  : i32 {
        %broadcast_in_dim3A = arith.constant 0.000000e+00 : f32
        %broadcast_in_dim3A_307 = vector.broadcast %broadcast_in_dim3A : f32 to vector<16xf32>
        %get3A_308 = arith.index_cast %scan3A_306 : i32 to index
        %get3A_309 = arith.constant 0 : index
        %get3A_310 = tpu.vector_load %arg8[%get3A_308, %get3A_309] {strides = array<i32>} : memref<40x128xf32, #tpu.memory_space<vmem>>, vector<1x16xf32>,
        %get3A_311 = vector.shape_cast %get3A_310 : vector<1x16xf32> to vector<16xf32>
        %get3A_312 = arith.index_cast %scan3A_306 : i32 to index
        %get3A_313 = arith.constant 0 : index
        %get3A_314 = tpu.vector_load %arg9[%get3A_312, %get3A_313] {strides = array<i32>} : memref<40x128xf32, #tpu.memory_space<vmem>>, vector<1x16xf32>,
        %get3A_315 = vector.shape_cast %get3A_314 : vector<1x16xf32> to vector<16xf32>
        %add3A_316 = arith.addf %get3A_311, %get3A_315 : vector<16xf32>
        %mul3A_317 = arith.constant 2.000000e-01 : f32
        %mul3A_318 = vector.broadcast %mul3A_317 : f32 to vector<16xf32>
        %mul3A_319 = arith.mulf %mul3A_318, %add3A_316 : vector<16xf32>
        %max3A = arith.maximumf %add3A_316, %mul3A_319 : vector<16xf32>
        %mul3A_320 = arith.mulf %max3A, %get3A_46 : vector<16xf32>
        %lt3A_321 = arith.constant 0 : i32
        %lt3A_322 = vector.broadcast %lt3A_321 : i32 to vector<16xi32>
        %lt3A_323 = arith.cmpi slt, %xor3A_38, %lt3A_322 : vector<16xi32>
        %add3A_324 = arith.constant 16 : i32
        %add3A_325 = vector.broadcast %add3A_324 : i32 to vector<16xi32>
        %add3A_326 = arith.addi %xor3A_38, %add3A_325 : vector<16xi32>
        %select_n3A = arith.select %lt3A_323, %add3A_326, %xor3A_38 : vector<16xi1>, vector<16xi32>
        %broadcast_in_dim3A_327 = vector.shape_cast %select_n3A : vector<16xi32> to vector<16x1xi32>
        %gather3A = vector.shape_cast %broadcast_in_dim3A_327 : vector<16x1xi32> to vector<16xi32>
        %gather3A_328 = tpu.dynamic_gather %mul3A_320[%gather3A] in [0] : vector<16xf32>, vector<16xi32> -> vector<16xf32>
        %add3A_329 = arith.addf %mul3A_320, %gather3A_328 : vector<16xf32>
        %lt3A_330 = arith.constant 0 : i32
        %lt3A_331 = vector.broadcast %lt3A_330 : i32 to vector<16xi32>
        %lt3A_332 = arith.cmpi slt, %xor3A_41, %lt3A_331 : vector<16xi32>
        %add3A_333 = arith.constant 16 : i32
        %add3A_334 = vector.broadcast %add3A_333 : i32 to vector<16xi32>
        %add3A_335 = arith.addi %xor3A_41, %add3A_334 : vector<16xi32>
        %select_n3A_336 = arith.select %lt3A_332, %add3A_335, %xor3A_41 : vector<16xi1>, vector<16xi32>
        %broadcast_in_dim3A_337 = vector.shape_cast %select_n3A_336 : vector<16xi32> to vector<16x1xi32>
        %gather3A_338 = vector.shape_cast %broadcast_in_dim3A_337 : vector<16x1xi32> to vector<16xi32>
        %gather3A_339 = tpu.dynamic_gather %add3A_329[%gather3A_338] in [0] : vector<16xf32>, vector<16xi32> -> vector<16xf32>
        %add3A_340 = arith.addf %add3A_329, %gather3A_339 : vector<16xf32>
        %lt3A_341 = arith.constant 0 : i32
        %lt3A_342 = vector.broadcast %lt3A_341 : i32 to vector<16xi32>
        %lt3A_343 = arith.cmpi slt, %xor3A_44, %lt3A_342 : vector<16xi32>
        %add3A_344 = arith.constant 16 : i32
        %add3A_345 = vector.broadcast %add3A_344 : i32 to vector<16xi32>
        %add3A_346 = arith.addi %xor3A_44, %add3A_345 : vector<16xi32>
        %select_n3A_347 = arith.select %lt3A_343, %add3A_346, %xor3A_44 : vector<16xi1>, vector<16xi32>
        %broadcast_in_dim3A_348 = vector.shape_cast %select_n3A_347 : vector<16xi32> to vector<16x1xi32>
        %gather3A_349 = vector.shape_cast %broadcast_in_dim3A_348 : vector<16x1xi32> to vector<16xi32>
        %gather3A_350 = tpu.dynamic_gather %add3A_340[%gather3A_349] in [0] : vector<16xf32>, vector<16xi32> -> vector<16xf32>
        %add3A_351 = arith.addf %add3A_340, %gather3A_350 : vector<16xf32>
        %exp3A = math.exp %add3A_351 : vector<16xf32>
        %mul3A_352 = arith.mulf %exp3A, %get3A_311 : vector<16xf32>
        %add3A_353 = arith.constant 0 : i32
        %add3A_354 = arith.addi %add3A_353, %scan3A_306 : i32
        %swap3A = arith.index_cast %add3A_354 : i32 to index
        %swap3A_355 = arith.constant 0 : index
        %swap3A_356 = tpu.vector_load %arg12[%swap3A, %swap3A_355] {strides = array<i32>} : memref<80x128xf32, #tpu.memory_space<vmem>>, vector<1x16xf32>,
        %swap3A_357 = vector.shape_cast %swap3A_356 : vector<1x16xf32> to vector<16xf32>
        %swap3A_358 = vector.shape_cast %mul3A_352 : vector<16xf32> to vector<1x16xf32>
        tpu.vector_store %arg12[%swap3A, %swap3A_355], %swap3A_358 {strides = array<i32>} : memref<80x128xf32, #tpu.memory_space<vmem>>, vector<1x16xf32>,
        %mul3A_359 = arith.mulf %exp3A, %get3A_64 : vector<16xf32>
        %add3A_360 = arith.addf %broadcast_in_dim3A_307, %mul3A_359 : vector<16xf32>
        %get3A_361 = arith.index_cast %scan3A_306 : i32 to index
        %get3A_362 = arith.constant 16 : index
        %get3A_363 = tpu.vector_load %arg8[%get3A_361, %get3A_362] {strides = array<i32>} : memref<40x128xf32, #tpu.memory_space<vmem>>, vector<1x16xf32>,
        %get3A_364 = vector.shape_cast %get3A_363 : vector<1x16xf32> to vector<16xf32>
        %get3A_365 = arith.index_cast %scan3A_306 : i32 to index
        %get3A_366 = arith.constant 16 : index
        %get3A_367 = tpu.vector_load %arg9[%get3A_365, %get3A_366] {strides = array<i32>} : memref<40x128xf32, #tpu.memory_space<vmem>>, vector<1x16xf32>,
        %get3A_368 = vector.shape_cast %get3A_367 : vector<1x16xf32> to vector<16xf32>
        %add3A_369 = arith.addf %get3A_364, %get3A_368 : vector<16xf32>
        %mul3A_370 = arith.constant 2.000000e-01 : f32
        %mul3A_371 = vector.broadcast %mul3A_370 : f32 to vector<16xf32>
        %mul3A_372 = arith.mulf %mul3A_371, %add3A_369 : vector<16xf32>
        %max3A_373 = arith.maximumf %add3A_369, %mul3A_372 : vector<16xf32>
        %mul3A_374 = arith.mulf %max3A_373, %get3A_49 : vector<16xf32>
        %lt3A_375 = arith.constant 0 : i32
        %lt3A_376 = vector.broadcast %lt3A_375 : i32 to vector<16xi32>
        %lt3A_377 = arith.cmpi slt, %xor3A_38, %lt3A_376 : vector<16xi32>
        %add3A_378 = arith.constant 16 : i32
        %add3A_379 = vector.broadcast %add3A_378 : i32 to vector<16xi32>
        %add3A_380 = arith.addi %xor3A_38, %add3A_379 : vector<16xi32>
        %select_n3A_381 = arith.select %lt3A_377, %add3A_380, %xor3A_38 : vector<16xi1>, vector<16xi32>
        %broadcast_in_dim3A_382 = vector.shape_cast %select_n3A_381 : vector<16xi32> to vector<16x1xi32>
        %gather3A_383 = vector.shape_cast %broadcast_in_dim3A_382 : vector<16x1xi32> to vector<16xi32>
        %gather3A_384 = tpu.dynamic_gather %mul3A_374[%gather3A_383] in [0] : vector<16xf32>, vector<16xi32> -> vector<16xf32>
        %add3A_385 = arith.addf %mul3A_374, %gather3A_384 : vector<16xf32>
        %lt3A_386 = arith.constant 0 : i32
        %lt3A_387 = vector.broadcast %lt3A_386 : i32 to vector<16xi32>
        %lt3A_388 = arith.cmpi slt, %xor3A_41, %lt3A_387 : vector<16xi32>
        %add3A_389 = arith.constant 16 : i32
        %add3A_390 = vector.broadcast %add3A_389 : i32 to vector<16xi32>
        %add3A_391 = arith.addi %xor3A_41, %add3A_390 : vector<16xi32>
        %select_n3A_392 = arith.select %lt3A_388, %add3A_391, %xor3A_41 : vector<16xi1>, vector<16xi32>
        %broadcast_in_dim3A_393 = vector.shape_cast %select_n3A_392 : vector<16xi32> to vector<16x1xi32>
        %gather3A_394 = vector.shape_cast %broadcast_in_dim3A_393 : vector<16x1xi32> to vector<16xi32>
        %gather3A_395 = tpu.dynamic_gather %add3A_385[%gather3A_394] in [0] : vector<16xf32>, vector<16xi32> -> vector<16xf32>
        %add3A_396 = arith.addf %add3A_385, %gather3A_395 : vector<16xf32>
        %lt3A_397 = arith.constant 0 : i32
        %lt3A_398 = vector.broadcast %lt3A_397 : i32 to vector<16xi32>
        %lt3A_399 = arith.cmpi slt, %xor3A_44, %lt3A_398 : vector<16xi32>
        %add3A_400 = arith.constant 16 : i32
        %add3A_401 = vector.broadcast %add3A_400 : i32 to vector<16xi32>
        %add3A_402 = arith.addi %xor3A_44, %add3A_401 : vector<16xi32>
        %select_n3A_403 = arith.select %lt3A_399, %add3A_402, %xor3A_44 : vector<16xi1>, vector<16xi32>
        %broadcast_in_dim3A_404 = vector.shape_cast %select_n3A_403 : vector<16xi32> to vector<16x1xi32>
        %gather3A_405 = vector.shape_cast %broadcast_in_dim3A_404 : vector<16x1xi32> to vector<16xi32>
        %gather3A_406 = tpu.dynamic_gather %add3A_396[%gather3A_405] in [0] : vector<16xf32>, vector<16xi32> -> vector<16xf32>
        %add3A_407 = arith.addf %add3A_396, %gather3A_406 : vector<16xf32>
        %exp3A_408 = math.exp %add3A_407 : vector<16xf32>
        %mul3A_409 = arith.mulf %exp3A_408, %get3A_364 : vector<16xf32>
        %add3A_410 = arith.constant 0 : i32
        %add3A_411 = arith.addi %add3A_410, %scan3A_306 : i32
        %swap3A_412 = arith.index_cast %add3A_411 : i32 to index
        %swap3A_413 = arith.constant 16 : index
        %swap3A_414 = tpu.vector_load %arg12[%swap3A_412, %swap3A_413] {strides = array<i32>} : memref<80x128xf32, #tpu.memory_space<vmem>>, vector<1x16xf32>,
        %swap3A_415 = vector.shape_cast %swap3A_414 : vector<1x16xf32> to vector<16xf32>
        %swap3A_416 = vector.shape_cast %mul3A_409 : vector<16xf32> to vector<1x16xf32>
        tpu.vector_store %arg12[%swap3A_412, %swap3A_413], %swap3A_416 {strides = array<i32>} : memref<80x128xf32, #tpu.memory_space<vmem>>, vector<1x16xf32>,
        %mul3A_417 = arith.mulf %exp3A_408, %get3A_67 : vector<16xf32>
        %add3A_418 = arith.addf %add3A_360, %mul3A_417 : vector<16xf32>
        %get3A_419 = arith.index_cast %scan3A_306 : i32 to index
        %get3A_420 = arith.constant 32 : index
        %get3A_421 = tpu.vector_load %arg8[%get3A_419, %get3A_420] {strides = array<i32>} : memref<40x128xf32, #tpu.memory_space<vmem>>, vector<1x16xf32>,
        %get3A_422 = vector.shape_cast %get3A_421 : vector<1x16xf32> to vector<16xf32>
        %get3A_423 = arith.index_cast %scan3A_306 : i32 to index
        %get3A_424 = arith.constant 32 : index
        %get3A_425 = tpu.vector_load %arg9[%get3A_423, %get3A_424] {strides = array<i32>} : memref<40x128xf32, #tpu.memory_space<vmem>>, vector<1x16xf32>,
        %get3A_426 = vector.shape_cast %get3A_425 : vector<1x16xf32> to vector<16xf32>
        %add3A_427 = arith.addf %get3A_422, %get3A_426 : vector<16xf32>
        %mul3A_428 = arith.constant 2.000000e-01 : f32
        %mul3A_429 = vector.broadcast %mul3A_428 : f32 to vector<16xf32>
        %mul3A_430 = arith.mulf %mul3A_429, %add3A_427 : vector<16xf32>
        %max3A_431 = arith.maximumf %add3A_427, %mul3A_430 : vector<16xf32>
        %mul3A_432 = arith.mulf %max3A_431, %get3A_52 : vector<16xf32>
        %lt3A_433 = arith.constant 0 : i32
        %lt3A_434 = vector.broadcast %lt3A_433 : i32 to vector<16xi32>
        %lt3A_435 = arith.cmpi slt, %xor3A_38, %lt3A_434 : vector<16xi32>
        %add3A_436 = arith.constant 16 : i32
        %add3A_437 = vector.broadcast %add3A_436 : i32 to vector<16xi32>
        %add3A_438 = arith.addi %xor3A_38, %add3A_437 : vector<16xi32>
        %select_n3A_439 = arith.select %lt3A_435, %add3A_438, %xor3A_38 : vector<16xi1>, vector<16xi32>
        %broadcast_in_dim3A_440 = vector.shape_cast %select_n3A_439 : vector<16xi32> to vector<16x1xi32>
        %gather3A_441 = vector.shape_cast %broadcast_in_dim3A_440 : vector<16x1xi32> to vector<16xi32>
        %gather3A_442 = tpu.dynamic_gather %mul3A_432[%gather3A_441] in [0] : vector<16xf32>, vector<16xi32> -> vector<16xf32>
        %add3A_443 = arith.addf %mul3A_432, %gather3A_442 : vector<16xf32>
        %lt3A_444 = arith.constant 0 : i32
        %lt3A_445 = vector.broadcast %lt3A_444 : i32 to vector<16xi32>
        %lt3A_446 = arith.cmpi slt, %xor3A_41, %lt3A_445 : vector<16xi32>
        %add3A_447 = arith.constant 16 : i32
        %add3A_448 = vector.broadcast %add3A_447 : i32 to vector<16xi32>
        %add3A_449 = arith.addi %xor3A_41, %add3A_448 : vector<16xi32>
        %select_n3A_450 = arith.select %lt3A_446, %add3A_449, %xor3A_41 : vector<16xi1>, vector<16xi32>
        %broadcast_in_dim3A_451 = vector.shape_cast %select_n3A_450 : vector<16xi32> to vector<16x1xi32>
        %gather3A_452 = vector.shape_cast %broadcast_in_dim3A_451 : vector<16x1xi32> to vector<16xi32>
        %gather3A_453 = tpu.dynamic_gather %add3A_443[%gather3A_452] in [0] : vector<16xf32>, vector<16xi32> -> vector<16xf32>
        %add3A_454 = arith.addf %add3A_443, %gather3A_453 : vector<16xf32>
        %lt3A_455 = arith.constant 0 : i32
        %lt3A_456 = vector.broadcast %lt3A_455 : i32 to vector<16xi32>
        %lt3A_457 = arith.cmpi slt, %xor3A_44, %lt3A_456 : vector<16xi32>
        %add3A_458 = arith.constant 16 : i32
        %add3A_459 = vector.broadcast %add3A_458 : i32 to vector<16xi32>
        %add3A_460 = arith.addi %xor3A_44, %add3A_459 : vector<16xi32>
        %select_n3A_461 = arith.select %lt3A_457, %add3A_460, %xor3A_44 : vector<16xi1>, vector<16xi32>
        %broadcast_in_dim3A_462 = vector.shape_cast %select_n3A_461 : vector<16xi32> to vector<16x1xi32>
        %gather3A_463 = vector.shape_cast %broadcast_in_dim3A_462 : vector<16x1xi32> to vector<16xi32>
        %gather3A_464 = tpu.dynamic_gather %add3A_454[%gather3A_463] in [0] : vector<16xf32>, vector<16xi32> -> vector<16xf32>
        %add3A_465 = arith.addf %add3A_454, %gather3A_464 : vector<16xf32>
        %exp3A_466 = math.exp %add3A_465 : vector<16xf32>
        %mul3A_467 = arith.mulf %exp3A_466, %get3A_422 : vector<16xf32>
        %add3A_468 = arith.constant 0 : i32
        %add3A_469 = arith.addi %add3A_468, %scan3A_306 : i32
        %swap3A_470 = arith.index_cast %add3A_469 : i32 to index
        %swap3A_471 = arith.constant 32 : index
        %swap3A_472 = tpu.vector_load %arg12[%swap3A_470, %swap3A_471] {strides = array<i32>} : memref<80x128xf32, #tpu.memory_space<vmem>>, vector<1x16xf32>,
        %swap3A_473 = vector.shape_cast %swap3A_472 : vector<1x16xf32> to vector<16xf32>
        %swap3A_474 = vector.shape_cast %mul3A_467 : vector<16xf32> to vector<1x16xf32>
        tpu.vector_store %arg12[%swap3A_470, %swap3A_471], %swap3A_474 {strides = array<i32>} : memref<80x128xf32, #tpu.memory_space<vmem>>, vector<1x16xf32>,
        %mul3A_475 = arith.mulf %exp3A_466, %get3A_70 : vector<16xf32>
        %add3A_476 = arith.addf %add3A_418, %mul3A_475 : vector<16xf32>
        %get3A_477 = arith.index_cast %scan3A_306 : i32 to index
        %get3A_478 = arith.constant 48 : index
        %get3A_479 = tpu.vector_load %arg8[%get3A_477, %get3A_478] {strides = array<i32>} : memref<40x128xf32, #tpu.memory_space<vmem>>, vector<1x16xf32>,
        %get3A_480 = vector.shape_cast %get3A_479 : vector<1x16xf32> to vector<16xf32>
        %get3A_481 = arith.index_cast %scan3A_306 : i32 to index
        %get3A_482 = arith.constant 48 : index
        %get3A_483 = tpu.vector_load %arg9[%get3A_481, %get3A_482] {strides = array<i32>} : memref<40x128xf32, #tpu.memory_space<vmem>>, vector<1x16xf32>,
        %get3A_484 = vector.shape_cast %get3A_483 : vector<1x16xf32> to vector<16xf32>
        %add3A_485 = arith.addf %get3A_480, %get3A_484 : vector<16xf32>
        %mul3A_486 = arith.constant 2.000000e-01 : f32
        %mul3A_487 = vector.broadcast %mul3A_486 : f32 to vector<16xf32>
        %mul3A_488 = arith.mulf %mul3A_487, %add3A_485 : vector<16xf32>
        %max3A_489 = arith.maximumf %add3A_485, %mul3A_488 : vector<16xf32>
        %mul3A_490 = arith.mulf %max3A_489, %get3A_55 : vector<16xf32>
        %lt3A_491 = arith.constant 0 : i32
        %lt3A_492 = vector.broadcast %lt3A_491 : i32 to vector<16xi32>
        %lt3A_493 = arith.cmpi slt, %xor3A_38, %lt3A_492 : vector<16xi32>
        %add3A_494 = arith.constant 16 : i32
        %add3A_495 = vector.broadcast %add3A_494 : i32 to vector<16xi32>
        %add3A_496 = arith.addi %xor3A_38, %add3A_495 : vector<16xi32>
        %select_n3A_497 = arith.select %lt3A_493, %add3A_496, %xor3A_38 : vector<16xi1>, vector<16xi32>
        %broadcast_in_dim3A_498 = vector.shape_cast %select_n3A_497 : vector<16xi32> to vector<16x1xi32>
        %gather3A_499 = vector.shape_cast %broadcast_in_dim3A_498 : vector<16x1xi32> to vector<16xi32>
        %gather3A_500 = tpu.dynamic_gather %mul3A_490[%gather3A_499] in [0] : vector<16xf32>, vector<16xi32> -> vector<16xf32>
        %add3A_501 = arith.addf %mul3A_490, %gather3A_500 : vector<16xf32>
        %lt3A_502 = arith.constant 0 : i32
        %lt3A_503 = vector.broadcast %lt3A_502 : i32 to vector<16xi32>
        %lt3A_504 = arith.cmpi slt, %xor3A_41, %lt3A_503 : vector<16xi32>
        %add3A_505 = arith.constant 16 : i32
        %add3A_506 = vector.broadcast %add3A_505 : i32 to vector<16xi32>
        %add3A_507 = arith.addi %xor3A_41, %add3A_506 : vector<16xi32>
        %select_n3A_508 = arith.select %lt3A_504, %add3A_507, %xor3A_41 : vector<16xi1>, vector<16xi32>
        %broadcast_in_dim3A_509 = vector.shape_cast %select_n3A_508 : vector<16xi32> to vector<16x1xi32>
        %gather3A_510 = vector.shape_cast %broadcast_in_dim3A_509 : vector<16x1xi32> to vector<16xi32>
        %gather3A_511 = tpu.dynamic_gather %add3A_501[%gather3A_510] in [0] : vector<16xf32>, vector<16xi32> -> vector<16xf32>
        %add3A_512 = arith.addf %add3A_501, %gather3A_511 : vector<16xf32>
        %lt3A_513 = arith.constant 0 : i32
        %lt3A_514 = vector.broadcast %lt3A_513 : i32 to vector<16xi32>
        %lt3A_515 = arith.cmpi slt, %xor3A_44, %lt3A_514 : vector<16xi32>
        %add3A_516 = arith.constant 16 : i32
        %add3A_517 = vector.broadcast %add3A_516 : i32 to vector<16xi32>
        %add3A_518 = arith.addi %xor3A_44, %add3A_517 : vector<16xi32>
        %select_n3A_519 = arith.select %lt3A_515, %add3A_518, %xor3A_44 : vector<16xi1>, vector<16xi32>
        %broadcast_in_dim3A_520 = vector.shape_cast %select_n3A_519 : vector<16xi32> to vector<16x1xi32>
        %gather3A_521 = vector.shape_cast %broadcast_in_dim3A_520 : vector<16x1xi32> to vector<16xi32>
        %gather3A_522 = tpu.dynamic_gather %add3A_512[%gather3A_521] in [0] : vector<16xf32>, vector<16xi32> -> vector<16xf32>
        %add3A_523 = arith.addf %add3A_512, %gather3A_522 : vector<16xf32>
        %exp3A_524 = math.exp %add3A_523 : vector<16xf32>
        %mul3A_525 = arith.mulf %exp3A_524, %get3A_480 : vector<16xf32>
        %add3A_526 = arith.constant 0 : i32
        %add3A_527 = arith.addi %add3A_526, %scan3A_306 : i32
        %swap3A_528 = arith.index_cast %add3A_527 : i32 to index
        %swap3A_529 = arith.constant 48 : index
        %swap3A_530 = tpu.vector_load %arg12[%swap3A_528, %swap3A_529] {strides = array<i32>} : memref<80x128xf32, #tpu.memory_space<vmem>>, vector<1x16xf32>,
        %swap3A_531 = vector.shape_cast %swap3A_530 : vector<1x16xf32> to vector<16xf32>
        %swap3A_532 = vector.shape_cast %mul3A_525 : vector<16xf32> to vector<1x16xf32>
        tpu.vector_store %arg12[%swap3A_528, %swap3A_529], %swap3A_532 {strides = array<i32>} : memref<80x128xf32, #tpu.memory_space<vmem>>, vector<1x16xf32>,
        %mul3A_533 = arith.mulf %exp3A_524, %get3A_73 : vector<16xf32>
        %add3A_534 = arith.addf %add3A_476, %mul3A_533 : vector<16xf32>
        %get3A_535 = arith.index_cast %scan3A_306 : i32 to index
        %get3A_536 = arith.constant 64 : index
        %get3A_537 = tpu.vector_load %arg8[%get3A_535, %get3A_536] {strides = array<i32>} : memref<40x128xf32, #tpu.memory_space<vmem>>, vector<1x16xf32>,
        %get3A_538 = vector.shape_cast %get3A_537 : vector<1x16xf32> to vector<16xf32>
        %get3A_539 = arith.index_cast %scan3A_306 : i32 to index
        %get3A_540 = arith.constant 64 : index
        %get3A_541 = tpu.vector_load %arg9[%get3A_539, %get3A_540] {strides = array<i32>} : memref<40x128xf32, #tpu.memory_space<vmem>>, vector<1x16xf32>,
        %get3A_542 = vector.shape_cast %get3A_541 : vector<1x16xf32> to vector<16xf32>
        %add3A_543 = arith.addf %get3A_538, %get3A_542 : vector<16xf32>
        %mul3A_544 = arith.constant 2.000000e-01 : f32
        %mul3A_545 = vector.broadcast %mul3A_544 : f32 to vector<16xf32>
        %mul3A_546 = arith.mulf %mul3A_545, %add3A_543 : vector<16xf32>
        %max3A_547 = arith.maximumf %add3A_543, %mul3A_546 : vector<16xf32>
        %mul3A_548 = arith.mulf %max3A_547, %get3A_58 : vector<16xf32>
        %lt3A_549 = arith.constant 0 : i32
        %lt3A_550 = vector.broadcast %lt3A_549 : i32 to vector<16xi32>
        %lt3A_551 = arith.cmpi slt, %xor3A_38, %lt3A_550 : vector<16xi32>
        %add3A_552 = arith.constant 16 : i32
        %add3A_553 = vector.broadcast %add3A_552 : i32 to vector<16xi32>
        %add3A_554 = arith.addi %xor3A_38, %add3A_553 : vector<16xi32>
        %select_n3A_555 = arith.select %lt3A_551, %add3A_554, %xor3A_38 : vector<16xi1>, vector<16xi32>
        %broadcast_in_dim3A_556 = vector.shape_cast %select_n3A_555 : vector<16xi32> to vector<16x1xi32>
        %gather3A_557 = vector.shape_cast %broadcast_in_dim3A_556 : vector<16x1xi32> to vector<16xi32>
        %gather3A_558 = tpu.dynamic_gather %mul3A_548[%gather3A_557] in [0] : vector<16xf32>, vector<16xi32> -> vector<16xf32>
        %add3A_559 = arith.addf %mul3A_548, %gather3A_558 : vector<16xf32>
        %lt3A_560 = arith.constant 0 : i32
        %lt3A_561 = vector.broadcast %lt3A_560 : i32 to vector<16xi32>
        %lt3A_562 = arith.cmpi slt, %xor3A_41, %lt3A_561 : vector<16xi32>
        %add3A_563 = arith.constant 16 : i32
        %add3A_564 = vector.broadcast %add3A_563 : i32 to vector<16xi32>
        %add3A_565 = arith.addi %xor3A_41, %add3A_564 : vector<16xi32>
        %select_n3A_566 = arith.select %lt3A_562, %add3A_565, %xor3A_41 : vector<16xi1>, vector<16xi32>
        %broadcast_in_dim3A_567 = vector.shape_cast %select_n3A_566 : vector<16xi32> to vector<16x1xi32>
        %gather3A_568 = vector.shape_cast %broadcast_in_dim3A_567 : vector<16x1xi32> to vector<16xi32>
        %gather3A_569 = tpu.dynamic_gather %add3A_559[%gather3A_568] in [0] : vector<16xf32>, vector<16xi32> -> vector<16xf32>
        %add3A_570 = arith.addf %add3A_559, %gather3A_569 : vector<16xf32>
        %lt3A_571 = arith.constant 0 : i32
        %lt3A_572 = vector.broadcast %lt3A_571 : i32 to vector<16xi32>
        %lt3A_573 = arith.cmpi slt, %xor3A_44, %lt3A_572 : vector<16xi32>
        %add3A_574 = arith.constant 16 : i32
        %add3A_575 = vector.broadcast %add3A_574 : i32 to vector<16xi32>
        %add3A_576 = arith.addi %xor3A_44, %add3A_575 : vector<16xi32>
        %select_n3A_577 = arith.select %lt3A_573, %add3A_576, %xor3A_44 : vector<16xi1>, vector<16xi32>
        %broadcast_in_dim3A_578 = vector.shape_cast %select_n3A_577 : vector<16xi32> to vector<16x1xi32>
        %gather3A_579 = vector.shape_cast %broadcast_in_dim3A_578 : vector<16x1xi32> to vector<16xi32>
        %gather3A_580 = tpu.dynamic_gather %add3A_570[%gather3A_579] in [0] : vector<16xf32>, vector<16xi32> -> vector<16xf32>
        %add3A_581 = arith.addf %add3A_570, %gather3A_580 : vector<16xf32>
        %exp3A_582 = math.exp %add3A_581 : vector<16xf32>
        %mul3A_583 = arith.mulf %exp3A_582, %get3A_538 : vector<16xf32>
        %add3A_584 = arith.constant 0 : i32
        %add3A_585 = arith.addi %add3A_584, %scan3A_306 : i32
        %swap3A_586 = arith.index_cast %add3A_585 : i32 to index
        %swap3A_587 = arith.constant 64 : index
        %swap3A_588 = tpu.vector_load %arg12[%swap3A_586, %swap3A_587] {strides = array<i32>} : memref<80x128xf32, #tpu.memory_space<vmem>>, vector<1x16xf32>,
        %swap3A_589 = vector.shape_cast %swap3A_588 : vector<1x16xf32> to vector<16xf32>
        %swap3A_590 = vector.shape_cast %mul3A_583 : vector<16xf32> to vector<1x16xf32>
        tpu.vector_store %arg12[%swap3A_586, %swap3A_587], %swap3A_590 {strides = array<i32>} : memref<80x128xf32, #tpu.memory_space<vmem>>, vector<1x16xf32>,
        %mul3A_591 = arith.mulf %exp3A_582, %get3A_76 : vector<16xf32>
        %add3A_592 = arith.addf %add3A_534, %mul3A_591 : vector<16xf32>
        %get3A_593 = arith.index_cast %scan3A_306 : i32 to index
        %get3A_594 = arith.constant 80 : index
        %get3A_595 = tpu.vector_load %arg8[%get3A_593, %get3A_594] {strides = array<i32>} : memref<40x128xf32, #tpu.memory_space<vmem>>, vector<1x16xf32>,
        %get3A_596 = vector.shape_cast %get3A_595 : vector<1x16xf32> to vector<16xf32>
        %get3A_597 = arith.index_cast %scan3A_306 : i32 to index
        %get3A_598 = arith.constant 80 : index
        %get3A_599 = tpu.vector_load %arg9[%get3A_597, %get3A_598] {strides = array<i32>} : memref<40x128xf32, #tpu.memory_space<vmem>>, vector<1x16xf32>,
        %get3A_600 = vector.shape_cast %get3A_599 : vector<1x16xf32> to vector<16xf32>
        %add3A_601 = arith.addf %get3A_596, %get3A_600 : vector<16xf32>
        %mul3A_602 = arith.constant 2.000000e-01 : f32
        %mul3A_603 = vector.broadcast %mul3A_602 : f32 to vector<16xf32>
        %mul3A_604 = arith.mulf %mul3A_603, %add3A_601 : vector<16xf32>
        %max3A_605 = arith.maximumf %add3A_601, %mul3A_604 : vector<16xf32>
        %mul3A_606 = arith.mulf %max3A_605, %get3A_61 : vector<16xf32>
        %lt3A_607 = arith.constant 0 : i32
        %lt3A_608 = vector.broadcast %lt3A_607 : i32 to vector<16xi32>
        %lt3A_609 = arith.cmpi slt, %xor3A_38, %lt3A_608 : vector<16xi32>
        %add3A_610 = arith.constant 16 : i32
        %add3A_611 = vector.broadcast %add3A_610 : i32 to vector<16xi32>
        %add3A_612 = arith.addi %xor3A_38, %add3A_611 : vector<16xi32>
        %select_n3A_613 = arith.select %lt3A_609, %add3A_612, %xor3A_38 : vector<16xi1>, vector<16xi32>
        %broadcast_in_dim3A_614 = vector.shape_cast %select_n3A_613 : vector<16xi32> to vector<16x1xi32>
        %gather3A_615 = vector.shape_cast %broadcast_in_dim3A_614 : vector<16x1xi32> to vector<16xi32>
        %gather3A_616 = tpu.dynamic_gather %mul3A_606[%gather3A_615] in [0] : vector<16xf32>, vector<16xi32> -> vector<16xf32>
        %add3A_617 = arith.addf %mul3A_606, %gather3A_616 : vector<16xf32>
        %lt3A_618 = arith.constant 0 : i32
        %lt3A_619 = vector.broadcast %lt3A_618 : i32 to vector<16xi32>
        %lt3A_620 = arith.cmpi slt, %xor3A_41, %lt3A_619 : vector<16xi32>
        %add3A_621 = arith.constant 16 : i32
        %add3A_622 = vector.broadcast %add3A_621 : i32 to vector<16xi32>
        %add3A_623 = arith.addi %xor3A_41, %add3A_622 : vector<16xi32>
        %select_n3A_624 = arith.select %lt3A_620, %add3A_623, %xor3A_41 : vector<16xi1>, vector<16xi32>
        %broadcast_in_dim3A_625 = vector.shape_cast %select_n3A_624 : vector<16xi32> to vector<16x1xi32>
        %gather3A_626 = vector.shape_cast %broadcast_in_dim3A_625 : vector<16x1xi32> to vector<16xi32>
        %gather3A_627 = tpu.dynamic_gather %add3A_617[%gather3A_626] in [0] : vector<16xf32>, vector<16xi32> -> vector<16xf32>
        %add3A_628 = arith.addf %add3A_617, %gather3A_627 : vector<16xf32>
        %lt3A_629 = arith.constant 0 : i32
        %lt3A_630 = vector.broadcast %lt3A_629 : i32 to vector<16xi32>
        %lt3A_631 = arith.cmpi slt, %xor3A_44, %lt3A_630 : vector<16xi32>
        %add3A_632 = arith.constant 16 : i32
        %add3A_633 = vector.broadcast %add3A_632 : i32 to vector<16xi32>
        %add3A_634 = arith.addi %xor3A_44, %add3A_633 : vector<16xi32>
        %select_n3A_635 = arith.select %lt3A_631, %add3A_634, %xor3A_44 : vector<16xi1>, vector<16xi32>
        %broadcast_in_dim3A_636 = vector.shape_cast %select_n3A_635 : vector<16xi32> to vector<16x1xi32>
        %gather3A_637 = vector.shape_cast %broadcast_in_dim3A_636 : vector<16x1xi32> to vector<16xi32>
        %gather3A_638 = tpu.dynamic_gather %add3A_628[%gather3A_637] in [0] : vector<16xf32>, vector<16xi32> -> vector<16xf32>
        %add3A_639 = arith.addf %add3A_628, %gather3A_638 : vector<16xf32>
        %exp3A_640 = math.exp %add3A_639 : vector<16xf32>
        %mul3A_641 = arith.mulf %exp3A_640, %get3A_596 : vector<16xf32>
        %add3A_642 = arith.constant 0 : i32
        %add3A_643 = arith.addi %add3A_642, %scan3A_306 : i32
        %swap3A_644 = arith.index_cast %add3A_643 : i32 to index
        %swap3A_645 = arith.constant 80 : index
        %swap3A_646 = tpu.vector_load %arg12[%swap3A_644, %swap3A_645] {strides = array<i32>} : memref<80x128xf32, #tpu.memory_space<vmem>>, vector<1x16xf32>,
        %swap3A_647 = vector.shape_cast %swap3A_646 : vector<1x16xf32> to vector<16xf32>
        %swap3A_648 = vector.shape_cast %mul3A_641 : vector<16xf32> to vector<1x16xf32>
        tpu.vector_store %arg12[%swap3A_644, %swap3A_645], %swap3A_648 {strides = array<i32>} : memref<80x128xf32, #tpu.memory_space<vmem>>, vector<1x16xf32>,
        %mul3A_649 = arith.mulf %exp3A_640, %get3A_79 : vector<16xf32>
        %add3A_650 = arith.addf %add3A_592, %mul3A_649 : vector<16xf32>
        %add3A_651 = arith.constant 0 : i32
        %add3A_652 = arith.addi %add3A_651, %scan3A_306 : i32
        %swap3A_653 = arith.index_cast %add3A_652 : i32 to index
        %swap3A_654 = arith.constant 96 : index
        %swap3A_655 = tpu.vector_load %arg12[%swap3A_653, %swap3A_654] {strides = array<i32>} : memref<80x128xf32, #tpu.memory_space<vmem>>, vector<1x16xf32>,
        %swap3A_656 = vector.shape_cast %swap3A_655 : vector<1x16xf32> to vector<16xf32>
        %swap3A_657 = vector.shape_cast %add3A_650 : vector<16xf32> to vector<1x16xf32>
        tpu.vector_store %arg12[%swap3A_653, %swap3A_654], %swap3A_657 {strides = array<i32>} : memref<80x128xf32, #tpu.memory_space<vmem>>, vector<1x16xf32>,
      }
      %scan3A_229 = arith.constant 40 : i32
      %mul3A_230 = arith.constant 2 : i32
      %mul3A_231 = arith.muli %mul3A_230, %rem3A_198 : i32
      %add3A_232 = arith.constant 0 : i32
      %add3A_233 = arith.addi %mul3A_231, %add3A_232 : i32
      %dma_start3A_234 = arith.constant 0 : i32
      %dma_start3A_235 = arith.constant 0 : i32
      %dma_start3A_236 = tpu.memref_slice %arg12[%dma_start3A_234, %dma_start3A_235] : memref<80x128xf32, #tpu.memory_space<vmem>> -> memref<40x128xf32, #tpu.memory_space<vmem>>
      %dma_start3A_237 = arith.constant 0 : i32
      %dma_start3A_238 = tpu.memref_slice %arg14[%add3A_233, %dma_start3A_237] : memref<6x40xi32, #tpu.memory_space<vmem>> -> memref<1x40xi32, #tpu.memory_space<vmem>>
      %dma_start3A_239 = tpu.memref_squeeze %dma_start3A_238 : memref<1x40xi32, #tpu.memory_space<vmem>> -> memref<40xi32, #tpu.memory_space<vmem>>
      %dma_start3A_240 = arith.constant 0 : i32
      %dma_start3A_241 = arith.constant 0 : i32
      %dma_start3A_242 = tpu.memref_slice %arg16[%dma_start3A_240, %dma_start3A_241] : memref<10240x128xf32, #tpu.memory_space<vmem_shared>> -> memref<10240x128xf32, #tpu.memory_space<vmem_shared>>
      tpu.enqueue_indirect_dma source(%dma_start3A_236 : memref<40x128xf32, #tpu.memory_space<vmem>>) target(%dma_start3A_242 : memref<10240x128xf32, #tpu.memory_space<vmem_shared>>) offsets(%dma_start3A_239 : memref<40xi32, #tpu.memory_space<vmem>>) semaphore(%arg22 : memref<!tpu.dma_semaphore, #tpu.memory_space<semaphore_mem>>) {add = true}
      %add3A_243 = arith.constant 1 : i32
      %add3A_244 = arith.addi %scan3A_197, %add3A_243 : i32
      %lt3A = arith.constant 129 : i32
      %lt3A_245 = arith.cmpi slt, %add3A_244, %lt3A : i32
      %convert_element_type3A_246 = arith.extui %lt3A_245 : i1 to i32
      %cond3A_247 = arith.constant 0 : i32
      %cond3A_248 = arith.cmpi ne, %convert_element_type3A_246, %cond3A_247 : i32
      scf.if %cond3A_248 {
        %mul3A_306 = arith.constant 2 : i32
        %mul3A_307 = arith.muli %mul3A_306, %rem3A_202 : i32
        %add3A_308 = arith.constant 0 : i32
        %add3A_309 = arith.addi %mul3A_307, %add3A_308 : i32
        %dma_wait3A_310 = arith.constant 0 : i32
        %dma_wait3A_311 = arith.constant 0 : i32
        %dma_wait3A_312 = tpu.memref_slice %arg13[%add3A_309, %dma_wait3A_311] : memref<6x40xi32, #tpu.memory_space<vmem>> -> memref<1x40xi32, #tpu.memory_space<vmem>>
        %dma_wait3A_313 = tpu.memref_squeeze %dma_wait3A_312 : memref<1x40xi32, #tpu.memory_space<vmem>> -> memref<40xi32, #tpu.memory_space<vmem>>
        %dma_wait3A_314 = arith.constant 0 : i32
        %dma_wait3A_315 = tpu.memref_slice %arg4[%add3A, %dma_wait3A_310, %dma_wait3A_314] : memref<32x258x40xi32, #tpu.memory_space<hbm>> -> memref<1x1x40xi32, #tpu.memory_space<hbm>>
        %dma_wait3A_316 = tpu.memref_squeeze %dma_wait3A_315 : memref<1x1x40xi32, #tpu.memory_space<hbm>> -> memref<40xi32, #tpu.memory_space<hbm>>
        %dma_wait3A_317 = arith.constant 0 : i32
        %dma_wait3A_318 = tpu.memref_slice %arg13[%add3A_309, %dma_wait3A_317] : memref<6x40xi32, #tpu.memory_space<vmem>> -> memref<1x40xi32, #tpu.memory_space<vmem>>
        %dma_wait3A_319 = tpu.memref_squeeze %dma_wait3A_318 : memref<1x40xi32, #tpu.memory_space<vmem>> -> memref<40xi32, #tpu.memory_space<vmem>>
        %dma_wait3A_320 = arith.constant 0 : i32
        %dma_wait3A_321 = tpu.memref_slice %arg4[%add3A, %dma_wait3A_310, %dma_wait3A_320] : memref<32x258x40xi32, #tpu.memory_space<hbm>> -> memref<1x1x40xi32, #tpu.memory_space<hbm>>
        %dma_wait3A_322 = tpu.memref_squeeze %dma_wait3A_321 : memref<1x1x40xi32, #tpu.memory_space<hbm>> -> memref<40xi32, #tpu.memory_space<hbm>>
        tpu.wait_dma2 semaphore(%arg21 : memref<!tpu.dma_semaphore, #tpu.memory_space<semaphore_mem>>) src(%dma_wait3A_322 : memref<40xi32, #tpu.memory_space<hbm>>) dst(%dma_wait3A_319 : memref<40xi32, #tpu.memory_space<vmem>>)
        %mul3A_323 = arith.constant 2 : i32
        %mul3A_324 = arith.muli %mul3A_323, %rem3A_202 : i32
        %add3A_325 = arith.constant 0 : i32
        %add3A_326 = arith.addi %mul3A_324, %add3A_325 : i32
        %dma_wait3A_327 = arith.constant 0 : i32
        %dma_wait3A_328 = arith.constant 0 : i32
        %dma_wait3A_329 = tpu.memref_slice %arg14[%add3A_326, %dma_wait3A_328] : memref<6x40xi32, #tpu.memory_space<vmem>> -> memref<1x40xi32, #tpu.memory_space<vmem>>
        %dma_wait3A_330 = tpu.memref_squeeze %dma_wait3A_329 : memref<1x40xi32, #tpu.memory_space<vmem>> -> memref<40xi32, #tpu.memory_space<vmem>>
        %dma_wait3A_331 = arith.constant 0 : i32
        %dma_wait3A_332 = tpu.memref_slice %arg5[%add3A, %dma_wait3A_327, %dma_wait3A_331] : memref<32x258x40xi32, #tpu.memory_space<hbm>> -> memref<1x1x40xi32, #tpu.memory_space<hbm>>
        %dma_wait3A_333 = tpu.memref_squeeze %dma_wait3A_332 : memref<1x1x40xi32, #tpu.memory_space<hbm>> -> memref<40xi32, #tpu.memory_space<hbm>>
        %dma_wait3A_334 = arith.constant 0 : i32
        %dma_wait3A_335 = tpu.memref_slice %arg14[%add3A_326, %dma_wait3A_334] : memref<6x40xi32, #tpu.memory_space<vmem>> -> memref<1x40xi32, #tpu.memory_space<vmem>>
        %dma_wait3A_336 = tpu.memref_squeeze %dma_wait3A_335 : memref<1x40xi32, #tpu.memory_space<vmem>> -> memref<40xi32, #tpu.memory_space<vmem>>
        %dma_wait3A_337 = arith.constant 0 : i32
        %dma_wait3A_338 = tpu.memref_slice %arg5[%add3A, %dma_wait3A_327, %dma_wait3A_337] : memref<32x258x40xi32, #tpu.memory_space<hbm>> -> memref<1x1x40xi32, #tpu.memory_space<hbm>>
        %dma_wait3A_339 = tpu.memref_squeeze %dma_wait3A_338 : memref<1x1x40xi32, #tpu.memory_space<hbm>> -> memref<40xi32, #tpu.memory_space<hbm>>
        tpu.wait_dma2 semaphore(%arg21 : memref<!tpu.dma_semaphore, #tpu.memory_space<semaphore_mem>>) src(%dma_wait3A_339 : memref<40xi32, #tpu.memory_space<hbm>>) dst(%dma_wait3A_336 : memref<40xi32, #tpu.memory_space<vmem>>)
        %mul3A_340 = arith.constant 2 : i32
        %mul3A_341 = arith.muli %mul3A_340, %rem3A_202 : i32
        %add3A_342 = arith.constant 1 : i32
        %add3A_343 = arith.addi %mul3A_341, %add3A_342 : i32
        %dma_wait3A_344 = arith.constant 0 : i32
        %dma_wait3A_345 = arith.constant 0 : i32
        %dma_wait3A_346 = tpu.memref_slice %arg13[%add3A_343, %dma_wait3A_345] : memref<6x40xi32, #tpu.memory_space<vmem>> -> memref<1x40xi32, #tpu.memory_space<vmem>>
        %dma_wait3A_347 = tpu.memref_squeeze %dma_wait3A_346 : memref<1x40xi32, #tpu.memory_space<vmem>> -> memref<40xi32, #tpu.memory_space<vmem>>
        %dma_wait3A_348 = arith.constant 0 : i32
        %dma_wait3A_349 = tpu.memref_slice %arg4[%add3A, %dma_wait3A_344, %dma_wait3A_348] : memref<32x258x40xi32, #tpu.memory_space<hbm>> -> memref<1x1x40xi32, #tpu.memory_space<hbm>>
        %dma_wait3A_350 = tpu.memref_squeeze %dma_wait3A_349 : memref<1x1x40xi32, #tpu.memory_space<hbm>> -> memref<40xi32, #tpu.memory_space<hbm>>
        %dma_wait3A_351 = arith.constant 0 : i32
        %dma_wait3A_352 = tpu.memref_slice %arg13[%add3A_343, %dma_wait3A_351] : memref<6x40xi32, #tpu.memory_space<vmem>> -> memref<1x40xi32, #tpu.memory_space<vmem>>
        %dma_wait3A_353 = tpu.memref_squeeze %dma_wait3A_352 : memref<1x40xi32, #tpu.memory_space<vmem>> -> memref<40xi32, #tpu.memory_space<vmem>>
        %dma_wait3A_354 = arith.constant 0 : i32
        %dma_wait3A_355 = tpu.memref_slice %arg4[%add3A, %dma_wait3A_344, %dma_wait3A_354] : memref<32x258x40xi32, #tpu.memory_space<hbm>> -> memref<1x1x40xi32, #tpu.memory_space<hbm>>
        %dma_wait3A_356 = tpu.memref_squeeze %dma_wait3A_355 : memref<1x1x40xi32, #tpu.memory_space<hbm>> -> memref<40xi32, #tpu.memory_space<hbm>>
        tpu.wait_dma2 semaphore(%arg21 : memref<!tpu.dma_semaphore, #tpu.memory_space<semaphore_mem>>) src(%dma_wait3A_356 : memref<40xi32, #tpu.memory_space<hbm>>) dst(%dma_wait3A_353 : memref<40xi32, #tpu.memory_space<vmem>>)
        %mul3A_357 = arith.constant 2 : i32
        %mul3A_358 = arith.muli %mul3A_357, %rem3A_202 : i32
        %add3A_359 = arith.constant 1 : i32
        %add3A_360 = arith.addi %mul3A_358, %add3A_359 : i32
        %dma_wait3A_361 = arith.constant 0 : i32
        %dma_wait3A_362 = arith.constant 0 : i32
        %dma_wait3A_363 = tpu.memref_slice %arg14[%add3A_360, %dma_wait3A_362] : memref<6x40xi32, #tpu.memory_space<vmem>> -> memref<1x40xi32, #tpu.memory_space<vmem>>
        %dma_wait3A_364 = tpu.memref_squeeze %dma_wait3A_363 : memref<1x40xi32, #tpu.memory_space<vmem>> -> memref<40xi32, #tpu.memory_space<vmem>>
        %dma_wait3A_365 = arith.constant 0 : i32
        %dma_wait3A_366 = tpu.memref_slice %arg5[%add3A, %dma_wait3A_361, %dma_wait3A_365] : memref<32x258x40xi32, #tpu.memory_space<hbm>> -> memref<1x1x40xi32, #tpu.memory_space<hbm>>
        %dma_wait3A_367 = tpu.memref_squeeze %dma_wait3A_366 : memref<1x1x40xi32, #tpu.memory_space<hbm>> -> memref<40xi32, #tpu.memory_space<hbm>>
        %dma_wait3A_368 = arith.constant 0 : i32
        %dma_wait3A_369 = tpu.memref_slice %arg14[%add3A_360, %dma_wait3A_368] : memref<6x40xi32, #tpu.memory_space<vmem>> -> memref<1x40xi32, #tpu.memory_space<vmem>>
        %dma_wait3A_370 = tpu.memref_squeeze %dma_wait3A_369 : memref<1x40xi32, #tpu.memory_space<vmem>> -> memref<40xi32, #tpu.memory_space<vmem>>
        %dma_wait3A_371 = arith.constant 0 : i32
        %dma_wait3A_372 = tpu.memref_slice %arg5[%add3A, %dma_wait3A_361, %dma_wait3A_371] : memref<32x258x40xi32, #tpu.memory_space<hbm>> -> memref<1x1x40xi32, #tpu.memory_space<hbm>>
        %dma_wait3A_373 = tpu.memref_squeeze %dma_wait3A_372 : memref<1x1x40xi32, #tpu.memory_space<hbm>> -> memref<40xi32, #tpu.memory_space<hbm>>
        tpu.wait_dma2 semaphore(%arg21 : memref<!tpu.dma_semaphore, #tpu.memory_space<semaphore_mem>>) src(%dma_wait3A_373 : memref<40xi32, #tpu.memory_space<hbm>>) dst(%dma_wait3A_370 : memref<40xi32, #tpu.memory_space<vmem>>)
        %mul3A_374 = arith.constant 2 : i32
        %mul3A_375 = arith.muli %mul3A_374, %rem3A_202 : i32
        %add3A_376 = arith.constant 0 : i32
        %add3A_377 = arith.addi %mul3A_375, %add3A_376 : i32
        %dma_start3A_378 = arith.constant 0 : i32
        %dma_start3A_379 = tpu.memref_slice %arg13[%add3A_377, %dma_start3A_378] : memref<6x40xi32, #tpu.memory_space<vmem>> -> memref<1x40xi32, #tpu.memory_space<vmem>>
        %dma_start3A_380 = tpu.memref_squeeze %dma_start3A_379 : memref<1x40xi32, #tpu.memory_space<vmem>> -> memref<40xi32, #tpu.memory_space<vmem>>
        %dma_start3A_381 = arith.constant 0 : i32
        %dma_start3A_382 = arith.constant 0 : i32
        %dma_start3A_383 = tpu.memref_slice %arg2[%dma_start3A_381, %dma_start3A_382] : memref<10240x128xf32, #tpu.memory_space<hbm>> -> memref<10240x128xf32, #tpu.memory_space<hbm>>
        tpu.enqueue_indirect_dma source(%dma_start3A_383 : memref<10240x128xf32, #tpu.memory_space<hbm>>) target(%arg8 : memref<40x128xf32, #tpu.memory_space<vmem>>) offsets(%dma_start3A_380 : memref<40xi32, #tpu.memory_space<vmem>>) semaphore(%arg17 : memref<!tpu.dma_semaphore, #tpu.memory_space<semaphore_mem>>)
        %mul3A_384 = arith.constant 2 : i32
        %mul3A_385 = arith.muli %mul3A_384, %rem3A_202 : i32
        %add3A_386 = arith.constant 0 : i32
        %add3A_387 = arith.addi %mul3A_385, %add3A_386 : i32
        %dma_start3A_388 = arith.constant 0 : i32
        %dma_start3A_389 = tpu.memref_slice %arg14[%add3A_387, %dma_start3A_388] : memref<6x40xi32, #tpu.memory_space<vmem>> -> memref<1x40xi32, #tpu.memory_space<vmem>>
        %dma_start3A_390 = tpu.memref_squeeze %dma_start3A_389 : memref<1x40xi32, #tpu.memory_space<vmem>> -> memref<40xi32, #tpu.memory_space<vmem>>
        %dma_start3A_391 = arith.constant 0 : i32
        %dma_start3A_392 = arith.constant 0 : i32
        %dma_start3A_393 = tpu.memref_slice %arg3[%dma_start3A_391, %dma_start3A_392] : memref<10240x128xf32, #tpu.memory_space<hbm>> -> memref<10240x128xf32, #tpu.memory_space<hbm>>
        tpu.enqueue_indirect_dma source(%dma_start3A_393 : memref<10240x128xf32, #tpu.memory_space<hbm>>) target(%arg9 : memref<40x128xf32, #tpu.memory_space<vmem>>) offsets(%dma_start3A_390 : memref<40xi32, #tpu.memory_space<vmem>>) semaphore(%arg18 : memref<!tpu.dma_semaphore, #tpu.memory_space<semaphore_mem>>)
      } else {
      }
      %mul3A_249 = arith.constant 2 : i32
      %mul3A_250 = arith.muli %mul3A_249, %rem3A_198 : i32
      %add3A_251 = arith.constant 1 : i32
      %add3A_252 = arith.addi %mul3A_250, %add3A_251 : i32
      %dma_wait3A_253 = arith.constant 0 : i32
      %dma_wait3A_254 = tpu.memref_slice %arg13[%add3A_252, %dma_wait3A_253] : memref<6x40xi32, #tpu.memory_space<vmem>> -> memref<1x40xi32, #tpu.memory_space<vmem>>
      %dma_wait3A_255 = tpu.memref_squeeze %dma_wait3A_254 : memref<1x40xi32, #tpu.memory_space<vmem>> -> memref<40xi32, #tpu.memory_space<vmem>>
      %dma_wait3A_256 = arith.constant 0 : i32
      %dma_wait3A_257 = arith.constant 0 : i32
      %dma_wait3A_258 = tpu.memref_slice %arg2[%dma_wait3A_256, %dma_wait3A_257] : memref<10240x128xf32, #tpu.memory_space<hbm>> -> memref<10240x128xf32, #tpu.memory_space<hbm>>
      tpu.wait_indirect_dma semaphore(%arg19 : memref<!tpu.dma_semaphore, #tpu.memory_space<semaphore_mem>>) src(%dma_wait3A_258 : memref<10240x128xf32, #tpu.memory_space<hbm>>) dst(%arg10 : memref<40x128xf32, #tpu.memory_space<vmem>>)
      %mul3A_259 = arith.constant 2 : i32
      %mul3A_260 = arith.muli %mul3A_259, %rem3A_198 : i32
      %add3A_261 = arith.constant 1 : i32
      %add3A_262 = arith.addi %mul3A_260, %add3A_261 : i32
      %dma_wait3A_263 = arith.constant 0 : i32
      %dma_wait3A_264 = tpu.memref_slice %arg14[%add3A_262, %dma_wait3A_263] : memref<6x40xi32, #tpu.memory_space<vmem>> -> memref<1x40xi32, #tpu.memory_space<vmem>>
      %dma_wait3A_265 = tpu.memref_squeeze %dma_wait3A_264 : memref<1x40xi32, #tpu.memory_space<vmem>> -> memref<40xi32, #tpu.memory_space<vmem>>
      %dma_wait3A_266 = arith.constant 0 : i32
      %dma_wait3A_267 = arith.constant 0 : i32
      %dma_wait3A_268 = tpu.memref_slice %arg3[%dma_wait3A_266, %dma_wait3A_267] : memref<10240x128xf32, #tpu.memory_space<hbm>> -> memref<10240x128xf32, #tpu.memory_space<hbm>>
      tpu.wait_indirect_dma semaphore(%arg20 : memref<!tpu.dma_semaphore, #tpu.memory_space<semaphore_mem>>) src(%dma_wait3A_268 : memref<10240x128xf32, #tpu.memory_space<hbm>>) dst(%arg11 : memref<40x128xf32, #tpu.memory_space<vmem>>)
      %gt3A_269 = arith.constant 0 : i32
      %gt3A_270 = arith.cmpi sgt, %scan3A_197, %gt3A_269 : i32
      %convert_element_type3A_271 = arith.extui %gt3A_270 : i1 to i32
      %cond3A_272 = arith.constant 0 : i32
      %cond3A_273 = arith.cmpi ne, %convert_element_type3A_271, %cond3A_272 : i32
      scf.if %cond3A_273 {
        %dma_wait3A_306 = arith.constant 0 : i32
        %dma_wait3A_307 = arith.constant 40 : i32
        %dma_wait3A_308 = arith.constant 0 : i32
        %dma_wait3A_309 = tpu.memref_slice %arg12[%dma_wait3A_307, %dma_wait3A_308] : memref<80x128xf32, #tpu.memory_space<vmem>> -> memref<40x128xf32, #tpu.memory_space<vmem>>
        %dma_wait3A_310 = arith.constant 0 : i32
        %dma_wait3A_311 = tpu.memref_slice %arg14[%dma_wait3A_306, %dma_wait3A_310] : memref<6x40xi32, #tpu.memory_space<vmem>> -> memref<1x40xi32, #tpu.memory_space<vmem>>
        %dma_wait3A_312 = tpu.memref_squeeze %dma_wait3A_311 : memref<1x40xi32, #tpu.memory_space<vmem>> -> memref<40xi32, #tpu.memory_space<vmem>>
        %dma_wait3A_313 = arith.constant 0 : i32
        %dma_wait3A_314 = arith.constant 0 : i32
        %dma_wait3A_315 = tpu.memref_slice %arg16[%dma_wait3A_313, %dma_wait3A_314] : memref<10240x128xf32, #tpu.memory_space<vmem_shared>> -> memref<10240x128xf32, #tpu.memory_space<vmem_shared>>
        tpu.wait_indirect_dma semaphore(%arg23 : memref<!tpu.dma_semaphore, #tpu.memory_space<semaphore_mem>>) src(%dma_wait3A_309 : memref<40x128xf32, #tpu.memory_space<vmem>>) dst(%dma_wait3A_315 : memref<10240x128xf32, #tpu.memory_space<vmem_shared>>)
      } else {
      }
      %scan3A_274 = arith.constant 0 : i32
      %scan3A_275 = arith.constant 40 : i32
      %scan3A_276 = arith.addi %scan3A_274, %scan3A_275 : i32
      %scan3A_277 = arith.constant 1 : i32
      scf.for %scan3A_306 = %scan3A_274 to %scan3A_276 step %scan3A_277  : i32 {
        %broadcast_in_dim3A = arith.constant 0.000000e+00 : f32
        %broadcast_in_dim3A_307 = vector.broadcast %broadcast_in_dim3A : f32 to vector<16xf32>
        %get3A_308 = arith.index_cast %scan3A_306 : i32 to index
        %get3A_309 = arith.constant 0 : index
        %get3A_310 = tpu.vector_load %arg10[%get3A_308, %get3A_309] {strides = array<i32>} : memref<40x128xf32, #tpu.memory_space<vmem>>, vector<1x16xf32>,
        %get3A_311 = vector.shape_cast %get3A_310 : vector<1x16xf32> to vector<16xf32>
        %get3A_312 = arith.index_cast %scan3A_306 : i32 to index
        %get3A_313 = arith.constant 0 : index
        %get3A_314 = tpu.vector_load %arg11[%get3A_312, %get3A_313] {strides = array<i32>} : memref<40x128xf32, #tpu.memory_space<vmem>>, vector<1x16xf32>,
        %get3A_315 = vector.shape_cast %get3A_314 : vector<1x16xf32> to vector<16xf32>
        %add3A_316 = arith.addf %get3A_311, %get3A_315 : vector<16xf32>
        %mul3A_317 = arith.constant 2.000000e-01 : f32
        %mul3A_318 = vector.broadcast %mul3A_317 : f32 to vector<16xf32>
        %mul3A_319 = arith.mulf %mul3A_318, %add3A_316 : vector<16xf32>
        %max3A = arith.maximumf %add3A_316, %mul3A_319 : vector<16xf32>
        %mul3A_320 = arith.mulf %max3A, %get3A_46 : vector<16xf32>
        %lt3A_321 = arith.constant 0 : i32
        %lt3A_322 = vector.broadcast %lt3A_321 : i32 to vector<16xi32>
        %lt3A_323 = arith.cmpi slt, %xor3A_38, %lt3A_322 : vector<16xi32>
        %add3A_324 = arith.constant 16 : i32
        %add3A_325 = vector.broadcast %add3A_324 : i32 to vector<16xi32>
        %add3A_326 = arith.addi %xor3A_38, %add3A_325 : vector<16xi32>
        %select_n3A = arith.select %lt3A_323, %add3A_326, %xor3A_38 : vector<16xi1>, vector<16xi32>
        %broadcast_in_dim3A_327 = vector.shape_cast %select_n3A : vector<16xi32> to vector<16x1xi32>
        %gather3A = vector.shape_cast %broadcast_in_dim3A_327 : vector<16x1xi32> to vector<16xi32>
        %gather3A_328 = tpu.dynamic_gather %mul3A_320[%gather3A] in [0] : vector<16xf32>, vector<16xi32> -> vector<16xf32>
        %add3A_329 = arith.addf %mul3A_320, %gather3A_328 : vector<16xf32>
        %lt3A_330 = arith.constant 0 : i32
        %lt3A_331 = vector.broadcast %lt3A_330 : i32 to vector<16xi32>
        %lt3A_332 = arith.cmpi slt, %xor3A_41, %lt3A_331 : vector<16xi32>
        %add3A_333 = arith.constant 16 : i32
        %add3A_334 = vector.broadcast %add3A_333 : i32 to vector<16xi32>
        %add3A_335 = arith.addi %xor3A_41, %add3A_334 : vector<16xi32>
        %select_n3A_336 = arith.select %lt3A_332, %add3A_335, %xor3A_41 : vector<16xi1>, vector<16xi32>
        %broadcast_in_dim3A_337 = vector.shape_cast %select_n3A_336 : vector<16xi32> to vector<16x1xi32>
        %gather3A_338 = vector.shape_cast %broadcast_in_dim3A_337 : vector<16x1xi32> to vector<16xi32>
        %gather3A_339 = tpu.dynamic_gather %add3A_329[%gather3A_338] in [0] : vector<16xf32>, vector<16xi32> -> vector<16xf32>
        %add3A_340 = arith.addf %add3A_329, %gather3A_339 : vector<16xf32>
        %lt3A_341 = arith.constant 0 : i32
        %lt3A_342 = vector.broadcast %lt3A_341 : i32 to vector<16xi32>
        %lt3A_343 = arith.cmpi slt, %xor3A_44, %lt3A_342 : vector<16xi32>
        %add3A_344 = arith.constant 16 : i32
        %add3A_345 = vector.broadcast %add3A_344 : i32 to vector<16xi32>
        %add3A_346 = arith.addi %xor3A_44, %add3A_345 : vector<16xi32>
        %select_n3A_347 = arith.select %lt3A_343, %add3A_346, %xor3A_44 : vector<16xi1>, vector<16xi32>
        %broadcast_in_dim3A_348 = vector.shape_cast %select_n3A_347 : vector<16xi32> to vector<16x1xi32>
        %gather3A_349 = vector.shape_cast %broadcast_in_dim3A_348 : vector<16x1xi32> to vector<16xi32>
        %gather3A_350 = tpu.dynamic_gather %add3A_340[%gather3A_349] in [0] : vector<16xf32>, vector<16xi32> -> vector<16xf32>
        %add3A_351 = arith.addf %add3A_340, %gather3A_350 : vector<16xf32>
        %exp3A = math.exp %add3A_351 : vector<16xf32>
        %mul3A_352 = arith.mulf %exp3A, %get3A_311 : vector<16xf32>
        %add3A_353 = arith.constant 40 : i32
        %add3A_354 = arith.addi %add3A_353, %scan3A_306 : i32
        %swap3A = arith.index_cast %add3A_354 : i32 to index
        %swap3A_355 = arith.constant 0 : index
        %swap3A_356 = tpu.vector_load %arg12[%swap3A, %swap3A_355] {strides = array<i32>} : memref<80x128xf32, #tpu.memory_space<vmem>>, vector<1x16xf32>,
        %swap3A_357 = vector.shape_cast %swap3A_356 : vector<1x16xf32> to vector<16xf32>
        %swap3A_358 = vector.shape_cast %mul3A_352 : vector<16xf32> to vector<1x16xf32>
        tpu.vector_store %arg12[%swap3A, %swap3A_355], %swap3A_358 {strides = array<i32>} : memref<80x128xf32, #tpu.memory_space<vmem>>, vector<1x16xf32>,
        %mul3A_359 = arith.mulf %exp3A, %get3A_64 : vector<16xf32>
        %add3A_360 = arith.addf %broadcast_in_dim3A_307, %mul3A_359 : vector<16xf32>
        %get3A_361 = arith.index_cast %scan3A_306 : i32 to index
        %get3A_362 = arith.constant 16 : index
        %get3A_363 = tpu.vector_load %arg10[%get3A_361, %get3A_362] {strides = array<i32>} : memref<40x128xf32, #tpu.memory_space<vmem>>, vector<1x16xf32>,
        %get3A_364 = vector.shape_cast %get3A_363 : vector<1x16xf32> to vector<16xf32>
        %get3A_365 = arith.index_cast %scan3A_306 : i32 to index
        %get3A_366 = arith.constant 16 : index
        %get3A_367 = tpu.vector_load %arg11[%get3A_365, %get3A_366] {strides = array<i32>} : memref<40x128xf32, #tpu.memory_space<vmem>>, vector<1x16xf32>,
        %get3A_368 = vector.shape_cast %get3A_367 : vector<1x16xf32> to vector<16xf32>
        %add3A_369 = arith.addf %get3A_364, %get3A_368 : vector<16xf32>
        %mul3A_370 = arith.constant 2.000000e-01 : f32
        %mul3A_371 = vector.broadcast %mul3A_370 : f32 to vector<16xf32>
        %mul3A_372 = arith.mulf %mul3A_371, %add3A_369 : vector<16xf32>
        %max3A_373 = arith.maximumf %add3A_369, %mul3A_372 : vector<16xf32>
        %mul3A_374 = arith.mulf %max3A_373, %get3A_49 : vector<16xf32>
        %lt3A_375 = arith.constant 0 : i32
        %lt3A_376 = vector.broadcast %lt3A_375 : i32 to vector<16xi32>
        %lt3A_377 = arith.cmpi slt, %xor3A_38, %lt3A_376 : vector<16xi32>
        %add3A_378 = arith.constant 16 : i32
        %add3A_379 = vector.broadcast %add3A_378 : i32 to vector<16xi32>
        %add3A_380 = arith.addi %xor3A_38, %add3A_379 : vector<16xi32>
        %select_n3A_381 = arith.select %lt3A_377, %add3A_380, %xor3A_38 : vector<16xi1>, vector<16xi32>
        %broadcast_in_dim3A_382 = vector.shape_cast %select_n3A_381 : vector<16xi32> to vector<16x1xi32>
        %gather3A_383 = vector.shape_cast %broadcast_in_dim3A_382 : vector<16x1xi32> to vector<16xi32>
        %gather3A_384 = tpu.dynamic_gather %mul3A_374[%gather3A_383] in [0] : vector<16xf32>, vector<16xi32> -> vector<16xf32>
        %add3A_385 = arith.addf %mul3A_374, %gather3A_384 : vector<16xf32>
        %lt3A_386 = arith.constant 0 : i32
        %lt3A_387 = vector.broadcast %lt3A_386 : i32 to vector<16xi32>
        %lt3A_388 = arith.cmpi slt, %xor3A_41, %lt3A_387 : vector<16xi32>
        %add3A_389 = arith.constant 16 : i32
        %add3A_390 = vector.broadcast %add3A_389 : i32 to vector<16xi32>
        %add3A_391 = arith.addi %xor3A_41, %add3A_390 : vector<16xi32>
        %select_n3A_392 = arith.select %lt3A_388, %add3A_391, %xor3A_41 : vector<16xi1>, vector<16xi32>
        %broadcast_in_dim3A_393 = vector.shape_cast %select_n3A_392 : vector<16xi32> to vector<16x1xi32>
        %gather3A_394 = vector.shape_cast %broadcast_in_dim3A_393 : vector<16x1xi32> to vector<16xi32>
        %gather3A_395 = tpu.dynamic_gather %add3A_385[%gather3A_394] in [0] : vector<16xf32>, vector<16xi32> -> vector<16xf32>
        %add3A_396 = arith.addf %add3A_385, %gather3A_395 : vector<16xf32>
        %lt3A_397 = arith.constant 0 : i32
        %lt3A_398 = vector.broadcast %lt3A_397 : i32 to vector<16xi32>
        %lt3A_399 = arith.cmpi slt, %xor3A_44, %lt3A_398 : vector<16xi32>
        %add3A_400 = arith.constant 16 : i32
        %add3A_401 = vector.broadcast %add3A_400 : i32 to vector<16xi32>
        %add3A_402 = arith.addi %xor3A_44, %add3A_401 : vector<16xi32>
        %select_n3A_403 = arith.select %lt3A_399, %add3A_402, %xor3A_44 : vector<16xi1>, vector<16xi32>
        %broadcast_in_dim3A_404 = vector.shape_cast %select_n3A_403 : vector<16xi32> to vector<16x1xi32>
        %gather3A_405 = vector.shape_cast %broadcast_in_dim3A_404 : vector<16x1xi32> to vector<16xi32>
        %gather3A_406 = tpu.dynamic_gather %add3A_396[%gather3A_405] in [0] : vector<16xf32>, vector<16xi32> -> vector<16xf32>
        %add3A_407 = arith.addf %add3A_396, %gather3A_406 : vector<16xf32>
        %exp3A_408 = math.exp %add3A_407 : vector<16xf32>
        %mul3A_409 = arith.mulf %exp3A_408, %get3A_364 : vector<16xf32>
        %add3A_410 = arith.constant 40 : i32
        %add3A_411 = arith.addi %add3A_410, %scan3A_306 : i32
        %swap3A_412 = arith.index_cast %add3A_411 : i32 to index
        %swap3A_413 = arith.constant 16 : index
        %swap3A_414 = tpu.vector_load %arg12[%swap3A_412, %swap3A_413] {strides = array<i32>} : memref<80x128xf32, #tpu.memory_space<vmem>>, vector<1x16xf32>,
        %swap3A_415 = vector.shape_cast %swap3A_414 : vector<1x16xf32> to vector<16xf32>
        %swap3A_416 = vector.shape_cast %mul3A_409 : vector<16xf32> to vector<1x16xf32>
        tpu.vector_store %arg12[%swap3A_412, %swap3A_413], %swap3A_416 {strides = array<i32>} : memref<80x128xf32, #tpu.memory_space<vmem>>, vector<1x16xf32>,
        %mul3A_417 = arith.mulf %exp3A_408, %get3A_67 : vector<16xf32>
        %add3A_418 = arith.addf %add3A_360, %mul3A_417 : vector<16xf32>
        %get3A_419 = arith.index_cast %scan3A_306 : i32 to index
        %get3A_420 = arith.constant 32 : index
        %get3A_421 = tpu.vector_load %arg10[%get3A_419, %get3A_420] {strides = array<i32>} : memref<40x128xf32, #tpu.memory_space<vmem>>, vector<1x16xf32>,
        %get3A_422 = vector.shape_cast %get3A_421 : vector<1x16xf32> to vector<16xf32>
        %get3A_423 = arith.index_cast %scan3A_306 : i32 to index
        %get3A_424 = arith.constant 32 : index
        %get3A_425 = tpu.vector_load %arg11[%get3A_423, %get3A_424] {strides = array<i32>} : memref<40x128xf32, #tpu.memory_space<vmem>>, vector<1x16xf32>,
        %get3A_426 = vector.shape_cast %get3A_425 : vector<1x16xf32> to vector<16xf32>
        %add3A_427 = arith.addf %get3A_422, %get3A_426 : vector<16xf32>
        %mul3A_428 = arith.constant 2.000000e-01 : f32
        %mul3A_429 = vector.broadcast %mul3A_428 : f32 to vector<16xf32>
        %mul3A_430 = arith.mulf %mul3A_429, %add3A_427 : vector<16xf32>
        %max3A_431 = arith.maximumf %add3A_427, %mul3A_430 : vector<16xf32>
        %mul3A_432 = arith.mulf %max3A_431, %get3A_52 : vector<16xf32>
        %lt3A_433 = arith.constant 0 : i32
        %lt3A_434 = vector.broadcast %lt3A_433 : i32 to vector<16xi32>
        %lt3A_435 = arith.cmpi slt, %xor3A_38, %lt3A_434 : vector<16xi32>
        %add3A_436 = arith.constant 16 : i32
        %add3A_437 = vector.broadcast %add3A_436 : i32 to vector<16xi32>
        %add3A_438 = arith.addi %xor3A_38, %add3A_437 : vector<16xi32>
        %select_n3A_439 = arith.select %lt3A_435, %add3A_438, %xor3A_38 : vector<16xi1>, vector<16xi32>
        %broadcast_in_dim3A_440 = vector.shape_cast %select_n3A_439 : vector<16xi32> to vector<16x1xi32>
        %gather3A_441 = vector.shape_cast %broadcast_in_dim3A_440 : vector<16x1xi32> to vector<16xi32>
        %gather3A_442 = tpu.dynamic_gather %mul3A_432[%gather3A_441] in [0] : vector<16xf32>, vector<16xi32> -> vector<16xf32>
        %add3A_443 = arith.addf %mul3A_432, %gather3A_442 : vector<16xf32>
        %lt3A_444 = arith.constant 0 : i32
        %lt3A_445 = vector.broadcast %lt3A_444 : i32 to vector<16xi32>
        %lt3A_446 = arith.cmpi slt, %xor3A_41, %lt3A_445 : vector<16xi32>
        %add3A_447 = arith.constant 16 : i32
        %add3A_448 = vector.broadcast %add3A_447 : i32 to vector<16xi32>
        %add3A_449 = arith.addi %xor3A_41, %add3A_448 : vector<16xi32>
        %select_n3A_450 = arith.select %lt3A_446, %add3A_449, %xor3A_41 : vector<16xi1>, vector<16xi32>
        %broadcast_in_dim3A_451 = vector.shape_cast %select_n3A_450 : vector<16xi32> to vector<16x1xi32>
        %gather3A_452 = vector.shape_cast %broadcast_in_dim3A_451 : vector<16x1xi32> to vector<16xi32>
        %gather3A_453 = tpu.dynamic_gather %add3A_443[%gather3A_452] in [0] : vector<16xf32>, vector<16xi32> -> vector<16xf32>
        %add3A_454 = arith.addf %add3A_443, %gather3A_453 : vector<16xf32>
        %lt3A_455 = arith.constant 0 : i32
        %lt3A_456 = vector.broadcast %lt3A_455 : i32 to vector<16xi32>
        %lt3A_457 = arith.cmpi slt, %xor3A_44, %lt3A_456 : vector<16xi32>
        %add3A_458 = arith.constant 16 : i32
        %add3A_459 = vector.broadcast %add3A_458 : i32 to vector<16xi32>
        %add3A_460 = arith.addi %xor3A_44, %add3A_459 : vector<16xi32>
        %select_n3A_461 = arith.select %lt3A_457, %add3A_460, %xor3A_44 : vector<16xi1>, vector<16xi32>
        %broadcast_in_dim3A_462 = vector.shape_cast %select_n3A_461 : vector<16xi32> to vector<16x1xi32>
        %gather3A_463 = vector.shape_cast %broadcast_in_dim3A_462 : vector<16x1xi32> to vector<16xi32>
        %gather3A_464 = tpu.dynamic_gather %add3A_454[%gather3A_463] in [0] : vector<16xf32>, vector<16xi32> -> vector<16xf32>
        %add3A_465 = arith.addf %add3A_454, %gather3A_464 : vector<16xf32>
        %exp3A_466 = math.exp %add3A_465 : vector<16xf32>
        %mul3A_467 = arith.mulf %exp3A_466, %get3A_422 : vector<16xf32>
        %add3A_468 = arith.constant 40 : i32
        %add3A_469 = arith.addi %add3A_468, %scan3A_306 : i32
        %swap3A_470 = arith.index_cast %add3A_469 : i32 to index
        %swap3A_471 = arith.constant 32 : index
        %swap3A_472 = tpu.vector_load %arg12[%swap3A_470, %swap3A_471] {strides = array<i32>} : memref<80x128xf32, #tpu.memory_space<vmem>>, vector<1x16xf32>,
        %swap3A_473 = vector.shape_cast %swap3A_472 : vector<1x16xf32> to vector<16xf32>
        %swap3A_474 = vector.shape_cast %mul3A_467 : vector<16xf32> to vector<1x16xf32>
        tpu.vector_store %arg12[%swap3A_470, %swap3A_471], %swap3A_474 {strides = array<i32>} : memref<80x128xf32, #tpu.memory_space<vmem>>, vector<1x16xf32>,
        %mul3A_475 = arith.mulf %exp3A_466, %get3A_70 : vector<16xf32>
        %add3A_476 = arith.addf %add3A_418, %mul3A_475 : vector<16xf32>
        %get3A_477 = arith.index_cast %scan3A_306 : i32 to index
        %get3A_478 = arith.constant 48 : index
        %get3A_479 = tpu.vector_load %arg10[%get3A_477, %get3A_478] {strides = array<i32>} : memref<40x128xf32, #tpu.memory_space<vmem>>, vector<1x16xf32>,
        %get3A_480 = vector.shape_cast %get3A_479 : vector<1x16xf32> to vector<16xf32>
        %get3A_481 = arith.index_cast %scan3A_306 : i32 to index
        %get3A_482 = arith.constant 48 : index
        %get3A_483 = tpu.vector_load %arg11[%get3A_481, %get3A_482] {strides = array<i32>} : memref<40x128xf32, #tpu.memory_space<vmem>>, vector<1x16xf32>,
        %get3A_484 = vector.shape_cast %get3A_483 : vector<1x16xf32> to vector<16xf32>
        %add3A_485 = arith.addf %get3A_480, %get3A_484 : vector<16xf32>
        %mul3A_486 = arith.constant 2.000000e-01 : f32
        %mul3A_487 = vector.broadcast %mul3A_486 : f32 to vector<16xf32>
        %mul3A_488 = arith.mulf %mul3A_487, %add3A_485 : vector<16xf32>
        %max3A_489 = arith.maximumf %add3A_485, %mul3A_488 : vector<16xf32>
        %mul3A_490 = arith.mulf %max3A_489, %get3A_55 : vector<16xf32>
        %lt3A_491 = arith.constant 0 : i32
        %lt3A_492 = vector.broadcast %lt3A_491 : i32 to vector<16xi32>
        %lt3A_493 = arith.cmpi slt, %xor3A_38, %lt3A_492 : vector<16xi32>
        %add3A_494 = arith.constant 16 : i32
        %add3A_495 = vector.broadcast %add3A_494 : i32 to vector<16xi32>
        %add3A_496 = arith.addi %xor3A_38, %add3A_495 : vector<16xi32>
        %select_n3A_497 = arith.select %lt3A_493, %add3A_496, %xor3A_38 : vector<16xi1>, vector<16xi32>
        %broadcast_in_dim3A_498 = vector.shape_cast %select_n3A_497 : vector<16xi32> to vector<16x1xi32>
        %gather3A_499 = vector.shape_cast %broadcast_in_dim3A_498 : vector<16x1xi32> to vector<16xi32>
        %gather3A_500 = tpu.dynamic_gather %mul3A_490[%gather3A_499] in [0] : vector<16xf32>, vector<16xi32> -> vector<16xf32>
        %add3A_501 = arith.addf %mul3A_490, %gather3A_500 : vector<16xf32>
        %lt3A_502 = arith.constant 0 : i32
        %lt3A_503 = vector.broadcast %lt3A_502 : i32 to vector<16xi32>
        %lt3A_504 = arith.cmpi slt, %xor3A_41, %lt3A_503 : vector<16xi32>
        %add3A_505 = arith.constant 16 : i32
        %add3A_506 = vector.broadcast %add3A_505 : i32 to vector<16xi32>
        %add3A_507 = arith.addi %xor3A_41, %add3A_506 : vector<16xi32>
        %select_n3A_508 = arith.select %lt3A_504, %add3A_507, %xor3A_41 : vector<16xi1>, vector<16xi32>
        %broadcast_in_dim3A_509 = vector.shape_cast %select_n3A_508 : vector<16xi32> to vector<16x1xi32>
        %gather3A_510 = vector.shape_cast %broadcast_in_dim3A_509 : vector<16x1xi32> to vector<16xi32>
        %gather3A_511 = tpu.dynamic_gather %add3A_501[%gather3A_510] in [0] : vector<16xf32>, vector<16xi32> -> vector<16xf32>
        %add3A_512 = arith.addf %add3A_501, %gather3A_511 : vector<16xf32>
        %lt3A_513 = arith.constant 0 : i32
        %lt3A_514 = vector.broadcast %lt3A_513 : i32 to vector<16xi32>
        %lt3A_515 = arith.cmpi slt, %xor3A_44, %lt3A_514 : vector<16xi32>
        %add3A_516 = arith.constant 16 : i32
        %add3A_517 = vector.broadcast %add3A_516 : i32 to vector<16xi32>
        %add3A_518 = arith.addi %xor3A_44, %add3A_517 : vector<16xi32>
        %select_n3A_519 = arith.select %lt3A_515, %add3A_518, %xor3A_44 : vector<16xi1>, vector<16xi32>
        %broadcast_in_dim3A_520 = vector.shape_cast %select_n3A_519 : vector<16xi32> to vector<16x1xi32>
        %gather3A_521 = vector.shape_cast %broadcast_in_dim3A_520 : vector<16x1xi32> to vector<16xi32>
        %gather3A_522 = tpu.dynamic_gather %add3A_512[%gather3A_521] in [0] : vector<16xf32>, vector<16xi32> -> vector<16xf32>
        %add3A_523 = arith.addf %add3A_512, %gather3A_522 : vector<16xf32>
        %exp3A_524 = math.exp %add3A_523 : vector<16xf32>
        %mul3A_525 = arith.mulf %exp3A_524, %get3A_480 : vector<16xf32>
        %add3A_526 = arith.constant 40 : i32
        %add3A_527 = arith.addi %add3A_526, %scan3A_306 : i32
        %swap3A_528 = arith.index_cast %add3A_527 : i32 to index
        %swap3A_529 = arith.constant 48 : index
        %swap3A_530 = tpu.vector_load %arg12[%swap3A_528, %swap3A_529] {strides = array<i32>} : memref<80x128xf32, #tpu.memory_space<vmem>>, vector<1x16xf32>,
        %swap3A_531 = vector.shape_cast %swap3A_530 : vector<1x16xf32> to vector<16xf32>
        %swap3A_532 = vector.shape_cast %mul3A_525 : vector<16xf32> to vector<1x16xf32>
        tpu.vector_store %arg12[%swap3A_528, %swap3A_529], %swap3A_532 {strides = array<i32>} : memref<80x128xf32, #tpu.memory_space<vmem>>, vector<1x16xf32>,
        %mul3A_533 = arith.mulf %exp3A_524, %get3A_73 : vector<16xf32>
        %add3A_534 = arith.addf %add3A_476, %mul3A_533 : vector<16xf32>
        %get3A_535 = arith.index_cast %scan3A_306 : i32 to index
        %get3A_536 = arith.constant 64 : index
        %get3A_537 = tpu.vector_load %arg10[%get3A_535, %get3A_536] {strides = array<i32>} : memref<40x128xf32, #tpu.memory_space<vmem>>, vector<1x16xf32>,
        %get3A_538 = vector.shape_cast %get3A_537 : vector<1x16xf32> to vector<16xf32>
        %get3A_539 = arith.index_cast %scan3A_306 : i32 to index
        %get3A_540 = arith.constant 64 : index
        %get3A_541 = tpu.vector_load %arg11[%get3A_539, %get3A_540] {strides = array<i32>} : memref<40x128xf32, #tpu.memory_space<vmem>>, vector<1x16xf32>,
        %get3A_542 = vector.shape_cast %get3A_541 : vector<1x16xf32> to vector<16xf32>
        %add3A_543 = arith.addf %get3A_538, %get3A_542 : vector<16xf32>
        %mul3A_544 = arith.constant 2.000000e-01 : f32
        %mul3A_545 = vector.broadcast %mul3A_544 : f32 to vector<16xf32>
        %mul3A_546 = arith.mulf %mul3A_545, %add3A_543 : vector<16xf32>
        %max3A_547 = arith.maximumf %add3A_543, %mul3A_546 : vector<16xf32>
        %mul3A_548 = arith.mulf %max3A_547, %get3A_58 : vector<16xf32>
        %lt3A_549 = arith.constant 0 : i32
        %lt3A_550 = vector.broadcast %lt3A_549 : i32 to vector<16xi32>
        %lt3A_551 = arith.cmpi slt, %xor3A_38, %lt3A_550 : vector<16xi32>
        %add3A_552 = arith.constant 16 : i32
        %add3A_553 = vector.broadcast %add3A_552 : i32 to vector<16xi32>
        %add3A_554 = arith.addi %xor3A_38, %add3A_553 : vector<16xi32>
        %select_n3A_555 = arith.select %lt3A_551, %add3A_554, %xor3A_38 : vector<16xi1>, vector<16xi32>
        %broadcast_in_dim3A_556 = vector.shape_cast %select_n3A_555 : vector<16xi32> to vector<16x1xi32>
        %gather3A_557 = vector.shape_cast %broadcast_in_dim3A_556 : vector<16x1xi32> to vector<16xi32>
        %gather3A_558 = tpu.dynamic_gather %mul3A_548[%gather3A_557] in [0] : vector<16xf32>, vector<16xi32> -> vector<16xf32>
        %add3A_559 = arith.addf %mul3A_548, %gather3A_558 : vector<16xf32>
        %lt3A_560 = arith.constant 0 : i32
        %lt3A_561 = vector.broadcast %lt3A_560 : i32 to vector<16xi32>
        %lt3A_562 = arith.cmpi slt, %xor3A_41, %lt3A_561 : vector<16xi32>
        %add3A_563 = arith.constant 16 : i32
        %add3A_564 = vector.broadcast %add3A_563 : i32 to vector<16xi32>
        %add3A_565 = arith.addi %xor3A_41, %add3A_564 : vector<16xi32>
        %select_n3A_566 = arith.select %lt3A_562, %add3A_565, %xor3A_41 : vector<16xi1>, vector<16xi32>
        %broadcast_in_dim3A_567 = vector.shape_cast %select_n3A_566 : vector<16xi32> to vector<16x1xi32>
        %gather3A_568 = vector.shape_cast %broadcast_in_dim3A_567 : vector<16x1xi32> to vector<16xi32>
        %gather3A_569 = tpu.dynamic_gather %add3A_559[%gather3A_568] in [0] : vector<16xf32>, vector<16xi32> -> vector<16xf32>
        %add3A_570 = arith.addf %add3A_559, %gather3A_569 : vector<16xf32>
        %lt3A_571 = arith.constant 0 : i32
        %lt3A_572 = vector.broadcast %lt3A_571 : i32 to vector<16xi32>
        %lt3A_573 = arith.cmpi slt, %xor3A_44, %lt3A_572 : vector<16xi32>
        %add3A_574 = arith.constant 16 : i32
        %add3A_575 = vector.broadcast %add3A_574 : i32 to vector<16xi32>
        %add3A_576 = arith.addi %xor3A_44, %add3A_575 : vector<16xi32>
        %select_n3A_577 = arith.select %lt3A_573, %add3A_576, %xor3A_44 : vector<16xi1>, vector<16xi32>
        %broadcast_in_dim3A_578 = vector.shape_cast %select_n3A_577 : vector<16xi32> to vector<16x1xi32>
        %gather3A_579 = vector.shape_cast %broadcast_in_dim3A_578 : vector<16x1xi32> to vector<16xi32>
        %gather3A_580 = tpu.dynamic_gather %add3A_570[%gather3A_579] in [0] : vector<16xf32>, vector<16xi32> -> vector<16xf32>
        %add3A_581 = arith.addf %add3A_570, %gather3A_580 : vector<16xf32>
        %exp3A_582 = math.exp %add3A_581 : vector<16xf32>
        %mul3A_583 = arith.mulf %exp3A_582, %get3A_538 : vector<16xf32>
        %add3A_584 = arith.constant 40 : i32
        %add3A_585 = arith.addi %add3A_584, %scan3A_306 : i32
        %swap3A_586 = arith.index_cast %add3A_585 : i32 to index
        %swap3A_587 = arith.constant 64 : index
        %swap3A_588 = tpu.vector_load %arg12[%swap3A_586, %swap3A_587] {strides = array<i32>} : memref<80x128xf32, #tpu.memory_space<vmem>>, vector<1x16xf32>,
        %swap3A_589 = vector.shape_cast %swap3A_588 : vector<1x16xf32> to vector<16xf32>
        %swap3A_590 = vector.shape_cast %mul3A_583 : vector<16xf32> to vector<1x16xf32>
        tpu.vector_store %arg12[%swap3A_586, %swap3A_587], %swap3A_590 {strides = array<i32>} : memref<80x128xf32, #tpu.memory_space<vmem>>, vector<1x16xf32>,
        %mul3A_591 = arith.mulf %exp3A_582, %get3A_76 : vector<16xf32>
        %add3A_592 = arith.addf %add3A_534, %mul3A_591 : vector<16xf32>
        %get3A_593 = arith.index_cast %scan3A_306 : i32 to index
        %get3A_594 = arith.constant 80 : index
        %get3A_595 = tpu.vector_load %arg10[%get3A_593, %get3A_594] {strides = array<i32>} : memref<40x128xf32, #tpu.memory_space<vmem>>, vector<1x16xf32>,
        %get3A_596 = vector.shape_cast %get3A_595 : vector<1x16xf32> to vector<16xf32>
        %get3A_597 = arith.index_cast %scan3A_306 : i32 to index
        %get3A_598 = arith.constant 80 : index
        %get3A_599 = tpu.vector_load %arg11[%get3A_597, %get3A_598] {strides = array<i32>} : memref<40x128xf32, #tpu.memory_space<vmem>>, vector<1x16xf32>,
        %get3A_600 = vector.shape_cast %get3A_599 : vector<1x16xf32> to vector<16xf32>
        %add3A_601 = arith.addf %get3A_596, %get3A_600 : vector<16xf32>
        %mul3A_602 = arith.constant 2.000000e-01 : f32
        %mul3A_603 = vector.broadcast %mul3A_602 : f32 to vector<16xf32>
        %mul3A_604 = arith.mulf %mul3A_603, %add3A_601 : vector<16xf32>
        %max3A_605 = arith.maximumf %add3A_601, %mul3A_604 : vector<16xf32>
        %mul3A_606 = arith.mulf %max3A_605, %get3A_61 : vector<16xf32>
        %lt3A_607 = arith.constant 0 : i32
        %lt3A_608 = vector.broadcast %lt3A_607 : i32 to vector<16xi32>
        %lt3A_609 = arith.cmpi slt, %xor3A_38, %lt3A_608 : vector<16xi32>
        %add3A_610 = arith.constant 16 : i32
        %add3A_611 = vector.broadcast %add3A_610 : i32 to vector<16xi32>
        %add3A_612 = arith.addi %xor3A_38, %add3A_611 : vector<16xi32>
        %select_n3A_613 = arith.select %lt3A_609, %add3A_612, %xor3A_38 : vector<16xi1>, vector<16xi32>
        %broadcast_in_dim3A_614 = vector.shape_cast %select_n3A_613 : vector<16xi32> to vector<16x1xi32>
        %gather3A_615 = vector.shape_cast %broadcast_in_dim3A_614 : vector<16x1xi32> to vector<16xi32>
        %gather3A_616 = tpu.dynamic_gather %mul3A_606[%gather3A_615] in [0] : vector<16xf32>, vector<16xi32> -> vector<16xf32>
        %add3A_617 = arith.addf %mul3A_606, %gather3A_616 : vector<16xf32>
        %lt3A_618 = arith.constant 0 : i32
        %lt3A_619 = vector.broadcast %lt3A_618 : i32 to vector<16xi32>
        %lt3A_620 = arith.cmpi slt, %xor3A_41, %lt3A_619 : vector<16xi32>
        %add3A_621 = arith.constant 16 : i32
        %add3A_622 = vector.broadcast %add3A_621 : i32 to vector<16xi32>
        %add3A_623 = arith.addi %xor3A_41, %add3A_622 : vector<16xi32>
        %select_n3A_624 = arith.select %lt3A_620, %add3A_623, %xor3A_41 : vector<16xi1>, vector<16xi32>
        %broadcast_in_dim3A_625 = vector.shape_cast %select_n3A_624 : vector<16xi32> to vector<16x1xi32>
        %gather3A_626 = vector.shape_cast %broadcast_in_dim3A_625 : vector<16x1xi32> to vector<16xi32>
        %gather3A_627 = tpu.dynamic_gather %add3A_617[%gather3A_626] in [0] : vector<16xf32>, vector<16xi32> -> vector<16xf32>
        %add3A_628 = arith.addf %add3A_617, %gather3A_627 : vector<16xf32>
        %lt3A_629 = arith.constant 0 : i32
        %lt3A_630 = vector.broadcast %lt3A_629 : i32 to vector<16xi32>
        %lt3A_631 = arith.cmpi slt, %xor3A_44, %lt3A_630 : vector<16xi32>
        %add3A_632 = arith.constant 16 : i32
        %add3A_633 = vector.broadcast %add3A_632 : i32 to vector<16xi32>
        %add3A_634 = arith.addi %xor3A_44, %add3A_633 : vector<16xi32>
        %select_n3A_635 = arith.select %lt3A_631, %add3A_634, %xor3A_44 : vector<16xi1>, vector<16xi32>
        %broadcast_in_dim3A_636 = vector.shape_cast %select_n3A_635 : vector<16xi32> to vector<16x1xi32>
        %gather3A_637 = vector.shape_cast %broadcast_in_dim3A_636 : vector<16x1xi32> to vector<16xi32>
        %gather3A_638 = tpu.dynamic_gather %add3A_628[%gather3A_637] in [0] : vector<16xf32>, vector<16xi32> -> vector<16xf32>
        %add3A_639 = arith.addf %add3A_628, %gather3A_638 : vector<16xf32>
        %exp3A_640 = math.exp %add3A_639 : vector<16xf32>
        %mul3A_641 = arith.mulf %exp3A_640, %get3A_596 : vector<16xf32>
        %add3A_642 = arith.constant 40 : i32
        %add3A_643 = arith.addi %add3A_642, %scan3A_306 : i32
        %swap3A_644 = arith.index_cast %add3A_643 : i32 to index
        %swap3A_645 = arith.constant 80 : index
        %swap3A_646 = tpu.vector_load %arg12[%swap3A_644, %swap3A_645] {strides = array<i32>} : memref<80x128xf32, #tpu.memory_space<vmem>>, vector<1x16xf32>,
        %swap3A_647 = vector.shape_cast %swap3A_646 : vector<1x16xf32> to vector<16xf32>
        %swap3A_648 = vector.shape_cast %mul3A_641 : vector<16xf32> to vector<1x16xf32>
        tpu.vector_store %arg12[%swap3A_644, %swap3A_645], %swap3A_648 {strides = array<i32>} : memref<80x128xf32, #tpu.memory_space<vmem>>, vector<1x16xf32>,
        %mul3A_649 = arith.mulf %exp3A_640, %get3A_79 : vector<16xf32>
        %add3A_650 = arith.addf %add3A_592, %mul3A_649 : vector<16xf32>
        %add3A_651 = arith.constant 40 : i32
        %add3A_652 = arith.addi %add3A_651, %scan3A_306 : i32
        %swap3A_653 = arith.index_cast %add3A_652 : i32 to index
        %swap3A_654 = arith.constant 96 : index
        %swap3A_655 = tpu.vector_load %arg12[%swap3A_653, %swap3A_654] {strides = array<i32>} : memref<80x128xf32, #tpu.memory_space<vmem>>, vector<1x16xf32>,
        %swap3A_656 = vector.shape_cast %swap3A_655 : vector<1x16xf32> to vector<16xf32>
        %swap3A_657 = vector.shape_cast %add3A_650 : vector<16xf32> to vector<1x16xf32>
        tpu.vector_store %arg12[%swap3A_653, %swap3A_654], %swap3A_657 {strides = array<i32>} : memref<80x128xf32, #tpu.memory_space<vmem>>, vector<1x16xf32>,
      }
      %scan3A_278 = arith.constant 40 : i32
      %mul3A_279 = arith.constant 2 : i32
      %mul3A_280 = arith.muli %mul3A_279, %rem3A_198 : i32
      %add3A_281 = arith.constant 1 : i32
      %add3A_282 = arith.addi %mul3A_280, %add3A_281 : i32
      %dma_start3A_283 = arith.constant 40 : i32
      %dma_start3A_284 = arith.constant 0 : i32
      %dma_start3A_285 = tpu.memref_slice %arg12[%dma_start3A_283, %dma_start3A_284] : memref<80x128xf32, #tpu.memory_space<vmem>> -> memref<40x128xf32, #tpu.memory_space<vmem>>
      %dma_start3A_286 = arith.constant 0 : i32
      %dma_start3A_287 = tpu.memref_slice %arg14[%add3A_282, %dma_start3A_286] : memref<6x40xi32, #tpu.memory_space<vmem>> -> memref<1x40xi32, #tpu.memory_space<vmem>>
      %dma_start3A_288 = tpu.memref_squeeze %dma_start3A_287 : memref<1x40xi32, #tpu.memory_space<vmem>> -> memref<40xi32, #tpu.memory_space<vmem>>
      %dma_start3A_289 = arith.constant 0 : i32
      %dma_start3A_290 = arith.constant 0 : i32
      %dma_start3A_291 = tpu.memref_slice %arg16[%dma_start3A_289, %dma_start3A_290] : memref<10240x128xf32, #tpu.memory_space<vmem_shared>> -> memref<10240x128xf32, #tpu.memory_space<vmem_shared>>
      tpu.enqueue_indirect_dma source(%dma_start3A_285 : memref<40x128xf32, #tpu.memory_space<vmem>>) target(%dma_start3A_291 : memref<10240x128xf32, #tpu.memory_space<vmem_shared>>) offsets(%dma_start3A_288 : memref<40xi32, #tpu.memory_space<vmem>>) semaphore(%arg23 : memref<!tpu.dma_semaphore, #tpu.memory_space<semaphore_mem>>) {add = true}
      %add3A_292 = arith.constant 1 : i32
      %add3A_293 = arith.addi %scan3A_197, %add3A_292 : i32
      %lt3A_294 = arith.constant 129 : i32
      %lt3A_295 = arith.cmpi slt, %add3A_293, %lt3A_294 : i32
      %convert_element_type3A_296 = arith.extui %lt3A_295 : i1 to i32
      %cond3A_297 = arith.constant 0 : i32
      %cond3A_298 = arith.cmpi ne, %convert_element_type3A_296, %cond3A_297 : i32
      scf.if %cond3A_298 {
        %mul3A_306 = arith.constant 2 : i32
        %mul3A_307 = arith.muli %mul3A_306, %rem3A_202 : i32
        %add3A_308 = arith.constant 1 : i32
        %add3A_309 = arith.addi %mul3A_307, %add3A_308 : i32
        %dma_start3A_310 = arith.constant 0 : i32
        %dma_start3A_311 = tpu.memref_slice %arg13[%add3A_309, %dma_start3A_310] : memref<6x40xi32, #tpu.memory_space<vmem>> -> memref<1x40xi32, #tpu.memory_space<vmem>>
        %dma_start3A_312 = tpu.memref_squeeze %dma_start3A_311 : memref<1x40xi32, #tpu.memory_space<vmem>> -> memref<40xi32, #tpu.memory_space<vmem>>
        %dma_start3A_313 = arith.constant 0 : i32
        %dma_start3A_314 = arith.constant 0 : i32
        %dma_start3A_315 = tpu.memref_slice %arg2[%dma_start3A_313, %dma_start3A_314] : memref<10240x128xf32, #tpu.memory_space<hbm>> -> memref<10240x128xf32, #tpu.memory_space<hbm>>
        tpu.enqueue_indirect_dma source(%dma_start3A_315 : memref<10240x128xf32, #tpu.memory_space<hbm>>) target(%arg10 : memref<40x128xf32, #tpu.memory_space<vmem>>) offsets(%dma_start3A_312 : memref<40xi32, #tpu.memory_space<vmem>>) semaphore(%arg19 : memref<!tpu.dma_semaphore, #tpu.memory_space<semaphore_mem>>)
        %mul3A_316 = arith.constant 2 : i32
        %mul3A_317 = arith.muli %mul3A_316, %rem3A_202 : i32
        %add3A_318 = arith.constant 1 : i32
        %add3A_319 = arith.addi %mul3A_317, %add3A_318 : i32
        %dma_start3A_320 = arith.constant 0 : i32
        %dma_start3A_321 = tpu.memref_slice %arg14[%add3A_319, %dma_start3A_320] : memref<6x40xi32, #tpu.memory_space<vmem>> -> memref<1x40xi32, #tpu.memory_space<vmem>>
        %dma_start3A_322 = tpu.memref_squeeze %dma_start3A_321 : memref<1x40xi32, #tpu.memory_space<vmem>> -> memref<40xi32, #tpu.memory_space<vmem>>
        %dma_start3A_323 = arith.constant 0 : i32
        %dma_start3A_324 = arith.constant 0 : i32
        %dma_start3A_325 = tpu.memref_slice %arg3[%dma_start3A_323, %dma_start3A_324] : memref<10240x128xf32, #tpu.memory_space<hbm>> -> memref<10240x128xf32, #tpu.memory_space<hbm>>
        tpu.enqueue_indirect_dma source(%dma_start3A_325 : memref<10240x128xf32, #tpu.memory_space<hbm>>) target(%arg11 : memref<40x128xf32, #tpu.memory_space<vmem>>) offsets(%dma_start3A_322 : memref<40xi32, #tpu.memory_space<vmem>>) semaphore(%arg20 : memref<!tpu.dma_semaphore, #tpu.memory_space<semaphore_mem>>)
      } else {
      }
      %add3A_299 = arith.constant 2 : i32
      %add3A_300 = arith.addi %scan3A_197, %add3A_299 : i32
      %lt3A_301 = arith.constant 129 : i32
      %lt3A_302 = arith.cmpi slt, %add3A_300, %lt3A_301 : i32
      %convert_element_type3A_303 = arith.extui %lt3A_302 : i1 to i32
      %cond3A_304 = arith.constant 0 : i32
      %cond3A_305 = arith.cmpi ne, %convert_element_type3A_303, %cond3A_304 : i32
      scf.if %cond3A_305 {
        %add3A_306 = arith.constant 2 : i32
        %add3A_307 = arith.addi %scan3A_197, %add3A_306 : i32
        %add3A_308 = arith.constant 2 : i32
        %add3A_309 = arith.addi %scan3A_197, %add3A_308 : i32
        %rem3A_310 = arith.constant 3 : i32
        %rem3A_311 = arith.remsi %add3A_309, %rem3A_310 : i32
        %mul3A_312 = arith.constant 2 : i32
        %mul3A_313 = arith.muli %mul3A_312, %add3A_307 : i32
        %add3A_314 = arith.constant 0 : i32
        %add3A_315 = arith.addi %mul3A_313, %add3A_314 : i32
        %mul3A_316 = arith.constant 2 : i32
        %mul3A_317 = arith.muli %mul3A_316, %rem3A_311 : i32
        %add3A_318 = arith.constant 0 : i32
        %add3A_319 = arith.addi %mul3A_317, %add3A_318 : i32
        %dma_start3A_320 = arith.constant 0 : i32
        %dma_start3A_321 = tpu.memref_slice %arg13[%add3A_319, %dma_start3A_320] : memref<6x40xi32, #tpu.memory_space<vmem>> -> memref<1x40xi32, #tpu.memory_space<vmem>>
        %dma_start3A_322 = tpu.memref_squeeze %dma_start3A_321 : memref<1x40xi32, #tpu.memory_space<vmem>> -> memref<40xi32, #tpu.memory_space<vmem>>
        %dma_start3A_323 = arith.constant 0 : i32
        %dma_start3A_324 = tpu.memref_slice %arg4[%add3A, %add3A_315, %dma_start3A_323] : memref<32x258x40xi32, #tpu.memory_space<hbm>> -> memref<1x1x40xi32, #tpu.memory_space<hbm>>
        %dma_start3A_325 = tpu.memref_squeeze %dma_start3A_324 : memref<1x1x40xi32, #tpu.memory_space<hbm>> -> memref<40xi32, #tpu.memory_space<hbm>>
        %dma_start3A_326 = arith.constant 0 : i32
        %dma_start3A_327 = tpu.memref_slice %arg13[%add3A_319, %dma_start3A_326] : memref<6x40xi32, #tpu.memory_space<vmem>> -> memref<1x40xi32, #tpu.memory_space<vmem>>
        %dma_start3A_328 = tpu.memref_squeeze %dma_start3A_327 : memref<1x40xi32, #tpu.memory_space<vmem>> -> memref<40xi32, #tpu.memory_space<vmem>>
        %dma_start3A_329 = arith.constant 0 : i32
        %dma_start3A_330 = tpu.memref_slice %arg4[%add3A, %add3A_315, %dma_start3A_329] : memref<32x258x40xi32, #tpu.memory_space<hbm>> -> memref<1x1x40xi32, #tpu.memory_space<hbm>>
        %dma_start3A_331 = tpu.memref_squeeze %dma_start3A_330 : memref<1x1x40xi32, #tpu.memory_space<hbm>> -> memref<40xi32, #tpu.memory_space<hbm>>
        tpu.enqueue_dma source(%dma_start3A_331 : memref<40xi32, #tpu.memory_space<hbm>>) target(%dma_start3A_328 : memref<40xi32, #tpu.memory_space<vmem>>) target_semaphore(%arg21 : memref<!tpu.dma_semaphore, #tpu.memory_space<semaphore_mem>>)
        %mul3A_332 = arith.constant 2 : i32
        %mul3A_333 = arith.muli %mul3A_332, %add3A_307 : i32
        %add3A_334 = arith.constant 0 : i32
        %add3A_335 = arith.addi %mul3A_333, %add3A_334 : i32
        %mul3A_336 = arith.constant 2 : i32
        %mul3A_337 = arith.muli %mul3A_336, %rem3A_311 : i32
        %add3A_338 = arith.constant 0 : i32
        %add3A_339 = arith.addi %mul3A_337, %add3A_338 : i32
        %dma_start3A_340 = arith.constant 0 : i32
        %dma_start3A_341 = tpu.memref_slice %arg14[%add3A_339, %dma_start3A_340] : memref<6x40xi32, #tpu.memory_space<vmem>> -> memref<1x40xi32, #tpu.memory_space<vmem>>
        %dma_start3A_342 = tpu.memref_squeeze %dma_start3A_341 : memref<1x40xi32, #tpu.memory_space<vmem>> -> memref<40xi32, #tpu.memory_space<vmem>>
        %dma_start3A_343 = arith.constant 0 : i32
        %dma_start3A_344 = tpu.memref_slice %arg5[%add3A, %add3A_335, %dma_start3A_343] : memref<32x258x40xi32, #tpu.memory_space<hbm>> -> memref<1x1x40xi32, #tpu.memory_space<hbm>>
        %dma_start3A_345 = tpu.memref_squeeze %dma_start3A_344 : memref<1x1x40xi32, #tpu.memory_space<hbm>> -> memref<40xi32, #tpu.memory_space<hbm>>
        %dma_start3A_346 = arith.constant 0 : i32
        %dma_start3A_347 = tpu.memref_slice %arg14[%add3A_339, %dma_start3A_346] : memref<6x40xi32, #tpu.memory_space<vmem>> -> memref<1x40xi32, #tpu.memory_space<vmem>>
        %dma_start3A_348 = tpu.memref_squeeze %dma_start3A_347 : memref<1x40xi32, #tpu.memory_space<vmem>> -> memref<40xi32, #tpu.memory_space<vmem>>
        %dma_start3A_349 = arith.constant 0 : i32
        %dma_start3A_350 = tpu.memref_slice %arg5[%add3A, %add3A_335, %dma_start3A_349] : memref<32x258x40xi32, #tpu.memory_space<hbm>> -> memref<1x1x40xi32, #tpu.memory_space<hbm>>
        %dma_start3A_351 = tpu.memref_squeeze %dma_start3A_350 : memref<1x1x40xi32, #tpu.memory_space<hbm>> -> memref<40xi32, #tpu.memory_space<hbm>>
        tpu.enqueue_dma source(%dma_start3A_351 : memref<40xi32, #tpu.memory_space<hbm>>) target(%dma_start3A_348 : memref<40xi32, #tpu.memory_space<vmem>>) target_semaphore(%arg21 : memref<!tpu.dma_semaphore, #tpu.memory_space<semaphore_mem>>)
        %mul3A_352 = arith.constant 2 : i32
        %mul3A_353 = arith.muli %mul3A_352, %add3A_307 : i32
        %add3A_354 = arith.constant 1 : i32
        %add3A_355 = arith.addi %mul3A_353, %add3A_354 : i32
        %mul3A_356 = arith.constant 2 : i32
        %mul3A_357 = arith.muli %mul3A_356, %rem3A_311 : i32
        %add3A_358 = arith.constant 1 : i32
        %add3A_359 = arith.addi %mul3A_357, %add3A_358 : i32
        %dma_start3A_360 = arith.constant 0 : i32
        %dma_start3A_361 = tpu.memref_slice %arg13[%add3A_359, %dma_start3A_360] : memref<6x40xi32, #tpu.memory_space<vmem>> -> memref<1x40xi32, #tpu.memory_space<vmem>>
        %dma_start3A_362 = tpu.memref_squeeze %dma_start3A_361 : memref<1x40xi32, #tpu.memory_space<vmem>> -> memref<40xi32, #tpu.memory_space<vmem>>
        %dma_start3A_363 = arith.constant 0 : i32
        %dma_start3A_364 = tpu.memref_slice %arg4[%add3A, %add3A_355, %dma_start3A_363] : memref<32x258x40xi32, #tpu.memory_space<hbm>> -> memref<1x1x40xi32, #tpu.memory_space<hbm>>
        %dma_start3A_365 = tpu.memref_squeeze %dma_start3A_364 : memref<1x1x40xi32, #tpu.memory_space<hbm>> -> memref<40xi32, #tpu.memory_space<hbm>>
        %dma_start3A_366 = arith.constant 0 : i32
        %dma_start3A_367 = tpu.memref_slice %arg13[%add3A_359, %dma_start3A_366] : memref<6x40xi32, #tpu.memory_space<vmem>> -> memref<1x40xi32, #tpu.memory_space<vmem>>
        %dma_start3A_368 = tpu.memref_squeeze %dma_start3A_367 : memref<1x40xi32, #tpu.memory_space<vmem>> -> memref<40xi32, #tpu.memory_space<vmem>>
        %dma_start3A_369 = arith.constant 0 : i32
        %dma_start3A_370 = tpu.memref_slice %arg4[%add3A, %add3A_355, %dma_start3A_369] : memref<32x258x40xi32, #tpu.memory_space<hbm>> -> memref<1x1x40xi32, #tpu.memory_space<hbm>>
        %dma_start3A_371 = tpu.memref_squeeze %dma_start3A_370 : memref<1x1x40xi32, #tpu.memory_space<hbm>> -> memref<40xi32, #tpu.memory_space<hbm>>
        tpu.enqueue_dma source(%dma_start3A_371 : memref<40xi32, #tpu.memory_space<hbm>>) target(%dma_start3A_368 : memref<40xi32, #tpu.memory_space<vmem>>) target_semaphore(%arg21 : memref<!tpu.dma_semaphore, #tpu.memory_space<semaphore_mem>>)
        %mul3A_372 = arith.constant 2 : i32
        %mul3A_373 = arith.muli %mul3A_372, %add3A_307 : i32
        %add3A_374 = arith.constant 1 : i32
        %add3A_375 = arith.addi %mul3A_373, %add3A_374 : i32
        %mul3A_376 = arith.constant 2 : i32
        %mul3A_377 = arith.muli %mul3A_376, %rem3A_311 : i32
        %add3A_378 = arith.constant 1 : i32
        %add3A_379 = arith.addi %mul3A_377, %add3A_378 : i32
        %dma_start3A_380 = arith.constant 0 : i32
        %dma_start3A_381 = tpu.memref_slice %arg14[%add3A_379, %dma_start3A_380] : memref<6x40xi32, #tpu.memory_space<vmem>> -> memref<1x40xi32, #tpu.memory_space<vmem>>
        %dma_start3A_382 = tpu.memref_squeeze %dma_start3A_381 : memref<1x40xi32, #tpu.memory_space<vmem>> -> memref<40xi32, #tpu.memory_space<vmem>>
        %dma_start3A_383 = arith.constant 0 : i32
        %dma_start3A_384 = tpu.memref_slice %arg5[%add3A, %add3A_375, %dma_start3A_383] : memref<32x258x40xi32, #tpu.memory_space<hbm>> -> memref<1x1x40xi32, #tpu.memory_space<hbm>>
        %dma_start3A_385 = tpu.memref_squeeze %dma_start3A_384 : memref<1x1x40xi32, #tpu.memory_space<hbm>> -> memref<40xi32, #tpu.memory_space<hbm>>
        %dma_start3A_386 = arith.constant 0 : i32
        %dma_start3A_387 = tpu.memref_slice %arg14[%add3A_379, %dma_start3A_386] : memref<6x40xi32, #tpu.memory_space<vmem>> -> memref<1x40xi32, #tpu.memory_space<vmem>>
        %dma_start3A_388 = tpu.memref_squeeze %dma_start3A_387 : memref<1x40xi32, #tpu.memory_space<vmem>> -> memref<40xi32, #tpu.memory_space<vmem>>
        %dma_start3A_389 = arith.constant 0 : i32
        %dma_start3A_390 = tpu.memref_slice %arg5[%add3A, %add3A_375, %dma_start3A_389] : memref<32x258x40xi32, #tpu.memory_space<hbm>> -> memref<1x1x40xi32, #tpu.memory_space<hbm>>
        %dma_start3A_391 = tpu.memref_squeeze %dma_start3A_390 : memref<1x1x40xi32, #tpu.memory_space<hbm>> -> memref<40xi32, #tpu.memory_space<hbm>>
        tpu.enqueue_dma source(%dma_start3A_391 : memref<40xi32, #tpu.memory_space<hbm>>) target(%dma_start3A_388 : memref<40xi32, #tpu.memory_space<vmem>>) target_semaphore(%arg21 : memref<!tpu.dma_semaphore, #tpu.memory_space<semaphore_mem>>)
      } else {
      }
    }
    %scan3A_174 = arith.constant 129 : i32
    %dma_wait3A = arith.constant 0 : i32
    %dma_wait3A_175 = arith.constant 0 : i32
    %dma_wait3A_176 = arith.constant 0 : i32
    %dma_wait3A_177 = tpu.memref_slice %arg12[%dma_wait3A_175, %dma_wait3A_176] : memref<80x128xf32, #tpu.memory_space<vmem>> -> memref<40x128xf32, #tpu.memory_space<vmem>>
    %dma_wait3A_178 = arith.constant 0 : i32
    %dma_wait3A_179 = tpu.memref_slice %arg14[%dma_wait3A, %dma_wait3A_178] : memref<6x40xi32, #tpu.memory_space<vmem>> -> memref<1x40xi32, #tpu.memory_space<vmem>>
    %dma_wait3A_180 = tpu.memref_squeeze %dma_wait3A_179 : memref<1x40xi32, #tpu.memory_space<vmem>> -> memref<40xi32, #tpu.memory_space<vmem>>
    %dma_wait3A_181 = arith.constant 0 : i32
    %dma_wait3A_182 = arith.constant 0 : i32
    %dma_wait3A_183 = tpu.memref_slice %arg16[%dma_wait3A_181, %dma_wait3A_182] : memref<10240x128xf32, #tpu.memory_space<vmem_shared>> -> memref<10240x128xf32, #tpu.memory_space<vmem_shared>>
    tpu.wait_indirect_dma semaphore(%arg22 : memref<!tpu.dma_semaphore, #tpu.memory_space<semaphore_mem>>) src(%dma_wait3A_177 : memref<40x128xf32, #tpu.memory_space<vmem>>) dst(%dma_wait3A_183 : memref<10240x128xf32, #tpu.memory_space<vmem_shared>>)
    %dma_wait3A_184 = arith.constant 0 : i32
    %dma_wait3A_185 = arith.constant 40 : i32
    %dma_wait3A_186 = arith.constant 0 : i32
    %dma_wait3A_187 = tpu.memref_slice %arg12[%dma_wait3A_185, %dma_wait3A_186] : memref<80x128xf32, #tpu.memory_space<vmem>> -> memref<40x128xf32, #tpu.memory_space<vmem>>
    %dma_wait3A_188 = arith.constant 0 : i32
    %dma_wait3A_189 = tpu.memref_slice %arg14[%dma_wait3A_184, %dma_wait3A_188] : memref<6x40xi32, #tpu.memory_space<vmem>> -> memref<1x40xi32, #tpu.memory_space<vmem>>
    %dma_wait3A_190 = tpu.memref_squeeze %dma_wait3A_189 : memref<1x40xi32, #tpu.memory_space<vmem>> -> memref<40xi32, #tpu.memory_space<vmem>>
    %dma_wait3A_191 = arith.constant 0 : i32
    %dma_wait3A_192 = arith.constant 0 : i32
    %dma_wait3A_193 = tpu.memref_slice %arg16[%dma_wait3A_191, %dma_wait3A_192] : memref<10240x128xf32, #tpu.memory_space<vmem_shared>> -> memref<10240x128xf32, #tpu.memory_space<vmem_shared>>
    tpu.wait_indirect_dma semaphore(%arg23 : memref<!tpu.dma_semaphore, #tpu.memory_space<semaphore_mem>>) src(%dma_wait3A_187 : memref<40x128xf32, #tpu.memory_space<vmem>>) dst(%dma_wait3A_193 : memref<10240x128xf32, #tpu.memory_space<vmem_shared>>)
    %barrier3A_194 = arith.constant 0 : index
    tpu.barrier barrier_id(%barrier3A_194)
    %mul3A_195 = arith.constant 640 : i32
    %mul3A_196 = arith.muli %arg1, %mul3A_195 : i32
    "tpu.region"() ({
      %run_scoped3A_197 = tpu.sem_alloc : memref<!tpu.dma_semaphore, #tpu.memory_space<semaphore_mem>>
      %dma_start3A_198 = arith.constant 0 : i32
      %dma_start3A_199 = tpu.memref_slice %arg7[%arg0, %mul3A_196, %dma_start3A_198] : memref<2x10240x128xf32, #tpu.memory_space<hbm>> -> memref<1x640x128xf32, #tpu.memory_space<hbm>>
      %dma_start3A_200 = tpu.memref_squeeze %dma_start3A_199 : memref<1x640x128xf32, #tpu.memory_space<hbm>> -> memref<640x128xf32, #tpu.memory_space<hbm>>
      %dma_start3A_201 = arith.constant 0 : i32
      %dma_start3A_202 = tpu.memref_slice %arg16[%mul3A_196, %dma_start3A_201] : memref<10240x128xf32, #tpu.memory_space<vmem_shared>> -> memref<640x128xf32, #tpu.memory_space<vmem_shared>>
      tpu.enqueue_dma source(%dma_start3A_202 : memref<640x128xf32, #tpu.memory_space<vmem_shared>>) target(%dma_start3A_200 : memref<640x128xf32, #tpu.memory_space<hbm>>) target_semaphore(%run_scoped3A_197 : memref<!tpu.dma_semaphore, #tpu.memory_space<semaphore_mem>>)
      %dma_wait3A_203 = arith.constant 0 : i32
      %dma_wait3A_204 = tpu.memref_slice %arg7[%arg0, %mul3A_196, %dma_wait3A_203] : memref<2x10240x128xf32, #tpu.memory_space<hbm>> -> memref<1x640x128xf32, #tpu.memory_space<hbm>>
      %dma_wait3A_205 = tpu.memref_squeeze %dma_wait3A_204 : memref<1x640x128xf32, #tpu.memory_space<hbm>> -> memref<640x128xf32, #tpu.memory_space<hbm>>
      %dma_wait3A_206 = arith.constant 0 : i32
      %dma_wait3A_207 = tpu.memref_slice %arg16[%mul3A_196, %dma_wait3A_206] : memref<10240x128xf32, #tpu.memory_space<vmem_shared>> -> memref<640x128xf32, #tpu.memory_space<vmem_shared>>
      tpu.wait_dma2 semaphore(%run_scoped3A_197 : memref<!tpu.dma_semaphore, #tpu.memory_space<semaphore_mem>>) src(%dma_wait3A_207 : memref<640x128xf32, #tpu.memory_space<vmem_shared>>) dst(%dma_wait3A_205 : memref<640x128xf32, #tpu.memory_space<hbm>>)
      tpu.yield
    }) : () -> ()
    return
  }
}

#map = affine_map<(d0, d1) -> (0, 0)>
#map1 = affine_map<(d0, d1) -> (0, 0, 0)>
#map2 = affine_map<(d0, d1) -> (0)>
module attributes {stable_mosaic.version = 14 : i64} {
  func.func @_edge_body(%arg0: i32, %arg1: i32, %arg2: memref<10240x128xf32, #tpu.memory_space<hbm>>, %arg3: memref<10240x128xf32, #tpu.memory_space<hbm>>, %arg4: memref<32x258x40xi32, #tpu.memory_space<hbm>>, %arg5: memref<32x258x40xi32, #tpu.memory_space<hbm>>, %arg6: memref<256xf32, #tpu.memory_space<hbm>>, %arg7: memref<2x10240x128xf32, #tpu.memory_space<hbm>>, %arg8: memref<40x128xf32, #tpu.memory_space<vmem>>, %arg9: memref<40x128xf32, #tpu.memory_space<vmem>>, %arg10: memref<40x128xf32, #tpu.memory_space<vmem>>, %arg11: memref<40x128xf32, #tpu.memory_space<vmem>>, %arg12: memref<80x128xf32, #tpu.memory_space<vmem>>, %arg13: memref<6x40xi32, #tpu.memory_space<vmem>>, %arg14: memref<6x40xi32, #tpu.memory_space<vmem>>, %arg15: memref<256xf32, #tpu.memory_space<vmem>>, %arg16: memref<10240x128xf32, #tpu.memory_space<vmem_shared>>, %arg17: memref<!tpu.dma_semaphore, #tpu.memory_space<semaphore_mem>>, %arg18: memref<!tpu.dma_semaphore, #tpu.memory_space<semaphore_mem>>, %arg19: memref<!tpu.dma_semaphore, #tpu.memory_space<semaphore_mem>>, %arg20: memref<!tpu.dma_semaphore, #tpu.memory_space<semaphore_mem>>, %arg21: memref<!tpu.dma_semaphore, #tpu.memory_space<semaphore_mem>>, %arg22: memref<!tpu.dma_semaphore, #tpu.memory_space<semaphore_mem>>, %arg23: memref<!tpu.dma_semaphore, #tpu.memory_space<semaphore_mem>>) attributes {dimension_semantics = [#tpu.dimension_semantics<core_parallel>, #tpu.dimension_semantics<subcore_parallel>], iteration_bounds = array<i64: 2, 16>, scalar_prefetch = 0 : i64, scratch_operands = 16 : i64, tpu.core_type = #tpu.core_type<sc_vector_subcore>, window_params = [{transform_indices = #map}, {transform_indices = #map}, {transform_indices = #map1}, {transform_indices = #map1}, {transform_indices = #map2}, {transform_indices = #map1}]} {
    %mul3A = arith.constant 2 : i32
    %mul3A_0 = arith.muli %arg1, %mul3A : i32
    %add3A = arith.addi %mul3A_0, %arg0 : i32
    "tpu.region"() ({
      %run_scoped3A_197 = tpu.sem_alloc : memref<!tpu.dma_semaphore, #tpu.memory_space<semaphore_mem>>
      tpu.enqueue_dma source(%arg6 : memref<256xf32, #tpu.memory_space<hbm>>) target(%arg15 : memref<256xf32, #tpu.memory_space<vmem>>) target_semaphore(%run_scoped3A_197 : memref<!tpu.dma_semaphore, #tpu.memory_space<semaphore_mem>>)
      tpu.wait_dma2 semaphore(%run_scoped3A_197 : memref<!tpu.dma_semaphore, #tpu.memory_space<semaphore_mem>>) src(%arg6 : memref<256xf32, #tpu.memory_space<hbm>>) dst(%arg15 : memref<256xf32, #tpu.memory_space<vmem>>)
      tpu.yield
    }) : () -> ()
    %scan3A = arith.constant 0 : i32
    %scan3A_1 = arith.constant 80 : i32
    %scan3A_2 = arith.addi %scan3A, %scan3A_1 : i32
    %scan3A_3 = arith.constant 1 : i32
    scf.for %scan3A_197 = %scan3A to %scan3A_2 step %scan3A_3  : i32 {
      %broadcast_in_dim3A = arith.constant 0.000000e+00 : f32
      %broadcast_in_dim3A_198 = vector.broadcast %broadcast_in_dim3A : f32 to vector<16xf32>
      %swap3A = arith.index_cast %scan3A_197 : i32 to index
      %swap3A_199 = arith.constant 0 : index
      %swap3A_200 = tpu.vector_load %arg12[%swap3A, %swap3A_199] {strides = array<i32>} : memref<80x128xf32, #tpu.memory_space<vmem>>, vector<1x16xf32>,
      %swap3A_201 = vector.shape_cast %swap3A_200 : vector<1x16xf32> to vector<16xf32>
      %swap3A_202 = vector.shape_cast %broadcast_in_dim3A_198 : vector<16xf32> to vector<1x16xf32>
      tpu.vector_store %arg12[%swap3A, %swap3A_199], %swap3A_202 {strides = array<i32>} : memref<80x128xf32, #tpu.memory_space<vmem>>, vector<1x16xf32>,
      %broadcast_in_dim3A_203 = arith.constant 0.000000e+00 : f32
      %broadcast_in_dim3A_204 = vector.broadcast %broadcast_in_dim3A_203 : f32 to vector<16xf32>
      %swap3A_205 = arith.index_cast %scan3A_197 : i32 to index
      %swap3A_206 = arith.constant 16 : index
      %swap3A_207 = tpu.vector_load %arg12[%swap3A_205, %swap3A_206] {strides = array<i32>} : memref<80x128xf32, #tpu.memory_space<vmem>>, vector<1x16xf32>,
      %swap3A_208 = vector.shape_cast %swap3A_207 : vector<1x16xf32> to vector<16xf32>
      %swap3A_209 = vector.shape_cast %broadcast_in_dim3A_204 : vector<16xf32> to vector<1x16xf32>
      tpu.vector_store %arg12[%swap3A_205, %swap3A_206], %swap3A_209 {strides = array<i32>} : memref<80x128xf32, #tpu.memory_space<vmem>>, vector<1x16xf32>,
      %broadcast_in_dim3A_210 = arith.constant 0.000000e+00 : f32
      %broadcast_in_dim3A_211 = vector.broadcast %broadcast_in_dim3A_210 : f32 to vector<16xf32>
      %swap3A_212 = arith.index_cast %scan3A_197 : i32 to index
      %swap3A_213 = arith.constant 32 : index
      %swap3A_214 = tpu.vector_load %arg12[%swap3A_212, %swap3A_213] {strides = array<i32>} : memref<80x128xf32, #tpu.memory_space<vmem>>, vector<1x16xf32>,
      %swap3A_215 = vector.shape_cast %swap3A_214 : vector<1x16xf32> to vector<16xf32>
      %swap3A_216 = vector.shape_cast %broadcast_in_dim3A_211 : vector<16xf32> to vector<1x16xf32>
      tpu.vector_store %arg12[%swap3A_212, %swap3A_213], %swap3A_216 {strides = array<i32>} : memref<80x128xf32, #tpu.memory_space<vmem>>, vector<1x16xf32>,
      %broadcast_in_dim3A_217 = arith.constant 0.000000e+00 : f32
      %broadcast_in_dim3A_218 = vector.broadcast %broadcast_in_dim3A_217 : f32 to vector<16xf32>
      %swap3A_219 = arith.index_cast %scan3A_197 : i32 to index
      %swap3A_220 = arith.constant 48 : index
      %swap3A_221 = tpu.vector_load %arg12[%swap3A_219, %swap3A_220] {strides = array<i32>} : memref<80x128xf32, #tpu.memory_space<vmem>>, vector<1x16xf32>,
      %swap3A_222 = vector.shape_cast %swap3A_221 : vector<1x16xf32> to vector<16xf32>
      %swap3A_223 = vector.shape_cast %broadcast_in_dim3A_218 : vector<16xf32> to vector<1x16xf32>
      tpu.vector_store %arg12[%swap3A_219, %swap3A_220], %swap3A_223 {strides = array<i32>} : memref<80x128xf32, #tpu.memory_space<vmem>>, vector<1x16xf32>,
      %broadcast_in_dim3A_224 = arith.constant 0.000000e+00 : f32
      %broadcast_in_dim3A_225 = vector.broadcast %broadcast_in_dim3A_224 : f32 to vector<16xf32>
      %swap3A_226 = arith.index_cast %scan3A_197 : i32 to index
      %swap3A_227 = arith.constant 64 : index
      %swap3A_228 = tpu.vector_load %arg12[%swap3A_226, %swap3A_227] {strides = array<i32>} : memref<80x128xf32, #tpu.memory_space<vmem>>, vector<1x16xf32>,
      %swap3A_229 = vector.shape_cast %swap3A_228 : vector<1x16xf32> to vector<16xf32>
      %swap3A_230 = vector.shape_cast %broadcast_in_dim3A_225 : vector<16xf32> to vector<1x16xf32>
      tpu.vector_store %arg12[%swap3A_226, %swap3A_227], %swap3A_230 {strides = array<i32>} : memref<80x128xf32, #tpu.memory_space<vmem>>, vector<1x16xf32>,
      %broadcast_in_dim3A_231 = arith.constant 0.000000e+00 : f32
      %broadcast_in_dim3A_232 = vector.broadcast %broadcast_in_dim3A_231 : f32 to vector<16xf32>
      %swap3A_233 = arith.index_cast %scan3A_197 : i32 to index
      %swap3A_234 = arith.constant 80 : index
      %swap3A_235 = tpu.vector_load %arg12[%swap3A_233, %swap3A_234] {strides = array<i32>} : memref<80x128xf32, #tpu.memory_space<vmem>>, vector<1x16xf32>,
      %swap3A_236 = vector.shape_cast %swap3A_235 : vector<1x16xf32> to vector<16xf32>
      %swap3A_237 = vector.shape_cast %broadcast_in_dim3A_232 : vector<16xf32> to vector<1x16xf32>
      tpu.vector_store %arg12[%swap3A_233, %swap3A_234], %swap3A_237 {strides = array<i32>} : memref<80x128xf32, #tpu.memory_space<vmem>>, vector<1x16xf32>,
      %broadcast_in_dim3A_238 = arith.constant 0.000000e+00 : f32
      %broadcast_in_dim3A_239 = vector.broadcast %broadcast_in_dim3A_238 : f32 to vector<16xf32>
      %swap3A_240 = arith.index_cast %scan3A_197 : i32 to index
      %swap3A_241 = arith.constant 96 : index
      %swap3A_242 = tpu.vector_load %arg12[%swap3A_240, %swap3A_241] {strides = array<i32>} : memref<80x128xf32, #tpu.memory_space<vmem>>, vector<1x16xf32>,
      %swap3A_243 = vector.shape_cast %swap3A_242 : vector<1x16xf32> to vector<16xf32>
      %swap3A_244 = vector.shape_cast %broadcast_in_dim3A_239 : vector<16xf32> to vector<1x16xf32>
      tpu.vector_store %arg12[%swap3A_240, %swap3A_241], %swap3A_244 {strides = array<i32>} : memref<80x128xf32, #tpu.memory_space<vmem>>, vector<1x16xf32>,
      %broadcast_in_dim3A_245 = arith.constant 0.000000e+00 : f32
      %broadcast_in_dim3A_246 = vector.broadcast %broadcast_in_dim3A_245 : f32 to vector<16xf32>
      %swap3A_247 = arith.index_cast %scan3A_197 : i32 to index
      %swap3A_248 = arith.constant 112 : index
      %swap3A_249 = tpu.vector_load %arg12[%swap3A_247, %swap3A_248] {strides = array<i32>} : memref<80x128xf32, #tpu.memory_space<vmem>>, vector<1x16xf32>,
      %swap3A_250 = vector.shape_cast %swap3A_249 : vector<1x16xf32> to vector<16xf32>
      %swap3A_251 = vector.shape_cast %broadcast_in_dim3A_246 : vector<16xf32> to vector<1x16xf32>
      tpu.vector_store %arg12[%swap3A_247, %swap3A_248], %swap3A_251 {strides = array<i32>} : memref<80x128xf32, #tpu.memory_space<vmem>>, vector<1x16xf32>,
    }
    %scan3A_4 = arith.constant 80 : i32
    %mul3A_5 = arith.constant 640 : i32
    %mul3A_6 = arith.muli %arg1, %mul3A_5 : i32
    %add3A_7 = arith.constant 0 : i32
    %add3A_8 = arith.addi %mul3A_6, %add3A_7 : i32
    "tpu.region"() ({
      %run_scoped3A_197 = tpu.sem_alloc : memref<!tpu.dma_semaphore, #tpu.memory_space<semaphore_mem>>
      %dma_start3A_198 = arith.constant 0 : i32
      %dma_start3A_199 = arith.constant 0 : i32
      %dma_start3A_200 = tpu.memref_slice %arg12[%dma_start3A_198, %dma_start3A_199] : memref<80x128xf32, #tpu.memory_space<vmem>> -> memref<80x128xf32, #tpu.memory_space<vmem>>
      %dma_start3A_201 = arith.constant 0 : i32
      %dma_start3A_202 = tpu.memref_slice %arg16[%add3A_8, %dma_start3A_201] : memref<10240x128xf32, #tpu.memory_space<vmem_shared>> -> memref<80x128xf32, #tpu.memory_space<vmem_shared>>
      %dma_start3A_203 = arith.constant 0 : i32
      %dma_start3A_204 = tpu.memref_slice %arg16[%add3A_8, %dma_start3A_203] : memref<10240x128xf32, #tpu.memory_space<vmem_shared>> -> memref<80x128xf32, #tpu.memory_space<vmem_shared>>
      %dma_start3A_205 = arith.constant 0 : i32
      %dma_start3A_206 = arith.constant 0 : i32
      %dma_start3A_207 = tpu.memref_slice %arg12[%dma_start3A_205, %dma_start3A_206] : memref<80x128xf32, #tpu.memory_space<vmem>> -> memref<80x128xf32, #tpu.memory_space<vmem>>
      tpu.enqueue_dma source(%dma_start3A_207 : memref<80x128xf32, #tpu.memory_space<vmem>>) target(%dma_start3A_204 : memref<80x128xf32, #tpu.memory_space<vmem_shared>>) target_semaphore(%run_scoped3A_197 : memref<!tpu.dma_semaphore, #tpu.memory_space<semaphore_mem>>)
      %dma_wait3A_208 = arith.constant 0 : i32
      %dma_wait3A_209 = arith.constant 0 : i32
      %dma_wait3A_210 = tpu.memref_slice %arg12[%dma_wait3A_208, %dma_wait3A_209] : memref<80x128xf32, #tpu.memory_space<vmem>> -> memref<80x128xf32, #tpu.memory_space<vmem>>
      %dma_wait3A_211 = arith.constant 0 : i32
      %dma_wait3A_212 = tpu.memref_slice %arg16[%add3A_8, %dma_wait3A_211] : memref<10240x128xf32, #tpu.memory_space<vmem_shared>> -> memref<80x128xf32, #tpu.memory_space<vmem_shared>>
      %dma_wait3A_213 = arith.constant 0 : i32
      %dma_wait3A_214 = tpu.memref_slice %arg16[%add3A_8, %dma_wait3A_213] : memref<10240x128xf32, #tpu.memory_space<vmem_shared>> -> memref<80x128xf32, #tpu.memory_space<vmem_shared>>
      %dma_wait3A_215 = arith.constant 0 : i32
      %dma_wait3A_216 = arith.constant 0 : i32
      %dma_wait3A_217 = tpu.memref_slice %arg12[%dma_wait3A_215, %dma_wait3A_216] : memref<80x128xf32, #tpu.memory_space<vmem>> -> memref<80x128xf32, #tpu.memory_space<vmem>>
      tpu.wait_dma2 semaphore(%run_scoped3A_197 : memref<!tpu.dma_semaphore, #tpu.memory_space<semaphore_mem>>) src(%dma_wait3A_217 : memref<80x128xf32, #tpu.memory_space<vmem>>) dst(%dma_wait3A_214 : memref<80x128xf32, #tpu.memory_space<vmem_shared>>)
      tpu.yield
    }) : () -> ()
    %mul3A_9 = arith.constant 640 : i32
    %mul3A_10 = arith.muli %arg1, %mul3A_9 : i32
    %add3A_11 = arith.constant 80 : i32
    %add3A_12 = arith.addi %mul3A_10, %add3A_11 : i32
    "tpu.region"() ({
      %run_scoped3A_197 = tpu.sem_alloc : memref<!tpu.dma_semaphore, #tpu.memory_space<semaphore_mem>>
      %dma_start3A_198 = arith.constant 0 : i32
      %dma_start3A_199 = arith.constant 0 : i32
      %dma_start3A_200 = tpu.memref_slice %arg12[%dma_start3A_198, %dma_start3A_199] : memref<80x128xf32, #tpu.memory_space<vmem>> -> memref<80x128xf32, #tpu.memory_space<vmem>>
      %dma_start3A_201 = arith.constant 0 : i32
      %dma_start3A_202 = tpu.memref_slice %arg16[%add3A_12, %dma_start3A_201] : memref<10240x128xf32, #tpu.memory_space<vmem_shared>> -> memref<80x128xf32, #tpu.memory_space<vmem_shared>>
      %dma_start3A_203 = arith.constant 0 : i32
      %dma_start3A_204 = tpu.memref_slice %arg16[%add3A_12, %dma_start3A_203] : memref<10240x128xf32, #tpu.memory_space<vmem_shared>> -> memref<80x128xf32, #tpu.memory_space<vmem_shared>>
      %dma_start3A_205 = arith.constant 0 : i32
      %dma_start3A_206 = arith.constant 0 : i32
      %dma_start3A_207 = tpu.memref_slice %arg12[%dma_start3A_205, %dma_start3A_206] : memref<80x128xf32, #tpu.memory_space<vmem>> -> memref<80x128xf32, #tpu.memory_space<vmem>>
      tpu.enqueue_dma source(%dma_start3A_207 : memref<80x128xf32, #tpu.memory_space<vmem>>) target(%dma_start3A_204 : memref<80x128xf32, #tpu.memory_space<vmem_shared>>) target_semaphore(%run_scoped3A_197 : memref<!tpu.dma_semaphore, #tpu.memory_space<semaphore_mem>>)
      %dma_wait3A_208 = arith.constant 0 : i32
      %dma_wait3A_209 = arith.constant 0 : i32
      %dma_wait3A_210 = tpu.memref_slice %arg12[%dma_wait3A_208, %dma_wait3A_209] : memref<80x128xf32, #tpu.memory_space<vmem>> -> memref<80x128xf32, #tpu.memory_space<vmem>>
      %dma_wait3A_211 = arith.constant 0 : i32
      %dma_wait3A_212 = tpu.memref_slice %arg16[%add3A_12, %dma_wait3A_211] : memref<10240x128xf32, #tpu.memory_space<vmem_shared>> -> memref<80x128xf32, #tpu.memory_space<vmem_shared>>
      %dma_wait3A_213 = arith.constant 0 : i32
      %dma_wait3A_214 = tpu.memref_slice %arg16[%add3A_12, %dma_wait3A_213] : memref<10240x128xf32, #tpu.memory_space<vmem_shared>> -> memref<80x128xf32, #tpu.memory_space<vmem_shared>>
      %dma_wait3A_215 = arith.constant 0 : i32
      %dma_wait3A_216 = arith.constant 0 : i32
      %dma_wait3A_217 = tpu.memref_slice %arg12[%dma_wait3A_215, %dma_wait3A_216] : memref<80x128xf32, #tpu.memory_space<vmem>> -> memref<80x128xf32, #tpu.memory_space<vmem>>
      tpu.wait_dma2 semaphore(%run_scoped3A_197 : memref<!tpu.dma_semaphore, #tpu.memory_space<semaphore_mem>>) src(%dma_wait3A_217 : memref<80x128xf32, #tpu.memory_space<vmem>>) dst(%dma_wait3A_214 : memref<80x128xf32, #tpu.memory_space<vmem_shared>>)
      tpu.yield
    }) : () -> ()
    %mul3A_13 = arith.constant 640 : i32
    %mul3A_14 = arith.muli %arg1, %mul3A_13 : i32
    %add3A_15 = arith.constant 160 : i32
    %add3A_16 = arith.addi %mul3A_14, %add3A_15 : i32
    "tpu.region"() ({
      %run_scoped3A_197 = tpu.sem_alloc : memref<!tpu.dma_semaphore, #tpu.memory_space<semaphore_mem>>
      %dma_start3A_198 = arith.constant 0 : i32
      %dma_start3A_199 = arith.constant 0 : i32
      %dma_start3A_200 = tpu.memref_slice %arg12[%dma_start3A_198, %dma_start3A_199] : memref<80x128xf32, #tpu.memory_space<vmem>> -> memref<80x128xf32, #tpu.memory_space<vmem>>
      %dma_start3A_201 = arith.constant 0 : i32
      %dma_start3A_202 = tpu.memref_slice %arg16[%add3A_16, %dma_start3A_201] : memref<10240x128xf32, #tpu.memory_space<vmem_shared>> -> memref<80x128xf32, #tpu.memory_space<vmem_shared>>
      %dma_start3A_203 = arith.constant 0 : i32
      %dma_start3A_204 = tpu.memref_slice %arg16[%add3A_16, %dma_start3A_203] : memref<10240x128xf32, #tpu.memory_space<vmem_shared>> -> memref<80x128xf32, #tpu.memory_space<vmem_shared>>
      %dma_start3A_205 = arith.constant 0 : i32
      %dma_start3A_206 = arith.constant 0 : i32
      %dma_start3A_207 = tpu.memref_slice %arg12[%dma_start3A_205, %dma_start3A_206] : memref<80x128xf32, #tpu.memory_space<vmem>> -> memref<80x128xf32, #tpu.memory_space<vmem>>
      tpu.enqueue_dma source(%dma_start3A_207 : memref<80x128xf32, #tpu.memory_space<vmem>>) target(%dma_start3A_204 : memref<80x128xf32, #tpu.memory_space<vmem_shared>>) target_semaphore(%run_scoped3A_197 : memref<!tpu.dma_semaphore, #tpu.memory_space<semaphore_mem>>)
      %dma_wait3A_208 = arith.constant 0 : i32
      %dma_wait3A_209 = arith.constant 0 : i32
      %dma_wait3A_210 = tpu.memref_slice %arg12[%dma_wait3A_208, %dma_wait3A_209] : memref<80x128xf32, #tpu.memory_space<vmem>> -> memref<80x128xf32, #tpu.memory_space<vmem>>
      %dma_wait3A_211 = arith.constant 0 : i32
      %dma_wait3A_212 = tpu.memref_slice %arg16[%add3A_16, %dma_wait3A_211] : memref<10240x128xf32, #tpu.memory_space<vmem_shared>> -> memref<80x128xf32, #tpu.memory_space<vmem_shared>>
      %dma_wait3A_213 = arith.constant 0 : i32
      %dma_wait3A_214 = tpu.memref_slice %arg16[%add3A_16, %dma_wait3A_213] : memref<10240x128xf32, #tpu.memory_space<vmem_shared>> -> memref<80x128xf32, #tpu.memory_space<vmem_shared>>
      %dma_wait3A_215 = arith.constant 0 : i32
      %dma_wait3A_216 = arith.constant 0 : i32
      %dma_wait3A_217 = tpu.memref_slice %arg12[%dma_wait3A_215, %dma_wait3A_216] : memref<80x128xf32, #tpu.memory_space<vmem>> -> memref<80x128xf32, #tpu.memory_space<vmem>>
      tpu.wait_dma2 semaphore(%run_scoped3A_197 : memref<!tpu.dma_semaphore, #tpu.memory_space<semaphore_mem>>) src(%dma_wait3A_217 : memref<80x128xf32, #tpu.memory_space<vmem>>) dst(%dma_wait3A_214 : memref<80x128xf32, #tpu.memory_space<vmem_shared>>)
      tpu.yield
    }) : () -> ()
    %mul3A_17 = arith.constant 640 : i32
    %mul3A_18 = arith.muli %arg1, %mul3A_17 : i32
    %add3A_19 = arith.constant 240 : i32
    %add3A_20 = arith.addi %mul3A_18, %add3A_19 : i32
    "tpu.region"() ({
      %run_scoped3A_197 = tpu.sem_alloc : memref<!tpu.dma_semaphore, #tpu.memory_space<semaphore_mem>>
      %dma_start3A_198 = arith.constant 0 : i32
      %dma_start3A_199 = arith.constant 0 : i32
      %dma_start3A_200 = tpu.memref_slice %arg12[%dma_start3A_198, %dma_start3A_199] : memref<80x128xf32, #tpu.memory_space<vmem>> -> memref<80x128xf32, #tpu.memory_space<vmem>>
      %dma_start3A_201 = arith.constant 0 : i32
      %dma_start3A_202 = tpu.memref_slice %arg16[%add3A_20, %dma_start3A_201] : memref<10240x128xf32, #tpu.memory_space<vmem_shared>> -> memref<80x128xf32, #tpu.memory_space<vmem_shared>>
      %dma_start3A_203 = arith.constant 0 : i32
      %dma_start3A_204 = tpu.memref_slice %arg16[%add3A_20, %dma_start3A_203] : memref<10240x128xf32, #tpu.memory_space<vmem_shared>> -> memref<80x128xf32, #tpu.memory_space<vmem_shared>>
      %dma_start3A_205 = arith.constant 0 : i32
      %dma_start3A_206 = arith.constant 0 : i32
      %dma_start3A_207 = tpu.memref_slice %arg12[%dma_start3A_205, %dma_start3A_206] : memref<80x128xf32, #tpu.memory_space<vmem>> -> memref<80x128xf32, #tpu.memory_space<vmem>>
      tpu.enqueue_dma source(%dma_start3A_207 : memref<80x128xf32, #tpu.memory_space<vmem>>) target(%dma_start3A_204 : memref<80x128xf32, #tpu.memory_space<vmem_shared>>) target_semaphore(%run_scoped3A_197 : memref<!tpu.dma_semaphore, #tpu.memory_space<semaphore_mem>>)
      %dma_wait3A_208 = arith.constant 0 : i32
      %dma_wait3A_209 = arith.constant 0 : i32
      %dma_wait3A_210 = tpu.memref_slice %arg12[%dma_wait3A_208, %dma_wait3A_209] : memref<80x128xf32, #tpu.memory_space<vmem>> -> memref<80x128xf32, #tpu.memory_space<vmem>>
      %dma_wait3A_211 = arith.constant 0 : i32
      %dma_wait3A_212 = tpu.memref_slice %arg16[%add3A_20, %dma_wait3A_211] : memref<10240x128xf32, #tpu.memory_space<vmem_shared>> -> memref<80x128xf32, #tpu.memory_space<vmem_shared>>
      %dma_wait3A_213 = arith.constant 0 : i32
      %dma_wait3A_214 = tpu.memref_slice %arg16[%add3A_20, %dma_wait3A_213] : memref<10240x128xf32, #tpu.memory_space<vmem_shared>> -> memref<80x128xf32, #tpu.memory_space<vmem_shared>>
      %dma_wait3A_215 = arith.constant 0 : i32
      %dma_wait3A_216 = arith.constant 0 : i32
      %dma_wait3A_217 = tpu.memref_slice %arg12[%dma_wait3A_215, %dma_wait3A_216] : memref<80x128xf32, #tpu.memory_space<vmem>> -> memref<80x128xf32, #tpu.memory_space<vmem>>
      tpu.wait_dma2 semaphore(%run_scoped3A_197 : memref<!tpu.dma_semaphore, #tpu.memory_space<semaphore_mem>>) src(%dma_wait3A_217 : memref<80x128xf32, #tpu.memory_space<vmem>>) dst(%dma_wait3A_214 : memref<80x128xf32, #tpu.memory_space<vmem_shared>>)
      tpu.yield
    }) : () -> ()
    %mul3A_21 = arith.constant 640 : i32
    %mul3A_22 = arith.muli %arg1, %mul3A_21 : i32
    %add3A_23 = arith.constant 320 : i32
    %add3A_24 = arith.addi %mul3A_22, %add3A_23 : i32
    "tpu.region"() ({
      %run_scoped3A_197 = tpu.sem_alloc : memref<!tpu.dma_semaphore, #tpu.memory_space<semaphore_mem>>
      %dma_start3A_198 = arith.constant 0 : i32
      %dma_start3A_199 = arith.constant 0 : i32
      %dma_start3A_200 = tpu.memref_slice %arg12[%dma_start3A_198, %dma_start3A_199] : memref<80x128xf32, #tpu.memory_space<vmem>> -> memref<80x128xf32, #tpu.memory_space<vmem>>
      %dma_start3A_201 = arith.constant 0 : i32
      %dma_start3A_202 = tpu.memref_slice %arg16[%add3A_24, %dma_start3A_201] : memref<10240x128xf32, #tpu.memory_space<vmem_shared>> -> memref<80x128xf32, #tpu.memory_space<vmem_shared>>
      %dma_start3A_203 = arith.constant 0 : i32
      %dma_start3A_204 = tpu.memref_slice %arg16[%add3A_24, %dma_start3A_203] : memref<10240x128xf32, #tpu.memory_space<vmem_shared>> -> memref<80x128xf32, #tpu.memory_space<vmem_shared>>
      %dma_start3A_205 = arith.constant 0 : i32
      %dma_start3A_206 = arith.constant 0 : i32
      %dma_start3A_207 = tpu.memref_slice %arg12[%dma_start3A_205, %dma_start3A_206] : memref<80x128xf32, #tpu.memory_space<vmem>> -> memref<80x128xf32, #tpu.memory_space<vmem>>
      tpu.enqueue_dma source(%dma_start3A_207 : memref<80x128xf32, #tpu.memory_space<vmem>>) target(%dma_start3A_204 : memref<80x128xf32, #tpu.memory_space<vmem_shared>>) target_semaphore(%run_scoped3A_197 : memref<!tpu.dma_semaphore, #tpu.memory_space<semaphore_mem>>)
      %dma_wait3A_208 = arith.constant 0 : i32
      %dma_wait3A_209 = arith.constant 0 : i32
      %dma_wait3A_210 = tpu.memref_slice %arg12[%dma_wait3A_208, %dma_wait3A_209] : memref<80x128xf32, #tpu.memory_space<vmem>> -> memref<80x128xf32, #tpu.memory_space<vmem>>
      %dma_wait3A_211 = arith.constant 0 : i32
      %dma_wait3A_212 = tpu.memref_slice %arg16[%add3A_24, %dma_wait3A_211] : memref<10240x128xf32, #tpu.memory_space<vmem_shared>> -> memref<80x128xf32, #tpu.memory_space<vmem_shared>>
      %dma_wait3A_213 = arith.constant 0 : i32
      %dma_wait3A_214 = tpu.memref_slice %arg16[%add3A_24, %dma_wait3A_213] : memref<10240x128xf32, #tpu.memory_space<vmem_shared>> -> memref<80x128xf32, #tpu.memory_space<vmem_shared>>
      %dma_wait3A_215 = arith.constant 0 : i32
      %dma_wait3A_216 = arith.constant 0 : i32
      %dma_wait3A_217 = tpu.memref_slice %arg12[%dma_wait3A_215, %dma_wait3A_216] : memref<80x128xf32, #tpu.memory_space<vmem>> -> memref<80x128xf32, #tpu.memory_space<vmem>>
      tpu.wait_dma2 semaphore(%run_scoped3A_197 : memref<!tpu.dma_semaphore, #tpu.memory_space<semaphore_mem>>) src(%dma_wait3A_217 : memref<80x128xf32, #tpu.memory_space<vmem>>) dst(%dma_wait3A_214 : memref<80x128xf32, #tpu.memory_space<vmem_shared>>)
      tpu.yield
    }) : () -> ()
    %mul3A_25 = arith.constant 640 : i32
    %mul3A_26 = arith.muli %arg1, %mul3A_25 : i32
    %add3A_27 = arith.constant 400 : i32
    %add3A_28 = arith.addi %mul3A_26, %add3A_27 : i32
    "tpu.region"() ({
      %run_scoped3A_197 = tpu.sem_alloc : memref<!tpu.dma_semaphore, #tpu.memory_space<semaphore_mem>>
      %dma_start3A_198 = arith.constant 0 : i32
      %dma_start3A_199 = arith.constant 0 : i32
      %dma_start3A_200 = tpu.memref_slice %arg12[%dma_start3A_198, %dma_start3A_199] : memref<80x128xf32, #tpu.memory_space<vmem>> -> memref<80x128xf32, #tpu.memory_space<vmem>>
      %dma_start3A_201 = arith.constant 0 : i32
      %dma_start3A_202 = tpu.memref_slice %arg16[%add3A_28, %dma_start3A_201] : memref<10240x128xf32, #tpu.memory_space<vmem_shared>> -> memref<80x128xf32, #tpu.memory_space<vmem_shared>>
      %dma_start3A_203 = arith.constant 0 : i32
      %dma_start3A_204 = tpu.memref_slice %arg16[%add3A_28, %dma_start3A_203] : memref<10240x128xf32, #tpu.memory_space<vmem_shared>> -> memref<80x128xf32, #tpu.memory_space<vmem_shared>>
      %dma_start3A_205 = arith.constant 0 : i32
      %dma_start3A_206 = arith.constant 0 : i32
      %dma_start3A_207 = tpu.memref_slice %arg12[%dma_start3A_205, %dma_start3A_206] : memref<80x128xf32, #tpu.memory_space<vmem>> -> memref<80x128xf32, #tpu.memory_space<vmem>>
      tpu.enqueue_dma source(%dma_start3A_207 : memref<80x128xf32, #tpu.memory_space<vmem>>) target(%dma_start3A_204 : memref<80x128xf32, #tpu.memory_space<vmem_shared>>) target_semaphore(%run_scoped3A_197 : memref<!tpu.dma_semaphore, #tpu.memory_space<semaphore_mem>>)
      %dma_wait3A_208 = arith.constant 0 : i32
      %dma_wait3A_209 = arith.constant 0 : i32
      %dma_wait3A_210 = tpu.memref_slice %arg12[%dma_wait3A_208, %dma_wait3A_209] : memref<80x128xf32, #tpu.memory_space<vmem>> -> memref<80x128xf32, #tpu.memory_space<vmem>>
      %dma_wait3A_211 = arith.constant 0 : i32
      %dma_wait3A_212 = tpu.memref_slice %arg16[%add3A_28, %dma_wait3A_211] : memref<10240x128xf32, #tpu.memory_space<vmem_shared>> -> memref<80x128xf32, #tpu.memory_space<vmem_shared>>
      %dma_wait3A_213 = arith.constant 0 : i32
      %dma_wait3A_214 = tpu.memref_slice %arg16[%add3A_28, %dma_wait3A_213] : memref<10240x128xf32, #tpu.memory_space<vmem_shared>> -> memref<80x128xf32, #tpu.memory_space<vmem_shared>>
      %dma_wait3A_215 = arith.constant 0 : i32
      %dma_wait3A_216 = arith.constant 0 : i32
      %dma_wait3A_217 = tpu.memref_slice %arg12[%dma_wait3A_215, %dma_wait3A_216] : memref<80x128xf32, #tpu.memory_space<vmem>> -> memref<80x128xf32, #tpu.memory_space<vmem>>
      tpu.wait_dma2 semaphore(%run_scoped3A_197 : memref<!tpu.dma_semaphore, #tpu.memory_space<semaphore_mem>>) src(%dma_wait3A_217 : memref<80x128xf32, #tpu.memory_space<vmem>>) dst(%dma_wait3A_214 : memref<80x128xf32, #tpu.memory_space<vmem_shared>>)
      tpu.yield
    }) : () -> ()
    %mul3A_29 = arith.constant 640 : i32
    %mul3A_30 = arith.muli %arg1, %mul3A_29 : i32
    %add3A_31 = arith.constant 480 : i32
    %add3A_32 = arith.addi %mul3A_30, %add3A_31 : i32
    "tpu.region"() ({
      %run_scoped3A_197 = tpu.sem_alloc : memref<!tpu.dma_semaphore, #tpu.memory_space<semaphore_mem>>
      %dma_start3A_198 = arith.constant 0 : i32
      %dma_start3A_199 = arith.constant 0 : i32
      %dma_start3A_200 = tpu.memref_slice %arg12[%dma_start3A_198, %dma_start3A_199] : memref<80x128xf32, #tpu.memory_space<vmem>> -> memref<80x128xf32, #tpu.memory_space<vmem>>
      %dma_start3A_201 = arith.constant 0 : i32
      %dma_start3A_202 = tpu.memref_slice %arg16[%add3A_32, %dma_start3A_201] : memref<10240x128xf32, #tpu.memory_space<vmem_shared>> -> memref<80x128xf32, #tpu.memory_space<vmem_shared>>
      %dma_start3A_203 = arith.constant 0 : i32
      %dma_start3A_204 = tpu.memref_slice %arg16[%add3A_32, %dma_start3A_203] : memref<10240x128xf32, #tpu.memory_space<vmem_shared>> -> memref<80x128xf32, #tpu.memory_space<vmem_shared>>
      %dma_start3A_205 = arith.constant 0 : i32
      %dma_start3A_206 = arith.constant 0 : i32
      %dma_start3A_207 = tpu.memref_slice %arg12[%dma_start3A_205, %dma_start3A_206] : memref<80x128xf32, #tpu.memory_space<vmem>> -> memref<80x128xf32, #tpu.memory_space<vmem>>
      tpu.enqueue_dma source(%dma_start3A_207 : memref<80x128xf32, #tpu.memory_space<vmem>>) target(%dma_start3A_204 : memref<80x128xf32, #tpu.memory_space<vmem_shared>>) target_semaphore(%run_scoped3A_197 : memref<!tpu.dma_semaphore, #tpu.memory_space<semaphore_mem>>)
      %dma_wait3A_208 = arith.constant 0 : i32
      %dma_wait3A_209 = arith.constant 0 : i32
      %dma_wait3A_210 = tpu.memref_slice %arg12[%dma_wait3A_208, %dma_wait3A_209] : memref<80x128xf32, #tpu.memory_space<vmem>> -> memref<80x128xf32, #tpu.memory_space<vmem>>
      %dma_wait3A_211 = arith.constant 0 : i32
      %dma_wait3A_212 = tpu.memref_slice %arg16[%add3A_32, %dma_wait3A_211] : memref<10240x128xf32, #tpu.memory_space<vmem_shared>> -> memref<80x128xf32, #tpu.memory_space<vmem_shared>>
      %dma_wait3A_213 = arith.constant 0 : i32
      %dma_wait3A_214 = tpu.memref_slice %arg16[%add3A_32, %dma_wait3A_213] : memref<10240x128xf32, #tpu.memory_space<vmem_shared>> -> memref<80x128xf32, #tpu.memory_space<vmem_shared>>
      %dma_wait3A_215 = arith.constant 0 : i32
      %dma_wait3A_216 = arith.constant 0 : i32
      %dma_wait3A_217 = tpu.memref_slice %arg12[%dma_wait3A_215, %dma_wait3A_216] : memref<80x128xf32, #tpu.memory_space<vmem>> -> memref<80x128xf32, #tpu.memory_space<vmem>>
      tpu.wait_dma2 semaphore(%run_scoped3A_197 : memref<!tpu.dma_semaphore, #tpu.memory_space<semaphore_mem>>) src(%dma_wait3A_217 : memref<80x128xf32, #tpu.memory_space<vmem>>) dst(%dma_wait3A_214 : memref<80x128xf32, #tpu.memory_space<vmem_shared>>)
      tpu.yield
    }) : () -> ()
    %mul3A_33 = arith.constant 640 : i32
    %mul3A_34 = arith.muli %arg1, %mul3A_33 : i32
    %add3A_35 = arith.constant 560 : i32
    %add3A_36 = arith.addi %mul3A_34, %add3A_35 : i32
    "tpu.region"() ({
      %run_scoped3A_197 = tpu.sem_alloc : memref<!tpu.dma_semaphore, #tpu.memory_space<semaphore_mem>>
      %dma_start3A_198 = arith.constant 0 : i32
      %dma_start3A_199 = arith.constant 0 : i32
      %dma_start3A_200 = tpu.memref_slice %arg12[%dma_start3A_198, %dma_start3A_199] : memref<80x128xf32, #tpu.memory_space<vmem>> -> memref<80x128xf32, #tpu.memory_space<vmem>>
      %dma_start3A_201 = arith.constant 0 : i32
      %dma_start3A_202 = tpu.memref_slice %arg16[%add3A_36, %dma_start3A_201] : memref<10240x128xf32, #tpu.memory_space<vmem_shared>> -> memref<80x128xf32, #tpu.memory_space<vmem_shared>>
      %dma_start3A_203 = arith.constant 0 : i32
      %dma_start3A_204 = tpu.memref_slice %arg16[%add3A_36, %dma_start3A_203] : memref<10240x128xf32, #tpu.memory_space<vmem_shared>> -> memref<80x128xf32, #tpu.memory_space<vmem_shared>>
      %dma_start3A_205 = arith.constant 0 : i32
      %dma_start3A_206 = arith.constant 0 : i32
      %dma_start3A_207 = tpu.memref_slice %arg12[%dma_start3A_205, %dma_start3A_206] : memref<80x128xf32, #tpu.memory_space<vmem>> -> memref<80x128xf32, #tpu.memory_space<vmem>>
      tpu.enqueue_dma source(%dma_start3A_207 : memref<80x128xf32, #tpu.memory_space<vmem>>) target(%dma_start3A_204 : memref<80x128xf32, #tpu.memory_space<vmem_shared>>) target_semaphore(%run_scoped3A_197 : memref<!tpu.dma_semaphore, #tpu.memory_space<semaphore_mem>>)
      %dma_wait3A_208 = arith.constant 0 : i32
      %dma_wait3A_209 = arith.constant 0 : i32
      %dma_wait3A_210 = tpu.memref_slice %arg12[%dma_wait3A_208, %dma_wait3A_209] : memref<80x128xf32, #tpu.memory_space<vmem>> -> memref<80x128xf32, #tpu.memory_space<vmem>>
      %dma_wait3A_211 = arith.constant 0 : i32
      %dma_wait3A_212 = tpu.memref_slice %arg16[%add3A_36, %dma_wait3A_211] : memref<10240x128xf32, #tpu.memory_space<vmem_shared>> -> memref<80x128xf32, #tpu.memory_space<vmem_shared>>
      %dma_wait3A_213 = arith.constant 0 : i32
      %dma_wait3A_214 = tpu.memref_slice %arg16[%add3A_36, %dma_wait3A_213] : memref<10240x128xf32, #tpu.memory_space<vmem_shared>> -> memref<80x128xf32, #tpu.memory_space<vmem_shared>>
      %dma_wait3A_215 = arith.constant 0 : i32
      %dma_wait3A_216 = arith.constant 0 : i32
      %dma_wait3A_217 = tpu.memref_slice %arg12[%dma_wait3A_215, %dma_wait3A_216] : memref<80x128xf32, #tpu.memory_space<vmem>> -> memref<80x128xf32, #tpu.memory_space<vmem>>
      tpu.wait_dma2 semaphore(%run_scoped3A_197 : memref<!tpu.dma_semaphore, #tpu.memory_space<semaphore_mem>>) src(%dma_wait3A_217 : memref<80x128xf32, #tpu.memory_space<vmem>>) dst(%dma_wait3A_214 : memref<80x128xf32, #tpu.memory_space<vmem_shared>>)
      tpu.yield
    }) : () -> ()
    %barrier3A = arith.constant 0 : index
    tpu.barrier barrier_id(%barrier3A)
    %iota3A = tpu.iota {dimensions = array<i32: 0>} : vector<16xi32>
    %xor3A = arith.constant 1 : i32
    %xor3A_37 = vector.broadcast %xor3A : i32 to vector<16xi32>
    %xor3A_38 = arith.xori %iota3A, %xor3A_37 : vector<16xi32>
    %xor3A_39 = arith.constant 2 : i32
    %xor3A_40 = vector.broadcast %xor3A_39 : i32 to vector<16xi32>
    %xor3A_41 = arith.xori %iota3A, %xor3A_40 : vector<16xi32>
    %xor3A_42 = arith.constant 4 : i32
    %xor3A_43 = vector.broadcast %xor3A_42 : i32 to vector<16xi32>
    %xor3A_44 = arith.xori %iota3A, %xor3A_43 : vector<16xi32>
    %get3A = arith.constant 0 : index
    %get3A_45 = tpu.vector_load %arg15[%get3A] {strides = array<i32>} : memref<256xf32, #tpu.memory_space<vmem>>, vector<16xf32>,
    %get3A_46 = vector.shape_cast %get3A_45 : vector<16xf32> to vector<16xf32>
    %get3A_47 = arith.constant 16 : index
    %get3A_48 = tpu.vector_load %arg15[%get3A_47] {strides = array<i32>} : memref<256xf32, #tpu.memory_space<vmem>>, vector<16xf32>,
    %get3A_49 = vector.shape_cast %get3A_48 : vector<16xf32> to vector<16xf32>
    %get3A_50 = arith.constant 32 : index
    %get3A_51 = tpu.vector_load %arg15[%get3A_50] {strides = array<i32>} : memref<256xf32, #tpu.memory_space<vmem>>, vector<16xf32>,
    %get3A_52 = vector.shape_cast %get3A_51 : vector<16xf32> to vector<16xf32>
    %get3A_53 = arith.constant 48 : index
    %get3A_54 = tpu.vector_load %arg15[%get3A_53] {strides = array<i32>} : memref<256xf32, #tpu.memory_space<vmem>>, vector<16xf32>,
    %get3A_55 = vector.shape_cast %get3A_54 : vector<16xf32> to vector<16xf32>
    %get3A_56 = arith.constant 64 : index
    %get3A_57 = tpu.vector_load %arg15[%get3A_56] {strides = array<i32>} : memref<256xf32, #tpu.memory_space<vmem>>, vector<16xf32>,
    %get3A_58 = vector.shape_cast %get3A_57 : vector<16xf32> to vector<16xf32>
    %get3A_59 = arith.constant 80 : index
    %get3A_60 = tpu.vector_load %arg15[%get3A_59] {strides = array<i32>} : memref<256xf32, #tpu.memory_space<vmem>>, vector<16xf32>,
    %get3A_61 = vector.shape_cast %get3A_60 : vector<16xf32> to vector<16xf32>
    %get3A_62 = arith.constant 96 : index
    %get3A_63 = tpu.vector_load %arg15[%get3A_62] {strides = array<i32>} : memref<256xf32, #tpu.memory_space<vmem>>, vector<16xf32>,
    %get3A_64 = vector.shape_cast %get3A_63 : vector<16xf32> to vector<16xf32>
    %get3A_65 = arith.constant 112 : index
    %get3A_66 = tpu.vector_load %arg15[%get3A_65] {strides = array<i32>} : memref<256xf32, #tpu.memory_space<vmem>>, vector<16xf32>,
    %get3A_67 = vector.shape_cast %get3A_66 : vector<16xf32> to vector<16xf32>
    %get3A_68 = arith.constant 128 : index
    %get3A_69 = tpu.vector_load %arg15[%get3A_68] {strides = array<i32>} : memref<256xf32, #tpu.memory_space<vmem>>, vector<16xf32>,
    %get3A_70 = vector.shape_cast %get3A_69 : vector<16xf32> to vector<16xf32>
    %get3A_71 = arith.constant 144 : index
    %get3A_72 = tpu.vector_load %arg15[%get3A_71] {strides = array<i32>} : memref<256xf32, #tpu.memory_space<vmem>>, vector<16xf32>,
    %get3A_73 = vector.shape_cast %get3A_72 : vector<16xf32> to vector<16xf32>
    %get3A_74 = arith.constant 160 : index
    %get3A_75 = tpu.vector_load %arg15[%get3A_74] {strides = array<i32>} : memref<256xf32, #tpu.memory_space<vmem>>, vector<16xf32>,
    %get3A_76 = vector.shape_cast %get3A_75 : vector<16xf32> to vector<16xf32>
    %get3A_77 = arith.constant 176 : index
    %get3A_78 = tpu.vector_load %arg15[%get3A_77] {strides = array<i32>} : memref<256xf32, #tpu.memory_space<vmem>>, vector<16xf32>,
    %get3A_79 = vector.shape_cast %get3A_78 : vector<16xf32> to vector<16xf32>
    %run_scoped3A = arith.constant 0 : i32
    %run_scoped3A_80 = arith.constant 0 : i32
    "tpu.region"() ({
      %run_scoped3A_197 = tpu.sem_alloc : memref<!tpu.dma_semaphore, #tpu.memory_space<semaphore_mem>>
      %dma_start3A_198 = arith.constant 0 : i32
      %dma_start3A_199 = tpu.memref_slice %arg13[%run_scoped3A_80, %dma_start3A_198] : memref<6x40xi32, #tpu.memory_space<vmem>> -> memref<1x40xi32, #tpu.memory_space<vmem>>
      %dma_start3A_200 = tpu.memref_squeeze %dma_start3A_199 : memref<1x40xi32, #tpu.memory_space<vmem>> -> memref<40xi32, #tpu.memory_space<vmem>>
      %dma_start3A_201 = arith.constant 0 : i32
      %dma_start3A_202 = tpu.memref_slice %arg4[%add3A, %run_scoped3A, %dma_start3A_201] : memref<32x258x40xi32, #tpu.memory_space<hbm>> -> memref<1x1x40xi32, #tpu.memory_space<hbm>>
      %dma_start3A_203 = tpu.memref_squeeze %dma_start3A_202 : memref<1x1x40xi32, #tpu.memory_space<hbm>> -> memref<40xi32, #tpu.memory_space<hbm>>
      %dma_start3A_204 = arith.constant 0 : i32
      %dma_start3A_205 = tpu.memref_slice %arg13[%run_scoped3A_80, %dma_start3A_204] : memref<6x40xi32, #tpu.memory_space<vmem>> -> memref<1x40xi32, #tpu.memory_space<vmem>>
      %dma_start3A_206 = tpu.memref_squeeze %dma_start3A_205 : memref<1x40xi32, #tpu.memory_space<vmem>> -> memref<40xi32, #tpu.memory_space<vmem>>
      %dma_start3A_207 = arith.constant 0 : i32
      %dma_start3A_208 = tpu.memref_slice %arg4[%add3A, %run_scoped3A, %dma_start3A_207] : memref<32x258x40xi32, #tpu.memory_space<hbm>> -> memref<1x1x40xi32, #tpu.memory_space<hbm>>
      %dma_start3A_209 = tpu.memref_squeeze %dma_start3A_208 : memref<1x1x40xi32, #tpu.memory_space<hbm>> -> memref<40xi32, #tpu.memory_space<hbm>>
      tpu.enqueue_dma source(%dma_start3A_209 : memref<40xi32, #tpu.memory_space<hbm>>) target(%dma_start3A_206 : memref<40xi32, #tpu.memory_space<vmem>>) target_semaphore(%run_scoped3A_197 : memref<!tpu.dma_semaphore, #tpu.memory_space<semaphore_mem>>)
      %dma_wait3A_210 = arith.constant 0 : i32
      %dma_wait3A_211 = tpu.memref_slice %arg13[%run_scoped3A_80, %dma_wait3A_210] : memref<6x40xi32, #tpu.memory_space<vmem>> -> memref<1x40xi32, #tpu.memory_space<vmem>>
      %dma_wait3A_212 = tpu.memref_squeeze %dma_wait3A_211 : memref<1x40xi32, #tpu.memory_space<vmem>> -> memref<40xi32, #tpu.memory_space<vmem>>
      %dma_wait3A_213 = arith.constant 0 : i32
      %dma_wait3A_214 = tpu.memref_slice %arg4[%add3A, %run_scoped3A, %dma_wait3A_213] : memref<32x258x40xi32, #tpu.memory_space<hbm>> -> memref<1x1x40xi32, #tpu.memory_space<hbm>>
      %dma_wait3A_215 = tpu.memref_squeeze %dma_wait3A_214 : memref<1x1x40xi32, #tpu.memory_space<hbm>> -> memref<40xi32, #tpu.memory_space<hbm>>
      %dma_wait3A_216 = arith.constant 0 : i32
      %dma_wait3A_217 = tpu.memref_slice %arg13[%run_scoped3A_80, %dma_wait3A_216] : memref<6x40xi32, #tpu.memory_space<vmem>> -> memref<1x40xi32, #tpu.memory_space<vmem>>
      %dma_wait3A_218 = tpu.memref_squeeze %dma_wait3A_217 : memref<1x40xi32, #tpu.memory_space<vmem>> -> memref<40xi32, #tpu.memory_space<vmem>>
      %dma_wait3A_219 = arith.constant 0 : i32
      %dma_wait3A_220 = tpu.memref_slice %arg4[%add3A, %run_scoped3A, %dma_wait3A_219] : memref<32x258x40xi32, #tpu.memory_space<hbm>> -> memref<1x1x40xi32, #tpu.memory_space<hbm>>
      %dma_wait3A_221 = tpu.memref_squeeze %dma_wait3A_220 : memref<1x1x40xi32, #tpu.memory_space<hbm>> -> memref<40xi32, #tpu.memory_space<hbm>>
      tpu.wait_dma2 semaphore(%run_scoped3A_197 : memref<!tpu.dma_semaphore, #tpu.memory_space<semaphore_mem>>) src(%dma_wait3A_221 : memref<40xi32, #tpu.memory_space<hbm>>) dst(%dma_wait3A_218 : memref<40xi32, #tpu.memory_space<vmem>>)
      tpu.yield
    }) : () -> ()
    %run_scoped3A_81 = arith.constant 0 : i32
    %run_scoped3A_82 = arith.constant 0 : i32
    "tpu.region"() ({
      %run_scoped3A_197 = tpu.sem_alloc : memref<!tpu.dma_semaphore, #tpu.memory_space<semaphore_mem>>
      %dma_start3A_198 = arith.constant 0 : i32
      %dma_start3A_199 = tpu.memref_slice %arg14[%run_scoped3A_82, %dma_start3A_198] : memref<6x40xi32, #tpu.memory_space<vmem>> -> memref<1x40xi32, #tpu.memory_space<vmem>>
      %dma_start3A_200 = tpu.memref_squeeze %dma_start3A_199 : memref<1x40xi32, #tpu.memory_space<vmem>> -> memref<40xi32, #tpu.memory_space<vmem>>
      %dma_start3A_201 = arith.constant 0 : i32
      %dma_start3A_202 = tpu.memref_slice %arg5[%add3A, %run_scoped3A_81, %dma_start3A_201] : memref<32x258x40xi32, #tpu.memory_space<hbm>> -> memref<1x1x40xi32, #tpu.memory_space<hbm>>
      %dma_start3A_203 = tpu.memref_squeeze %dma_start3A_202 : memref<1x1x40xi32, #tpu.memory_space<hbm>> -> memref<40xi32, #tpu.memory_space<hbm>>
      %dma_start3A_204 = arith.constant 0 : i32
      %dma_start3A_205 = tpu.memref_slice %arg14[%run_scoped3A_82, %dma_start3A_204] : memref<6x40xi32, #tpu.memory_space<vmem>> -> memref<1x40xi32, #tpu.memory_space<vmem>>
      %dma_start3A_206 = tpu.memref_squeeze %dma_start3A_205 : memref<1x40xi32, #tpu.memory_space<vmem>> -> memref<40xi32, #tpu.memory_space<vmem>>
      %dma_start3A_207 = arith.constant 0 : i32
      %dma_start3A_208 = tpu.memref_slice %arg5[%add3A, %run_scoped3A_81, %dma_start3A_207] : memref<32x258x40xi32, #tpu.memory_space<hbm>> -> memref<1x1x40xi32, #tpu.memory_space<hbm>>
      %dma_start3A_209 = tpu.memref_squeeze %dma_start3A_208 : memref<1x1x40xi32, #tpu.memory_space<hbm>> -> memref<40xi32, #tpu.memory_space<hbm>>
      tpu.enqueue_dma source(%dma_start3A_209 : memref<40xi32, #tpu.memory_space<hbm>>) target(%dma_start3A_206 : memref<40xi32, #tpu.memory_space<vmem>>) target_semaphore(%run_scoped3A_197 : memref<!tpu.dma_semaphore, #tpu.memory_space<semaphore_mem>>)
      %dma_wait3A_210 = arith.constant 0 : i32
      %dma_wait3A_211 = tpu.memref_slice %arg14[%run_scoped3A_82, %dma_wait3A_210] : memref<6x40xi32, #tpu.memory_space<vmem>> -> memref<1x40xi32, #tpu.memory_space<vmem>>
      %dma_wait3A_212 = tpu.memref_squeeze %dma_wait3A_211 : memref<1x40xi32, #tpu.memory_space<vmem>> -> memref<40xi32, #tpu.memory_space<vmem>>
      %dma_wait3A_213 = arith.constant 0 : i32
      %dma_wait3A_214 = tpu.memref_slice %arg5[%add3A, %run_scoped3A_81, %dma_wait3A_213] : memref<32x258x40xi32, #tpu.memory_space<hbm>> -> memref<1x1x40xi32, #tpu.memory_space<hbm>>
      %dma_wait3A_215 = tpu.memref_squeeze %dma_wait3A_214 : memref<1x1x40xi32, #tpu.memory_space<hbm>> -> memref<40xi32, #tpu.memory_space<hbm>>
      %dma_wait3A_216 = arith.constant 0 : i32
      %dma_wait3A_217 = tpu.memref_slice %arg14[%run_scoped3A_82, %dma_wait3A_216] : memref<6x40xi32, #tpu.memory_space<vmem>> -> memref<1x40xi32, #tpu.memory_space<vmem>>
      %dma_wait3A_218 = tpu.memref_squeeze %dma_wait3A_217 : memref<1x40xi32, #tpu.memory_space<vmem>> -> memref<40xi32, #tpu.memory_space<vmem>>
      %dma_wait3A_219 = arith.constant 0 : i32
      %dma_wait3A_220 = tpu.memref_slice %arg5[%add3A, %run_scoped3A_81, %dma_wait3A_219] : memref<32x258x40xi32, #tpu.memory_space<hbm>> -> memref<1x1x40xi32, #tpu.memory_space<hbm>>
      %dma_wait3A_221 = tpu.memref_squeeze %dma_wait3A_220 : memref<1x1x40xi32, #tpu.memory_space<hbm>> -> memref<40xi32, #tpu.memory_space<hbm>>
      tpu.wait_dma2 semaphore(%run_scoped3A_197 : memref<!tpu.dma_semaphore, #tpu.memory_space<semaphore_mem>>) src(%dma_wait3A_221 : memref<40xi32, #tpu.memory_space<hbm>>) dst(%dma_wait3A_218 : memref<40xi32, #tpu.memory_space<vmem>>)
      tpu.yield
    }) : () -> ()
    %run_scoped3A_83 = arith.constant 1 : i32
    %run_scoped3A_84 = arith.constant 1 : i32
    "tpu.region"() ({
      %run_scoped3A_197 = tpu.sem_alloc : memref<!tpu.dma_semaphore, #tpu.memory_space<semaphore_mem>>
      %dma_start3A_198 = arith.constant 0 : i32
      %dma_start3A_199 = tpu.memref_slice %arg13[%run_scoped3A_84, %dma_start3A_198] : memref<6x40xi32, #tpu.memory_space<vmem>> -> memref<1x40xi32, #tpu.memory_space<vmem>>
      %dma_start3A_200 = tpu.memref_squeeze %dma_start3A_199 : memref<1x40xi32, #tpu.memory_space<vmem>> -> memref<40xi32, #tpu.memory_space<vmem>>
      %dma_start3A_201 = arith.constant 0 : i32
      %dma_start3A_202 = tpu.memref_slice %arg4[%add3A, %run_scoped3A_83, %dma_start3A_201] : memref<32x258x40xi32, #tpu.memory_space<hbm>> -> memref<1x1x40xi32, #tpu.memory_space<hbm>>
      %dma_start3A_203 = tpu.memref_squeeze %dma_start3A_202 : memref<1x1x40xi32, #tpu.memory_space<hbm>> -> memref<40xi32, #tpu.memory_space<hbm>>
      %dma_start3A_204 = arith.constant 0 : i32
      %dma_start3A_205 = tpu.memref_slice %arg13[%run_scoped3A_84, %dma_start3A_204] : memref<6x40xi32, #tpu.memory_space<vmem>> -> memref<1x40xi32, #tpu.memory_space<vmem>>
      %dma_start3A_206 = tpu.memref_squeeze %dma_start3A_205 : memref<1x40xi32, #tpu.memory_space<vmem>> -> memref<40xi32, #tpu.memory_space<vmem>>
      %dma_start3A_207 = arith.constant 0 : i32
      %dma_start3A_208 = tpu.memref_slice %arg4[%add3A, %run_scoped3A_83, %dma_start3A_207] : memref<32x258x40xi32, #tpu.memory_space<hbm>> -> memref<1x1x40xi32, #tpu.memory_space<hbm>>
      %dma_start3A_209 = tpu.memref_squeeze %dma_start3A_208 : memref<1x1x40xi32, #tpu.memory_space<hbm>> -> memref<40xi32, #tpu.memory_space<hbm>>
      tpu.enqueue_dma source(%dma_start3A_209 : memref<40xi32, #tpu.memory_space<hbm>>) target(%dma_start3A_206 : memref<40xi32, #tpu.memory_space<vmem>>) target_semaphore(%run_scoped3A_197 : memref<!tpu.dma_semaphore, #tpu.memory_space<semaphore_mem>>)
      %dma_wait3A_210 = arith.constant 0 : i32
      %dma_wait3A_211 = tpu.memref_slice %arg13[%run_scoped3A_84, %dma_wait3A_210] : memref<6x40xi32, #tpu.memory_space<vmem>> -> memref<1x40xi32, #tpu.memory_space<vmem>>
      %dma_wait3A_212 = tpu.memref_squeeze %dma_wait3A_211 : memref<1x40xi32, #tpu.memory_space<vmem>> -> memref<40xi32, #tpu.memory_space<vmem>>
      %dma_wait3A_213 = arith.constant 0 : i32
      %dma_wait3A_214 = tpu.memref_slice %arg4[%add3A, %run_scoped3A_83, %dma_wait3A_213] : memref<32x258x40xi32, #tpu.memory_space<hbm>> -> memref<1x1x40xi32, #tpu.memory_space<hbm>>
      %dma_wait3A_215 = tpu.memref_squeeze %dma_wait3A_214 : memref<1x1x40xi32, #tpu.memory_space<hbm>> -> memref<40xi32, #tpu.memory_space<hbm>>
      %dma_wait3A_216 = arith.constant 0 : i32
      %dma_wait3A_217 = tpu.memref_slice %arg13[%run_scoped3A_84, %dma_wait3A_216] : memref<6x40xi32, #tpu.memory_space<vmem>> -> memref<1x40xi32, #tpu.memory_space<vmem>>
      %dma_wait3A_218 = tpu.memref_squeeze %dma_wait3A_217 : memref<1x40xi32, #tpu.memory_space<vmem>> -> memref<40xi32, #tpu.memory_space<vmem>>
      %dma_wait3A_219 = arith.constant 0 : i32
      %dma_wait3A_220 = tpu.memref_slice %arg4[%add3A, %run_scoped3A_83, %dma_wait3A_219] : memref<32x258x40xi32, #tpu.memory_space<hbm>> -> memref<1x1x40xi32, #tpu.memory_space<hbm>>
      %dma_wait3A_221 = tpu.memref_squeeze %dma_wait3A_220 : memref<1x1x40xi32, #tpu.memory_space<hbm>> -> memref<40xi32, #tpu.memory_space<hbm>>
      tpu.wait_dma2 semaphore(%run_scoped3A_197 : memref<!tpu.dma_semaphore, #tpu.memory_space<semaphore_mem>>) src(%dma_wait3A_221 : memref<40xi32, #tpu.memory_space<hbm>>) dst(%dma_wait3A_218 : memref<40xi32, #tpu.memory_space<vmem>>)
      tpu.yield
    }) : () -> ()
    %run_scoped3A_85 = arith.constant 1 : i32
    %run_scoped3A_86 = arith.constant 1 : i32
    "tpu.region"() ({
      %run_scoped3A_197 = tpu.sem_alloc : memref<!tpu.dma_semaphore, #tpu.memory_space<semaphore_mem>>
      %dma_start3A_198 = arith.constant 0 : i32
      %dma_start3A_199 = tpu.memref_slice %arg14[%run_scoped3A_86, %dma_start3A_198] : memref<6x40xi32, #tpu.memory_space<vmem>> -> memref<1x40xi32, #tpu.memory_space<vmem>>
      %dma_start3A_200 = tpu.memref_squeeze %dma_start3A_199 : memref<1x40xi32, #tpu.memory_space<vmem>> -> memref<40xi32, #tpu.memory_space<vmem>>
      %dma_start3A_201 = arith.constant 0 : i32
      %dma_start3A_202 = tpu.memref_slice %arg5[%add3A, %run_scoped3A_85, %dma_start3A_201] : memref<32x258x40xi32, #tpu.memory_space<hbm>> -> memref<1x1x40xi32, #tpu.memory_space<hbm>>
      %dma_start3A_203 = tpu.memref_squeeze %dma_start3A_202 : memref<1x1x40xi32, #tpu.memory_space<hbm>> -> memref<40xi32, #tpu.memory_space<hbm>>
      %dma_start3A_204 = arith.constant 0 : i32
      %dma_start3A_205 = tpu.memref_slice %arg14[%run_scoped3A_86, %dma_start3A_204] : memref<6x40xi32, #tpu.memory_space<vmem>> -> memref<1x40xi32, #tpu.memory_space<vmem>>
      %dma_start3A_206 = tpu.memref_squeeze %dma_start3A_205 : memref<1x40xi32, #tpu.memory_space<vmem>> -> memref<40xi32, #tpu.memory_space<vmem>>
      %dma_start3A_207 = arith.constant 0 : i32
      %dma_start3A_208 = tpu.memref_slice %arg5[%add3A, %run_scoped3A_85, %dma_start3A_207] : memref<32x258x40xi32, #tpu.memory_space<hbm>> -> memref<1x1x40xi32, #tpu.memory_space<hbm>>
      %dma_start3A_209 = tpu.memref_squeeze %dma_start3A_208 : memref<1x1x40xi32, #tpu.memory_space<hbm>> -> memref<40xi32, #tpu.memory_space<hbm>>
      tpu.enqueue_dma source(%dma_start3A_209 : memref<40xi32, #tpu.memory_space<hbm>>) target(%dma_start3A_206 : memref<40xi32, #tpu.memory_space<vmem>>) target_semaphore(%run_scoped3A_197 : memref<!tpu.dma_semaphore, #tpu.memory_space<semaphore_mem>>)
      %dma_wait3A_210 = arith.constant 0 : i32
      %dma_wait3A_211 = tpu.memref_slice %arg14[%run_scoped3A_86, %dma_wait3A_210] : memref<6x40xi32, #tpu.memory_space<vmem>> -> memref<1x40xi32, #tpu.memory_space<vmem>>
      %dma_wait3A_212 = tpu.memref_squeeze %dma_wait3A_211 : memref<1x40xi32, #tpu.memory_space<vmem>> -> memref<40xi32, #tpu.memory_space<vmem>>
      %dma_wait3A_213 = arith.constant 0 : i32
      %dma_wait3A_214 = tpu.memref_slice %arg5[%add3A, %run_scoped3A_85, %dma_wait3A_213] : memref<32x258x40xi32, #tpu.memory_space<hbm>> -> memref<1x1x40xi32, #tpu.memory_space<hbm>>
      %dma_wait3A_215 = tpu.memref_squeeze %dma_wait3A_214 : memref<1x1x40xi32, #tpu.memory_space<hbm>> -> memref<40xi32, #tpu.memory_space<hbm>>
      %dma_wait3A_216 = arith.constant 0 : i32
      %dma_wait3A_217 = tpu.memref_slice %arg14[%run_scoped3A_86, %dma_wait3A_216] : memref<6x40xi32, #tpu.memory_space<vmem>> -> memref<1x40xi32, #tpu.memory_space<vmem>>
      %dma_wait3A_218 = tpu.memref_squeeze %dma_wait3A_217 : memref<1x40xi32, #tpu.memory_space<vmem>> -> memref<40xi32, #tpu.memory_space<vmem>>
      %dma_wait3A_219 = arith.constant 0 : i32
      %dma_wait3A_220 = tpu.memref_slice %arg5[%add3A, %run_scoped3A_85, %dma_wait3A_219] : memref<32x258x40xi32, #tpu.memory_space<hbm>> -> memref<1x1x40xi32, #tpu.memory_space<hbm>>
      %dma_wait3A_221 = tpu.memref_squeeze %dma_wait3A_220 : memref<1x1x40xi32, #tpu.memory_space<hbm>> -> memref<40xi32, #tpu.memory_space<hbm>>
      tpu.wait_dma2 semaphore(%run_scoped3A_197 : memref<!tpu.dma_semaphore, #tpu.memory_space<semaphore_mem>>) src(%dma_wait3A_221 : memref<40xi32, #tpu.memory_space<hbm>>) dst(%dma_wait3A_218 : memref<40xi32, #tpu.memory_space<vmem>>)
      tpu.yield
    }) : () -> ()
    %dma_start3A = arith.constant 0 : i32
    %dma_start3A_87 = arith.constant 0 : i32
    %dma_start3A_88 = tpu.memref_slice %arg13[%dma_start3A, %dma_start3A_87] : memref<6x40xi32, #tpu.memory_space<vmem>> -> memref<1x40xi32, #tpu.memory_space<vmem>>
    %dma_start3A_89 = tpu.memref_squeeze %dma_start3A_88 : memref<1x40xi32, #tpu.memory_space<vmem>> -> memref<40xi32, #tpu.memory_space<vmem>>
    %dma_start3A_90 = arith.constant 0 : i32
    %dma_start3A_91 = arith.constant 0 : i32
    %dma_start3A_92 = tpu.memref_slice %arg2[%dma_start3A_90, %dma_start3A_91] : memref<10240x128xf32, #tpu.memory_space<hbm>> -> memref<10240x128xf32, #tpu.memory_space<hbm>>
    tpu.enqueue_indirect_dma source(%dma_start3A_92 : memref<10240x128xf32, #tpu.memory_space<hbm>>) target(%arg8 : memref<40x128xf32, #tpu.memory_space<vmem>>) offsets(%dma_start3A_89 : memref<40xi32, #tpu.memory_space<vmem>>) semaphore(%arg17 : memref<!tpu.dma_semaphore, #tpu.memory_space<semaphore_mem>>)
    %dma_start3A_93 = arith.constant 0 : i32
    %dma_start3A_94 = arith.constant 0 : i32
    %dma_start3A_95 = tpu.memref_slice %arg14[%dma_start3A_93, %dma_start3A_94] : memref<6x40xi32, #tpu.memory_space<vmem>> -> memref<1x40xi32, #tpu.memory_space<vmem>>
    %dma_start3A_96 = tpu.memref_squeeze %dma_start3A_95 : memref<1x40xi32, #tpu.memory_space<vmem>> -> memref<40xi32, #tpu.memory_space<vmem>>
    %dma_start3A_97 = arith.constant 0 : i32
    %dma_start3A_98 = arith.constant 0 : i32
    %dma_start3A_99 = tpu.memref_slice %arg3[%dma_start3A_97, %dma_start3A_98] : memref<10240x128xf32, #tpu.memory_space<hbm>> -> memref<10240x128xf32, #tpu.memory_space<hbm>>
    tpu.enqueue_indirect_dma source(%dma_start3A_99 : memref<10240x128xf32, #tpu.memory_space<hbm>>) target(%arg9 : memref<40x128xf32, #tpu.memory_space<vmem>>) offsets(%dma_start3A_96 : memref<40xi32, #tpu.memory_space<vmem>>) semaphore(%arg18 : memref<!tpu.dma_semaphore, #tpu.memory_space<semaphore_mem>>)
    %dma_start3A_100 = arith.constant 1 : i32
    %dma_start3A_101 = arith.constant 0 : i32
    %dma_start3A_102 = tpu.memref_slice %arg13[%dma_start3A_100, %dma_start3A_101] : memref<6x40xi32, #tpu.memory_space<vmem>> -> memref<1x40xi32, #tpu.memory_space<vmem>>
    %dma_start3A_103 = tpu.memref_squeeze %dma_start3A_102 : memref<1x40xi32, #tpu.memory_space<vmem>> -> memref<40xi32, #tpu.memory_space<vmem>>
    %dma_start3A_104 = arith.constant 0 : i32
    %dma_start3A_105 = arith.constant 0 : i32
    %dma_start3A_106 = tpu.memref_slice %arg2[%dma_start3A_104, %dma_start3A_105] : memref<10240x128xf32, #tpu.memory_space<hbm>> -> memref<10240x128xf32, #tpu.memory_space<hbm>>
    tpu.enqueue_indirect_dma source(%dma_start3A_106 : memref<10240x128xf32, #tpu.memory_space<hbm>>) target(%arg10 : memref<40x128xf32, #tpu.memory_space<vmem>>) offsets(%dma_start3A_103 : memref<40xi32, #tpu.memory_space<vmem>>) semaphore(%arg19 : memref<!tpu.dma_semaphore, #tpu.memory_space<semaphore_mem>>)
    %dma_start3A_107 = arith.constant 1 : i32
    %dma_start3A_108 = arith.constant 0 : i32
    %dma_start3A_109 = tpu.memref_slice %arg14[%dma_start3A_107, %dma_start3A_108] : memref<6x40xi32, #tpu.memory_space<vmem>> -> memref<1x40xi32, #tpu.memory_space<vmem>>
    %dma_start3A_110 = tpu.memref_squeeze %dma_start3A_109 : memref<1x40xi32, #tpu.memory_space<vmem>> -> memref<40xi32, #tpu.memory_space<vmem>>
    %dma_start3A_111 = arith.constant 0 : i32
    %dma_start3A_112 = arith.constant 0 : i32
    %dma_start3A_113 = tpu.memref_slice %arg3[%dma_start3A_111, %dma_start3A_112] : memref<10240x128xf32, #tpu.memory_space<hbm>> -> memref<10240x128xf32, #tpu.memory_space<hbm>>
    tpu.enqueue_indirect_dma source(%dma_start3A_113 : memref<10240x128xf32, #tpu.memory_space<hbm>>) target(%arg11 : memref<40x128xf32, #tpu.memory_space<vmem>>) offsets(%dma_start3A_110 : memref<40xi32, #tpu.memory_space<vmem>>) semaphore(%arg20 : memref<!tpu.dma_semaphore, #tpu.memory_space<semaphore_mem>>)
    %dma_start3A_114 = arith.constant 2 : i32
    %dma_start3A_115 = arith.constant 2 : i32
    %dma_start3A_116 = arith.constant 0 : i32
    %dma_start3A_117 = tpu.memref_slice %arg13[%dma_start3A_115, %dma_start3A_116] : memref<6x40xi32, #tpu.memory_space<vmem>> -> memref<1x40xi32, #tpu.memory_space<vmem>>
    %dma_start3A_118 = tpu.memref_squeeze %dma_start3A_117 : memref<1x40xi32, #tpu.memory_space<vmem>> -> memref<40xi32, #tpu.memory_space<vmem>>
    %dma_start3A_119 = arith.constant 0 : i32
    %dma_start3A_120 = tpu.memref_slice %arg4[%add3A, %dma_start3A_114, %dma_start3A_119] : memref<32x258x40xi32, #tpu.memory_space<hbm>> -> memref<1x1x40xi32, #tpu.memory_space<hbm>>
    %dma_start3A_121 = tpu.memref_squeeze %dma_start3A_120 : memref<1x1x40xi32, #tpu.memory_space<hbm>> -> memref<40xi32, #tpu.memory_space<hbm>>
    %dma_start3A_122 = arith.constant 0 : i32
    %dma_start3A_123 = tpu.memref_slice %arg13[%dma_start3A_115, %dma_start3A_122] : memref<6x40xi32, #tpu.memory_space<vmem>> -> memref<1x40xi32, #tpu.memory_space<vmem>>
    %dma_start3A_124 = tpu.memref_squeeze %dma_start3A_123 : memref<1x40xi32, #tpu.memory_space<vmem>> -> memref<40xi32, #tpu.memory_space<vmem>>
    %dma_start3A_125 = arith.constant 0 : i32
    %dma_start3A_126 = tpu.memref_slice %arg4[%add3A, %dma_start3A_114, %dma_start3A_125] : memref<32x258x40xi32, #tpu.memory_space<hbm>> -> memref<1x1x40xi32, #tpu.memory_space<hbm>>
    %dma_start3A_127 = tpu.memref_squeeze %dma_start3A_126 : memref<1x1x40xi32, #tpu.memory_space<hbm>> -> memref<40xi32, #tpu.memory_space<hbm>>
    tpu.enqueue_dma source(%dma_start3A_127 : memref<40xi32, #tpu.memory_space<hbm>>) target(%dma_start3A_124 : memref<40xi32, #tpu.memory_space<vmem>>) target_semaphore(%arg21 : memref<!tpu.dma_semaphore, #tpu.memory_space<semaphore_mem>>)
    %dma_start3A_128 = arith.constant 2 : i32
    %dma_start3A_129 = arith.constant 2 : i32
    %dma_start3A_130 = arith.constant 0 : i32
    %dma_start3A_131 = tpu.memref_slice %arg14[%dma_start3A_129, %dma_start3A_130] : memref<6x40xi32, #tpu.memory_space<vmem>> -> memref<1x40xi32, #tpu.memory_space<vmem>>
    %dma_start3A_132 = tpu.memref_squeeze %dma_start3A_131 : memref<1x40xi32, #tpu.memory_space<vmem>> -> memref<40xi32, #tpu.memory_space<vmem>>
    %dma_start3A_133 = arith.constant 0 : i32
    %dma_start3A_134 = tpu.memref_slice %arg5[%add3A, %dma_start3A_128, %dma_start3A_133] : memref<32x258x40xi32, #tpu.memory_space<hbm>> -> memref<1x1x40xi32, #tpu.memory_space<hbm>>
    %dma_start3A_135 = tpu.memref_squeeze %dma_start3A_134 : memref<1x1x40xi32, #tpu.memory_space<hbm>> -> memref<40xi32, #tpu.memory_space<hbm>>
    %dma_start3A_136 = arith.constant 0 : i32
    %dma_start3A_137 = tpu.memref_slice %arg14[%dma_start3A_129, %dma_start3A_136] : memref<6x40xi32, #tpu.memory_space<vmem>> -> memref<1x40xi32, #tpu.memory_space<vmem>>
    %dma_start3A_138 = tpu.memref_squeeze %dma_start3A_137 : memref<1x40xi32, #tpu.memory_space<vmem>> -> memref<40xi32, #tpu.memory_space<vmem>>
    %dma_start3A_139 = arith.constant 0 : i32
    %dma_start3A_140 = tpu.memref_slice %arg5[%add3A, %dma_start3A_128, %dma_start3A_139] : memref<32x258x40xi32, #tpu.memory_space<hbm>> -> memref<1x1x40xi32, #tpu.memory_space<hbm>>
    %dma_start3A_141 = tpu.memref_squeeze %dma_start3A_140 : memref<1x1x40xi32, #tpu.memory_space<hbm>> -> memref<40xi32, #tpu.memory_space<hbm>>
    tpu.enqueue_dma source(%dma_start3A_141 : memref<40xi32, #tpu.memory_space<hbm>>) target(%dma_start3A_138 : memref<40xi32, #tpu.memory_space<vmem>>) target_semaphore(%arg21 : memref<!tpu.dma_semaphore, #tpu.memory_space<semaphore_mem>>)
    %dma_start3A_142 = arith.constant 3 : i32
    %dma_start3A_143 = arith.constant 3 : i32
    %dma_start3A_144 = arith.constant 0 : i32
    %dma_start3A_145 = tpu.memref_slice %arg13[%dma_start3A_143, %dma_start3A_144] : memref<6x40xi32, #tpu.memory_space<vmem>> -> memref<1x40xi32, #tpu.memory_space<vmem>>
    %dma_start3A_146 = tpu.memref_squeeze %dma_start3A_145 : memref<1x40xi32, #tpu.memory_space<vmem>> -> memref<40xi32, #tpu.memory_space<vmem>>
    %dma_start3A_147 = arith.constant 0 : i32
    %dma_start3A_148 = tpu.memref_slice %arg4[%add3A, %dma_start3A_142, %dma_start3A_147] : memref<32x258x40xi32, #tpu.memory_space<hbm>> -> memref<1x1x40xi32, #tpu.memory_space<hbm>>
    %dma_start3A_149 = tpu.memref_squeeze %dma_start3A_148 : memref<1x1x40xi32, #tpu.memory_space<hbm>> -> memref<40xi32, #tpu.memory_space<hbm>>
    %dma_start3A_150 = arith.constant 0 : i32
    %dma_start3A_151 = tpu.memref_slice %arg13[%dma_start3A_143, %dma_start3A_150] : memref<6x40xi32, #tpu.memory_space<vmem>> -> memref<1x40xi32, #tpu.memory_space<vmem>>
    %dma_start3A_152 = tpu.memref_squeeze %dma_start3A_151 : memref<1x40xi32, #tpu.memory_space<vmem>> -> memref<40xi32, #tpu.memory_space<vmem>>
    %dma_start3A_153 = arith.constant 0 : i32
    %dma_start3A_154 = tpu.memref_slice %arg4[%add3A, %dma_start3A_142, %dma_start3A_153] : memref<32x258x40xi32, #tpu.memory_space<hbm>> -> memref<1x1x40xi32, #tpu.memory_space<hbm>>
    %dma_start3A_155 = tpu.memref_squeeze %dma_start3A_154 : memref<1x1x40xi32, #tpu.memory_space<hbm>> -> memref<40xi32, #tpu.memory_space<hbm>>
    tpu.enqueue_dma source(%dma_start3A_155 : memref<40xi32, #tpu.memory_space<hbm>>) target(%dma_start3A_152 : memref<40xi32, #tpu.memory_space<vmem>>) target_semaphore(%arg21 : memref<!tpu.dma_semaphore, #tpu.memory_space<semaphore_mem>>)
    %dma_start3A_156 = arith.constant 3 : i32
    %dma_start3A_157 = arith.constant 3 : i32
    %dma_start3A_158 = arith.constant 0 : i32
    %dma_start3A_159 = tpu.memref_slice %arg14[%dma_start3A_157, %dma_start3A_158] : memref<6x40xi32, #tpu.memory_space<vmem>> -> memref<1x40xi32, #tpu.memory_space<vmem>>
    %dma_start3A_160 = tpu.memref_squeeze %dma_start3A_159 : memref<1x40xi32, #tpu.memory_space<vmem>> -> memref<40xi32, #tpu.memory_space<vmem>>
    %dma_start3A_161 = arith.constant 0 : i32
    %dma_start3A_162 = tpu.memref_slice %arg5[%add3A, %dma_start3A_156, %dma_start3A_161] : memref<32x258x40xi32, #tpu.memory_space<hbm>> -> memref<1x1x40xi32, #tpu.memory_space<hbm>>
    %dma_start3A_163 = tpu.memref_squeeze %dma_start3A_162 : memref<1x1x40xi32, #tpu.memory_space<hbm>> -> memref<40xi32, #tpu.memory_space<hbm>>
    %dma_start3A_164 = arith.constant 0 : i32
    %dma_start3A_165 = tpu.memref_slice %arg14[%dma_start3A_157, %dma_start3A_164] : memref<6x40xi32, #tpu.memory_space<vmem>> -> memref<1x40xi32, #tpu.memory_space<vmem>>
    %dma_start3A_166 = tpu.memref_squeeze %dma_start3A_165 : memref<1x40xi32, #tpu.memory_space<vmem>> -> memref<40xi32, #tpu.memory_space<vmem>>
    %dma_start3A_167 = arith.constant 0 : i32
    %dma_start3A_168 = tpu.memref_slice %arg5[%add3A, %dma_start3A_156, %dma_start3A_167] : memref<32x258x40xi32, #tpu.memory_space<hbm>> -> memref<1x1x40xi32, #tpu.memory_space<hbm>>
    %dma_start3A_169 = tpu.memref_squeeze %dma_start3A_168 : memref<1x1x40xi32, #tpu.memory_space<hbm>> -> memref<40xi32, #tpu.memory_space<hbm>>
    tpu.enqueue_dma source(%dma_start3A_169 : memref<40xi32, #tpu.memory_space<hbm>>) target(%dma_start3A_166 : memref<40xi32, #tpu.memory_space<vmem>>) target_semaphore(%arg21 : memref<!tpu.dma_semaphore, #tpu.memory_space<semaphore_mem>>)
    %scan3A_170 = arith.constant 0 : i32
    %scan3A_171 = arith.constant 129 : i32
    %scan3A_172 = arith.addi %scan3A_170, %scan3A_171 : i32
    %scan3A_173 = arith.constant 1 : i32
    scf.for %scan3A_197 = %scan3A_170 to %scan3A_172 step %scan3A_173  : i32 {
      %rem3A = arith.constant 3 : i32
      %rem3A_198 = arith.remsi %scan3A_197, %rem3A : i32
      %add3A_199 = arith.constant 1 : i32
      %add3A_200 = arith.addi %scan3A_197, %add3A_199 : i32
      %rem3A_201 = arith.constant 3 : i32
      %rem3A_202 = arith.remsi %add3A_200, %rem3A_201 : i32
      %mul3A_203 = arith.constant 2 : i32
      %mul3A_204 = arith.muli %mul3A_203, %rem3A_198 : i32
      %add3A_205 = arith.constant 0 : i32
      %add3A_206 = arith.addi %mul3A_204, %add3A_205 : i32
      %dma_wait3A_207 = arith.constant 0 : i32
      %dma_wait3A_208 = tpu.memref_slice %arg13[%add3A_206, %dma_wait3A_207] : memref<6x40xi32, #tpu.memory_space<vmem>> -> memref<1x40xi32, #tpu.memory_space<vmem>>
      %dma_wait3A_209 = tpu.memref_squeeze %dma_wait3A_208 : memref<1x40xi32, #tpu.memory_space<vmem>> -> memref<40xi32, #tpu.memory_space<vmem>>
      %dma_wait3A_210 = arith.constant 0 : i32
      %dma_wait3A_211 = arith.constant 0 : i32
      %dma_wait3A_212 = tpu.memref_slice %arg2[%dma_wait3A_210, %dma_wait3A_211] : memref<10240x128xf32, #tpu.memory_space<hbm>> -> memref<10240x128xf32, #tpu.memory_space<hbm>>
      tpu.wait_indirect_dma semaphore(%arg17 : memref<!tpu.dma_semaphore, #tpu.memory_space<semaphore_mem>>) src(%dma_wait3A_212 : memref<10240x128xf32, #tpu.memory_space<hbm>>) dst(%arg8 : memref<40x128xf32, #tpu.memory_space<vmem>>)
      %mul3A_213 = arith.constant 2 : i32
      %mul3A_214 = arith.muli %mul3A_213, %rem3A_198 : i32
      %add3A_215 = arith.constant 0 : i32
      %add3A_216 = arith.addi %mul3A_214, %add3A_215 : i32
      %dma_wait3A_217 = arith.constant 0 : i32
      %dma_wait3A_218 = tpu.memref_slice %arg14[%add3A_216, %dma_wait3A_217] : memref<6x40xi32, #tpu.memory_space<vmem>> -> memref<1x40xi32, #tpu.memory_space<vmem>>
      %dma_wait3A_219 = tpu.memref_squeeze %dma_wait3A_218 : memref<1x40xi32, #tpu.memory_space<vmem>> -> memref<40xi32, #tpu.memory_space<vmem>>
      %dma_wait3A_220 = arith.constant 0 : i32
      %dma_wait3A_221 = arith.constant 0 : i32
      %dma_wait3A_222 = tpu.memref_slice %arg3[%dma_wait3A_220, %dma_wait3A_221] : memref<10240x128xf32, #tpu.memory_space<hbm>> -> memref<10240x128xf32, #tpu.memory_space<hbm>>
      tpu.wait_indirect_dma semaphore(%arg18 : memref<!tpu.dma_semaphore, #tpu.memory_space<semaphore_mem>>) src(%dma_wait3A_222 : memref<10240x128xf32, #tpu.memory_space<hbm>>) dst(%arg9 : memref<40x128xf32, #tpu.memory_space<vmem>>)
      %gt3A = arith.constant 0 : i32
      %gt3A_223 = arith.cmpi sgt, %scan3A_197, %gt3A : i32
      %convert_element_type3A = arith.extui %gt3A_223 : i1 to i32
      %cond3A = arith.constant 0 : i32
      %cond3A_224 = arith.cmpi ne, %convert_element_type3A, %cond3A : i32
      scf.if %cond3A_224 {
        %dma_wait3A_306 = arith.constant 0 : i32
        %dma_wait3A_307 = arith.constant 0 : i32
        %dma_wait3A_308 = arith.constant 0 : i32
        %dma_wait3A_309 = tpu.memref_slice %arg12[%dma_wait3A_307, %dma_wait3A_308] : memref<80x128xf32, #tpu.memory_space<vmem>> -> memref<40x128xf32, #tpu.memory_space<vmem>>
        %dma_wait3A_310 = arith.constant 0 : i32
        %dma_wait3A_311 = tpu.memref_slice %arg14[%dma_wait3A_306, %dma_wait3A_310] : memref<6x40xi32, #tpu.memory_space<vmem>> -> memref<1x40xi32, #tpu.memory_space<vmem>>
        %dma_wait3A_312 = tpu.memref_squeeze %dma_wait3A_311 : memref<1x40xi32, #tpu.memory_space<vmem>> -> memref<40xi32, #tpu.memory_space<vmem>>
        %dma_wait3A_313 = arith.constant 0 : i32
        %dma_wait3A_314 = arith.constant 0 : i32
        %dma_wait3A_315 = tpu.memref_slice %arg16[%dma_wait3A_313, %dma_wait3A_314] : memref<10240x128xf32, #tpu.memory_space<vmem_shared>> -> memref<10240x128xf32, #tpu.memory_space<vmem_shared>>
        tpu.wait_indirect_dma semaphore(%arg22 : memref<!tpu.dma_semaphore, #tpu.memory_space<semaphore_mem>>) src(%dma_wait3A_309 : memref<40x128xf32, #tpu.memory_space<vmem>>) dst(%dma_wait3A_315 : memref<10240x128xf32, #tpu.memory_space<vmem_shared>>)
      } else {
      }
      %scan3A_225 = arith.constant 0 : i32
      %scan3A_226 = arith.constant 40 : i32
      %scan3A_227 = arith.addi %scan3A_225, %scan3A_226 : i32
      %scan3A_228 = arith.constant 1 : i32
      scf.for %scan3A_306 = %scan3A_225 to %scan3A_227 step %scan3A_228  : i32 {
        %broadcast_in_dim3A = arith.constant 0.000000e+00 : f32
        %broadcast_in_dim3A_307 = vector.broadcast %broadcast_in_dim3A : f32 to vector<16xf32>
        %get3A_308 = arith.index_cast %scan3A_306 : i32 to index
        %get3A_309 = arith.constant 0 : index
        %get3A_310 = tpu.vector_load %arg8[%get3A_308, %get3A_309] {strides = array<i32>} : memref<40x128xf32, #tpu.memory_space<vmem>>, vector<1x16xf32>,
        %get3A_311 = vector.shape_cast %get3A_310 : vector<1x16xf32> to vector<16xf32>
        %get3A_312 = arith.index_cast %scan3A_306 : i32 to index
        %get3A_313 = arith.constant 0 : index
        %get3A_314 = tpu.vector_load %arg9[%get3A_312, %get3A_313] {strides = array<i32>} : memref<40x128xf32, #tpu.memory_space<vmem>>, vector<1x16xf32>,
        %get3A_315 = vector.shape_cast %get3A_314 : vector<1x16xf32> to vector<16xf32>
        %add3A_316 = arith.addf %get3A_311, %get3A_315 : vector<16xf32>
        %mul3A_317 = arith.constant 2.000000e-01 : f32
        %mul3A_318 = vector.broadcast %mul3A_317 : f32 to vector<16xf32>
        %mul3A_319 = arith.mulf %mul3A_318, %add3A_316 : vector<16xf32>
        %max3A = arith.maximumf %add3A_316, %mul3A_319 : vector<16xf32>
        %mul3A_320 = arith.mulf %max3A, %get3A_46 : vector<16xf32>
        %lt3A_321 = arith.constant 0 : i32
        %lt3A_322 = vector.broadcast %lt3A_321 : i32 to vector<16xi32>
        %lt3A_323 = arith.cmpi slt, %xor3A_38, %lt3A_322 : vector<16xi32>
        %add3A_324 = arith.constant 16 : i32
        %add3A_325 = vector.broadcast %add3A_324 : i32 to vector<16xi32>
        %add3A_326 = arith.addi %xor3A_38, %add3A_325 : vector<16xi32>
        %select_n3A = arith.select %lt3A_323, %add3A_326, %xor3A_38 : vector<16xi1>, vector<16xi32>
        %broadcast_in_dim3A_327 = vector.shape_cast %select_n3A : vector<16xi32> to vector<16x1xi32>
        %gather3A = vector.shape_cast %broadcast_in_dim3A_327 : vector<16x1xi32> to vector<16xi32>
        %gather3A_328 = tpu.dynamic_gather %mul3A_320[%gather3A] in [0] : vector<16xf32>, vector<16xi32> -> vector<16xf32>
        %add3A_329 = arith.addf %mul3A_320, %gather3A_328 : vector<16xf32>
        %lt3A_330 = arith.constant 0 : i32
        %lt3A_331 = vector.broadcast %lt3A_330 : i32 to vector<16xi32>
        %lt3A_332 = arith.cmpi slt, %xor3A_41, %lt3A_331 : vector<16xi32>
        %add3A_333 = arith.constant 16 : i32
        %add3A_334 = vector.broadcast %add3A_333 : i32 to vector<16xi32>
        %add3A_335 = arith.addi %xor3A_41, %add3A_334 : vector<16xi32>
        %select_n3A_336 = arith.select %lt3A_332, %add3A_335, %xor3A_41 : vector<16xi1>, vector<16xi32>
        %broadcast_in_dim3A_337 = vector.shape_cast %select_n3A_336 : vector<16xi32> to vector<16x1xi32>
        %gather3A_338 = vector.shape_cast %broadcast_in_dim3A_337 : vector<16x1xi32> to vector<16xi32>
        %gather3A_339 = tpu.dynamic_gather %add3A_329[%gather3A_338] in [0] : vector<16xf32>, vector<16xi32> -> vector<16xf32>
        %add3A_340 = arith.addf %add3A_329, %gather3A_339 : vector<16xf32>
        %lt3A_341 = arith.constant 0 : i32
        %lt3A_342 = vector.broadcast %lt3A_341 : i32 to vector<16xi32>
        %lt3A_343 = arith.cmpi slt, %xor3A_44, %lt3A_342 : vector<16xi32>
        %add3A_344 = arith.constant 16 : i32
        %add3A_345 = vector.broadcast %add3A_344 : i32 to vector<16xi32>
        %add3A_346 = arith.addi %xor3A_44, %add3A_345 : vector<16xi32>
        %select_n3A_347 = arith.select %lt3A_343, %add3A_346, %xor3A_44 : vector<16xi1>, vector<16xi32>
        %broadcast_in_dim3A_348 = vector.shape_cast %select_n3A_347 : vector<16xi32> to vector<16x1xi32>
        %gather3A_349 = vector.shape_cast %broadcast_in_dim3A_348 : vector<16x1xi32> to vector<16xi32>
        %gather3A_350 = tpu.dynamic_gather %add3A_340[%gather3A_349] in [0] : vector<16xf32>, vector<16xi32> -> vector<16xf32>
        %add3A_351 = arith.addf %add3A_340, %gather3A_350 : vector<16xf32>
        %exp3A = math.exp %add3A_351 : vector<16xf32>
        %mul3A_352 = arith.mulf %exp3A, %get3A_311 : vector<16xf32>
        %add3A_353 = arith.constant 0 : i32
        %add3A_354 = arith.addi %add3A_353, %scan3A_306 : i32
        %swap3A = arith.index_cast %add3A_354 : i32 to index
        %swap3A_355 = arith.constant 0 : index
        %swap3A_356 = tpu.vector_load %arg12[%swap3A, %swap3A_355] {strides = array<i32>} : memref<80x128xf32, #tpu.memory_space<vmem>>, vector<1x16xf32>,
        %swap3A_357 = vector.shape_cast %swap3A_356 : vector<1x16xf32> to vector<16xf32>
        %swap3A_358 = vector.shape_cast %mul3A_352 : vector<16xf32> to vector<1x16xf32>
        tpu.vector_store %arg12[%swap3A, %swap3A_355], %swap3A_358 {strides = array<i32>} : memref<80x128xf32, #tpu.memory_space<vmem>>, vector<1x16xf32>,
        %mul3A_359 = arith.mulf %exp3A, %get3A_64 : vector<16xf32>
        %add3A_360 = arith.addf %broadcast_in_dim3A_307, %mul3A_359 : vector<16xf32>
        %get3A_361 = arith.index_cast %scan3A_306 : i32 to index
        %get3A_362 = arith.constant 16 : index
        %get3A_363 = tpu.vector_load %arg8[%get3A_361, %get3A_362] {strides = array<i32>} : memref<40x128xf32, #tpu.memory_space<vmem>>, vector<1x16xf32>,
        %get3A_364 = vector.shape_cast %get3A_363 : vector<1x16xf32> to vector<16xf32>
        %get3A_365 = arith.index_cast %scan3A_306 : i32 to index
        %get3A_366 = arith.constant 16 : index
        %get3A_367 = tpu.vector_load %arg9[%get3A_365, %get3A_366] {strides = array<i32>} : memref<40x128xf32, #tpu.memory_space<vmem>>, vector<1x16xf32>,
        %get3A_368 = vector.shape_cast %get3A_367 : vector<1x16xf32> to vector<16xf32>
        %add3A_369 = arith.addf %get3A_364, %get3A_368 : vector<16xf32>
        %mul3A_370 = arith.constant 2.000000e-01 : f32
        %mul3A_371 = vector.broadcast %mul3A_370 : f32 to vector<16xf32>
        %mul3A_372 = arith.mulf %mul3A_371, %add3A_369 : vector<16xf32>
        %max3A_373 = arith.maximumf %add3A_369, %mul3A_372 : vector<16xf32>
        %mul3A_374 = arith.mulf %max3A_373, %get3A_49 : vector<16xf32>
        %lt3A_375 = arith.constant 0 : i32
        %lt3A_376 = vector.broadcast %lt3A_375 : i32 to vector<16xi32>
        %lt3A_377 = arith.cmpi slt, %xor3A_38, %lt3A_376 : vector<16xi32>
        %add3A_378 = arith.constant 16 : i32
        %add3A_379 = vector.broadcast %add3A_378 : i32 to vector<16xi32>
        %add3A_380 = arith.addi %xor3A_38, %add3A_379 : vector<16xi32>
        %select_n3A_381 = arith.select %lt3A_377, %add3A_380, %xor3A_38 : vector<16xi1>, vector<16xi32>
        %broadcast_in_dim3A_382 = vector.shape_cast %select_n3A_381 : vector<16xi32> to vector<16x1xi32>
        %gather3A_383 = vector.shape_cast %broadcast_in_dim3A_382 : vector<16x1xi32> to vector<16xi32>
        %gather3A_384 = tpu.dynamic_gather %mul3A_374[%gather3A_383] in [0] : vector<16xf32>, vector<16xi32> -> vector<16xf32>
        %add3A_385 = arith.addf %mul3A_374, %gather3A_384 : vector<16xf32>
        %lt3A_386 = arith.constant 0 : i32
        %lt3A_387 = vector.broadcast %lt3A_386 : i32 to vector<16xi32>
        %lt3A_388 = arith.cmpi slt, %xor3A_41, %lt3A_387 : vector<16xi32>
        %add3A_389 = arith.constant 16 : i32
        %add3A_390 = vector.broadcast %add3A_389 : i32 to vector<16xi32>
        %add3A_391 = arith.addi %xor3A_41, %add3A_390 : vector<16xi32>
        %select_n3A_392 = arith.select %lt3A_388, %add3A_391, %xor3A_41 : vector<16xi1>, vector<16xi32>
        %broadcast_in_dim3A_393 = vector.shape_cast %select_n3A_392 : vector<16xi32> to vector<16x1xi32>
        %gather3A_394 = vector.shape_cast %broadcast_in_dim3A_393 : vector<16x1xi32> to vector<16xi32>
        %gather3A_395 = tpu.dynamic_gather %add3A_385[%gather3A_394] in [0] : vector<16xf32>, vector<16xi32> -> vector<16xf32>
        %add3A_396 = arith.addf %add3A_385, %gather3A_395 : vector<16xf32>
        %lt3A_397 = arith.constant 0 : i32
        %lt3A_398 = vector.broadcast %lt3A_397 : i32 to vector<16xi32>
        %lt3A_399 = arith.cmpi slt, %xor3A_44, %lt3A_398 : vector<16xi32>
        %add3A_400 = arith.constant 16 : i32
        %add3A_401 = vector.broadcast %add3A_400 : i32 to vector<16xi32>
        %add3A_402 = arith.addi %xor3A_44, %add3A_401 : vector<16xi32>
        %select_n3A_403 = arith.select %lt3A_399, %add3A_402, %xor3A_44 : vector<16xi1>, vector<16xi32>
        %broadcast_in_dim3A_404 = vector.shape_cast %select_n3A_403 : vector<16xi32> to vector<16x1xi32>
        %gather3A_405 = vector.shape_cast %broadcast_in_dim3A_404 : vector<16x1xi32> to vector<16xi32>
        %gather3A_406 = tpu.dynamic_gather %add3A_396[%gather3A_405] in [0] : vector<16xf32>, vector<16xi32> -> vector<16xf32>
        %add3A_407 = arith.addf %add3A_396, %gather3A_406 : vector<16xf32>
        %exp3A_408 = math.exp %add3A_407 : vector<16xf32>
        %mul3A_409 = arith.mulf %exp3A_408, %get3A_364 : vector<16xf32>
        %add3A_410 = arith.constant 0 : i32
        %add3A_411 = arith.addi %add3A_410, %scan3A_306 : i32
        %swap3A_412 = arith.index_cast %add3A_411 : i32 to index
        %swap3A_413 = arith.constant 16 : index
        %swap3A_414 = tpu.vector_load %arg12[%swap3A_412, %swap3A_413] {strides = array<i32>} : memref<80x128xf32, #tpu.memory_space<vmem>>, vector<1x16xf32>,
        %swap3A_415 = vector.shape_cast %swap3A_414 : vector<1x16xf32> to vector<16xf32>
        %swap3A_416 = vector.shape_cast %mul3A_409 : vector<16xf32> to vector<1x16xf32>
        tpu.vector_store %arg12[%swap3A_412, %swap3A_413], %swap3A_416 {strides = array<i32>} : memref<80x128xf32, #tpu.memory_space<vmem>>, vector<1x16xf32>,
        %mul3A_417 = arith.mulf %exp3A_408, %get3A_67 : vector<16xf32>
        %add3A_418 = arith.addf %add3A_360, %mul3A_417 : vector<16xf32>
        %get3A_419 = arith.index_cast %scan3A_306 : i32 to index
        %get3A_420 = arith.constant 32 : index
        %get3A_421 = tpu.vector_load %arg8[%get3A_419, %get3A_420] {strides = array<i32>} : memref<40x128xf32, #tpu.memory_space<vmem>>, vector<1x16xf32>,
        %get3A_422 = vector.shape_cast %get3A_421 : vector<1x16xf32> to vector<16xf32>
        %get3A_423 = arith.index_cast %scan3A_306 : i32 to index
        %get3A_424 = arith.constant 32 : index
        %get3A_425 = tpu.vector_load %arg9[%get3A_423, %get3A_424] {strides = array<i32>} : memref<40x128xf32, #tpu.memory_space<vmem>>, vector<1x16xf32>,
        %get3A_426 = vector.shape_cast %get3A_425 : vector<1x16xf32> to vector<16xf32>
        %add3A_427 = arith.addf %get3A_422, %get3A_426 : vector<16xf32>
        %mul3A_428 = arith.constant 2.000000e-01 : f32
        %mul3A_429 = vector.broadcast %mul3A_428 : f32 to vector<16xf32>
        %mul3A_430 = arith.mulf %mul3A_429, %add3A_427 : vector<16xf32>
        %max3A_431 = arith.maximumf %add3A_427, %mul3A_430 : vector<16xf32>
        %mul3A_432 = arith.mulf %max3A_431, %get3A_52 : vector<16xf32>
        %lt3A_433 = arith.constant 0 : i32
        %lt3A_434 = vector.broadcast %lt3A_433 : i32 to vector<16xi32>
        %lt3A_435 = arith.cmpi slt, %xor3A_38, %lt3A_434 : vector<16xi32>
        %add3A_436 = arith.constant 16 : i32
        %add3A_437 = vector.broadcast %add3A_436 : i32 to vector<16xi32>
        %add3A_438 = arith.addi %xor3A_38, %add3A_437 : vector<16xi32>
        %select_n3A_439 = arith.select %lt3A_435, %add3A_438, %xor3A_38 : vector<16xi1>, vector<16xi32>
        %broadcast_in_dim3A_440 = vector.shape_cast %select_n3A_439 : vector<16xi32> to vector<16x1xi32>
        %gather3A_441 = vector.shape_cast %broadcast_in_dim3A_440 : vector<16x1xi32> to vector<16xi32>
        %gather3A_442 = tpu.dynamic_gather %mul3A_432[%gather3A_441] in [0] : vector<16xf32>, vector<16xi32> -> vector<16xf32>
        %add3A_443 = arith.addf %mul3A_432, %gather3A_442 : vector<16xf32>
        %lt3A_444 = arith.constant 0 : i32
        %lt3A_445 = vector.broadcast %lt3A_444 : i32 to vector<16xi32>
        %lt3A_446 = arith.cmpi slt, %xor3A_41, %lt3A_445 : vector<16xi32>
        %add3A_447 = arith.constant 16 : i32
        %add3A_448 = vector.broadcast %add3A_447 : i32 to vector<16xi32>
        %add3A_449 = arith.addi %xor3A_41, %add3A_448 : vector<16xi32>
        %select_n3A_450 = arith.select %lt3A_446, %add3A_449, %xor3A_41 : vector<16xi1>, vector<16xi32>
        %broadcast_in_dim3A_451 = vector.shape_cast %select_n3A_450 : vector<16xi32> to vector<16x1xi32>
        %gather3A_452 = vector.shape_cast %broadcast_in_dim3A_451 : vector<16x1xi32> to vector<16xi32>
        %gather3A_453 = tpu.dynamic_gather %add3A_443[%gather3A_452] in [0] : vector<16xf32>, vector<16xi32> -> vector<16xf32>
        %add3A_454 = arith.addf %add3A_443, %gather3A_453 : vector<16xf32>
        %lt3A_455 = arith.constant 0 : i32
        %lt3A_456 = vector.broadcast %lt3A_455 : i32 to vector<16xi32>
        %lt3A_457 = arith.cmpi slt, %xor3A_44, %lt3A_456 : vector<16xi32>
        %add3A_458 = arith.constant 16 : i32
        %add3A_459 = vector.broadcast %add3A_458 : i32 to vector<16xi32>
        %add3A_460 = arith.addi %xor3A_44, %add3A_459 : vector<16xi32>
        %select_n3A_461 = arith.select %lt3A_457, %add3A_460, %xor3A_44 : vector<16xi1>, vector<16xi32>
        %broadcast_in_dim3A_462 = vector.shape_cast %select_n3A_461 : vector<16xi32> to vector<16x1xi32>
        %gather3A_463 = vector.shape_cast %broadcast_in_dim3A_462 : vector<16x1xi32> to vector<16xi32>
        %gather3A_464 = tpu.dynamic_gather %add3A_454[%gather3A_463] in [0] : vector<16xf32>, vector<16xi32> -> vector<16xf32>
        %add3A_465 = arith.addf %add3A_454, %gather3A_464 : vector<16xf32>
        %exp3A_466 = math.exp %add3A_465 : vector<16xf32>
        %mul3A_467 = arith.mulf %exp3A_466, %get3A_422 : vector<16xf32>
        %add3A_468 = arith.constant 0 : i32
        %add3A_469 = arith.addi %add3A_468, %scan3A_306 : i32
        %swap3A_470 = arith.index_cast %add3A_469 : i32 to index
        %swap3A_471 = arith.constant 32 : index
        %swap3A_472 = tpu.vector_load %arg12[%swap3A_470, %swap3A_471] {strides = array<i32>} : memref<80x128xf32, #tpu.memory_space<vmem>>, vector<1x16xf32>,
        %swap3A_473 = vector.shape_cast %swap3A_472 : vector<1x16xf32> to vector<16xf32>
        %swap3A_474 = vector.shape_cast %mul3A_467 : vector<16xf32> to vector<1x16xf32>
        tpu.vector_store %arg12[%swap3A_470, %swap3A_471], %swap3A_474 {strides = array<i32>} : memref<80x128xf32, #tpu.memory_space<vmem>>, vector<1x16xf32>,
        %mul3A_475 = arith.mulf %exp3A_466, %get3A_70 : vector<16xf32>
        %add3A_476 = arith.addf %add3A_418, %mul3A_475 : vector<16xf32>
        %get3A_477 = arith.index_cast %scan3A_306 : i32 to index
        %get3A_478 = arith.constant 48 : index
        %get3A_479 = tpu.vector_load %arg8[%get3A_477, %get3A_478] {strides = array<i32>} : memref<40x128xf32, #tpu.memory_space<vmem>>, vector<1x16xf32>,
        %get3A_480 = vector.shape_cast %get3A_479 : vector<1x16xf32> to vector<16xf32>
        %get3A_481 = arith.index_cast %scan3A_306 : i32 to index
        %get3A_482 = arith.constant 48 : index
        %get3A_483 = tpu.vector_load %arg9[%get3A_481, %get3A_482] {strides = array<i32>} : memref<40x128xf32, #tpu.memory_space<vmem>>, vector<1x16xf32>,
        %get3A_484 = vector.shape_cast %get3A_483 : vector<1x16xf32> to vector<16xf32>
        %add3A_485 = arith.addf %get3A_480, %get3A_484 : vector<16xf32>
        %mul3A_486 = arith.constant 2.000000e-01 : f32
        %mul3A_487 = vector.broadcast %mul3A_486 : f32 to vector<16xf32>
        %mul3A_488 = arith.mulf %mul3A_487, %add3A_485 : vector<16xf32>
        %max3A_489 = arith.maximumf %add3A_485, %mul3A_488 : vector<16xf32>
        %mul3A_490 = arith.mulf %max3A_489, %get3A_55 : vector<16xf32>
        %lt3A_491 = arith.constant 0 : i32
        %lt3A_492 = vector.broadcast %lt3A_491 : i32 to vector<16xi32>
        %lt3A_493 = arith.cmpi slt, %xor3A_38, %lt3A_492 : vector<16xi32>
        %add3A_494 = arith.constant 16 : i32
        %add3A_495 = vector.broadcast %add3A_494 : i32 to vector<16xi32>
        %add3A_496 = arith.addi %xor3A_38, %add3A_495 : vector<16xi32>
        %select_n3A_497 = arith.select %lt3A_493, %add3A_496, %xor3A_38 : vector<16xi1>, vector<16xi32>
        %broadcast_in_dim3A_498 = vector.shape_cast %select_n3A_497 : vector<16xi32> to vector<16x1xi32>
        %gather3A_499 = vector.shape_cast %broadcast_in_dim3A_498 : vector<16x1xi32> to vector<16xi32>
        %gather3A_500 = tpu.dynamic_gather %mul3A_490[%gather3A_499] in [0] : vector<16xf32>, vector<16xi32> -> vector<16xf32>
        %add3A_501 = arith.addf %mul3A_490, %gather3A_500 : vector<16xf32>
        %lt3A_502 = arith.constant 0 : i32
        %lt3A_503 = vector.broadcast %lt3A_502 : i32 to vector<16xi32>
        %lt3A_504 = arith.cmpi slt, %xor3A_41, %lt3A_503 : vector<16xi32>
        %add3A_505 = arith.constant 16 : i32
        %add3A_506 = vector.broadcast %add3A_505 : i32 to vector<16xi32>
        %add3A_507 = arith.addi %xor3A_41, %add3A_506 : vector<16xi32>
        %select_n3A_508 = arith.select %lt3A_504, %add3A_507, %xor3A_41 : vector<16xi1>, vector<16xi32>
        %broadcast_in_dim3A_509 = vector.shape_cast %select_n3A_508 : vector<16xi32> to vector<16x1xi32>
        %gather3A_510 = vector.shape_cast %broadcast_in_dim3A_509 : vector<16x1xi32> to vector<16xi32>
        %gather3A_511 = tpu.dynamic_gather %add3A_501[%gather3A_510] in [0] : vector<16xf32>, vector<16xi32> -> vector<16xf32>
        %add3A_512 = arith.addf %add3A_501, %gather3A_511 : vector<16xf32>
        %lt3A_513 = arith.constant 0 : i32
        %lt3A_514 = vector.broadcast %lt3A_513 : i32 to vector<16xi32>
        %lt3A_515 = arith.cmpi slt, %xor3A_44, %lt3A_514 : vector<16xi32>
        %add3A_516 = arith.constant 16 : i32
        %add3A_517 = vector.broadcast %add3A_516 : i32 to vector<16xi32>
        %add3A_518 = arith.addi %xor3A_44, %add3A_517 : vector<16xi32>
        %select_n3A_519 = arith.select %lt3A_515, %add3A_518, %xor3A_44 : vector<16xi1>, vector<16xi32>
        %broadcast_in_dim3A_520 = vector.shape_cast %select_n3A_519 : vector<16xi32> to vector<16x1xi32>
        %gather3A_521 = vector.shape_cast %broadcast_in_dim3A_520 : vector<16x1xi32> to vector<16xi32>
        %gather3A_522 = tpu.dynamic_gather %add3A_512[%gather3A_521] in [0] : vector<16xf32>, vector<16xi32> -> vector<16xf32>
        %add3A_523 = arith.addf %add3A_512, %gather3A_522 : vector<16xf32>
        %exp3A_524 = math.exp %add3A_523 : vector<16xf32>
        %mul3A_525 = arith.mulf %exp3A_524, %get3A_480 : vector<16xf32>
        %add3A_526 = arith.constant 0 : i32
        %add3A_527 = arith.addi %add3A_526, %scan3A_306 : i32
        %swap3A_528 = arith.index_cast %add3A_527 : i32 to index
        %swap3A_529 = arith.constant 48 : index
        %swap3A_530 = tpu.vector_load %arg12[%swap3A_528, %swap3A_529] {strides = array<i32>} : memref<80x128xf32, #tpu.memory_space<vmem>>, vector<1x16xf32>,
        %swap3A_531 = vector.shape_cast %swap3A_530 : vector<1x16xf32> to vector<16xf32>
        %swap3A_532 = vector.shape_cast %mul3A_525 : vector<16xf32> to vector<1x16xf32>
        tpu.vector_store %arg12[%swap3A_528, %swap3A_529], %swap3A_532 {strides = array<i32>} : memref<80x128xf32, #tpu.memory_space<vmem>>, vector<1x16xf32>,
        %mul3A_533 = arith.mulf %exp3A_524, %get3A_73 : vector<16xf32>
        %add3A_534 = arith.addf %add3A_476, %mul3A_533 : vector<16xf32>
        %get3A_535 = arith.index_cast %scan3A_306 : i32 to index
        %get3A_536 = arith.constant 64 : index
        %get3A_537 = tpu.vector_load %arg8[%get3A_535, %get3A_536] {strides = array<i32>} : memref<40x128xf32, #tpu.memory_space<vmem>>, vector<1x16xf32>,
        %get3A_538 = vector.shape_cast %get3A_537 : vector<1x16xf32> to vector<16xf32>
        %get3A_539 = arith.index_cast %scan3A_306 : i32 to index
        %get3A_540 = arith.constant 64 : index
        %get3A_541 = tpu.vector_load %arg9[%get3A_539, %get3A_540] {strides = array<i32>} : memref<40x128xf32, #tpu.memory_space<vmem>>, vector<1x16xf32>,
        %get3A_542 = vector.shape_cast %get3A_541 : vector<1x16xf32> to vector<16xf32>
        %add3A_543 = arith.addf %get3A_538, %get3A_542 : vector<16xf32>
        %mul3A_544 = arith.constant 2.000000e-01 : f32
        %mul3A_545 = vector.broadcast %mul3A_544 : f32 to vector<16xf32>
        %mul3A_546 = arith.mulf %mul3A_545, %add3A_543 : vector<16xf32>
        %max3A_547 = arith.maximumf %add3A_543, %mul3A_546 : vector<16xf32>
        %mul3A_548 = arith.mulf %max3A_547, %get3A_58 : vector<16xf32>
        %lt3A_549 = arith.constant 0 : i32
        %lt3A_550 = vector.broadcast %lt3A_549 : i32 to vector<16xi32>
        %lt3A_551 = arith.cmpi slt, %xor3A_38, %lt3A_550 : vector<16xi32>
        %add3A_552 = arith.constant 16 : i32
        %add3A_553 = vector.broadcast %add3A_552 : i32 to vector<16xi32>
        %add3A_554 = arith.addi %xor3A_38, %add3A_553 : vector<16xi32>
        %select_n3A_555 = arith.select %lt3A_551, %add3A_554, %xor3A_38 : vector<16xi1>, vector<16xi32>
        %broadcast_in_dim3A_556 = vector.shape_cast %select_n3A_555 : vector<16xi32> to vector<16x1xi32>
        %gather3A_557 = vector.shape_cast %broadcast_in_dim3A_556 : vector<16x1xi32> to vector<16xi32>
        %gather3A_558 = tpu.dynamic_gather %mul3A_548[%gather3A_557] in [0] : vector<16xf32>, vector<16xi32> -> vector<16xf32>
        %add3A_559 = arith.addf %mul3A_548, %gather3A_558 : vector<16xf32>
        %lt3A_560 = arith.constant 0 : i32
        %lt3A_561 = vector.broadcast %lt3A_560 : i32 to vector<16xi32>
        %lt3A_562 = arith.cmpi slt, %xor3A_41, %lt3A_561 : vector<16xi32>
        %add3A_563 = arith.constant 16 : i32
        %add3A_564 = vector.broadcast %add3A_563 : i32 to vector<16xi32>
        %add3A_565 = arith.addi %xor3A_41, %add3A_564 : vector<16xi32>
        %select_n3A_566 = arith.select %lt3A_562, %add3A_565, %xor3A_41 : vector<16xi1>, vector<16xi32>
        %broadcast_in_dim3A_567 = vector.shape_cast %select_n3A_566 : vector<16xi32> to vector<16x1xi32>
        %gather3A_568 = vector.shape_cast %broadcast_in_dim3A_567 : vector<16x1xi32> to vector<16xi32>
        %gather3A_569 = tpu.dynamic_gather %add3A_559[%gather3A_568] in [0] : vector<16xf32>, vector<16xi32> -> vector<16xf32>
        %add3A_570 = arith.addf %add3A_559, %gather3A_569 : vector<16xf32>
        %lt3A_571 = arith.constant 0 : i32
        %lt3A_572 = vector.broadcast %lt3A_571 : i32 to vector<16xi32>
        %lt3A_573 = arith.cmpi slt, %xor3A_44, %lt3A_572 : vector<16xi32>
        %add3A_574 = arith.constant 16 : i32
        %add3A_575 = vector.broadcast %add3A_574 : i32 to vector<16xi32>
        %add3A_576 = arith.addi %xor3A_44, %add3A_575 : vector<16xi32>
        %select_n3A_577 = arith.select %lt3A_573, %add3A_576, %xor3A_44 : vector<16xi1>, vector<16xi32>
        %broadcast_in_dim3A_578 = vector.shape_cast %select_n3A_577 : vector<16xi32> to vector<16x1xi32>
        %gather3A_579 = vector.shape_cast %broadcast_in_dim3A_578 : vector<16x1xi32> to vector<16xi32>
        %gather3A_580 = tpu.dynamic_gather %add3A_570[%gather3A_579] in [0] : vector<16xf32>, vector<16xi32> -> vector<16xf32>
        %add3A_581 = arith.addf %add3A_570, %gather3A_580 : vector<16xf32>
        %exp3A_582 = math.exp %add3A_581 : vector<16xf32>
        %mul3A_583 = arith.mulf %exp3A_582, %get3A_538 : vector<16xf32>
        %add3A_584 = arith.constant 0 : i32
        %add3A_585 = arith.addi %add3A_584, %scan3A_306 : i32
        %swap3A_586 = arith.index_cast %add3A_585 : i32 to index
        %swap3A_587 = arith.constant 64 : index
        %swap3A_588 = tpu.vector_load %arg12[%swap3A_586, %swap3A_587] {strides = array<i32>} : memref<80x128xf32, #tpu.memory_space<vmem>>, vector<1x16xf32>,
        %swap3A_589 = vector.shape_cast %swap3A_588 : vector<1x16xf32> to vector<16xf32>
        %swap3A_590 = vector.shape_cast %mul3A_583 : vector<16xf32> to vector<1x16xf32>
        tpu.vector_store %arg12[%swap3A_586, %swap3A_587], %swap3A_590 {strides = array<i32>} : memref<80x128xf32, #tpu.memory_space<vmem>>, vector<1x16xf32>,
        %mul3A_591 = arith.mulf %exp3A_582, %get3A_76 : vector<16xf32>
        %add3A_592 = arith.addf %add3A_534, %mul3A_591 : vector<16xf32>
        %get3A_593 = arith.index_cast %scan3A_306 : i32 to index
        %get3A_594 = arith.constant 80 : index
        %get3A_595 = tpu.vector_load %arg8[%get3A_593, %get3A_594] {strides = array<i32>} : memref<40x128xf32, #tpu.memory_space<vmem>>, vector<1x16xf32>,
        %get3A_596 = vector.shape_cast %get3A_595 : vector<1x16xf32> to vector<16xf32>
        %get3A_597 = arith.index_cast %scan3A_306 : i32 to index
        %get3A_598 = arith.constant 80 : index
        %get3A_599 = tpu.vector_load %arg9[%get3A_597, %get3A_598] {strides = array<i32>} : memref<40x128xf32, #tpu.memory_space<vmem>>, vector<1x16xf32>,
        %get3A_600 = vector.shape_cast %get3A_599 : vector<1x16xf32> to vector<16xf32>
        %add3A_601 = arith.addf %get3A_596, %get3A_600 : vector<16xf32>
        %mul3A_602 = arith.constant 2.000000e-01 : f32
        %mul3A_603 = vector.broadcast %mul3A_602 : f32 to vector<16xf32>
        %mul3A_604 = arith.mulf %mul3A_603, %add3A_601 : vector<16xf32>
        %max3A_605 = arith.maximumf %add3A_601, %mul3A_604 : vector<16xf32>
        %mul3A_606 = arith.mulf %max3A_605, %get3A_61 : vector<16xf32>
        %lt3A_607 = arith.constant 0 : i32
        %lt3A_608 = vector.broadcast %lt3A_607 : i32 to vector<16xi32>
        %lt3A_609 = arith.cmpi slt, %xor3A_38, %lt3A_608 : vector<16xi32>
        %add3A_610 = arith.constant 16 : i32
        %add3A_611 = vector.broadcast %add3A_610 : i32 to vector<16xi32>
        %add3A_612 = arith.addi %xor3A_38, %add3A_611 : vector<16xi32>
        %select_n3A_613 = arith.select %lt3A_609, %add3A_612, %xor3A_38 : vector<16xi1>, vector<16xi32>
        %broadcast_in_dim3A_614 = vector.shape_cast %select_n3A_613 : vector<16xi32> to vector<16x1xi32>
        %gather3A_615 = vector.shape_cast %broadcast_in_dim3A_614 : vector<16x1xi32> to vector<16xi32>
        %gather3A_616 = tpu.dynamic_gather %mul3A_606[%gather3A_615] in [0] : vector<16xf32>, vector<16xi32> -> vector<16xf32>
        %add3A_617 = arith.addf %mul3A_606, %gather3A_616 : vector<16xf32>
        %lt3A_618 = arith.constant 0 : i32
        %lt3A_619 = vector.broadcast %lt3A_618 : i32 to vector<16xi32>
        %lt3A_620 = arith.cmpi slt, %xor3A_41, %lt3A_619 : vector<16xi32>
        %add3A_621 = arith.constant 16 : i32
        %add3A_622 = vector.broadcast %add3A_621 : i32 to vector<16xi32>
        %add3A_623 = arith.addi %xor3A_41, %add3A_622 : vector<16xi32>
        %select_n3A_624 = arith.select %lt3A_620, %add3A_623, %xor3A_41 : vector<16xi1>, vector<16xi32>
        %broadcast_in_dim3A_625 = vector.shape_cast %select_n3A_624 : vector<16xi32> to vector<16x1xi32>
        %gather3A_626 = vector.shape_cast %broadcast_in_dim3A_625 : vector<16x1xi32> to vector<16xi32>
        %gather3A_627 = tpu.dynamic_gather %add3A_617[%gather3A_626] in [0] : vector<16xf32>, vector<16xi32> -> vector<16xf32>
        %add3A_628 = arith.addf %add3A_617, %gather3A_627 : vector<16xf32>
        %lt3A_629 = arith.constant 0 : i32
        %lt3A_630 = vector.broadcast %lt3A_629 : i32 to vector<16xi32>
        %lt3A_631 = arith.cmpi slt, %xor3A_44, %lt3A_630 : vector<16xi32>
        %add3A_632 = arith.constant 16 : i32
        %add3A_633 = vector.broadcast %add3A_632 : i32 to vector<16xi32>
        %add3A_634 = arith.addi %xor3A_44, %add3A_633 : vector<16xi32>
        %select_n3A_635 = arith.select %lt3A_631, %add3A_634, %xor3A_44 : vector<16xi1>, vector<16xi32>
        %broadcast_in_dim3A_636 = vector.shape_cast %select_n3A_635 : vector<16xi32> to vector<16x1xi32>
        %gather3A_637 = vector.shape_cast %broadcast_in_dim3A_636 : vector<16x1xi32> to vector<16xi32>
        %gather3A_638 = tpu.dynamic_gather %add3A_628[%gather3A_637] in [0] : vector<16xf32>, vector<16xi32> -> vector<16xf32>
        %add3A_639 = arith.addf %add3A_628, %gather3A_638 : vector<16xf32>
        %exp3A_640 = math.exp %add3A_639 : vector<16xf32>
        %mul3A_641 = arith.mulf %exp3A_640, %get3A_596 : vector<16xf32>
        %add3A_642 = arith.constant 0 : i32
        %add3A_643 = arith.addi %add3A_642, %scan3A_306 : i32
        %swap3A_644 = arith.index_cast %add3A_643 : i32 to index
        %swap3A_645 = arith.constant 80 : index
        %swap3A_646 = tpu.vector_load %arg12[%swap3A_644, %swap3A_645] {strides = array<i32>} : memref<80x128xf32, #tpu.memory_space<vmem>>, vector<1x16xf32>,
        %swap3A_647 = vector.shape_cast %swap3A_646 : vector<1x16xf32> to vector<16xf32>
        %swap3A_648 = vector.shape_cast %mul3A_641 : vector<16xf32> to vector<1x16xf32>
        tpu.vector_store %arg12[%swap3A_644, %swap3A_645], %swap3A_648 {strides = array<i32>} : memref<80x128xf32, #tpu.memory_space<vmem>>, vector<1x16xf32>,
        %mul3A_649 = arith.mulf %exp3A_640, %get3A_79 : vector<16xf32>
        %add3A_650 = arith.addf %add3A_592, %mul3A_649 : vector<16xf32>
        %add3A_651 = arith.constant 0 : i32
        %add3A_652 = arith.addi %add3A_651, %scan3A_306 : i32
        %swap3A_653 = arith.index_cast %add3A_652 : i32 to index
        %swap3A_654 = arith.constant 96 : index
        %swap3A_655 = tpu.vector_load %arg12[%swap3A_653, %swap3A_654] {strides = array<i32>} : memref<80x128xf32, #tpu.memory_space<vmem>>, vector<1x16xf32>,
        %swap3A_656 = vector.shape_cast %swap3A_655 : vector<1x16xf32> to vector<16xf32>
        %swap3A_657 = vector.shape_cast %add3A_650 : vector<16xf32> to vector<1x16xf32>
        tpu.vector_store %arg12[%swap3A_653, %swap3A_654], %swap3A_657 {strides = array<i32>} : memref<80x128xf32, #tpu.memory_space<vmem>>, vector<1x16xf32>,
      }
      %scan3A_229 = arith.constant 40 : i32
      %mul3A_230 = arith.constant 2 : i32
      %mul3A_231 = arith.muli %mul3A_230, %rem3A_198 : i32
      %add3A_232 = arith.constant 0 : i32
      %add3A_233 = arith.addi %mul3A_231, %add3A_232 : i32
      %dma_start3A_234 = arith.constant 0 : i32
      %dma_start3A_235 = arith.constant 0 : i32
      %dma_start3A_236 = tpu.memref_slice %arg12[%dma_start3A_234, %dma_start3A_235] : memref<80x128xf32, #tpu.memory_space<vmem>> -> memref<40x128xf32, #tpu.memory_space<vmem>>
      %dma_start3A_237 = arith.constant 0 : i32
      %dma_start3A_238 = tpu.memref_slice %arg14[%add3A_233, %dma_start3A_237] : memref<6x40xi32, #tpu.memory_space<vmem>> -> memref<1x40xi32, #tpu.memory_space<vmem>>
      %dma_start3A_239 = tpu.memref_squeeze %dma_start3A_238 : memref<1x40xi32, #tpu.memory_space<vmem>> -> memref<40xi32, #tpu.memory_space<vmem>>
      %dma_start3A_240 = arith.constant 0 : i32
      %dma_start3A_241 = arith.constant 0 : i32
      %dma_start3A_242 = tpu.memref_slice %arg16[%dma_start3A_240, %dma_start3A_241] : memref<10240x128xf32, #tpu.memory_space<vmem_shared>> -> memref<10240x128xf32, #tpu.memory_space<vmem_shared>>
      tpu.enqueue_indirect_dma source(%dma_start3A_236 : memref<40x128xf32, #tpu.memory_space<vmem>>) target(%dma_start3A_242 : memref<10240x128xf32, #tpu.memory_space<vmem_shared>>) offsets(%dma_start3A_239 : memref<40xi32, #tpu.memory_space<vmem>>) semaphore(%arg22 : memref<!tpu.dma_semaphore, #tpu.memory_space<semaphore_mem>>) {add = true}
      %add3A_243 = arith.constant 1 : i32
      %add3A_244 = arith.addi %scan3A_197, %add3A_243 : i32
      %lt3A = arith.constant 129 : i32
      %lt3A_245 = arith.cmpi slt, %add3A_244, %lt3A : i32
      %convert_element_type3A_246 = arith.extui %lt3A_245 : i1 to i32
      %cond3A_247 = arith.constant 0 : i32
      %cond3A_248 = arith.cmpi ne, %convert_element_type3A_246, %cond3A_247 : i32
      scf.if %cond3A_248 {
        %mul3A_306 = arith.constant 2 : i32
        %mul3A_307 = arith.muli %mul3A_306, %rem3A_202 : i32
        %add3A_308 = arith.constant 0 : i32
        %add3A_309 = arith.addi %mul3A_307, %add3A_308 : i32
        %dma_wait3A_310 = arith.constant 0 : i32
        %dma_wait3A_311 = arith.constant 0 : i32
        %dma_wait3A_312 = tpu.memref_slice %arg13[%add3A_309, %dma_wait3A_311] : memref<6x40xi32, #tpu.memory_space<vmem>> -> memref<1x40xi32, #tpu.memory_space<vmem>>
        %dma_wait3A_313 = tpu.memref_squeeze %dma_wait3A_312 : memref<1x40xi32, #tpu.memory_space<vmem>> -> memref<40xi32, #tpu.memory_space<vmem>>
        %dma_wait3A_314 = arith.constant 0 : i32
        %dma_wait3A_315 = tpu.memref_slice %arg4[%add3A, %dma_wait3A_310, %dma_wait3A_314] : memref<32x258x40xi32, #tpu.memory_space<hbm>> -> memref<1x1x40xi32, #tpu.memory_space<hbm>>
        %dma_wait3A_316 = tpu.memref_squeeze %dma_wait3A_315 : memref<1x1x40xi32, #tpu.memory_space<hbm>> -> memref<40xi32, #tpu.memory_space<hbm>>
        %dma_wait3A_317 = arith.constant 0 : i32
        %dma_wait3A_318 = tpu.memref_slice %arg13[%add3A_309, %dma_wait3A_317] : memref<6x40xi32, #tpu.memory_space<vmem>> -> memref<1x40xi32, #tpu.memory_space<vmem>>
        %dma_wait3A_319 = tpu.memref_squeeze %dma_wait3A_318 : memref<1x40xi32, #tpu.memory_space<vmem>> -> memref<40xi32, #tpu.memory_space<vmem>>
        %dma_wait3A_320 = arith.constant 0 : i32
        %dma_wait3A_321 = tpu.memref_slice %arg4[%add3A, %dma_wait3A_310, %dma_wait3A_320] : memref<32x258x40xi32, #tpu.memory_space<hbm>> -> memref<1x1x40xi32, #tpu.memory_space<hbm>>
        %dma_wait3A_322 = tpu.memref_squeeze %dma_wait3A_321 : memref<1x1x40xi32, #tpu.memory_space<hbm>> -> memref<40xi32, #tpu.memory_space<hbm>>
        tpu.wait_dma2 semaphore(%arg21 : memref<!tpu.dma_semaphore, #tpu.memory_space<semaphore_mem>>) src(%dma_wait3A_322 : memref<40xi32, #tpu.memory_space<hbm>>) dst(%dma_wait3A_319 : memref<40xi32, #tpu.memory_space<vmem>>)
        %mul3A_323 = arith.constant 2 : i32
        %mul3A_324 = arith.muli %mul3A_323, %rem3A_202 : i32
        %add3A_325 = arith.constant 0 : i32
        %add3A_326 = arith.addi %mul3A_324, %add3A_325 : i32
        %dma_wait3A_327 = arith.constant 0 : i32
        %dma_wait3A_328 = arith.constant 0 : i32
        %dma_wait3A_329 = tpu.memref_slice %arg14[%add3A_326, %dma_wait3A_328] : memref<6x40xi32, #tpu.memory_space<vmem>> -> memref<1x40xi32, #tpu.memory_space<vmem>>
        %dma_wait3A_330 = tpu.memref_squeeze %dma_wait3A_329 : memref<1x40xi32, #tpu.memory_space<vmem>> -> memref<40xi32, #tpu.memory_space<vmem>>
        %dma_wait3A_331 = arith.constant 0 : i32
        %dma_wait3A_332 = tpu.memref_slice %arg5[%add3A, %dma_wait3A_327, %dma_wait3A_331] : memref<32x258x40xi32, #tpu.memory_space<hbm>> -> memref<1x1x40xi32, #tpu.memory_space<hbm>>
        %dma_wait3A_333 = tpu.memref_squeeze %dma_wait3A_332 : memref<1x1x40xi32, #tpu.memory_space<hbm>> -> memref<40xi32, #tpu.memory_space<hbm>>
        %dma_wait3A_334 = arith.constant 0 : i32
        %dma_wait3A_335 = tpu.memref_slice %arg14[%add3A_326, %dma_wait3A_334] : memref<6x40xi32, #tpu.memory_space<vmem>> -> memref<1x40xi32, #tpu.memory_space<vmem>>
        %dma_wait3A_336 = tpu.memref_squeeze %dma_wait3A_335 : memref<1x40xi32, #tpu.memory_space<vmem>> -> memref<40xi32, #tpu.memory_space<vmem>>
        %dma_wait3A_337 = arith.constant 0 : i32
        %dma_wait3A_338 = tpu.memref_slice %arg5[%add3A, %dma_wait3A_327, %dma_wait3A_337] : memref<32x258x40xi32, #tpu.memory_space<hbm>> -> memref<1x1x40xi32, #tpu.memory_space<hbm>>
        %dma_wait3A_339 = tpu.memref_squeeze %dma_wait3A_338 : memref<1x1x40xi32, #tpu.memory_space<hbm>> -> memref<40xi32, #tpu.memory_space<hbm>>
        tpu.wait_dma2 semaphore(%arg21 : memref<!tpu.dma_semaphore, #tpu.memory_space<semaphore_mem>>) src(%dma_wait3A_339 : memref<40xi32, #tpu.memory_space<hbm>>) dst(%dma_wait3A_336 : memref<40xi32, #tpu.memory_space<vmem>>)
        %mul3A_340 = arith.constant 2 : i32
        %mul3A_341 = arith.muli %mul3A_340, %rem3A_202 : i32
        %add3A_342 = arith.constant 1 : i32
        %add3A_343 = arith.addi %mul3A_341, %add3A_342 : i32
        %dma_wait3A_344 = arith.constant 0 : i32
        %dma_wait3A_345 = arith.constant 0 : i32
        %dma_wait3A_346 = tpu.memref_slice %arg13[%add3A_343, %dma_wait3A_345] : memref<6x40xi32, #tpu.memory_space<vmem>> -> memref<1x40xi32, #tpu.memory_space<vmem>>
        %dma_wait3A_347 = tpu.memref_squeeze %dma_wait3A_346 : memref<1x40xi32, #tpu.memory_space<vmem>> -> memref<40xi32, #tpu.memory_space<vmem>>
        %dma_wait3A_348 = arith.constant 0 : i32
        %dma_wait3A_349 = tpu.memref_slice %arg4[%add3A, %dma_wait3A_344, %dma_wait3A_348] : memref<32x258x40xi32, #tpu.memory_space<hbm>> -> memref<1x1x40xi32, #tpu.memory_space<hbm>>
        %dma_wait3A_350 = tpu.memref_squeeze %dma_wait3A_349 : memref<1x1x40xi32, #tpu.memory_space<hbm>> -> memref<40xi32, #tpu.memory_space<hbm>>
        %dma_wait3A_351 = arith.constant 0 : i32
        %dma_wait3A_352 = tpu.memref_slice %arg13[%add3A_343, %dma_wait3A_351] : memref<6x40xi32, #tpu.memory_space<vmem>> -> memref<1x40xi32, #tpu.memory_space<vmem>>
        %dma_wait3A_353 = tpu.memref_squeeze %dma_wait3A_352 : memref<1x40xi32, #tpu.memory_space<vmem>> -> memref<40xi32, #tpu.memory_space<vmem>>
        %dma_wait3A_354 = arith.constant 0 : i32
        %dma_wait3A_355 = tpu.memref_slice %arg4[%add3A, %dma_wait3A_344, %dma_wait3A_354] : memref<32x258x40xi32, #tpu.memory_space<hbm>> -> memref<1x1x40xi32, #tpu.memory_space<hbm>>
        %dma_wait3A_356 = tpu.memref_squeeze %dma_wait3A_355 : memref<1x1x40xi32, #tpu.memory_space<hbm>> -> memref<40xi32, #tpu.memory_space<hbm>>
        tpu.wait_dma2 semaphore(%arg21 : memref<!tpu.dma_semaphore, #tpu.memory_space<semaphore_mem>>) src(%dma_wait3A_356 : memref<40xi32, #tpu.memory_space<hbm>>) dst(%dma_wait3A_353 : memref<40xi32, #tpu.memory_space<vmem>>)
        %mul3A_357 = arith.constant 2 : i32
        %mul3A_358 = arith.muli %mul3A_357, %rem3A_202 : i32
        %add3A_359 = arith.constant 1 : i32
        %add3A_360 = arith.addi %mul3A_358, %add3A_359 : i32
        %dma_wait3A_361 = arith.constant 0 : i32
        %dma_wait3A_362 = arith.constant 0 : i32
        %dma_wait3A_363 = tpu.memref_slice %arg14[%add3A_360, %dma_wait3A_362] : memref<6x40xi32, #tpu.memory_space<vmem>> -> memref<1x40xi32, #tpu.memory_space<vmem>>
        %dma_wait3A_364 = tpu.memref_squeeze %dma_wait3A_363 : memref<1x40xi32, #tpu.memory_space<vmem>> -> memref<40xi32, #tpu.memory_space<vmem>>
        %dma_wait3A_365 = arith.constant 0 : i32
        %dma_wait3A_366 = tpu.memref_slice %arg5[%add3A, %dma_wait3A_361, %dma_wait3A_365] : memref<32x258x40xi32, #tpu.memory_space<hbm>> -> memref<1x1x40xi32, #tpu.memory_space<hbm>>
        %dma_wait3A_367 = tpu.memref_squeeze %dma_wait3A_366 : memref<1x1x40xi32, #tpu.memory_space<hbm>> -> memref<40xi32, #tpu.memory_space<hbm>>
        %dma_wait3A_368 = arith.constant 0 : i32
        %dma_wait3A_369 = tpu.memref_slice %arg14[%add3A_360, %dma_wait3A_368] : memref<6x40xi32, #tpu.memory_space<vmem>> -> memref<1x40xi32, #tpu.memory_space<vmem>>
        %dma_wait3A_370 = tpu.memref_squeeze %dma_wait3A_369 : memref<1x40xi32, #tpu.memory_space<vmem>> -> memref<40xi32, #tpu.memory_space<vmem>>
        %dma_wait3A_371 = arith.constant 0 : i32
        %dma_wait3A_372 = tpu.memref_slice %arg5[%add3A, %dma_wait3A_361, %dma_wait3A_371] : memref<32x258x40xi32, #tpu.memory_space<hbm>> -> memref<1x1x40xi32, #tpu.memory_space<hbm>>
        %dma_wait3A_373 = tpu.memref_squeeze %dma_wait3A_372 : memref<1x1x40xi32, #tpu.memory_space<hbm>> -> memref<40xi32, #tpu.memory_space<hbm>>
        tpu.wait_dma2 semaphore(%arg21 : memref<!tpu.dma_semaphore, #tpu.memory_space<semaphore_mem>>) src(%dma_wait3A_373 : memref<40xi32, #tpu.memory_space<hbm>>) dst(%dma_wait3A_370 : memref<40xi32, #tpu.memory_space<vmem>>)
        %mul3A_374 = arith.constant 2 : i32
        %mul3A_375 = arith.muli %mul3A_374, %rem3A_202 : i32
        %add3A_376 = arith.constant 0 : i32
        %add3A_377 = arith.addi %mul3A_375, %add3A_376 : i32
        %dma_start3A_378 = arith.constant 0 : i32
        %dma_start3A_379 = tpu.memref_slice %arg13[%add3A_377, %dma_start3A_378] : memref<6x40xi32, #tpu.memory_space<vmem>> -> memref<1x40xi32, #tpu.memory_space<vmem>>
        %dma_start3A_380 = tpu.memref_squeeze %dma_start3A_379 : memref<1x40xi32, #tpu.memory_space<vmem>> -> memref<40xi32, #tpu.memory_space<vmem>>
        %dma_start3A_381 = arith.constant 0 : i32
        %dma_start3A_382 = arith.constant 0 : i32
        %dma_start3A_383 = tpu.memref_slice %arg2[%dma_start3A_381, %dma_start3A_382] : memref<10240x128xf32, #tpu.memory_space<hbm>> -> memref<10240x128xf32, #tpu.memory_space<hbm>>
        tpu.enqueue_indirect_dma source(%dma_start3A_383 : memref<10240x128xf32, #tpu.memory_space<hbm>>) target(%arg8 : memref<40x128xf32, #tpu.memory_space<vmem>>) offsets(%dma_start3A_380 : memref<40xi32, #tpu.memory_space<vmem>>) semaphore(%arg17 : memref<!tpu.dma_semaphore, #tpu.memory_space<semaphore_mem>>)
        %mul3A_384 = arith.constant 2 : i32
        %mul3A_385 = arith.muli %mul3A_384, %rem3A_202 : i32
        %add3A_386 = arith.constant 0 : i32
        %add3A_387 = arith.addi %mul3A_385, %add3A_386 : i32
        %dma_start3A_388 = arith.constant 0 : i32
        %dma_start3A_389 = tpu.memref_slice %arg14[%add3A_387, %dma_start3A_388] : memref<6x40xi32, #tpu.memory_space<vmem>> -> memref<1x40xi32, #tpu.memory_space<vmem>>
        %dma_start3A_390 = tpu.memref_squeeze %dma_start3A_389 : memref<1x40xi32, #tpu.memory_space<vmem>> -> memref<40xi32, #tpu.memory_space<vmem>>
        %dma_start3A_391 = arith.constant 0 : i32
        %dma_start3A_392 = arith.constant 0 : i32
        %dma_start3A_393 = tpu.memref_slice %arg3[%dma_start3A_391, %dma_start3A_392] : memref<10240x128xf32, #tpu.memory_space<hbm>> -> memref<10240x128xf32, #tpu.memory_space<hbm>>
        tpu.enqueue_indirect_dma source(%dma_start3A_393 : memref<10240x128xf32, #tpu.memory_space<hbm>>) target(%arg9 : memref<40x128xf32, #tpu.memory_space<vmem>>) offsets(%dma_start3A_390 : memref<40xi32, #tpu.memory_space<vmem>>) semaphore(%arg18 : memref<!tpu.dma_semaphore, #tpu.memory_space<semaphore_mem>>)
      } else {
      }
      %mul3A_249 = arith.constant 2 : i32
      %mul3A_250 = arith.muli %mul3A_249, %rem3A_198 : i32
      %add3A_251 = arith.constant 1 : i32
      %add3A_252 = arith.addi %mul3A_250, %add3A_251 : i32
      %dma_wait3A_253 = arith.constant 0 : i32
      %dma_wait3A_254 = tpu.memref_slice %arg13[%add3A_252, %dma_wait3A_253] : memref<6x40xi32, #tpu.memory_space<vmem>> -> memref<1x40xi32, #tpu.memory_space<vmem>>
      %dma_wait3A_255 = tpu.memref_squeeze %dma_wait3A_254 : memref<1x40xi32, #tpu.memory_space<vmem>> -> memref<40xi32, #tpu.memory_space<vmem>>
      %dma_wait3A_256 = arith.constant 0 : i32
      %dma_wait3A_257 = arith.constant 0 : i32
      %dma_wait3A_258 = tpu.memref_slice %arg2[%dma_wait3A_256, %dma_wait3A_257] : memref<10240x128xf32, #tpu.memory_space<hbm>> -> memref<10240x128xf32, #tpu.memory_space<hbm>>
      tpu.wait_indirect_dma semaphore(%arg19 : memref<!tpu.dma_semaphore, #tpu.memory_space<semaphore_mem>>) src(%dma_wait3A_258 : memref<10240x128xf32, #tpu.memory_space<hbm>>) dst(%arg10 : memref<40x128xf32, #tpu.memory_space<vmem>>)
      %mul3A_259 = arith.constant 2 : i32
      %mul3A_260 = arith.muli %mul3A_259, %rem3A_198 : i32
      %add3A_261 = arith.constant 1 : i32
      %add3A_262 = arith.addi %mul3A_260, %add3A_261 : i32
      %dma_wait3A_263 = arith.constant 0 : i32
      %dma_wait3A_264 = tpu.memref_slice %arg14[%add3A_262, %dma_wait3A_263] : memref<6x40xi32, #tpu.memory_space<vmem>> -> memref<1x40xi32, #tpu.memory_space<vmem>>
      %dma_wait3A_265 = tpu.memref_squeeze %dma_wait3A_264 : memref<1x40xi32, #tpu.memory_space<vmem>> -> memref<40xi32, #tpu.memory_space<vmem>>
      %dma_wait3A_266 = arith.constant 0 : i32
      %dma_wait3A_267 = arith.constant 0 : i32
      %dma_wait3A_268 = tpu.memref_slice %arg3[%dma_wait3A_266, %dma_wait3A_267] : memref<10240x128xf32, #tpu.memory_space<hbm>> -> memref<10240x128xf32, #tpu.memory_space<hbm>>
      tpu.wait_indirect_dma semaphore(%arg20 : memref<!tpu.dma_semaphore, #tpu.memory_space<semaphore_mem>>) src(%dma_wait3A_268 : memref<10240x128xf32, #tpu.memory_space<hbm>>) dst(%arg11 : memref<40x128xf32, #tpu.memory_space<vmem>>)
      %gt3A_269 = arith.constant 0 : i32
      %gt3A_270 = arith.cmpi sgt, %scan3A_197, %gt3A_269 : i32
      %convert_element_type3A_271 = arith.extui %gt3A_270 : i1 to i32
      %cond3A_272 = arith.constant 0 : i32
      %cond3A_273 = arith.cmpi ne, %convert_element_type3A_271, %cond3A_272 : i32
      scf.if %cond3A_273 {
        %dma_wait3A_306 = arith.constant 0 : i32
        %dma_wait3A_307 = arith.constant 40 : i32
        %dma_wait3A_308 = arith.constant 0 : i32
        %dma_wait3A_309 = tpu.memref_slice %arg12[%dma_wait3A_307, %dma_wait3A_308] : memref<80x128xf32, #tpu.memory_space<vmem>> -> memref<40x128xf32, #tpu.memory_space<vmem>>
        %dma_wait3A_310 = arith.constant 0 : i32
        %dma_wait3A_311 = tpu.memref_slice %arg14[%dma_wait3A_306, %dma_wait3A_310] : memref<6x40xi32, #tpu.memory_space<vmem>> -> memref<1x40xi32, #tpu.memory_space<vmem>>
        %dma_wait3A_312 = tpu.memref_squeeze %dma_wait3A_311 : memref<1x40xi32, #tpu.memory_space<vmem>> -> memref<40xi32, #tpu.memory_space<vmem>>
        %dma_wait3A_313 = arith.constant 0 : i32
        %dma_wait3A_314 = arith.constant 0 : i32
        %dma_wait3A_315 = tpu.memref_slice %arg16[%dma_wait3A_313, %dma_wait3A_314] : memref<10240x128xf32, #tpu.memory_space<vmem_shared>> -> memref<10240x128xf32, #tpu.memory_space<vmem_shared>>
        tpu.wait_indirect_dma semaphore(%arg23 : memref<!tpu.dma_semaphore, #tpu.memory_space<semaphore_mem>>) src(%dma_wait3A_309 : memref<40x128xf32, #tpu.memory_space<vmem>>) dst(%dma_wait3A_315 : memref<10240x128xf32, #tpu.memory_space<vmem_shared>>)
      } else {
      }
      %scan3A_274 = arith.constant 0 : i32
      %scan3A_275 = arith.constant 40 : i32
      %scan3A_276 = arith.addi %scan3A_274, %scan3A_275 : i32
      %scan3A_277 = arith.constant 1 : i32
      scf.for %scan3A_306 = %scan3A_274 to %scan3A_276 step %scan3A_277  : i32 {
        %broadcast_in_dim3A = arith.constant 0.000000e+00 : f32
        %broadcast_in_dim3A_307 = vector.broadcast %broadcast_in_dim3A : f32 to vector<16xf32>
        %get3A_308 = arith.index_cast %scan3A_306 : i32 to index
        %get3A_309 = arith.constant 0 : index
        %get3A_310 = tpu.vector_load %arg10[%get3A_308, %get3A_309] {strides = array<i32>} : memref<40x128xf32, #tpu.memory_space<vmem>>, vector<1x16xf32>,
        %get3A_311 = vector.shape_cast %get3A_310 : vector<1x16xf32> to vector<16xf32>
        %get3A_312 = arith.index_cast %scan3A_306 : i32 to index
        %get3A_313 = arith.constant 0 : index
        %get3A_314 = tpu.vector_load %arg11[%get3A_312, %get3A_313] {strides = array<i32>} : memref<40x128xf32, #tpu.memory_space<vmem>>, vector<1x16xf32>,
        %get3A_315 = vector.shape_cast %get3A_314 : vector<1x16xf32> to vector<16xf32>
        %add3A_316 = arith.addf %get3A_311, %get3A_315 : vector<16xf32>
        %mul3A_317 = arith.constant 2.000000e-01 : f32
        %mul3A_318 = vector.broadcast %mul3A_317 : f32 to vector<16xf32>
        %mul3A_319 = arith.mulf %mul3A_318, %add3A_316 : vector<16xf32>
        %max3A = arith.maximumf %add3A_316, %mul3A_319 : vector<16xf32>
        %mul3A_320 = arith.mulf %max3A, %get3A_46 : vector<16xf32>
        %lt3A_321 = arith.constant 0 : i32
        %lt3A_322 = vector.broadcast %lt3A_321 : i32 to vector<16xi32>
        %lt3A_323 = arith.cmpi slt, %xor3A_38, %lt3A_322 : vector<16xi32>
        %add3A_324 = arith.constant 16 : i32
        %add3A_325 = vector.broadcast %add3A_324 : i32 to vector<16xi32>
        %add3A_326 = arith.addi %xor3A_38, %add3A_325 : vector<16xi32>
        %select_n3A = arith.select %lt3A_323, %add3A_326, %xor3A_38 : vector<16xi1>, vector<16xi32>
        %broadcast_in_dim3A_327 = vector.shape_cast %select_n3A : vector<16xi32> to vector<16x1xi32>
        %gather3A = vector.shape_cast %broadcast_in_dim3A_327 : vector<16x1xi32> to vector<16xi32>
        %gather3A_328 = tpu.dynamic_gather %mul3A_320[%gather3A] in [0] : vector<16xf32>, vector<16xi32> -> vector<16xf32>
        %add3A_329 = arith.addf %mul3A_320, %gather3A_328 : vector<16xf32>
        %lt3A_330 = arith.constant 0 : i32
        %lt3A_331 = vector.broadcast %lt3A_330 : i32 to vector<16xi32>
        %lt3A_332 = arith.cmpi slt, %xor3A_41, %lt3A_331 : vector<16xi32>
        %add3A_333 = arith.constant 16 : i32
        %add3A_334 = vector.broadcast %add3A_333 : i32 to vector<16xi32>
        %add3A_335 = arith.addi %xor3A_41, %add3A_334 : vector<16xi32>
        %select_n3A_336 = arith.select %lt3A_332, %add3A_335, %xor3A_41 : vector<16xi1>, vector<16xi32>
        %broadcast_in_dim3A_337 = vector.shape_cast %select_n3A_336 : vector<16xi32> to vector<16x1xi32>
        %gather3A_338 = vector.shape_cast %broadcast_in_dim3A_337 : vector<16x1xi32> to vector<16xi32>
        %gather3A_339 = tpu.dynamic_gather %add3A_329[%gather3A_338] in [0] : vector<16xf32>, vector<16xi32> -> vector<16xf32>
        %add3A_340 = arith.addf %add3A_329, %gather3A_339 : vector<16xf32>
        %lt3A_341 = arith.constant 0 : i32
        %lt3A_342 = vector.broadcast %lt3A_341 : i32 to vector<16xi32>
        %lt3A_343 = arith.cmpi slt, %xor3A_44, %lt3A_342 : vector<16xi32>
        %add3A_344 = arith.constant 16 : i32
        %add3A_345 = vector.broadcast %add3A_344 : i32 to vector<16xi32>
        %add3A_346 = arith.addi %xor3A_44, %add3A_345 : vector<16xi32>
        %select_n3A_347 = arith.select %lt3A_343, %add3A_346, %xor3A_44 : vector<16xi1>, vector<16xi32>
        %broadcast_in_dim3A_348 = vector.shape_cast %select_n3A_347 : vector<16xi32> to vector<16x1xi32>
        %gather3A_349 = vector.shape_cast %broadcast_in_dim3A_348 : vector<16x1xi32> to vector<16xi32>
        %gather3A_350 = tpu.dynamic_gather %add3A_340[%gather3A_349] in [0] : vector<16xf32>, vector<16xi32> -> vector<16xf32>
        %add3A_351 = arith.addf %add3A_340, %gather3A_350 : vector<16xf32>
        %exp3A = math.exp %add3A_351 : vector<16xf32>
        %mul3A_352 = arith.mulf %exp3A, %get3A_311 : vector<16xf32>
        %add3A_353 = arith.constant 40 : i32
        %add3A_354 = arith.addi %add3A_353, %scan3A_306 : i32
        %swap3A = arith.index_cast %add3A_354 : i32 to index
        %swap3A_355 = arith.constant 0 : index
        %swap3A_356 = tpu.vector_load %arg12[%swap3A, %swap3A_355] {strides = array<i32>} : memref<80x128xf32, #tpu.memory_space<vmem>>, vector<1x16xf32>,
        %swap3A_357 = vector.shape_cast %swap3A_356 : vector<1x16xf32> to vector<16xf32>
        %swap3A_358 = vector.shape_cast %mul3A_352 : vector<16xf32> to vector<1x16xf32>
        tpu.vector_store %arg12[%swap3A, %swap3A_355], %swap3A_358 {strides = array<i32>} : memref<80x128xf32, #tpu.memory_space<vmem>>, vector<1x16xf32>,
        %mul3A_359 = arith.mulf %exp3A, %get3A_64 : vector<16xf32>
        %add3A_360 = arith.addf %broadcast_in_dim3A_307, %mul3A_359 : vector<16xf32>
        %get3A_361 = arith.index_cast %scan3A_306 : i32 to index
        %get3A_362 = arith.constant 16 : index
        %get3A_363 = tpu.vector_load %arg10[%get3A_361, %get3A_362] {strides = array<i32>} : memref<40x128xf32, #tpu.memory_space<vmem>>, vector<1x16xf32>,
        %get3A_364 = vector.shape_cast %get3A_363 : vector<1x16xf32> to vector<16xf32>
        %get3A_365 = arith.index_cast %scan3A_306 : i32 to index
        %get3A_366 = arith.constant 16 : index
        %get3A_367 = tpu.vector_load %arg11[%get3A_365, %get3A_366] {strides = array<i32>} : memref<40x128xf32, #tpu.memory_space<vmem>>, vector<1x16xf32>,
        %get3A_368 = vector.shape_cast %get3A_367 : vector<1x16xf32> to vector<16xf32>
        %add3A_369 = arith.addf %get3A_364, %get3A_368 : vector<16xf32>
        %mul3A_370 = arith.constant 2.000000e-01 : f32
        %mul3A_371 = vector.broadcast %mul3A_370 : f32 to vector<16xf32>
        %mul3A_372 = arith.mulf %mul3A_371, %add3A_369 : vector<16xf32>
        %max3A_373 = arith.maximumf %add3A_369, %mul3A_372 : vector<16xf32>
        %mul3A_374 = arith.mulf %max3A_373, %get3A_49 : vector<16xf32>
        %lt3A_375 = arith.constant 0 : i32
        %lt3A_376 = vector.broadcast %lt3A_375 : i32 to vector<16xi32>
        %lt3A_377 = arith.cmpi slt, %xor3A_38, %lt3A_376 : vector<16xi32>
        %add3A_378 = arith.constant 16 : i32
        %add3A_379 = vector.broadcast %add3A_378 : i32 to vector<16xi32>
        %add3A_380 = arith.addi %xor3A_38, %add3A_379 : vector<16xi32>
        %select_n3A_381 = arith.select %lt3A_377, %add3A_380, %xor3A_38 : vector<16xi1>, vector<16xi32>
        %broadcast_in_dim3A_382 = vector.shape_cast %select_n3A_381 : vector<16xi32> to vector<16x1xi32>
        %gather3A_383 = vector.shape_cast %broadcast_in_dim3A_382 : vector<16x1xi32> to vector<16xi32>
        %gather3A_384 = tpu.dynamic_gather %mul3A_374[%gather3A_383] in [0] : vector<16xf32>, vector<16xi32> -> vector<16xf32>
        %add3A_385 = arith.addf %mul3A_374, %gather3A_384 : vector<16xf32>
        %lt3A_386 = arith.constant 0 : i32
        %lt3A_387 = vector.broadcast %lt3A_386 : i32 to vector<16xi32>
        %lt3A_388 = arith.cmpi slt, %xor3A_41, %lt3A_387 : vector<16xi32>
        %add3A_389 = arith.constant 16 : i32
        %add3A_390 = vector.broadcast %add3A_389 : i32 to vector<16xi32>
        %add3A_391 = arith.addi %xor3A_41, %add3A_390 : vector<16xi32>
        %select_n3A_392 = arith.select %lt3A_388, %add3A_391, %xor3A_41 : vector<16xi1>, vector<16xi32>
        %broadcast_in_dim3A_393 = vector.shape_cast %select_n3A_392 : vector<16xi32> to vector<16x1xi32>
        %gather3A_394 = vector.shape_cast %broadcast_in_dim3A_393 : vector<16x1xi32> to vector<16xi32>
        %gather3A_395 = tpu.dynamic_gather %add3A_385[%gather3A_394] in [0] : vector<16xf32>, vector<16xi32> -> vector<16xf32>
        %add3A_396 = arith.addf %add3A_385, %gather3A_395 : vector<16xf32>
        %lt3A_397 = arith.constant 0 : i32
        %lt3A_398 = vector.broadcast %lt3A_397 : i32 to vector<16xi32>
        %lt3A_399 = arith.cmpi slt, %xor3A_44, %lt3A_398 : vector<16xi32>
        %add3A_400 = arith.constant 16 : i32
        %add3A_401 = vector.broadcast %add3A_400 : i32 to vector<16xi32>
        %add3A_402 = arith.addi %xor3A_44, %add3A_401 : vector<16xi32>
        %select_n3A_403 = arith.select %lt3A_399, %add3A_402, %xor3A_44 : vector<16xi1>, vector<16xi32>
        %broadcast_in_dim3A_404 = vector.shape_cast %select_n3A_403 : vector<16xi32> to vector<16x1xi32>
        %gather3A_405 = vector.shape_cast %broadcast_in_dim3A_404 : vector<16x1xi32> to vector<16xi32>
        %gather3A_406 = tpu.dynamic_gather %add3A_396[%gather3A_405] in [0] : vector<16xf32>, vector<16xi32> -> vector<16xf32>
        %add3A_407 = arith.addf %add3A_396, %gather3A_406 : vector<16xf32>
        %exp3A_408 = math.exp %add3A_407 : vector<16xf32>
        %mul3A_409 = arith.mulf %exp3A_408, %get3A_364 : vector<16xf32>
        %add3A_410 = arith.constant 40 : i32
        %add3A_411 = arith.addi %add3A_410, %scan3A_306 : i32
        %swap3A_412 = arith.index_cast %add3A_411 : i32 to index
        %swap3A_413 = arith.constant 16 : index
        %swap3A_414 = tpu.vector_load %arg12[%swap3A_412, %swap3A_413] {strides = array<i32>} : memref<80x128xf32, #tpu.memory_space<vmem>>, vector<1x16xf32>,
        %swap3A_415 = vector.shape_cast %swap3A_414 : vector<1x16xf32> to vector<16xf32>
        %swap3A_416 = vector.shape_cast %mul3A_409 : vector<16xf32> to vector<1x16xf32>
        tpu.vector_store %arg12[%swap3A_412, %swap3A_413], %swap3A_416 {strides = array<i32>} : memref<80x128xf32, #tpu.memory_space<vmem>>, vector<1x16xf32>,
        %mul3A_417 = arith.mulf %exp3A_408, %get3A_67 : vector<16xf32>
        %add3A_418 = arith.addf %add3A_360, %mul3A_417 : vector<16xf32>
        %get3A_419 = arith.index_cast %scan3A_306 : i32 to index
        %get3A_420 = arith.constant 32 : index
        %get3A_421 = tpu.vector_load %arg10[%get3A_419, %get3A_420] {strides = array<i32>} : memref<40x128xf32, #tpu.memory_space<vmem>>, vector<1x16xf32>,
        %get3A_422 = vector.shape_cast %get3A_421 : vector<1x16xf32> to vector<16xf32>
        %get3A_423 = arith.index_cast %scan3A_306 : i32 to index
        %get3A_424 = arith.constant 32 : index
        %get3A_425 = tpu.vector_load %arg11[%get3A_423, %get3A_424] {strides = array<i32>} : memref<40x128xf32, #tpu.memory_space<vmem>>, vector<1x16xf32>,
        %get3A_426 = vector.shape_cast %get3A_425 : vector<1x16xf32> to vector<16xf32>
        %add3A_427 = arith.addf %get3A_422, %get3A_426 : vector<16xf32>
        %mul3A_428 = arith.constant 2.000000e-01 : f32
        %mul3A_429 = vector.broadcast %mul3A_428 : f32 to vector<16xf32>
        %mul3A_430 = arith.mulf %mul3A_429, %add3A_427 : vector<16xf32>
        %max3A_431 = arith.maximumf %add3A_427, %mul3A_430 : vector<16xf32>
        %mul3A_432 = arith.mulf %max3A_431, %get3A_52 : vector<16xf32>
        %lt3A_433 = arith.constant 0 : i32
        %lt3A_434 = vector.broadcast %lt3A_433 : i32 to vector<16xi32>
        %lt3A_435 = arith.cmpi slt, %xor3A_38, %lt3A_434 : vector<16xi32>
        %add3A_436 = arith.constant 16 : i32
        %add3A_437 = vector.broadcast %add3A_436 : i32 to vector<16xi32>
        %add3A_438 = arith.addi %xor3A_38, %add3A_437 : vector<16xi32>
        %select_n3A_439 = arith.select %lt3A_435, %add3A_438, %xor3A_38 : vector<16xi1>, vector<16xi32>
        %broadcast_in_dim3A_440 = vector.shape_cast %select_n3A_439 : vector<16xi32> to vector<16x1xi32>
        %gather3A_441 = vector.shape_cast %broadcast_in_dim3A_440 : vector<16x1xi32> to vector<16xi32>
        %gather3A_442 = tpu.dynamic_gather %mul3A_432[%gather3A_441] in [0] : vector<16xf32>, vector<16xi32> -> vector<16xf32>
        %add3A_443 = arith.addf %mul3A_432, %gather3A_442 : vector<16xf32>
        %lt3A_444 = arith.constant 0 : i32
        %lt3A_445 = vector.broadcast %lt3A_444 : i32 to vector<16xi32>
        %lt3A_446 = arith.cmpi slt, %xor3A_41, %lt3A_445 : vector<16xi32>
        %add3A_447 = arith.constant 16 : i32
        %add3A_448 = vector.broadcast %add3A_447 : i32 to vector<16xi32>
        %add3A_449 = arith.addi %xor3A_41, %add3A_448 : vector<16xi32>
        %select_n3A_450 = arith.select %lt3A_446, %add3A_449, %xor3A_41 : vector<16xi1>, vector<16xi32>
        %broadcast_in_dim3A_451 = vector.shape_cast %select_n3A_450 : vector<16xi32> to vector<16x1xi32>
        %gather3A_452 = vector.shape_cast %broadcast_in_dim3A_451 : vector<16x1xi32> to vector<16xi32>
        %gather3A_453 = tpu.dynamic_gather %add3A_443[%gather3A_452] in [0] : vector<16xf32>, vector<16xi32> -> vector<16xf32>
        %add3A_454 = arith.addf %add3A_443, %gather3A_453 : vector<16xf32>
        %lt3A_455 = arith.constant 0 : i32
        %lt3A_456 = vector.broadcast %lt3A_455 : i32 to vector<16xi32>
        %lt3A_457 = arith.cmpi slt, %xor3A_44, %lt3A_456 : vector<16xi32>
        %add3A_458 = arith.constant 16 : i32
        %add3A_459 = vector.broadcast %add3A_458 : i32 to vector<16xi32>
        %add3A_460 = arith.addi %xor3A_44, %add3A_459 : vector<16xi32>
        %select_n3A_461 = arith.select %lt3A_457, %add3A_460, %xor3A_44 : vector<16xi1>, vector<16xi32>
        %broadcast_in_dim3A_462 = vector.shape_cast %select_n3A_461 : vector<16xi32> to vector<16x1xi32>
        %gather3A_463 = vector.shape_cast %broadcast_in_dim3A_462 : vector<16x1xi32> to vector<16xi32>
        %gather3A_464 = tpu.dynamic_gather %add3A_454[%gather3A_463] in [0] : vector<16xf32>, vector<16xi32> -> vector<16xf32>
        %add3A_465 = arith.addf %add3A_454, %gather3A_464 : vector<16xf32>
        %exp3A_466 = math.exp %add3A_465 : vector<16xf32>
        %mul3A_467 = arith.mulf %exp3A_466, %get3A_422 : vector<16xf32>
        %add3A_468 = arith.constant 40 : i32
        %add3A_469 = arith.addi %add3A_468, %scan3A_306 : i32
        %swap3A_470 = arith.index_cast %add3A_469 : i32 to index
        %swap3A_471 = arith.constant 32 : index
        %swap3A_472 = tpu.vector_load %arg12[%swap3A_470, %swap3A_471] {strides = array<i32>} : memref<80x128xf32, #tpu.memory_space<vmem>>, vector<1x16xf32>,
        %swap3A_473 = vector.shape_cast %swap3A_472 : vector<1x16xf32> to vector<16xf32>
        %swap3A_474 = vector.shape_cast %mul3A_467 : vector<16xf32> to vector<1x16xf32>
        tpu.vector_store %arg12[%swap3A_470, %swap3A_471], %swap3A_474 {strides = array<i32>} : memref<80x128xf32, #tpu.memory_space<vmem>>, vector<1x16xf32>,
        %mul3A_475 = arith.mulf %exp3A_466, %get3A_70 : vector<16xf32>
        %add3A_476 = arith.addf %add3A_418, %mul3A_475 : vector<16xf32>
        %get3A_477 = arith.index_cast %scan3A_306 : i32 to index
        %get3A_478 = arith.constant 48 : index
        %get3A_479 = tpu.vector_load %arg10[%get3A_477, %get3A_478] {strides = array<i32>} : memref<40x128xf32, #tpu.memory_space<vmem>>, vector<1x16xf32>,
        %get3A_480 = vector.shape_cast %get3A_479 : vector<1x16xf32> to vector<16xf32>
        %get3A_481 = arith.index_cast %scan3A_306 : i32 to index
        %get3A_482 = arith.constant 48 : index
        %get3A_483 = tpu.vector_load %arg11[%get3A_481, %get3A_482] {strides = array<i32>} : memref<40x128xf32, #tpu.memory_space<vmem>>, vector<1x16xf32>,
        %get3A_484 = vector.shape_cast %get3A_483 : vector<1x16xf32> to vector<16xf32>
        %add3A_485 = arith.addf %get3A_480, %get3A_484 : vector<16xf32>
        %mul3A_486 = arith.constant 2.000000e-01 : f32
        %mul3A_487 = vector.broadcast %mul3A_486 : f32 to vector<16xf32>
        %mul3A_488 = arith.mulf %mul3A_487, %add3A_485 : vector<16xf32>
        %max3A_489 = arith.maximumf %add3A_485, %mul3A_488 : vector<16xf32>
        %mul3A_490 = arith.mulf %max3A_489, %get3A_55 : vector<16xf32>
        %lt3A_491 = arith.constant 0 : i32
        %lt3A_492 = vector.broadcast %lt3A_491 : i32 to vector<16xi32>
        %lt3A_493 = arith.cmpi slt, %xor3A_38, %lt3A_492 : vector<16xi32>
        %add3A_494 = arith.constant 16 : i32
        %add3A_495 = vector.broadcast %add3A_494 : i32 to vector<16xi32>
        %add3A_496 = arith.addi %xor3A_38, %add3A_495 : vector<16xi32>
        %select_n3A_497 = arith.select %lt3A_493, %add3A_496, %xor3A_38 : vector<16xi1>, vector<16xi32>
        %broadcast_in_dim3A_498 = vector.shape_cast %select_n3A_497 : vector<16xi32> to vector<16x1xi32>
        %gather3A_499 = vector.shape_cast %broadcast_in_dim3A_498 : vector<16x1xi32> to vector<16xi32>
        %gather3A_500 = tpu.dynamic_gather %mul3A_490[%gather3A_499] in [0] : vector<16xf32>, vector<16xi32> -> vector<16xf32>
        %add3A_501 = arith.addf %mul3A_490, %gather3A_500 : vector<16xf32>
        %lt3A_502 = arith.constant 0 : i32
        %lt3A_503 = vector.broadcast %lt3A_502 : i32 to vector<16xi32>
        %lt3A_504 = arith.cmpi slt, %xor3A_41, %lt3A_503 : vector<16xi32>
        %add3A_505 = arith.constant 16 : i32
        %add3A_506 = vector.broadcast %add3A_505 : i32 to vector<16xi32>
        %add3A_507 = arith.addi %xor3A_41, %add3A_506 : vector<16xi32>
        %select_n3A_508 = arith.select %lt3A_504, %add3A_507, %xor3A_41 : vector<16xi1>, vector<16xi32>
        %broadcast_in_dim3A_509 = vector.shape_cast %select_n3A_508 : vector<16xi32> to vector<16x1xi32>
        %gather3A_510 = vector.shape_cast %broadcast_in_dim3A_509 : vector<16x1xi32> to vector<16xi32>
        %gather3A_511 = tpu.dynamic_gather %add3A_501[%gather3A_510] in [0] : vector<16xf32>, vector<16xi32> -> vector<16xf32>
        %add3A_512 = arith.addf %add3A_501, %gather3A_511 : vector<16xf32>
        %lt3A_513 = arith.constant 0 : i32
        %lt3A_514 = vector.broadcast %lt3A_513 : i32 to vector<16xi32>
        %lt3A_515 = arith.cmpi slt, %xor3A_44, %lt3A_514 : vector<16xi32>
        %add3A_516 = arith.constant 16 : i32
        %add3A_517 = vector.broadcast %add3A_516 : i32 to vector<16xi32>
        %add3A_518 = arith.addi %xor3A_44, %add3A_517 : vector<16xi32>
        %select_n3A_519 = arith.select %lt3A_515, %add3A_518, %xor3A_44 : vector<16xi1>, vector<16xi32>
        %broadcast_in_dim3A_520 = vector.shape_cast %select_n3A_519 : vector<16xi32> to vector<16x1xi32>
        %gather3A_521 = vector.shape_cast %broadcast_in_dim3A_520 : vector<16x1xi32> to vector<16xi32>
        %gather3A_522 = tpu.dynamic_gather %add3A_512[%gather3A_521] in [0] : vector<16xf32>, vector<16xi32> -> vector<16xf32>
        %add3A_523 = arith.addf %add3A_512, %gather3A_522 : vector<16xf32>
        %exp3A_524 = math.exp %add3A_523 : vector<16xf32>
        %mul3A_525 = arith.mulf %exp3A_524, %get3A_480 : vector<16xf32>
        %add3A_526 = arith.constant 40 : i32
        %add3A_527 = arith.addi %add3A_526, %scan3A_306 : i32
        %swap3A_528 = arith.index_cast %add3A_527 : i32 to index
        %swap3A_529 = arith.constant 48 : index
        %swap3A_530 = tpu.vector_load %arg12[%swap3A_528, %swap3A_529] {strides = array<i32>} : memref<80x128xf32, #tpu.memory_space<vmem>>, vector<1x16xf32>,
        %swap3A_531 = vector.shape_cast %swap3A_530 : vector<1x16xf32> to vector<16xf32>
        %swap3A_532 = vector.shape_cast %mul3A_525 : vector<16xf32> to vector<1x16xf32>
        tpu.vector_store %arg12[%swap3A_528, %swap3A_529], %swap3A_532 {strides = array<i32>} : memref<80x128xf32, #tpu.memory_space<vmem>>, vector<1x16xf32>,
        %mul3A_533 = arith.mulf %exp3A_524, %get3A_73 : vector<16xf32>
        %add3A_534 = arith.addf %add3A_476, %mul3A_533 : vector<16xf32>
        %get3A_535 = arith.index_cast %scan3A_306 : i32 to index
        %get3A_536 = arith.constant 64 : index
        %get3A_537 = tpu.vector_load %arg10[%get3A_535, %get3A_536] {strides = array<i32>} : memref<40x128xf32, #tpu.memory_space<vmem>>, vector<1x16xf32>,
        %get3A_538 = vector.shape_cast %get3A_537 : vector<1x16xf32> to vector<16xf32>
        %get3A_539 = arith.index_cast %scan3A_306 : i32 to index
        %get3A_540 = arith.constant 64 : index
        %get3A_541 = tpu.vector_load %arg11[%get3A_539, %get3A_540] {strides = array<i32>} : memref<40x128xf32, #tpu.memory_space<vmem>>, vector<1x16xf32>,
        %get3A_542 = vector.shape_cast %get3A_541 : vector<1x16xf32> to vector<16xf32>
        %add3A_543 = arith.addf %get3A_538, %get3A_542 : vector<16xf32>
        %mul3A_544 = arith.constant 2.000000e-01 : f32
        %mul3A_545 = vector.broadcast %mul3A_544 : f32 to vector<16xf32>
        %mul3A_546 = arith.mulf %mul3A_545, %add3A_543 : vector<16xf32>
        %max3A_547 = arith.maximumf %add3A_543, %mul3A_546 : vector<16xf32>
        %mul3A_548 = arith.mulf %max3A_547, %get3A_58 : vector<16xf32>
        %lt3A_549 = arith.constant 0 : i32
        %lt3A_550 = vector.broadcast %lt3A_549 : i32 to vector<16xi32>
        %lt3A_551 = arith.cmpi slt, %xor3A_38, %lt3A_550 : vector<16xi32>
        %add3A_552 = arith.constant 16 : i32
        %add3A_553 = vector.broadcast %add3A_552 : i32 to vector<16xi32>
        %add3A_554 = arith.addi %xor3A_38, %add3A_553 : vector<16xi32>
        %select_n3A_555 = arith.select %lt3A_551, %add3A_554, %xor3A_38 : vector<16xi1>, vector<16xi32>
        %broadcast_in_dim3A_556 = vector.shape_cast %select_n3A_555 : vector<16xi32> to vector<16x1xi32>
        %gather3A_557 = vector.shape_cast %broadcast_in_dim3A_556 : vector<16x1xi32> to vector<16xi32>
        %gather3A_558 = tpu.dynamic_gather %mul3A_548[%gather3A_557] in [0] : vector<16xf32>, vector<16xi32> -> vector<16xf32>
        %add3A_559 = arith.addf %mul3A_548, %gather3A_558 : vector<16xf32>
        %lt3A_560 = arith.constant 0 : i32
        %lt3A_561 = vector.broadcast %lt3A_560 : i32 to vector<16xi32>
        %lt3A_562 = arith.cmpi slt, %xor3A_41, %lt3A_561 : vector<16xi32>
        %add3A_563 = arith.constant 16 : i32
        %add3A_564 = vector.broadcast %add3A_563 : i32 to vector<16xi32>
        %add3A_565 = arith.addi %xor3A_41, %add3A_564 : vector<16xi32>
        %select_n3A_566 = arith.select %lt3A_562, %add3A_565, %xor3A_41 : vector<16xi1>, vector<16xi32>
        %broadcast_in_dim3A_567 = vector.shape_cast %select_n3A_566 : vector<16xi32> to vector<16x1xi32>
        %gather3A_568 = vector.shape_cast %broadcast_in_dim3A_567 : vector<16x1xi32> to vector<16xi32>
        %gather3A_569 = tpu.dynamic_gather %add3A_559[%gather3A_568] in [0] : vector<16xf32>, vector<16xi32> -> vector<16xf32>
        %add3A_570 = arith.addf %add3A_559, %gather3A_569 : vector<16xf32>
        %lt3A_571 = arith.constant 0 : i32
        %lt3A_572 = vector.broadcast %lt3A_571 : i32 to vector<16xi32>
        %lt3A_573 = arith.cmpi slt, %xor3A_44, %lt3A_572 : vector<16xi32>
        %add3A_574 = arith.constant 16 : i32
        %add3A_575 = vector.broadcast %add3A_574 : i32 to vector<16xi32>
        %add3A_576 = arith.addi %xor3A_44, %add3A_575 : vector<16xi32>
        %select_n3A_577 = arith.select %lt3A_573, %add3A_576, %xor3A_44 : vector<16xi1>, vector<16xi32>
        %broadcast_in_dim3A_578 = vector.shape_cast %select_n3A_577 : vector<16xi32> to vector<16x1xi32>
        %gather3A_579 = vector.shape_cast %broadcast_in_dim3A_578 : vector<16x1xi32> to vector<16xi32>
        %gather3A_580 = tpu.dynamic_gather %add3A_570[%gather3A_579] in [0] : vector<16xf32>, vector<16xi32> -> vector<16xf32>
        %add3A_581 = arith.addf %add3A_570, %gather3A_580 : vector<16xf32>
        %exp3A_582 = math.exp %add3A_581 : vector<16xf32>
        %mul3A_583 = arith.mulf %exp3A_582, %get3A_538 : vector<16xf32>
        %add3A_584 = arith.constant 40 : i32
        %add3A_585 = arith.addi %add3A_584, %scan3A_306 : i32
        %swap3A_586 = arith.index_cast %add3A_585 : i32 to index
        %swap3A_587 = arith.constant 64 : index
        %swap3A_588 = tpu.vector_load %arg12[%swap3A_586, %swap3A_587] {strides = array<i32>} : memref<80x128xf32, #tpu.memory_space<vmem>>, vector<1x16xf32>,
        %swap3A_589 = vector.shape_cast %swap3A_588 : vector<1x16xf32> to vector<16xf32>
        %swap3A_590 = vector.shape_cast %mul3A_583 : vector<16xf32> to vector<1x16xf32>
        tpu.vector_store %arg12[%swap3A_586, %swap3A_587], %swap3A_590 {strides = array<i32>} : memref<80x128xf32, #tpu.memory_space<vmem>>, vector<1x16xf32>,
        %mul3A_591 = arith.mulf %exp3A_582, %get3A_76 : vector<16xf32>
        %add3A_592 = arith.addf %add3A_534, %mul3A_591 : vector<16xf32>
        %get3A_593 = arith.index_cast %scan3A_306 : i32 to index
        %get3A_594 = arith.constant 80 : index
        %get3A_595 = tpu.vector_load %arg10[%get3A_593, %get3A_594] {strides = array<i32>} : memref<40x128xf32, #tpu.memory_space<vmem>>, vector<1x16xf32>,
        %get3A_596 = vector.shape_cast %get3A_595 : vector<1x16xf32> to vector<16xf32>
        %get3A_597 = arith.index_cast %scan3A_306 : i32 to index
        %get3A_598 = arith.constant 80 : index
        %get3A_599 = tpu.vector_load %arg11[%get3A_597, %get3A_598] {strides = array<i32>} : memref<40x128xf32, #tpu.memory_space<vmem>>, vector<1x16xf32>,
        %get3A_600 = vector.shape_cast %get3A_599 : vector<1x16xf32> to vector<16xf32>
        %add3A_601 = arith.addf %get3A_596, %get3A_600 : vector<16xf32>
        %mul3A_602 = arith.constant 2.000000e-01 : f32
        %mul3A_603 = vector.broadcast %mul3A_602 : f32 to vector<16xf32>
        %mul3A_604 = arith.mulf %mul3A_603, %add3A_601 : vector<16xf32>
        %max3A_605 = arith.maximumf %add3A_601, %mul3A_604 : vector<16xf32>
        %mul3A_606 = arith.mulf %max3A_605, %get3A_61 : vector<16xf32>
        %lt3A_607 = arith.constant 0 : i32
        %lt3A_608 = vector.broadcast %lt3A_607 : i32 to vector<16xi32>
        %lt3A_609 = arith.cmpi slt, %xor3A_38, %lt3A_608 : vector<16xi32>
        %add3A_610 = arith.constant 16 : i32
        %add3A_611 = vector.broadcast %add3A_610 : i32 to vector<16xi32>
        %add3A_612 = arith.addi %xor3A_38, %add3A_611 : vector<16xi32>
        %select_n3A_613 = arith.select %lt3A_609, %add3A_612, %xor3A_38 : vector<16xi1>, vector<16xi32>
        %broadcast_in_dim3A_614 = vector.shape_cast %select_n3A_613 : vector<16xi32> to vector<16x1xi32>
        %gather3A_615 = vector.shape_cast %broadcast_in_dim3A_614 : vector<16x1xi32> to vector<16xi32>
        %gather3A_616 = tpu.dynamic_gather %mul3A_606[%gather3A_615] in [0] : vector<16xf32>, vector<16xi32> -> vector<16xf32>
        %add3A_617 = arith.addf %mul3A_606, %gather3A_616 : vector<16xf32>
        %lt3A_618 = arith.constant 0 : i32
        %lt3A_619 = vector.broadcast %lt3A_618 : i32 to vector<16xi32>
        %lt3A_620 = arith.cmpi slt, %xor3A_41, %lt3A_619 : vector<16xi32>
        %add3A_621 = arith.constant 16 : i32
        %add3A_622 = vector.broadcast %add3A_621 : i32 to vector<16xi32>
        %add3A_623 = arith.addi %xor3A_41, %add3A_622 : vector<16xi32>
        %select_n3A_624 = arith.select %lt3A_620, %add3A_623, %xor3A_41 : vector<16xi1>, vector<16xi32>
        %broadcast_in_dim3A_625 = vector.shape_cast %select_n3A_624 : vector<16xi32> to vector<16x1xi32>
        %gather3A_626 = vector.shape_cast %broadcast_in_dim3A_625 : vector<16x1xi32> to vector<16xi32>
        %gather3A_627 = tpu.dynamic_gather %add3A_617[%gather3A_626] in [0] : vector<16xf32>, vector<16xi32> -> vector<16xf32>
        %add3A_628 = arith.addf %add3A_617, %gather3A_627 : vector<16xf32>
        %lt3A_629 = arith.constant 0 : i32
        %lt3A_630 = vector.broadcast %lt3A_629 : i32 to vector<16xi32>
        %lt3A_631 = arith.cmpi slt, %xor3A_44, %lt3A_630 : vector<16xi32>
        %add3A_632 = arith.constant 16 : i32
        %add3A_633 = vector.broadcast %add3A_632 : i32 to vector<16xi32>
        %add3A_634 = arith.addi %xor3A_44, %add3A_633 : vector<16xi32>
        %select_n3A_635 = arith.select %lt3A_631, %add3A_634, %xor3A_44 : vector<16xi1>, vector<16xi32>
        %broadcast_in_dim3A_636 = vector.shape_cast %select_n3A_635 : vector<16xi32> to vector<16x1xi32>
        %gather3A_637 = vector.shape_cast %broadcast_in_dim3A_636 : vector<16x1xi32> to vector<16xi32>
        %gather3A_638 = tpu.dynamic_gather %add3A_628[%gather3A_637] in [0] : vector<16xf32>, vector<16xi32> -> vector<16xf32>
        %add3A_639 = arith.addf %add3A_628, %gather3A_638 : vector<16xf32>
        %exp3A_640 = math.exp %add3A_639 : vector<16xf32>
        %mul3A_641 = arith.mulf %exp3A_640, %get3A_596 : vector<16xf32>
        %add3A_642 = arith.constant 40 : i32
        %add3A_643 = arith.addi %add3A_642, %scan3A_306 : i32
        %swap3A_644 = arith.index_cast %add3A_643 : i32 to index
        %swap3A_645 = arith.constant 80 : index
        %swap3A_646 = tpu.vector_load %arg12[%swap3A_644, %swap3A_645] {strides = array<i32>} : memref<80x128xf32, #tpu.memory_space<vmem>>, vector<1x16xf32>,
        %swap3A_647 = vector.shape_cast %swap3A_646 : vector<1x16xf32> to vector<16xf32>
        %swap3A_648 = vector.shape_cast %mul3A_641 : vector<16xf32> to vector<1x16xf32>
        tpu.vector_store %arg12[%swap3A_644, %swap3A_645], %swap3A_648 {strides = array<i32>} : memref<80x128xf32, #tpu.memory_space<vmem>>, vector<1x16xf32>,
        %mul3A_649 = arith.mulf %exp3A_640, %get3A_79 : vector<16xf32>
        %add3A_650 = arith.addf %add3A_592, %mul3A_649 : vector<16xf32>
        %add3A_651 = arith.constant 40 : i32
        %add3A_652 = arith.addi %add3A_651, %scan3A_306 : i32
        %swap3A_653 = arith.index_cast %add3A_652 : i32 to index
        %swap3A_654 = arith.constant 96 : index
        %swap3A_655 = tpu.vector_load %arg12[%swap3A_653, %swap3A_654] {strides = array<i32>} : memref<80x128xf32, #tpu.memory_space<vmem>>, vector<1x16xf32>,
        %swap3A_656 = vector.shape_cast %swap3A_655 : vector<1x16xf32> to vector<16xf32>
        %swap3A_657 = vector.shape_cast %add3A_650 : vector<16xf32> to vector<1x16xf32>
        tpu.vector_store %arg12[%swap3A_653, %swap3A_654], %swap3A_657 {strides = array<i32>} : memref<80x128xf32, #tpu.memory_space<vmem>>, vector<1x16xf32>,
      }
      %scan3A_278 = arith.constant 40 : i32
      %mul3A_279 = arith.constant 2 : i32
      %mul3A_280 = arith.muli %mul3A_279, %rem3A_198 : i32
      %add3A_281 = arith.constant 1 : i32
      %add3A_282 = arith.addi %mul3A_280, %add3A_281 : i32
      %dma_start3A_283 = arith.constant 40 : i32
      %dma_start3A_284 = arith.constant 0 : i32
      %dma_start3A_285 = tpu.memref_slice %arg12[%dma_start3A_283, %dma_start3A_284] : memref<80x128xf32, #tpu.memory_space<vmem>> -> memref<40x128xf32, #tpu.memory_space<vmem>>
      %dma_start3A_286 = arith.constant 0 : i32
      %dma_start3A_287 = tpu.memref_slice %arg14[%add3A_282, %dma_start3A_286] : memref<6x40xi32, #tpu.memory_space<vmem>> -> memref<1x40xi32, #tpu.memory_space<vmem>>
      %dma_start3A_288 = tpu.memref_squeeze %dma_start3A_287 : memref<1x40xi32, #tpu.memory_space<vmem>> -> memref<40xi32, #tpu.memory_space<vmem>>
      %dma_start3A_289 = arith.constant 0 : i32
      %dma_start3A_290 = arith.constant 0 : i32
      %dma_start3A_291 = tpu.memref_slice %arg16[%dma_start3A_289, %dma_start3A_290] : memref<10240x128xf32, #tpu.memory_space<vmem_shared>> -> memref<10240x128xf32, #tpu.memory_space<vmem_shared>>
      tpu.enqueue_indirect_dma source(%dma_start3A_285 : memref<40x128xf32, #tpu.memory_space<vmem>>) target(%dma_start3A_291 : memref<10240x128xf32, #tpu.memory_space<vmem_shared>>) offsets(%dma_start3A_288 : memref<40xi32, #tpu.memory_space<vmem>>) semaphore(%arg23 : memref<!tpu.dma_semaphore, #tpu.memory_space<semaphore_mem>>) {add = true}
      %add3A_292 = arith.constant 1 : i32
      %add3A_293 = arith.addi %scan3A_197, %add3A_292 : i32
      %lt3A_294 = arith.constant 129 : i32
      %lt3A_295 = arith.cmpi slt, %add3A_293, %lt3A_294 : i32
      %convert_element_type3A_296 = arith.extui %lt3A_295 : i1 to i32
      %cond3A_297 = arith.constant 0 : i32
      %cond3A_298 = arith.cmpi ne, %convert_element_type3A_296, %cond3A_297 : i32
      scf.if %cond3A_298 {
        %mul3A_306 = arith.constant 2 : i32
        %mul3A_307 = arith.muli %mul3A_306, %rem3A_202 : i32
        %add3A_308 = arith.constant 1 : i32
        %add3A_309 = arith.addi %mul3A_307, %add3A_308 : i32
        %dma_start3A_310 = arith.constant 0 : i32
        %dma_start3A_311 = tpu.memref_slice %arg13[%add3A_309, %dma_start3A_310] : memref<6x40xi32, #tpu.memory_space<vmem>> -> memref<1x40xi32, #tpu.memory_space<vmem>>
        %dma_start3A_312 = tpu.memref_squeeze %dma_start3A_311 : memref<1x40xi32, #tpu.memory_space<vmem>> -> memref<40xi32, #tpu.memory_space<vmem>>
        %dma_start3A_313 = arith.constant 0 : i32
        %dma_start3A_314 = arith.constant 0 : i32
        %dma_start3A_315 = tpu.memref_slice %arg2[%dma_start3A_313, %dma_start3A_314] : memref<10240x128xf32, #tpu.memory_space<hbm>> -> memref<10240x128xf32, #tpu.memory_space<hbm>>
        tpu.enqueue_indirect_dma source(%dma_start3A_315 : memref<10240x128xf32, #tpu.memory_space<hbm>>) target(%arg10 : memref<40x128xf32, #tpu.memory_space<vmem>>) offsets(%dma_start3A_312 : memref<40xi32, #tpu.memory_space<vmem>>) semaphore(%arg19 : memref<!tpu.dma_semaphore, #tpu.memory_space<semaphore_mem>>)
        %mul3A_316 = arith.constant 2 : i32
        %mul3A_317 = arith.muli %mul3A_316, %rem3A_202 : i32
        %add3A_318 = arith.constant 1 : i32
        %add3A_319 = arith.addi %mul3A_317, %add3A_318 : i32
        %dma_start3A_320 = arith.constant 0 : i32
        %dma_start3A_321 = tpu.memref_slice %arg14[%add3A_319, %dma_start3A_320] : memref<6x40xi32, #tpu.memory_space<vmem>> -> memref<1x40xi32, #tpu.memory_space<vmem>>
        %dma_start3A_322 = tpu.memref_squeeze %dma_start3A_321 : memref<1x40xi32, #tpu.memory_space<vmem>> -> memref<40xi32, #tpu.memory_space<vmem>>
        %dma_start3A_323 = arith.constant 0 : i32
        %dma_start3A_324 = arith.constant 0 : i32
        %dma_start3A_325 = tpu.memref_slice %arg3[%dma_start3A_323, %dma_start3A_324] : memref<10240x128xf32, #tpu.memory_space<hbm>> -> memref<10240x128xf32, #tpu.memory_space<hbm>>
        tpu.enqueue_indirect_dma source(%dma_start3A_325 : memref<10240x128xf32, #tpu.memory_space<hbm>>) target(%arg11 : memref<40x128xf32, #tpu.memory_space<vmem>>) offsets(%dma_start3A_322 : memref<40xi32, #tpu.memory_space<vmem>>) semaphore(%arg20 : memref<!tpu.dma_semaphore, #tpu.memory_space<semaphore_mem>>)
      } else {
      }
      %add3A_299 = arith.constant 2 : i32
      %add3A_300 = arith.addi %scan3A_197, %add3A_299 : i32
      %lt3A_301 = arith.constant 129 : i32
      %lt3A_302 = arith.cmpi slt, %add3A_300, %lt3A_301 : i32
      %convert_element_type3A_303 = arith.extui %lt3A_302 : i1 to i32
      %cond3A_304 = arith.constant 0 : i32
      %cond3A_305 = arith.cmpi ne, %convert_element_type3A_303, %cond3A_304 : i32
      scf.if %cond3A_305 {
        %add3A_306 = arith.constant 2 : i32
        %add3A_307 = arith.addi %scan3A_197, %add3A_306 : i32
        %add3A_308 = arith.constant 2 : i32
        %add3A_309 = arith.addi %scan3A_197, %add3A_308 : i32
        %rem3A_310 = arith.constant 3 : i32
        %rem3A_311 = arith.remsi %add3A_309, %rem3A_310 : i32
        %mul3A_312 = arith.constant 2 : i32
        %mul3A_313 = arith.muli %mul3A_312, %add3A_307 : i32
        %add3A_314 = arith.constant 0 : i32
        %add3A_315 = arith.addi %mul3A_313, %add3A_314 : i32
        %mul3A_316 = arith.constant 2 : i32
        %mul3A_317 = arith.muli %mul3A_316, %rem3A_311 : i32
        %add3A_318 = arith.constant 0 : i32
        %add3A_319 = arith.addi %mul3A_317, %add3A_318 : i32
        %dma_start3A_320 = arith.constant 0 : i32
        %dma_start3A_321 = tpu.memref_slice %arg13[%add3A_319, %dma_start3A_320] : memref<6x40xi32, #tpu.memory_space<vmem>> -> memref<1x40xi32, #tpu.memory_space<vmem>>
        %dma_start3A_322 = tpu.memref_squeeze %dma_start3A_321 : memref<1x40xi32, #tpu.memory_space<vmem>> -> memref<40xi32, #tpu.memory_space<vmem>>
        %dma_start3A_323 = arith.constant 0 : i32
        %dma_start3A_324 = tpu.memref_slice %arg4[%add3A, %add3A_315, %dma_start3A_323] : memref<32x258x40xi32, #tpu.memory_space<hbm>> -> memref<1x1x40xi32, #tpu.memory_space<hbm>>
        %dma_start3A_325 = tpu.memref_squeeze %dma_start3A_324 : memref<1x1x40xi32, #tpu.memory_space<hbm>> -> memref<40xi32, #tpu.memory_space<hbm>>
        %dma_start3A_326 = arith.constant 0 : i32
        %dma_start3A_327 = tpu.memref_slice %arg13[%add3A_319, %dma_start3A_326] : memref<6x40xi32, #tpu.memory_space<vmem>> -> memref<1x40xi32, #tpu.memory_space<vmem>>
        %dma_start3A_328 = tpu.memref_squeeze %dma_start3A_327 : memref<1x40xi32, #tpu.memory_space<vmem>> -> memref<40xi32, #tpu.memory_space<vmem>>
        %dma_start3A_329 = arith.constant 0 : i32
        %dma_start3A_330 = tpu.memref_slice %arg4[%add3A, %add3A_315, %dma_start3A_329] : memref<32x258x40xi32, #tpu.memory_space<hbm>> -> memref<1x1x40xi32, #tpu.memory_space<hbm>>
        %dma_start3A_331 = tpu.memref_squeeze %dma_start3A_330 : memref<1x1x40xi32, #tpu.memory_space<hbm>> -> memref<40xi32, #tpu.memory_space<hbm>>
        tpu.enqueue_dma source(%dma_start3A_331 : memref<40xi32, #tpu.memory_space<hbm>>) target(%dma_start3A_328 : memref<40xi32, #tpu.memory_space<vmem>>) target_semaphore(%arg21 : memref<!tpu.dma_semaphore, #tpu.memory_space<semaphore_mem>>)
        %mul3A_332 = arith.constant 2 : i32
        %mul3A_333 = arith.muli %mul3A_332, %add3A_307 : i32
        %add3A_334 = arith.constant 0 : i32
        %add3A_335 = arith.addi %mul3A_333, %add3A_334 : i32
        %mul3A_336 = arith.constant 2 : i32
        %mul3A_337 = arith.muli %mul3A_336, %rem3A_311 : i32
        %add3A_338 = arith.constant 0 : i32
        %add3A_339 = arith.addi %mul3A_337, %add3A_338 : i32
        %dma_start3A_340 = arith.constant 0 : i32
        %dma_start3A_341 = tpu.memref_slice %arg14[%add3A_339, %dma_start3A_340] : memref<6x40xi32, #tpu.memory_space<vmem>> -> memref<1x40xi32, #tpu.memory_space<vmem>>
        %dma_start3A_342 = tpu.memref_squeeze %dma_start3A_341 : memref<1x40xi32, #tpu.memory_space<vmem>> -> memref<40xi32, #tpu.memory_space<vmem>>
        %dma_start3A_343 = arith.constant 0 : i32
        %dma_start3A_344 = tpu.memref_slice %arg5[%add3A, %add3A_335, %dma_start3A_343] : memref<32x258x40xi32, #tpu.memory_space<hbm>> -> memref<1x1x40xi32, #tpu.memory_space<hbm>>
        %dma_start3A_345 = tpu.memref_squeeze %dma_start3A_344 : memref<1x1x40xi32, #tpu.memory_space<hbm>> -> memref<40xi32, #tpu.memory_space<hbm>>
        %dma_start3A_346 = arith.constant 0 : i32
        %dma_start3A_347 = tpu.memref_slice %arg14[%add3A_339, %dma_start3A_346] : memref<6x40xi32, #tpu.memory_space<vmem>> -> memref<1x40xi32, #tpu.memory_space<vmem>>
        %dma_start3A_348 = tpu.memref_squeeze %dma_start3A_347 : memref<1x40xi32, #tpu.memory_space<vmem>> -> memref<40xi32, #tpu.memory_space<vmem>>
        %dma_start3A_349 = arith.constant 0 : i32
        %dma_start3A_350 = tpu.memref_slice %arg5[%add3A, %add3A_335, %dma_start3A_349] : memref<32x258x40xi32, #tpu.memory_space<hbm>> -> memref<1x1x40xi32, #tpu.memory_space<hbm>>
        %dma_start3A_351 = tpu.memref_squeeze %dma_start3A_350 : memref<1x1x40xi32, #tpu.memory_space<hbm>> -> memref<40xi32, #tpu.memory_space<hbm>>
        tpu.enqueue_dma source(%dma_start3A_351 : memref<40xi32, #tpu.memory_space<hbm>>) target(%dma_start3A_348 : memref<40xi32, #tpu.memory_space<vmem>>) target_semaphore(%arg21 : memref<!tpu.dma_semaphore, #tpu.memory_space<semaphore_mem>>)
        %mul3A_352 = arith.constant 2 : i32
        %mul3A_353 = arith.muli %mul3A_352, %add3A_307 : i32
        %add3A_354 = arith.constant 1 : i32
        %add3A_355 = arith.addi %mul3A_353, %add3A_354 : i32
        %mul3A_356 = arith.constant 2 : i32
        %mul3A_357 = arith.muli %mul3A_356, %rem3A_311 : i32
        %add3A_358 = arith.constant 1 : i32
        %add3A_359 = arith.addi %mul3A_357, %add3A_358 : i32
        %dma_start3A_360 = arith.constant 0 : i32
        %dma_start3A_361 = tpu.memref_slice %arg13[%add3A_359, %dma_start3A_360] : memref<6x40xi32, #tpu.memory_space<vmem>> -> memref<1x40xi32, #tpu.memory_space<vmem>>
        %dma_start3A_362 = tpu.memref_squeeze %dma_start3A_361 : memref<1x40xi32, #tpu.memory_space<vmem>> -> memref<40xi32, #tpu.memory_space<vmem>>
        %dma_start3A_363 = arith.constant 0 : i32
        %dma_start3A_364 = tpu.memref_slice %arg4[%add3A, %add3A_355, %dma_start3A_363] : memref<32x258x40xi32, #tpu.memory_space<hbm>> -> memref<1x1x40xi32, #tpu.memory_space<hbm>>
        %dma_start3A_365 = tpu.memref_squeeze %dma_start3A_364 : memref<1x1x40xi32, #tpu.memory_space<hbm>> -> memref<40xi32, #tpu.memory_space<hbm>>
        %dma_start3A_366 = arith.constant 0 : i32
        %dma_start3A_367 = tpu.memref_slice %arg13[%add3A_359, %dma_start3A_366] : memref<6x40xi32, #tpu.memory_space<vmem>> -> memref<1x40xi32, #tpu.memory_space<vmem>>
        %dma_start3A_368 = tpu.memref_squeeze %dma_start3A_367 : memref<1x40xi32, #tpu.memory_space<vmem>> -> memref<40xi32, #tpu.memory_space<vmem>>
        %dma_start3A_369 = arith.constant 0 : i32
        %dma_start3A_370 = tpu.memref_slice %arg4[%add3A, %add3A_355, %dma_start3A_369] : memref<32x258x40xi32, #tpu.memory_space<hbm>> -> memref<1x1x40xi32, #tpu.memory_space<hbm>>
        %dma_start3A_371 = tpu.memref_squeeze %dma_start3A_370 : memref<1x1x40xi32, #tpu.memory_space<hbm>> -> memref<40xi32, #tpu.memory_space<hbm>>
        tpu.enqueue_dma source(%dma_start3A_371 : memref<40xi32, #tpu.memory_space<hbm>>) target(%dma_start3A_368 : memref<40xi32, #tpu.memory_space<vmem>>) target_semaphore(%arg21 : memref<!tpu.dma_semaphore, #tpu.memory_space<semaphore_mem>>)
        %mul3A_372 = arith.constant 2 : i32
        %mul3A_373 = arith.muli %mul3A_372, %add3A_307 : i32
        %add3A_374 = arith.constant 1 : i32
        %add3A_375 = arith.addi %mul3A_373, %add3A_374 : i32
        %mul3A_376 = arith.constant 2 : i32
        %mul3A_377 = arith.muli %mul3A_376, %rem3A_311 : i32
        %add3A_378 = arith.constant 1 : i32
        %add3A_379 = arith.addi %mul3A_377, %add3A_378 : i32
        %dma_start3A_380 = arith.constant 0 : i32
        %dma_start3A_381 = tpu.memref_slice %arg14[%add3A_379, %dma_start3A_380] : memref<6x40xi32, #tpu.memory_space<vmem>> -> memref<1x40xi32, #tpu.memory_space<vmem>>
        %dma_start3A_382 = tpu.memref_squeeze %dma_start3A_381 : memref<1x40xi32, #tpu.memory_space<vmem>> -> memref<40xi32, #tpu.memory_space<vmem>>
        %dma_start3A_383 = arith.constant 0 : i32
        %dma_start3A_384 = tpu.memref_slice %arg5[%add3A, %add3A_375, %dma_start3A_383] : memref<32x258x40xi32, #tpu.memory_space<hbm>> -> memref<1x1x40xi32, #tpu.memory_space<hbm>>
        %dma_start3A_385 = tpu.memref_squeeze %dma_start3A_384 : memref<1x1x40xi32, #tpu.memory_space<hbm>> -> memref<40xi32, #tpu.memory_space<hbm>>
        %dma_start3A_386 = arith.constant 0 : i32
        %dma_start3A_387 = tpu.memref_slice %arg14[%add3A_379, %dma_start3A_386] : memref<6x40xi32, #tpu.memory_space<vmem>> -> memref<1x40xi32, #tpu.memory_space<vmem>>
        %dma_start3A_388 = tpu.memref_squeeze %dma_start3A_387 : memref<1x40xi32, #tpu.memory_space<vmem>> -> memref<40xi32, #tpu.memory_space<vmem>>
        %dma_start3A_389 = arith.constant 0 : i32
        %dma_start3A_390 = tpu.memref_slice %arg5[%add3A, %add3A_375, %dma_start3A_389] : memref<32x258x40xi32, #tpu.memory_space<hbm>> -> memref<1x1x40xi32, #tpu.memory_space<hbm>>
        %dma_start3A_391 = tpu.memref_squeeze %dma_start3A_390 : memref<1x1x40xi32, #tpu.memory_space<hbm>> -> memref<40xi32, #tpu.memory_space<hbm>>
        tpu.enqueue_dma source(%dma_start3A_391 : memref<40xi32, #tpu.memory_space<hbm>>) target(%dma_start3A_388 : memref<40xi32, #tpu.memory_space<vmem>>) target_semaphore(%arg21 : memref<!tpu.dma_semaphore, #tpu.memory_space<semaphore_mem>>)
      } else {
      }
    }
    %scan3A_174 = arith.constant 129 : i32
    %dma_wait3A = arith.constant 0 : i32
    %dma_wait3A_175 = arith.constant 0 : i32
    %dma_wait3A_176 = arith.constant 0 : i32
    %dma_wait3A_177 = tpu.memref_slice %arg12[%dma_wait3A_175, %dma_wait3A_176] : memref<80x128xf32, #tpu.memory_space<vmem>> -> memref<40x128xf32, #tpu.memory_space<vmem>>
    %dma_wait3A_178 = arith.constant 0 : i32
    %dma_wait3A_179 = tpu.memref_slice %arg14[%dma_wait3A, %dma_wait3A_178] : memref<6x40xi32, #tpu.memory_space<vmem>> -> memref<1x40xi32, #tpu.memory_space<vmem>>
    %dma_wait3A_180 = tpu.memref_squeeze %dma_wait3A_179 : memref<1x40xi32, #tpu.memory_space<vmem>> -> memref<40xi32, #tpu.memory_space<vmem>>
    %dma_wait3A_181 = arith.constant 0 : i32
    %dma_wait3A_182 = arith.constant 0 : i32
    %dma_wait3A_183 = tpu.memref_slice %arg16[%dma_wait3A_181, %dma_wait3A_182] : memref<10240x128xf32, #tpu.memory_space<vmem_shared>> -> memref<10240x128xf32, #tpu.memory_space<vmem_shared>>
    tpu.wait_indirect_dma semaphore(%arg22 : memref<!tpu.dma_semaphore, #tpu.memory_space<semaphore_mem>>) src(%dma_wait3A_177 : memref<40x128xf32, #tpu.memory_space<vmem>>) dst(%dma_wait3A_183 : memref<10240x128xf32, #tpu.memory_space<vmem_shared>>)
    %dma_wait3A_184 = arith.constant 0 : i32
    %dma_wait3A_185 = arith.constant 40 : i32
    %dma_wait3A_186 = arith.constant 0 : i32
    %dma_wait3A_187 = tpu.memref_slice %arg12[%dma_wait3A_185, %dma_wait3A_186] : memref<80x128xf32, #tpu.memory_space<vmem>> -> memref<40x128xf32, #tpu.memory_space<vmem>>
    %dma_wait3A_188 = arith.constant 0 : i32
    %dma_wait3A_189 = tpu.memref_slice %arg14[%dma_wait3A_184, %dma_wait3A_188] : memref<6x40xi32, #tpu.memory_space<vmem>> -> memref<1x40xi32, #tpu.memory_space<vmem>>
    %dma_wait3A_190 = tpu.memref_squeeze %dma_wait3A_189 : memref<1x40xi32, #tpu.memory_space<vmem>> -> memref<40xi32, #tpu.memory_space<vmem>>
    %dma_wait3A_191 = arith.constant 0 : i32
    %dma_wait3A_192 = arith.constant 0 : i32
    %dma_wait3A_193 = tpu.memref_slice %arg16[%dma_wait3A_191, %dma_wait3A_192] : memref<10240x128xf32, #tpu.memory_space<vmem_shared>> -> memref<10240x128xf32, #tpu.memory_space<vmem_shared>>
    tpu.wait_indirect_dma semaphore(%arg23 : memref<!tpu.dma_semaphore, #tpu.memory_space<semaphore_mem>>) src(%dma_wait3A_187 : memref<40x128xf32, #tpu.memory_space<vmem>>) dst(%dma_wait3A_193 : memref<10240x128xf32, #tpu.memory_space<vmem_shared>>)
    %barrier3A_194 = arith.constant 0 : index
    tpu.barrier barrier_id(%barrier3A_194)
    %mul3A_195 = arith.constant 640 : i32
    %mul3A_196 = arith.muli %arg1, %mul3A_195 : i32
    "tpu.region"() ({
      %run_scoped3A_197 = tpu.sem_alloc : memref<!tpu.dma_semaphore, #tpu.memory_space<semaphore_mem>>
      %dma_start3A_198 = arith.constant 0 : i32
      %dma_start3A_199 = tpu.memref_slice %arg7[%arg0, %mul3A_196, %dma_start3A_198] : memref<2x10240x128xf32, #tpu.memory_space<hbm>> -> memref<1x640x128xf32, #tpu.memory_space<hbm>>
      %dma_start3A_200 = tpu.memref_squeeze %dma_start3A_199 : memref<1x640x128xf32, #tpu.memory_space<hbm>> -> memref<640x128xf32, #tpu.memory_space<hbm>>
      %dma_start3A_201 = arith.constant 0 : i32
      %dma_start3A_202 = tpu.memref_slice %arg16[%mul3A_196, %dma_start3A_201] : memref<10240x128xf32, #tpu.memory_space<vmem_shared>> -> memref<640x128xf32, #tpu.memory_space<vmem_shared>>
      tpu.enqueue_dma source(%dma_start3A_202 : memref<640x128xf32, #tpu.memory_space<vmem_shared>>) target(%dma_start3A_200 : memref<640x128xf32, #tpu.memory_space<hbm>>) target_semaphore(%run_scoped3A_197 : memref<!tpu.dma_semaphore, #tpu.memory_space<semaphore_mem>>)
      %dma_wait3A_203 = arith.constant 0 : i32
      %dma_wait3A_204 = tpu.memref_slice %arg7[%arg0, %mul3A_196, %dma_wait3A_203] : memref<2x10240x128xf32, #tpu.memory_space<hbm>> -> memref<1x640x128xf32, #tpu.memory_space<hbm>>
      %dma_wait3A_205 = tpu.memref_squeeze %dma_wait3A_204 : memref<1x640x128xf32, #tpu.memory_space<hbm>> -> memref<640x128xf32, #tpu.memory_space<hbm>>
      %dma_wait3A_206 = arith.constant 0 : i32
      %dma_wait3A_207 = tpu.memref_slice %arg16[%mul3A_196, %dma_wait3A_206] : memref<10240x128xf32, #tpu.memory_space<vmem_shared>> -> memref<640x128xf32, #tpu.memory_space<vmem_shared>>
      tpu.wait_dma2 semaphore(%run_scoped3A_197 : memref<!tpu.dma_semaphore, #tpu.memory_space<semaphore_mem>>) src(%dma_wait3A_207 : memref<640x128xf32, #tpu.memory_space<vmem_shared>>) dst(%dma_wait3A_205 : memref<640x128xf32, #tpu.memory_space<hbm>>)
      tpu.yield
    }) : () -> ()
    return
  }
}

module attributes {stable_mosaic.version = 14 : i64} {
  func.func @_proj_body(%arg0: i32, %arg1: memref<1024x128xf32, #tpu.memory_space<vmem>>, %arg2: memref<128x128xf32, #tpu.memory_space<vmem>>, %arg3: memref<1x128xf32, #tpu.memory_space<vmem>>, %arg4: memref<128x128xf32, #tpu.memory_space<vmem>>, %arg5: memref<1x128xf32, #tpu.memory_space<vmem>>, %arg6: memref<1024x128xf32, #tpu.memory_space<vmem>>, %arg7: memref<1024x128xf32, #tpu.memory_space<vmem>>) attributes {dimension_semantics = [#tpu.dimension_semantics<arbitrary>], iteration_bounds = array<i64: 10>, scalar_prefetch = 0 : i64, scratch_operands = 0 : i64, tpu.core_type = #tpu.core_type<tc>, window_params = [{transform_indices = @transform_0, window_bounds = array<i64: 1024, 128>}, {pipeline_mode = #tpu.pipeline_mode<synchronous>, transform_indices = @transform_1, window_bounds = array<i64: 128, 128>}, {pipeline_mode = #tpu.pipeline_mode<synchronous>, transform_indices = @transform_2, window_bounds = array<i64: 1, 128>}, {pipeline_mode = #tpu.pipeline_mode<synchronous>, transform_indices = @transform_3, window_bounds = array<i64: 128, 128>}, {pipeline_mode = #tpu.pipeline_mode<synchronous>, transform_indices = @transform_4, window_bounds = array<i64: 1, 128>}, {transform_indices = @transform_5, window_bounds = array<i64: 1024, 128>}, {transform_indices = @transform_6, window_bounds = array<i64: 1024, 128>}]} {
    %get3A = arith.constant 0 : index
    %get3A_0 = arith.constant 0 : index
    %get3A_1 = vector.load %arg1[%get3A, %get3A_0] : memref<1024x128xf32, #tpu.memory_space<vmem>>, vector<1024x128xf32>
    %get3A_2 = arith.constant 0 : index
    %get3A_3 = arith.constant 0 : index
    %get3A_4 = vector.load %arg2[%get3A_2, %get3A_3] : memref<128x128xf32, #tpu.memory_space<vmem>>, vector<128x128xf32>
    %dot_general3A = arith.constant dense<0.000000e+00> : vector<1024x128xf32>
    %dot_general3A_5 = tpu.matmul %get3A_1, %get3A_4, %dot_general3A {dimension_numbers = #tpu.dot_dimension_numbers<[1], [0], [0], [1], [0, 0, 1, 1], [], []>, transpose_lhs_hint = false} : vector<1024x128xf32>, vector<128x128xf32>, vector<1024x128xf32> -> vector<1024x128xf32>
    %get3A_6 = arith.constant 0 : index
    %get3A_7 = arith.constant 0 : index
    %get3A_8 = vector.load %arg3[%get3A_6, %get3A_7] : memref<1x128xf32, #tpu.memory_space<vmem>>, vector<1x128xf32>
    %add3A = vector.broadcast %get3A_8 : vector<1x128xf32> to vector<1024x128xf32>
    %add3A_9 = arith.addf %dot_general3A_5, %add3A : vector<1024x128xf32>
    %swap3A = arith.constant 0 : index
    %swap3A_10 = arith.constant 0 : index
    %swap3A_11 = vector.load %arg6[%swap3A, %swap3A_10] : memref<1024x128xf32, #tpu.memory_space<vmem>>, vector<1024x128xf32>
    tpu.vector_store %arg6[%swap3A, %swap3A_10], %add3A_9 {strides = array<i32>} : memref<1024x128xf32, #tpu.memory_space<vmem>>, vector<1024x128xf32>,
    %get3A_12 = arith.constant 0 : index
    %get3A_13 = arith.constant 0 : index
    %get3A_14 = vector.load %arg4[%get3A_12, %get3A_13] : memref<128x128xf32, #tpu.memory_space<vmem>>, vector<128x128xf32>
    %dot_general3A_15 = arith.constant dense<0.000000e+00> : vector<1024x128xf32>
    %dot_general3A_16 = tpu.matmul %get3A_1, %get3A_14, %dot_general3A_15 {dimension_numbers = #tpu.dot_dimension_numbers<[1], [0], [0], [1], [0, 0, 1, 1], [], []>, transpose_lhs_hint = false} : vector<1024x128xf32>, vector<128x128xf32>, vector<1024x128xf32> -> vector<1024x128xf32>
    %get3A_17 = arith.constant 0 : index
    %get3A_18 = arith.constant 0 : index
    %get3A_19 = vector.load %arg5[%get3A_17, %get3A_18] : memref<1x128xf32, #tpu.memory_space<vmem>>, vector<1x128xf32>
    %add3A_20 = vector.broadcast %get3A_19 : vector<1x128xf32> to vector<1024x128xf32>
    %add3A_21 = arith.addf %dot_general3A_16, %add3A_20 : vector<1024x128xf32>
    %swap3A_22 = arith.constant 0 : index
    %swap3A_23 = arith.constant 0 : index
    %swap3A_24 = vector.load %arg7[%swap3A_22, %swap3A_23] : memref<1024x128xf32, #tpu.memory_space<vmem>>, vector<1024x128xf32>
    tpu.vector_store %arg7[%swap3A_22, %swap3A_23], %add3A_21 {strides = array<i32>} : memref<1024x128xf32, #tpu.memory_space<vmem>>, vector<1024x128xf32>,
    return
  }
  func.func @transform_0(%arg0: i32) -> (i32, i32) {
    %c0_i32 = arith.constant 0 : i32
    %c0_i32_0 = arith.constant 0 : i32
    return %arg0, %c0_i32 : i32, i32
  }
  func.func @transform_1(%arg0: i32) -> (i32, i32) {
    %c0_i32 = arith.constant 0 : i32
    %c0_i32_0 = arith.constant 0 : i32
    %c0_i32_1 = arith.constant 0 : i32
    return %c0_i32, %c0_i32_0 : i32, i32
  }
  func.func @transform_2(%arg0: i32) -> (i32, i32) {
    %c0_i32 = arith.constant 0 : i32
    %c0_i32_0 = arith.constant 0 : i32
    %c0_i32_1 = arith.constant 0 : i32
    return %c0_i32, %c0_i32_0 : i32, i32
  }
  func.func @transform_3(%arg0: i32) -> (i32, i32) {
    %c0_i32 = arith.constant 0 : i32
    %c0_i32_0 = arith.constant 0 : i32
    %c0_i32_1 = arith.constant 0 : i32
    return %c0_i32, %c0_i32_0 : i32, i32
  }
  func.func @transform_4(%arg0: i32) -> (i32, i32) {
    %c0_i32 = arith.constant 0 : i32
    %c0_i32_0 = arith.constant 0 : i32
    %c0_i32_1 = arith.constant 0 : i32
    return %c0_i32, %c0_i32_0 : i32, i32
  }
  func.func @transform_5(%arg0: i32) -> (i32, i32) {
    %c0_i32 = arith.constant 0 : i32
    %c0_i32_0 = arith.constant 0 : i32
    return %arg0, %c0_i32 : i32, i32
  }
  func.func @transform_6(%arg0: i32) -> (i32, i32) {
    %c0_i32 = arith.constant 0 : i32
    %c0_i32_0 = arith.constant 0 : i32
    return %arg0, %c0_i32 : i32, i32
  }
}

module attributes {stable_mosaic.version = 14 : i64} {
  func.func @_combine_body(%arg0: i32, %arg1: memref<2x1024x128xf32, #tpu.memory_space<vmem>>, %arg2: memref<128x96xf32, #tpu.memory_space<vmem>>, %arg3: memref<128x96xf32, #tpu.memory_space<vmem>>, %arg4: memref<1x96xf32, #tpu.memory_space<vmem>>, %arg5: memref<96x128xf32, #tpu.memory_space<vmem>>, %arg6: memref<1x128xf32, #tpu.memory_space<vmem>>, %arg7: memref<96x128xf32, #tpu.memory_space<vmem>>, %arg8: memref<1x128xf32, #tpu.memory_space<vmem>>, %arg9: memref<1024x128xf32, #tpu.memory_space<vmem>>, %arg10: memref<1024x128xf32, #tpu.memory_space<vmem>>) attributes {dimension_semantics = [#tpu.dimension_semantics<arbitrary>], iteration_bounds = array<i64: 10>, scalar_prefetch = 0 : i64, scratch_operands = 0 : i64, tpu.core_type = #tpu.core_type<tc>, window_params = [{transform_indices = @transform_0, window_bounds = array<i64: 2, 1024, 128>}, {pipeline_mode = #tpu.pipeline_mode<synchronous>, transform_indices = @transform_1, window_bounds = array<i64: 128, 96>}, {pipeline_mode = #tpu.pipeline_mode<synchronous>, transform_indices = @transform_2, window_bounds = array<i64: 128, 96>}, {pipeline_mode = #tpu.pipeline_mode<synchronous>, transform_indices = @transform_3, window_bounds = array<i64: 1, 96>}, {pipeline_mode = #tpu.pipeline_mode<synchronous>, transform_indices = @transform_4, window_bounds = array<i64: 96, 128>}, {pipeline_mode = #tpu.pipeline_mode<synchronous>, transform_indices = @transform_5, window_bounds = array<i64: 1, 128>}, {pipeline_mode = #tpu.pipeline_mode<synchronous>, transform_indices = @transform_6, window_bounds = array<i64: 96, 128>}, {pipeline_mode = #tpu.pipeline_mode<synchronous>, transform_indices = @transform_7, window_bounds = array<i64: 1, 128>}, {transform_indices = @transform_8, window_bounds = array<i64: 1024, 128>}, {transform_indices = @transform_9, window_bounds = array<i64: 1024, 128>}]} {
    %get3A = arith.constant 0 : index
    %get3A_0 = arith.constant 0 : index
    %get3A_1 = arith.constant 0 : index
    %get3A_2 = vector.load %arg1[%get3A, %get3A_0, %get3A_1] : memref<2x1024x128xf32, #tpu.memory_space<vmem>>, vector<1x1024x128xf32>
    %get3A_3 = vector.shape_cast %get3A_2 : vector<1x1024x128xf32> to vector<1024x128xf32>
    %get3A_4 = arith.constant 1 : index
    %get3A_5 = arith.constant 0 : index
    %get3A_6 = arith.constant 0 : index
    %get3A_7 = vector.load %arg1[%get3A_4, %get3A_5, %get3A_6] : memref<2x1024x128xf32, #tpu.memory_space<vmem>>, vector<1x1024x128xf32>
    %get3A_8 = vector.shape_cast %get3A_7 : vector<1x1024x128xf32> to vector<1024x128xf32>
    %add3A = arith.addf %get3A_3, %get3A_8 : vector<1024x128xf32>
    %get3A_9 = arith.constant 0 : index
    %get3A_10 = arith.constant 0 : index
    %get3A_11 = vector.load %arg2[%get3A_9, %get3A_10] : memref<128x96xf32, #tpu.memory_space<vmem>>, vector<128x96xf32>
    %dot_general3A = arith.constant dense<0.000000e+00> : vector<1024x96xf32>
    %dot_general3A_12 = tpu.matmul %add3A, %get3A_11, %dot_general3A {dimension_numbers = #tpu.dot_dimension_numbers<[1], [0], [0], [1], [0, 0, 1, 1], [], []>, transpose_lhs_hint = false} : vector<1024x128xf32>, vector<128x96xf32>, vector<1024x96xf32> -> vector<1024x96xf32>
    %get3A_13 = arith.constant 0 : index
    %get3A_14 = arith.constant 0 : index
    %get3A_15 = vector.load %arg3[%get3A_13, %get3A_14] : memref<128x96xf32, #tpu.memory_space<vmem>>, vector<128x96xf32>
    %dot_general3A_16 = arith.constant dense<0.000000e+00> : vector<1024x96xf32>
    %dot_general3A_17 = tpu.matmul %add3A, %get3A_15, %dot_general3A_16 {dimension_numbers = #tpu.dot_dimension_numbers<[1], [0], [0], [1], [0, 0, 1, 1], [], []>, transpose_lhs_hint = false} : vector<1024x128xf32>, vector<128x96xf32>, vector<1024x96xf32> -> vector<1024x96xf32>
    %add3A_18 = arith.constant 1.000000e-30 : f32
    %add3A_19 = vector.broadcast %add3A_18 : f32 to vector<1024x96xf32>
    %add3A_20 = arith.addf %dot_general3A_17, %add3A_19 : vector<1024x96xf32>
    %div3A = arith.divf %dot_general3A_12, %add3A_20 : vector<1024x96xf32>
    %get3A_21 = arith.constant 0 : index
    %get3A_22 = arith.constant 0 : index
    %get3A_23 = vector.load %arg4[%get3A_21, %get3A_22] : memref<1x96xf32, #tpu.memory_space<vmem>>, vector<1x96xf32>
    %add3A_24 = vector.broadcast %get3A_23 : vector<1x96xf32> to vector<1024x96xf32>
    %add3A_25 = arith.addf %div3A, %add3A_24 : vector<1024x96xf32>
    %gt3A = arith.constant 0.000000e+00 : f32
    %gt3A_26 = vector.broadcast %gt3A : f32 to vector<1024x96xf32>
    %gt3A_27 = arith.cmpf ogt, %add3A_25, %gt3A_26 : vector<1024x96xf32>
    %exp3A = math.exp %add3A_25 : vector<1024x96xf32>
    %sub3A = arith.constant 1.000000e+00 : f32
    %sub3A_28 = vector.broadcast %sub3A : f32 to vector<1024x96xf32>
    %sub3A_29 = arith.subf %exp3A, %sub3A_28 : vector<1024x96xf32>
    %select_n3A = arith.select %gt3A_27, %add3A_25, %sub3A_29 : vector<1024x96xi1>, vector<1024x96xf32>
    %get3A_30 = arith.constant 0 : index
    %get3A_31 = arith.constant 0 : index
    %get3A_32 = vector.load %arg5[%get3A_30, %get3A_31] : memref<96x128xf32, #tpu.memory_space<vmem>>, vector<96x128xf32>
    %dot_general3A_33 = arith.constant dense<0.000000e+00> : vector<1024x128xf32>
    %dot_general3A_34 = tpu.matmul %select_n3A, %get3A_32, %dot_general3A_33 {dimension_numbers = #tpu.dot_dimension_numbers<[1], [0], [0], [1], [0, 0, 1, 1], [], []>, transpose_lhs_hint = false} : vector<1024x96xf32>, vector<96x128xf32>, vector<1024x128xf32> -> vector<1024x128xf32>
    %get3A_35 = arith.constant 0 : index
    %get3A_36 = arith.constant 0 : index
    %get3A_37 = vector.load %arg6[%get3A_35, %get3A_36] : memref<1x128xf32, #tpu.memory_space<vmem>>, vector<1x128xf32>
    %add3A_38 = vector.broadcast %get3A_37 : vector<1x128xf32> to vector<1024x128xf32>
    %add3A_39 = arith.addf %dot_general3A_34, %add3A_38 : vector<1024x128xf32>
    %swap3A = arith.constant 0 : index
    %swap3A_40 = arith.constant 0 : index
    %swap3A_41 = vector.load %arg9[%swap3A, %swap3A_40] : memref<1024x128xf32, #tpu.memory_space<vmem>>, vector<1024x128xf32>
    tpu.vector_store %arg9[%swap3A, %swap3A_40], %add3A_39 {strides = array<i32>} : memref<1024x128xf32, #tpu.memory_space<vmem>>, vector<1024x128xf32>,
    %get3A_42 = arith.constant 0 : index
    %get3A_43 = arith.constant 0 : index
    %get3A_44 = vector.load %arg7[%get3A_42, %get3A_43] : memref<96x128xf32, #tpu.memory_space<vmem>>, vector<96x128xf32>
    %dot_general3A_45 = arith.constant dense<0.000000e+00> : vector<1024x128xf32>
    %dot_general3A_46 = tpu.matmul %select_n3A, %get3A_44, %dot_general3A_45 {dimension_numbers = #tpu.dot_dimension_numbers<[1], [0], [0], [1], [0, 0, 1, 1], [], []>, transpose_lhs_hint = false} : vector<1024x96xf32>, vector<96x128xf32>, vector<1024x128xf32> -> vector<1024x128xf32>
    %get3A_47 = arith.constant 0 : index
    %get3A_48 = arith.constant 0 : index
    %get3A_49 = vector.load %arg8[%get3A_47, %get3A_48] : memref<1x128xf32, #tpu.memory_space<vmem>>, vector<1x128xf32>
    %add3A_50 = vector.broadcast %get3A_49 : vector<1x128xf32> to vector<1024x128xf32>
    %add3A_51 = arith.addf %dot_general3A_46, %add3A_50 : vector<1024x128xf32>
    %swap3A_52 = arith.constant 0 : index
    %swap3A_53 = arith.constant 0 : index
    %swap3A_54 = vector.load %arg10[%swap3A_52, %swap3A_53] : memref<1024x128xf32, #tpu.memory_space<vmem>>, vector<1024x128xf32>
    tpu.vector_store %arg10[%swap3A_52, %swap3A_53], %add3A_51 {strides = array<i32>} : memref<1024x128xf32, #tpu.memory_space<vmem>>, vector<1024x128xf32>,
    return
  }
  func.func @transform_0(%arg0: i32) -> (i32, i32, i32) {
    %c0_i32 = arith.constant 0 : i32
    %c0_i32_0 = arith.constant 0 : i32
    %c0_i32_1 = arith.constant 0 : i32
    return %c0_i32, %arg0, %c0_i32_0 : i32, i32, i32
  }
  func.func @transform_1(%arg0: i32) -> (i32, i32) {
    %c0_i32 = arith.constant 0 : i32
    %c0_i32_0 = arith.constant 0 : i32
    %c0_i32_1 = arith.constant 0 : i32
    return %c0_i32, %c0_i32_0 : i32, i32
  }
  func.func @transform_2(%arg0: i32) -> (i32, i32) {
    %c0_i32 = arith.constant 0 : i32
    %c0_i32_0 = arith.constant 0 : i32
    %c0_i32_1 = arith.constant 0 : i32
    return %c0_i32, %c0_i32_0 : i32, i32
  }
  func.func @transform_3(%arg0: i32) -> (i32, i32) {
    %c0_i32 = arith.constant 0 : i32
    %c0_i32_0 = arith.constant 0 : i32
    %c0_i32_1 = arith.constant 0 : i32
    return %c0_i32, %c0_i32_0 : i32, i32
  }
  func.func @transform_4(%arg0: i32) -> (i32, i32) {
    %c0_i32 = arith.constant 0 : i32
    %c0_i32_0 = arith.constant 0 : i32
    %c0_i32_1 = arith.constant 0 : i32
    return %c0_i32, %c0_i32_0 : i32, i32
  }
  func.func @transform_5(%arg0: i32) -> (i32, i32) {
    %c0_i32 = arith.constant 0 : i32
    %c0_i32_0 = arith.constant 0 : i32
    %c0_i32_1 = arith.constant 0 : i32
    return %c0_i32, %c0_i32_0 : i32, i32
  }
  func.func @transform_6(%arg0: i32) -> (i32, i32) {
    %c0_i32 = arith.constant 0 : i32
    %c0_i32_0 = arith.constant 0 : i32
    %c0_i32_1 = arith.constant 0 : i32
    return %c0_i32, %c0_i32_0 : i32, i32
  }
  func.func @transform_7(%arg0: i32) -> (i32, i32) {
    %c0_i32 = arith.constant 0 : i32
    %c0_i32_0 = arith.constant 0 : i32
    %c0_i32_1 = arith.constant 0 : i32
    return %c0_i32, %c0_i32_0 : i32, i32
  }
  func.func @transform_8(%arg0: i32) -> (i32, i32) {
    %c0_i32 = arith.constant 0 : i32
    %c0_i32_0 = arith.constant 0 : i32
    return %arg0, %c0_i32 : i32, i32
  }
  func.func @transform_9(%arg0: i32) -> (i32, i32) {
    %c0_i32 = arith.constant 0 : i32
    %c0_i32_0 = arith.constant 0 : i32
    return %arg0, %c0_i32 : i32, i32
  }
}

module attributes {stable_mosaic.version = 14 : i64} {
  func.func @_head_body(%arg0: i32, %arg1: memref<2x1024x128xf32, #tpu.memory_space<vmem>>, %arg2: memref<128x96xf32, #tpu.memory_space<vmem>>, %arg3: memref<128x96xf32, #tpu.memory_space<vmem>>, %arg4: memref<1x96xf32, #tpu.memory_space<vmem>>, %arg5: memref<96x8xf32, #tpu.memory_space<vmem>>, %arg6: memref<1x8xf32, #tpu.memory_space<vmem>>, %arg7: memref<8x40xf32, #tpu.memory_space<vmem>>, %arg8: memref<1x40xf32, #tpu.memory_space<vmem>>, %arg9: memref<1024x40xf32, #tpu.memory_space<vmem>>) attributes {dimension_semantics = [#tpu.dimension_semantics<arbitrary>], iteration_bounds = array<i64: 10>, scalar_prefetch = 0 : i64, scratch_operands = 0 : i64, tpu.core_type = #tpu.core_type<tc>, window_params = [{transform_indices = @transform_0, window_bounds = array<i64: 2, 1024, 128>}, {pipeline_mode = #tpu.pipeline_mode<synchronous>, transform_indices = @transform_1, window_bounds = array<i64: 128, 96>}, {pipeline_mode = #tpu.pipeline_mode<synchronous>, transform_indices = @transform_2, window_bounds = array<i64: 128, 96>}, {pipeline_mode = #tpu.pipeline_mode<synchronous>, transform_indices = @transform_3, window_bounds = array<i64: 1, 96>}, {pipeline_mode = #tpu.pipeline_mode<synchronous>, transform_indices = @transform_4, window_bounds = array<i64: 96, 8>}, {pipeline_mode = #tpu.pipeline_mode<synchronous>, transform_indices = @transform_5, window_bounds = array<i64: 1, 8>}, {pipeline_mode = #tpu.pipeline_mode<synchronous>, transform_indices = @transform_6, window_bounds = array<i64: 8, 40>}, {pipeline_mode = #tpu.pipeline_mode<synchronous>, transform_indices = @transform_7, window_bounds = array<i64: 1, 40>}, {transform_indices = @transform_8, window_bounds = array<i64: 1024, 40>}]} {
    %get3A = arith.constant 0 : index
    %get3A_0 = arith.constant 0 : index
    %get3A_1 = arith.constant 0 : index
    %get3A_2 = vector.load %arg1[%get3A, %get3A_0, %get3A_1] : memref<2x1024x128xf32, #tpu.memory_space<vmem>>, vector<1x1024x128xf32>
    %get3A_3 = vector.shape_cast %get3A_2 : vector<1x1024x128xf32> to vector<1024x128xf32>
    %get3A_4 = arith.constant 1 : index
    %get3A_5 = arith.constant 0 : index
    %get3A_6 = arith.constant 0 : index
    %get3A_7 = vector.load %arg1[%get3A_4, %get3A_5, %get3A_6] : memref<2x1024x128xf32, #tpu.memory_space<vmem>>, vector<1x1024x128xf32>
    %get3A_8 = vector.shape_cast %get3A_7 : vector<1x1024x128xf32> to vector<1024x128xf32>
    %add3A = arith.addf %get3A_3, %get3A_8 : vector<1024x128xf32>
    %get3A_9 = arith.constant 0 : index
    %get3A_10 = arith.constant 0 : index
    %get3A_11 = vector.load %arg2[%get3A_9, %get3A_10] : memref<128x96xf32, #tpu.memory_space<vmem>>, vector<128x96xf32>
    %dot_general3A = arith.constant dense<0.000000e+00> : vector<1024x96xf32>
    %dot_general3A_12 = tpu.matmul %add3A, %get3A_11, %dot_general3A {dimension_numbers = #tpu.dot_dimension_numbers<[1], [0], [0], [1], [0, 0, 1, 1], [], []>, transpose_lhs_hint = false} : vector<1024x128xf32>, vector<128x96xf32>, vector<1024x96xf32> -> vector<1024x96xf32>
    %get3A_13 = arith.constant 0 : index
    %get3A_14 = arith.constant 0 : index
    %get3A_15 = vector.load %arg3[%get3A_13, %get3A_14] : memref<128x96xf32, #tpu.memory_space<vmem>>, vector<128x96xf32>
    %dot_general3A_16 = arith.constant dense<0.000000e+00> : vector<1024x96xf32>
    %dot_general3A_17 = tpu.matmul %add3A, %get3A_15, %dot_general3A_16 {dimension_numbers = #tpu.dot_dimension_numbers<[1], [0], [0], [1], [0, 0, 1, 1], [], []>, transpose_lhs_hint = false} : vector<1024x128xf32>, vector<128x96xf32>, vector<1024x96xf32> -> vector<1024x96xf32>
    %add3A_18 = arith.constant 1.000000e-30 : f32
    %add3A_19 = vector.broadcast %add3A_18 : f32 to vector<1024x96xf32>
    %add3A_20 = arith.addf %dot_general3A_17, %add3A_19 : vector<1024x96xf32>
    %div3A = arith.divf %dot_general3A_12, %add3A_20 : vector<1024x96xf32>
    %get3A_21 = arith.constant 0 : index
    %get3A_22 = arith.constant 0 : index
    %get3A_23 = vector.load %arg4[%get3A_21, %get3A_22] : memref<1x96xf32, #tpu.memory_space<vmem>>, vector<1x96xf32>
    %add3A_24 = vector.broadcast %get3A_23 : vector<1x96xf32> to vector<1024x96xf32>
    %add3A_25 = arith.addf %div3A, %add3A_24 : vector<1024x96xf32>
    %gt3A = arith.constant 0.000000e+00 : f32
    %gt3A_26 = vector.broadcast %gt3A : f32 to vector<1024x96xf32>
    %gt3A_27 = arith.cmpf ogt, %add3A_25, %gt3A_26 : vector<1024x96xf32>
    %exp3A = math.exp %add3A_25 : vector<1024x96xf32>
    %sub3A = arith.constant 1.000000e+00 : f32
    %sub3A_28 = vector.broadcast %sub3A : f32 to vector<1024x96xf32>
    %sub3A_29 = arith.subf %exp3A, %sub3A_28 : vector<1024x96xf32>
    %select_n3A = arith.select %gt3A_27, %add3A_25, %sub3A_29 : vector<1024x96xi1>, vector<1024x96xf32>
    %get3A_30 = arith.constant 0 : index
    %get3A_31 = arith.constant 0 : index
    %get3A_32 = vector.load %arg5[%get3A_30, %get3A_31] : memref<96x8xf32, #tpu.memory_space<vmem>>, vector<96x8xf32>
    %dot_general3A_33 = arith.constant dense<0.000000e+00> : vector<1024x8xf32>
    %dot_general3A_34 = tpu.matmul %select_n3A, %get3A_32, %dot_general3A_33 {dimension_numbers = #tpu.dot_dimension_numbers<[1], [0], [0], [1], [0, 0, 1, 1], [], []>, transpose_lhs_hint = false} : vector<1024x96xf32>, vector<96x8xf32>, vector<1024x8xf32> -> vector<1024x8xf32>
    %get3A_35 = arith.constant 0 : index
    %get3A_36 = arith.constant 0 : index
    %get3A_37 = vector.load %arg6[%get3A_35, %get3A_36] : memref<1x8xf32, #tpu.memory_space<vmem>>, vector<1x8xf32>
    %add3A_38 = vector.broadcast %get3A_37 : vector<1x8xf32> to vector<1024x8xf32>
    %add3A_39 = arith.addf %dot_general3A_34, %add3A_38 : vector<1024x8xf32>
    %gt3A_40 = arith.constant 0.000000e+00 : f32
    %gt3A_41 = vector.broadcast %gt3A_40 : f32 to vector<1024x8xf32>
    %gt3A_42 = arith.cmpf ogt, %add3A_39, %gt3A_41 : vector<1024x8xf32>
    %exp3A_43 = math.exp %add3A_39 : vector<1024x8xf32>
    %sub3A_44 = arith.constant 1.000000e+00 : f32
    %sub3A_45 = vector.broadcast %sub3A_44 : f32 to vector<1024x8xf32>
    %sub3A_46 = arith.subf %exp3A_43, %sub3A_45 : vector<1024x8xf32>
    %select_n3A_47 = arith.select %gt3A_42, %add3A_39, %sub3A_46 : vector<1024x8xi1>, vector<1024x8xf32>
    %get3A_48 = arith.constant 0 : index
    %get3A_49 = arith.constant 0 : index
    %get3A_50 = vector.load %arg7[%get3A_48, %get3A_49] : memref<8x40xf32, #tpu.memory_space<vmem>>, vector<8x40xf32>
    %dot_general3A_51 = arith.constant dense<0.000000e+00> : vector<1024x40xf32>
    %dot_general3A_52 = tpu.matmul %select_n3A_47, %get3A_50, %dot_general3A_51 {dimension_numbers = #tpu.dot_dimension_numbers<[1], [0], [0], [1], [0, 0, 1, 1], [], []>, transpose_lhs_hint = false} : vector<1024x8xf32>, vector<8x40xf32>, vector<1024x40xf32> -> vector<1024x40xf32>
    %get3A_53 = arith.constant 0 : index
    %get3A_54 = arith.constant 0 : index
    %get3A_55 = vector.load %arg8[%get3A_53, %get3A_54] : memref<1x40xf32, #tpu.memory_space<vmem>>, vector<1x40xf32>
    %add3A_56 = vector.broadcast %get3A_55 : vector<1x40xf32> to vector<1024x40xf32>
    %add3A_57 = arith.addf %dot_general3A_52, %add3A_56 : vector<1024x40xf32>
    %reduce_max3A = arith.constant dense<0xFF800000> : vector<1024xf32>
    %reduce_max3A_58 = vector.multi_reduction <maximumf>, %add3A_57, %reduce_max3A [1] : vector<1024x40xf32> to vector<1024xf32>
    %broadcast_in_dim3A = vector.shape_cast %reduce_max3A_58 : vector<1024xf32> to vector<1024x1xf32>
    %sub3A_59 = vector.broadcast %broadcast_in_dim3A : vector<1024x1xf32> to vector<1024x40xf32>
    %sub3A_60 = arith.subf %add3A_57, %sub3A_59 : vector<1024x40xf32>
    %exp3A_61 = math.exp %sub3A_60 : vector<1024x40xf32>
    %reduce_sum3A = arith.constant dense<0.000000e+00> : vector<1024xf32>
    %reduce_sum3A_62 = vector.multi_reduction <add>, %exp3A_61, %reduce_sum3A [1] : vector<1024x40xf32> to vector<1024xf32>
    %broadcast_in_dim3A_63 = vector.shape_cast %reduce_sum3A_62 : vector<1024xf32> to vector<1024x1xf32>
    %log3A = math.log %broadcast_in_dim3A_63 : vector<1024x1xf32>
    %sub3A_64 = vector.broadcast %log3A : vector<1024x1xf32> to vector<1024x40xf32>
    %sub3A_65 = arith.subf %sub3A_60, %sub3A_64 : vector<1024x40xf32>
    %swap3A = arith.constant 0 : index
    %swap3A_66 = arith.constant 0 : index
    %swap3A_67 = vector.load %arg9[%swap3A, %swap3A_66] : memref<1024x40xf32, #tpu.memory_space<vmem>>, vector<1024x40xf32>
    tpu.vector_store %arg9[%swap3A, %swap3A_66], %sub3A_65 {strides = array<i32>} : memref<1024x40xf32, #tpu.memory_space<vmem>>, vector<1024x40xf32>,
    return
  }
  func.func @transform_0(%arg0: i32) -> (i32, i32, i32) {
    %c0_i32 = arith.constant 0 : i32
    %c0_i32_0 = arith.constant 0 : i32
    %c0_i32_1 = arith.constant 0 : i32
    return %c0_i32, %arg0, %c0_i32_0 : i32, i32, i32
  }
  func.func @transform_1(%arg0: i32) -> (i32, i32) {
    %c0_i32 = arith.constant 0 : i32
    %c0_i32_0 = arith.constant 0 : i32
    %c0_i32_1 = arith.constant 0 : i32
    return %c0_i32, %c0_i32_0 : i32, i32
  }
  func.func @transform_2(%arg0: i32) -> (i32, i32) {
    %c0_i32 = arith.constant 0 : i32
    %c0_i32_0 = arith.constant 0 : i32
    %c0_i32_1 = arith.constant 0 : i32
    return %c0_i32, %c0_i32_0 : i32, i32
  }
  func.func @transform_3(%arg0: i32) -> (i32, i32) {
    %c0_i32 = arith.constant 0 : i32
    %c0_i32_0 = arith.constant 0 : i32
    %c0_i32_1 = arith.constant 0 : i32
    return %c0_i32, %c0_i32_0 : i32, i32
  }
  func.func @transform_4(%arg0: i32) -> (i32, i32) {
    %c0_i32 = arith.constant 0 : i32
    %c0_i32_0 = arith.constant 0 : i32
    %c0_i32_1 = arith.constant 0 : i32
    return %c0_i32, %c0_i32_0 : i32, i32
  }
  func.func @transform_5(%arg0: i32) -> (i32, i32) {
    %c0_i32 = arith.constant 0 : i32
    %c0_i32_0 = arith.constant 0 : i32
    %c0_i32_1 = arith.constant 0 : i32
    return %c0_i32, %c0_i32_0 : i32, i32
  }
  func.func @transform_6(%arg0: i32) -> (i32, i32) {
    %c0_i32 = arith.constant 0 : i32
    %c0_i32_0 = arith.constant 0 : i32
    %c0_i32_1 = arith.constant 0 : i32
    return %c0_i32, %c0_i32_0 : i32, i32
  }
  func.func @transform_7(%arg0: i32) -> (i32, i32) {
    %c0_i32 = arith.constant 0 : i32
    %c0_i32_0 = arith.constant 0 : i32
    %c0_i32_1 = arith.constant 0 : i32
    return %c0_i32, %c0_i32_0 : i32, i32
  }
  func.func @transform_8(%arg0: i32) -> (i32, i32) {
    %c0_i32 = arith.constant 0 : i32
    %c0_i32_0 = arith.constant 0 : i32
    return %arg0, %c0_i32 : i32, i32
  }
}

</mosaic_0001>

<sc_bundles>
// kernel: kernel.10.cloned.1.call-start
scs
__scs_entry_jumppad:
0x0: {  	(pc) =	sbr.rel $0x88, $3  }
0x1: {  	(tag) =	ssettag $0x0;
	lr =	simm.s32 $0x1  }
0x2: {  	[smem:$0x3F8F] =	sst lr;
	_ =	strace $0xD0000000  }
0x3: {  	_ = 	snop  }
0x4: {  	_ = 	snop  }
0x5: {  	_ = 	snop  }
0x6: {  	_ = 	snop  }
0x7: {  	_ = 	snop  }
__scs_overlays_trampoline_lowered:
0x8: {  	[smem:$0x3F9E] =	sst s0  }
0x9: {  	[smem:$0x3F9F] =	sst s1  }
0xa: {  	[smem:$0x3FA0] =	sst s2  }
0xb: {  	[smem:$0x3FA1] =	sst s3  }
0xc: {  	[smem:$0x3FA2] =	sst s4  }
0xd: {  	[smem:$0x3FA3] =	sst s5  }
0xe: {  	[smem:$0x3FA4] =	sst s6  }
0xf: {  	[smem:$0x3FA5] =	sst s7  }
0x10: {  	[smem:$0x3FA6] =	sst s8  }
0x11: {  	[smem:$0x3FA7] =	sst s9;
	s0 =	simm.s32 @!p0 $0x0  }
0x12: {  	s1 =	sld [smem:$0x3F8D];
	s0 =	simm.s32 @p0 $0x1  }
0x13: {  	[smem:$0x3FA8] =	sst s0;
	s0 =	simm.s32 @!p1 $0x0  }
0x14: {  	s2 =	sld [smem:$0x3F8C];
	s0 =	simm.s32 @p1 $0x1  }
0x15: {  	[smem:$0x3FA9] =	sst s0;
	s0 =	simm.s32 @!p2 $0x0  }
0x16: {  	s3 =	sld [smem:$0x3FDB];
	s0 =	simm.s32 @p2 $0x1  }
0x17: {  	s4 =	simm.s32 $0x1BF5;
	[smem:$0x3FAB] =	sst s0  }
0x18: {  	s0 =	sld [smem:$0x3F8E];
	_ =	swait.ge [sflag:s4], $0x0  }
0x19: {  	s7 =	sld [smem:$0x3F8F]  }
0x1a: {  	s8 =	sadd.s32 $0xFFFFE003, lr  }
0x1b: {  	s9 =	sadd.s32 $0xFFFFFEF7, lr;
	s5 =	simm.s32 $0xFFFFFFFF;
	p2 =	slt.u32 s8, $0xFFFFF086  }
0x1c: {  	p1 =	slt.u32 s9, $0xF7A;
	s5 =	simm.s32 @!p2 $0x0  }
0x1d: {  	s5 =	simm.s32 @p1 $0x1;
	p0 =	seq.s32 s7, s2  }
0x1e: {  	s7 =	smul.u32 @!p0 $0xF7A, s2;
	p2 =	seq.s32 @!p0 s5, $0x0  }
0x1f: {  	s9 =	smul.u32 $0xF7A, s1;
	s8 =	simm.s32 @!p0 $0x1BF5;
	p2 =	por !p2, p0  }
0x20: {  	[sflag:s8] =	ssyncset.s32 @!p0 $0xFFFFF086;
	s6 =	sadd.s32 @!p0 s3, s7;
	s7 =	simm.s32 @!p0 $0x108  }
0x21: {  	s3 =	sadd.s32 s3, s9;
	s6 =	sadd.s32 @!p0 $0x88, s6;
	s7 =	simm.s32 @p2 $0x1082  }
0x22: {  	[simem:s7], [sflag:s8] =	dma.local @!p0 [hbm:s6], $0xF7A  }
0x23: {  	s9 =	sor.u32 $0xD0000000, s2;
	s6 =	simm.s32 $0x108;
	_ =	swait.ge @!p0 [sflag:s8], $0x0  }
0x24: {  	s3 =	sadd.s32 $0x88, s3;
	s6 =	simm.s32 @!p1 $0x1082;
	[sflag:s4] =	ssyncset.s32 $0xFFFFF086  }
0x25: {  	[simem:s6], [sflag:s4] =	dma.local [hbm:s3], $0xF7A  }
0x26: {  	[smem:$0x3F8F] =	sst s1;
	(tag) =	ssettag s2;
	_ =	strace s9  }
0x27: {  	s1 =	sld [smem:$0x3F9F]  }
0x28: {  	s2 =	sld [smem:$0x3FA0]  }
0x29: {  	s4 =	sld [smem:$0x3FA2]  }
0x2a: {  	p0 =	seq.s32 s5, $0x0;
	s5 =	sld [smem:$0x3FA3]  }
0x2b: {  	s6 =	sld [smem:$0x3FA4]  }
0x2c: {  	s7 =	sld [smem:$0x3FA5]  }
0x2d: {  	s3 =	simm.s32 $0x108;
	s8 =	sld [smem:$0x3FA6]  }
0x2e: {  	s3 =	simm.s32 @!p0 $0x1082;
	s9 =	sld [smem:$0x3FA7]  }
0x2f: {  	lr =	sadd.s32 s0, s3;
	s0 =	sld [smem:$0x3F9E]  }
0x30: {  	s3 =	sld [smem:$0x3FA1]  }
0x31: {  	[smem:$0x3FAA] =	sst s10  }
0x32: {  	s10 =	sld [smem:$0x3FA8];
	_ =	sdelay $0x3  }
0x33: {  	p0 =	seq.s32 s10, $0x1;
	s10 =	sld [smem:$0x3FAA];
	_ =	sdelay $0x3  }
0x34: {  	[smem:$0x3FAA] =	sst s10  }
0x35: {  	s10 =	sld [smem:$0x3FA9];
	_ =	sdelay $0x3  }
0x36: {  	p1 =	seq.s32 s10, $0x1;
	s10 =	sld [smem:$0x3FAA];
	_ =	sdelay $0x3  }
0x37: {  	[smem:$0x3FAA] =	sst s10  }
0x38: {  	s10 =	sld [smem:$0x3FAB]  }
0x39: {  	_ = 	snop;
	(pc) =	sbr.ind lr, $3  }
0x3a: {  	_ = 	snop  }
0x3b: {  	_ = 	snop  }
0x3c: {  	p2 =	seq.s32 s10, $0x1;
	s10 =	sld [smem:$0x3FAA]  }
0x3d: {  	_ =	shalt  }
0x3e: {  	_ =	shalt  }
0x3f: {  	_ =	shalt  }
0x40: {  	_ =	shalt  }
0x41: {  	_ =	shalt  }
0x42: {  	_ =	shalt  }
0x43: {  	_ =	shalt  }
0x44: {  	_ =	shalt  }
0x45: {  	_ =	shalt  }
0x46: {  	_ =	shalt  }
0x47: {  	_ =	shalt  }
0x48: {  	_ =	shalt  }
0x49: {  	_ =	shalt  }
0x4a: {  	_ =	shalt  }
0x4b: {  	_ =	shalt  }
0x4c: {  	_ =	shalt  }
0x4d: {  	_ =	shalt  }
0x4e: {  	_ =	shalt  }
0x4f: {  	_ =	shalt  }
0x50: {  	_ =	shalt  }
0x51: {  	_ =	shalt  }
0x52: {  	_ =	shalt  }
0x53: {  	_ =	shalt  }
0x54: {  	_ =	shalt  }
0x55: {  	_ =	shalt  }
0x56: {  	_ =	shalt  }
0x57: {  	_ =	shalt  }
0x58: {  	_ =	shalt  }
0x59: {  	_ =	shalt  }
0x5a: {  	_ =	shalt  }
0x5b: {  	_ =	shalt  }
0x5c: {  	_ =	shalt  }
0x5d: {  	_ =	shalt  }
0x5e: {  	_ =	shalt  }
0x5f: {  	_ =	shalt  }
0x60: {  	_ =	shalt  }
0x61: {  	_ =	shalt  }
0x62: {  	_ =	shalt  }
0x63: {  	_ =	shalt  }
0x64: {  	_ =	shalt  }
0x65: {  	_ =	shalt  }
0x66: {  	_ =	shalt  }
0x67: {  	_ =	shalt  }
0x68: {  	_ =	shalt  }
0x69: {  	_ =	shalt  }
0x6a: {  	_ =	shalt  }
0x6b: {  	_ =	shalt  }
0x6c: {  	_ =	shalt  }
0x6d: {  	_ =	shalt  }
0x6e: {  	_ =	shalt  }
0x6f: {  	_ =	shalt  }
0x70: {  	_ =	shalt  }
0x71: {  	_ =	shalt  }
0x72: {  	_ =	shalt  }
0x73: {  	_ =	shalt  }
0x74: {  	_ =	shalt  }
0x75: {  	_ =	shalt  }
0x76: {  	_ =	shalt  }
0x77: {  	_ =	shalt  }
0x78: {  	_ =	shalt  }
0x79: {  	_ =	shalt  }
0x7a: {  	_ =	shalt  }
0x7b: {  	_ =	shalt  }
0x7c: {  	_ =	shalt  }
0x7d: {  	_ =	shalt  }
0x7e: {  	_ =	shalt  }
0x7f: {  	_ =	shalt  }
0x80: {  	_ =	shalt  }
0x81: {  	_ =	shalt  }
0x82: {  	_ =	shalt  }
0x83: {  	_ =	shalt  }
0x84: {  	_ =	shalt  }
0x85: {  	_ =	shalt  }
0x86: {  	_ =	shalt  }
0x87: {  	_ =	shalt  }
.Lfunc_end0:
.L_simem_size_0:
called_computation.1_lowered:
.L_overlay_start_0:
0x88: {  	s2 =	sld [smem:$0x3FD9]  }
0x89: {  	s3 =	sld [smem:$0x3FFE];
	_ =	sdelay $0x1  }
0x8a: {  	s1 =	srdreg.scid  }
0x8b: {  	s0 =	sand.u32 $0x1, s1  }
0x8c: {  	s16 =	sshll.u32 s0, $0xA;
	s2 =	sadd.s32 s3, s2  }
0x8d: {  	s2 =	sadd.s32 s2, s16  }
0x8e: {  	[smem:$0x3FB6] =	sst s2  }
0x8f: {  	_ = 	snop  }
0x90: {  	(tm) =	ssettm $0x1  }
0x91: {  	s17 =	sld [smem:$0x3FFB];
	_ =	sdelay $0x3  }
0x92: {  	_ =	strace s17  }
0x93: {  	s2 =	sld [smem:$0x3FFC];
	_ =	sdelay $0x3  }
0x94: {  	_ =	strace s2  }
0x95: {  	s2 =	sld [smem:$0x3FFD];
	_ =	sdelay $0x3  }
0x96: {  	_ =	strace s2  }
0x97: {  	_ =	strace $0x8FFFFFFF  }
0x98: {  	s18 =	sld [smem:$0x3FDB];
	_ =	sdelay $0x1  }
0x99: {  	s19 =	simm.s32 $_scs_section_size  }
0x9a: {  	s4 =	simm.s32 $_size__tile_overlayer_lowered;
	s5 =	simm.s32 $_tile_overlayer_lowered  }
0x9b: {  	s22 =	simm.s32 $0x1BFF;
	s21 =	sshll.u32 s5, $0x1;
	s2 =	sadd.s32 s19, s18  }
0x9c: {  	s6 =	simm.s32 $0x0;
	s20 =	sshll.u32 s4, $0x1;
	s4 =	sadd.s32 s21, s2  }
0x9d: {  	[timem:s6], [sflag:s22] =	dma.local [hbm:s4], s20  }
0x9e: {  	_ =	swait.ge [sflag:s22], s20  }
0x9f: {  	s3 =	ssub.s32 $0x0, s20;
	[sflag:s22] =	ssyncset.done $0x0  }
0xa0: {  	[sflag:s22] =	ssyncadd.s32 s3;
	_ =	sdelay $0x1  }
0xa1: {  	s23 =	simm.s32 $0x1B8B  }
0xa2: {  	_ =	swait.ge [sflag:s23], $0x1  }
0xa3: {  	[sflag:s23] =	ssyncset.done $0x0  }
0xa4: {  	s25 =	simm.s32 $0x1B8E;
	s24 =	sld [smem:$0x3FFE];
	[sflag:s23] =	ssyncadd.s32 $0xFFFFFFFF  }
0xa5: {  	s26 =	simm.s32 $execute0_lowered;
	[smem:$0x3FD2] =	sst s25  }
0xa6: {  	s4 =	sshll.u32 s26, $0x1;
	_ =	strace $0x80000049;
	[dreg:$0x1] =	wrdreg $0xFFFFFFFF  }
0xa7: {  	s28 =	simm.s32 $_size_execute0_lowered;
	s2 =	sadd.s32 s2, s4;
	[dreg:$0x0] =	wrdreg $0x0  }
0xa8: {  	s4 =	sshll.u32 s28, $0x1;
	[dreg:$0x2] =	wrdreg s2  }
0xa9: {  	[dreg:$0x3] =	wrdreg s4  }
0xaa: {  	[dreg:$0x4] =	wrdreg $0xC0  }
0xab: {  	_ =	task [dreg:s6], $0x5FFFF  }
0xac: {  	[dreg:$0x1] =	wrdreg $0xFFFFFFFF  }
0xad: {  	[dreg:$0x0] =	wrdreg $0x60  }
0xae: {  	[dreg:$0x2] =	wrdreg s24  }
0xaf: {  	[dreg:$0x3] =	wrdreg $0x81000  }
0xb0: {  	[dreg:$0x4] =	wrdreg $0x9  }
0xb1: {  	_ =	task.clear_ibuf [dreg:s6], $0x5FFFF;
	_ =	strace $0x90000049  }
0xb2: {  	s29 =	simm.s32 $0x9;
	_ =	strace $0x8000004B  }
0xb3: {  	_ =	swait.ge [sflag:s29], $0x1  }
0xb4: {  	[sflag:s29] =	ssyncadd.s32 $0xFFFFFFFF  }
0xb5: {  	_ =	strace $0x9000004B  }
0xb6: {  	_ =	sfence  }
0xb7: {  	s30 =	sld [smem:$0x0];
	_ =	sdelay $0x2  }
0xb8: {  	s31 =	sshll.u32 s1, $0xD;
	s1 =	sshrl.u32 s1, $0x2  }
0xb9: {  	s3 =	sand.u32 $0x4000, s31;
	s1 =	sadd.s32 s1, s30  }
0xba: {  	s0 =	sor.u32 s3, s0;
	s1 =	sshll.u32 s1, $0x11  }
0xbb: {  	s0 =	sor.u32 s1, s0  }
0xbc: {  	s0 =	sadd.s32 $0x8F2B, s0  }
0xbd: {  	[sflag:s0] =	ssyncadd.remote.s32 $0x1  }
0xbe: {  	_ =	sfence.sel $0xFFFF  }
0xbf: {  	[dreg:$0x0] =	wrdreg $0xFFFFFFFF;
	(pc) =	sbr.abs _section_cstart, $3  }
0xc0: {  	[dreg:$0x1] =	wrdreg $0xFFFFFFFF  }
0xc1: {  	_ =	task.clear_ibuf [dreg:s6], $0x2FFFF;
	_ =	strace $0x9FFFFFFF  }
0xc2: {  	(tm) =	ssettm $0x7FFFFFFF  }
0xc3: {  	_ =	shalt  }
tec
execute0_lowered:
.L_overlay_start_1:
0x0: {  	(tag) =	ssettag $0x1  }
0x1: {  	s0 =	rddreg [dreg:$0x0]  }
0x2: {  	s1 =	rddreg [dreg:$0x1];
	s2 =	srdreg.scid  }
0x3: {  	s4 =	simm.s32 $0x0;
	s9 =	stileid.u32;
	s30 =	simm.s32 $0x8  }
0x4: {  	s31 =	simm.s32 $0x5000;
	s2 =	sand.u32 $0x1, s2;
	s7 =	smul.u32 $0x14000, s9  }
0x5: {  	[smem:$0x7FF] =	sst s4;
	s4 =	sadd.s32 $0x45800, s0;
	s8 =	smul.u32 $0x50000, s9  }
0x6: {  	s5 =	sadd.s32 $0x6D800, s0;
	s10 =	sadd.s32 $0xE5800, s0;
	s3 =	smul.u32 $0x140000, s2  }
0x7: {  	_ =	strace $0x8000004A;
	[dreg:$0x3] =	wrdreg s10;
	s10 =	sshll.u32 s9, $0x1  }
0x8: {  	s6 =	sadd.s32 $0x3800, s0;
	s11 =	ssub.s32 $0x2, s2;
	s2 =	sor.u32 s2, s10  }
0x9: {  	s12 =	sshrl.u32 s8, $0x2;
	s13 =	sshrl.u32 s11, $0x1;
	s3 =	sadd.s32 s7, s3  }
0xa: {  	s7 =	sadd.s32 $0x24800, s0;
	s9 =	sadd.s32 s12, s1;
	s10 =	smul.u32 $0x8400, s2  }
0xb: {  	s14 =	ssub.s32 s11, s13;
	s2 =	simm.s32 $0x7C80;
	s15 =	sadd.s32 $0x5000, s9  }
0xc: {  	s11 =	simm.s32 $0x1;
	s16 =	sadd.s32 $0x7800, s9;
	[dreg:$0x5] =	wrdreg s15  }
0xd: {  	s3 =	sshrl.u32 s3, $0x3;
	s17 =	sadd.s32 $0xA000, s9;
	[dreg:$0x6] =	wrdreg s16  }
0xe: {  	s19 =	sadd.s32 $0xC800, s9;
	s0 =	sadd.s32 s3, s0;
	[dreg:$0x7] =	wrdreg s17  }
0xf: {  	s3 =	sadd.s32 $0x2800, s9;
	s18 =	sshrl.u32 s10, $0x3;
	[dreg:$0x8] =	wrdreg s19  }
0x10: {  	v0 =	vimm.s32 $0xEFCDAB89;
	s12 =	simm.s32 $0x2;
	[dreg:$0x4] =	wrdreg s3;
	s20 =	sadd.s32 s6, s18  }
0x11: {  	v1 =	vimm.s32 $0x67452301;
	v2 =	vimm.s32 $0xDCFE98BA;
	v3 =	vimm.s32 $0x54761032;
	s13 =	simm.s32 $0x3;
	s22 =	sadd.s32 s7, s18;
	[dreg:$0x9] =	wrdreg s20  }
0x12: {  	v4 =	vimm.s32 $0xBA98FEDC;
	v5 =	vimm.s32 $0x32107654;
	s21 =	sor.u32 $0x10, s18;
	s0 =	sadd.s32 $0x95800, s0;
	[dreg:$0xa] =	wrdreg s22  }
0x13: {  	v0 =	vunpack.c.l.s4.s8 v0;
	v1 =	vunpack.c.l.s4.s8 v1;
	v2 =	vunpack.c.l.s4.s8 v2;
	s28 =	sadd.s32 $0x11800, s9;
	s23 =	sadd.s32 s6, s21;
	[dreg:$0x11] =	wrdreg s0  }
0x14: {  	v3 =	vunpack.c.l.s4.s8 v3;
	v4 =	vunpack.c.l.s4.s8 v4;
	v5 =	vunpack.c.l.s4.s8 v5;
	s24 =	sor.u32 $0x20, s18;
	s8 =	sadd.s32 s7, s21;
	[dreg:$0xb] =	wrdreg s23  }
0x15: {  	v0 =	vunpack.c.0.s8.s32 v0;
	v1 =	vunpack.c.0.s8.s32 v1;
	v2 =	vunpack.c.0.s8.s32 v2;
	s15 =	simm.s32 $0x6400;
	s25 =	sadd.s32 s6, s24;
	[dreg:$0xc] =	wrdreg s8  }
0x16: {  	v3 =	vunpack.c.0.s8.s32 v3;
	v4 =	vunpack.c.0.s8.s32 v4;
	v5 =	vunpack.c.0.s8.s32 v5;
	s3 =	sor.u32 $0x30, s18;
	s26 =	sadd.s32 s7, s24;
	[dreg:$0xd] =	wrdreg s25  }
0x17: {  	v1 =	vcombine.low v1, v0;
	s16 =	simm.s32 $0x6;
	s29 =	sadd.s32 s6, s3;
	[dreg:$0xe] =	wrdreg s26  }
0x18: {  	v2 =	vcombine.low v3, v2;
	v3 =	vcombine.low v5, v4;
	s17 =	simm.s32 $0x7;
	s3 =	sadd.s32 s7, s3;
	[dreg:$0xf] =	wrdreg s29  }
0x19: {  	v0 =	vimm.f32 $0.0e+00;
	s18 =	simm.s32 $0x0;
	[dreg:$0x10] =	wrdreg s3;
	s25 =	smax.u32 s14, $0x1  }
0x1a: {  	v1 =	vand.u32 $0xF, v1;
	v2 =	vand.u32 $0xF, v2;
	v3 =	vand.u32 $0xF, v3;
	s26 =	sadd.s32 $0xF000, s9;
	s8 =	simm.s32 $0x28;
	s14 =	simm.s32 $0x4  }
.LBB2_1:
0x1b: {  	s0 =	simm.s32 $0x0;
	s3 =	rddreg [dreg:$0x3];
	s19 =	simm.s32 $0x8000  }
0x1c: {  	[tilespmem:s19], [sflag:$0x8] =	stream.linear.gather [hbm4b:s3+s0], $0x100, $0x38;
	[tilespmem:$0x1C100] =	vst v63  }
0x1d: {  	_ =	swait.ge [sflag:s30], $0x100  }
0x1e: {  	[sflag:s30] =	ssyncset.done $0x0  }
0x1f: {  	s0 =	simm.s32 $0x0;
	s3 =	simm.s32 $0x200;
	[sflag:s30] =	ssyncadd.s32 $0xFFFFFF00  }
.LBB2_2:
0x20: {  	p0 =	sne.s32 s3, $0x9E00;
	[tilespmem:s0+$0x5070] =	vst v0  }
0x21: {  	[tilespmem:s0+$0x5000] =	vst v0  }
0x22: {  	[tilespmem:s0+$0x5010] =	vst v0  }
.Ltmp0:
0x23: {  	[tilespmem:s0+$0x5020] =	vst v0;
	(pc) =	sbr.rel @p0 .LBB2_2-.Ltmp0, $4  }
0x24: {  	[tilespmem:s0+$0x5030] =	vst v0  }
0x25: {  	[tilespmem:s0+$0x5040] =	vst v0  }
0x26: {  	[tilespmem:s0+$0x5050] =	vst v0  }
0x27: {  	[tilespmem:s0+$0x5060] =	vst v0;
	s0 =	sshra.s32 s3, $0x2;
	s3 =	sadd.s32 $0x200, s3  }
0x28: {  	[tilespmem:s0+$0x5070] =	vst v0  }
0x29: {  	[tilespmem:s0+$0x5000] =	vst v0  }
0x2a: {  	[tilespmem:s0+$0x5010] =	vst v0  }
0x2b: {  	[tilespmem:s0+$0x5020] =	vst v0  }
0x2c: {  	[tilespmem:s0+$0x5030] =	vst v0  }
0x2d: {  	[tilespmem:s0+$0x5040] =	vst v0  }
0x2e: {  	[tilespmem:s0+$0x5050] =	vst v0  }
0x2f: {  	[tilespmem:s0+$0x5060] =	vst v0  }
0x30: {  	[spmem:s9] =	stream.linear.scatter [tilespmem:s31], [sflag:$0x8], $0x2800, $0x38;
	[tilespmem:$0x1C100] =	vst v63  }
0x31: {  	_ =	swait.ge [sflag:s30], $0x2800  }
0x32: {  	[sflag:s30] =	ssyncset.done $0x0  }
0x33: {  	s29 =	rddreg [dreg:$0x4];
	[sflag:s30] =	ssyncadd.s32 $0xFFFFD800  }
0x34: {  	[spmem:s29] =	stream.linear.scatter [tilespmem:s31], [sflag:$0x8], $0x2800, $0x38;
	[tilespmem:$0x1C100] =	vst v63  }
0x35: {  	_ =	swait.ge [sflag:s30], $0x2800  }
0x36: {  	[sflag:s30] =	ssyncset.done $0x0  }
0x37: {  	s3 =	rddreg [dreg:$0x5];
	[sflag:s30] =	ssyncadd.s32 $0xFFFFD800  }
0x38: {  	[spmem:s3] =	stream.linear.scatter [tilespmem:s31], [sflag:$0x8], $0x2800, $0x38;
	[tilespmem:$0x1C100] =	vst v63  }
0x39: {  	_ =	swait.ge [sflag:s30], $0x2800  }
0x3a: {  	[sflag:s30] =	ssyncset.done $0x0  }
0x3b: {  	s19 =	rddreg [dreg:$0x6];
	[sflag:s30] =	ssyncadd.s32 $0xFFFFD800  }
0x3c: {  	[spmem:s19] =	stream.linear.scatter [tilespmem:s31], [sflag:$0x8], $0x2800, $0x38;
	[tilespmem:$0x1C100] =	vst v63  }
0x3d: {  	_ =	swait.ge [sflag:s30], $0x2800  }
0x3e: {  	[sflag:s30] =	ssyncset.done $0x0  }
0x3f: {  	s20 =	rddreg [dreg:$0x7];
	[sflag:s30] =	ssyncadd.s32 $0xFFFFD800  }
0x40: {  	[spmem:s20] =	stream.linear.scatter [tilespmem:s31], [sflag:$0x8], $0x2800, $0x38;
	[tilespmem:$0x1C100] =	vst v63  }
0x41: {  	_ =	swait.ge [sflag:s30], $0x2800  }
0x42: {  	[sflag:s30] =	ssyncset.done $0x0  }
0x43: {  	s21 =	rddreg [dreg:$0x8];
	[sflag:s30] =	ssyncadd.s32 $0xFFFFD800  }
0x44: {  	[spmem:s21] =	stream.linear.scatter [tilespmem:s31], [sflag:$0x8], $0x2800, $0x38;
	[tilespmem:$0x1C100] =	vst v63  }
0x45: {  	_ =	swait.ge [sflag:s30], $0x2800  }
0x46: {  	[sflag:s30] =	ssyncset.done $0x0  }
0x47: {  	[sflag:s30] =	ssyncadd.s32 $0xFFFFD800  }
0x48: {  	[spmem:s26] =	stream.linear.scatter [tilespmem:s31], [sflag:$0x8], $0x2800, $0x38;
	[tilespmem:$0x1C100] =	vst v63  }
0x49: {  	_ =	swait.ge [sflag:s30], $0x2800  }
0x4a: {  	[sflag:s30] =	ssyncset.done $0x0  }
0x4b: {  	[sflag:s30] =	ssyncadd.s32 $0xFFFFD800  }
0x4c: {  	[spmem:s28] =	stream.linear.scatter [tilespmem:s31], [sflag:$0x8], $0x2800, $0x38;
	[tilespmem:$0x1C100] =	vst v63  }
0x4d: {  	_ =	swait.ge [sflag:s30], $0x2800  }
0x4e: {  	[sflag:s30] =	ssyncset.done $0x0  }
0x4f: {  	[sflag:s30] =	ssyncadd.s32 $0xFFFFD800  }
0x50: {  	[bflag:$0x0] =	sbarrier.arrive $0xFFFF  }
0x51: {  	v4 =	vld [tilespmem:$0x8000]  }
0x52: {  	v5 =	vld [tilespmem:$0x8010]  }
0x53: {  	v6 =	vld [tilespmem:$0x8020]  }
0x54: {  	v7 =	vld [tilespmem:$0x8030]  }
0x55: {  	v8 =	vld [tilespmem:$0x8040]  }
0x56: {  	v9 =	vld [tilespmem:$0x8050]  }
0x57: {  	v10 =	vld [tilespmem:$0x8060]  }
0x58: {  	v11 =	vld [tilespmem:$0x8070]  }
0x59: {  	v12 =	vld [tilespmem:$0x8080]  }
0x5a: {  	v13 =	vld [tilespmem:$0x8090]  }
0x5b: {  	s3 =	simm.s32 $0x7800;
	s19 =	simm.s32 $0x0;
	v14 =	vld [tilespmem:$0x80A0];
	s22 =	rddreg [dreg:$0x9]  }
0x5c: {  	v15 =	vld [tilespmem:$0x80B0];
	[tilespmem:s3], [sflag:$0x8] =	stream.linear.gather [hbm4b:s22+s19], $0x80, $0x38  }
0x5d: {  	_ =	swait.ge [sflag:s30], $0x80  }
0x5e: {  	[sflag:s30] =	ssyncset.done $0x0  }
0x5f: {  	s20 =	simm.s32 $0x7C00;
	s23 =	rddreg [dreg:$0xa];
	[sflag:s30] =	ssyncadd.s32 $0xFFFFFF80  }
0x60: {  	[tilespmem:s20], [sflag:$0x8] =	stream.linear.gather [hbm4b:s23+s19], $0x80, $0x38;
	[tilespmem:$0x1C100] =	vst v63  }
0x61: {  	_ =	swait.ge [sflag:s30], $0x80  }
0x62: {  	[sflag:s30] =	ssyncset.done $0x0  }
0x63: {  	s21 =	simm.s32 $0x7880;
	s24 =	rddreg [dreg:$0xb];
	[sflag:s30] =	ssyncadd.s32 $0xFFFFFF80  }
0x64: {  	[tilespmem:s21], [sflag:$0x8] =	stream.linear.gather [hbm4b:s24+s19], $0x80, $0x38;
	[tilespmem:$0x1C100] =	vst v63  }
0x65: {  	_ =	swait.ge [sflag:s30], $0x80  }
0x66: {  	[sflag:s30] =	ssyncset.done $0x0  }
0x67: {  	s29 =	rddreg [dreg:$0xc];
	[sflag:s30] =	ssyncadd.s32 $0xFFFFFF80  }
0x68: {  	[tilespmem:s2], [sflag:$0x8] =	stream.linear.gather [hbm4b:s29+s19], $0x80, $0x38;
	[tilespmem:$0x1C100] =	vst v63  }
0x69: {  	_ =	swait.ge [sflag:s30], $0x80  }
0x6a: {  	[sflag:s30] =	ssyncset.done $0x0  }
0x6b: {  	[sflag:s30] =	ssyncadd.s32 $0xFFFFFF80  }
0x6c: {  	[tilespmem:s19], [sflag:$0x1] =	stream.indirect.gather [hbm4b:s4+s8], $0x80, s3, s8, $0xb8;
	[tilespmem:$0x1C100] =	vst v63  }
0x6d: {  	s3 =	simm.s32 $0x1400  }
0x6e: {  	[tilespmem:s3], [sflag:$0x2] =	stream.indirect.gather [hbm4b:s5+s8], $0x80, s20, s8, $0xb8;
	[tilespmem:$0x1C100] =	vst v63  }
0x6f: {  	s22 =	simm.s32 $0x2800  }
0x70: {  	[tilespmem:s22], [sflag:$0x3] =	stream.indirect.gather [hbm4b:s4+s8], $0x80, s21, s8, $0xb8;
	[tilespmem:$0x1C100] =	vst v63  }
0x71: {  	s23 =	simm.s32 $0x3C00  }
0x72: {  	[tilespmem:s23], [sflag:$0x4] =	stream.indirect.gather [hbm4b:s5+s8], $0x80, s2, s8, $0xb8;
	[tilespmem:$0x1C100] =	vst v63  }
0x73: {  	s29 =	simm.s32 $0x7900;
	s24 =	rddreg [dreg:$0xd]  }
0x74: {  	[tilespmem:s29], [sflag:$0x5] =	stream.linear.gather [hbm4b:s24+s19], $0x80, $0x38;
	[tilespmem:$0x1C100] =	vst v63  }
0x75: {  	s20 =	rddreg [dreg:$0xe];
	s21 =	simm.s32 $0x7D00  }
0x76: {  	[tilespmem:s21], [sflag:$0x5] =	stream.linear.gather [hbm4b:s20+s19], $0x80, $0x38;
	[tilespmem:$0x1C100] =	vst v63  }
0x77: {  	s22 =	rddreg [dreg:$0xf];
	s23 =	simm.s32 $0x7980  }
0x78: {  	[tilespmem:s23], [sflag:$0x5] =	stream.linear.gather [hbm4b:s22+s19], $0x80, $0x38;
	[tilespmem:$0x1C100] =	vst v63  }
0x79: {  	s24 =	rddreg [dreg:$0x10];
	s29 =	simm.s32 $0x7D80  }
0x7a: {  	[tilespmem:s29], [sflag:$0x5] =	stream.linear.gather [hbm4b:s24+s19], $0x80, $0x38;
	[tilespmem:$0x1C100] =	vst v63  }
.LBB2_4:
0x7b: {  	_ =	swait.ge [sflag:s11], $0x1400  }
0x7c: {  	[sflag:s11] =	ssyncset.done $0x0  }
0x7d: {  	[sflag:s11] =	ssyncadd.s32 $0xFFFFEC00  }
0x7e: {  	_ =	swait.ge [sflag:s12], $0x1400  }
0x7f: {  	p1 =	seq.s32 s19, $0x0;
	[sflag:s12] =	ssyncset.done $0x0  }
0x80: {  	s0 =	simm.s32 @!p1 $0x6;
	[sflag:s12] =	ssyncadd.s32 $0xFFFFEC00  }
0x81: {  	_ =	swait.ge @!p1 [sflag:s0], $0x1400  }
0x82: {  	[sflag:s0] =	ssyncset.done @!p1 $0x0  }
0x83: {  	[sflag:s0] =	ssyncadd.s32 @!p1 $0xFFFFEC00;
	s0 =	simm.s32 $0x0  }
0x84: {  	v16 =	vld [tilespmem:s0+$0x1420]  }
0x85: {  	v23 =	vld [tilespmem:s0+$0x20]  }
0x86: {  	v17 =	vld [tilespmem:s0+$0x1410]  }
0x87: {  	v25 =	vld [tilespmem:s0+$0x10]  }
0x88: {  	v18 =	vld [tilespmem:s0+$0x1450]  }
0x89: {  	v22 =	vld [tilespmem:s0+$0x1440]  }
0x8a: {  	v19 =	vld [tilespmem:s0+$0x50]  }
0x8b: {  	v21 =	vld [tilespmem:s0+$0x40];
	_ =	sdelay $0x2  }
0x8c: {  	v16 =	vadd.f32 v16, v23  }
0x8d: {  	v17 =	vadd.f32 v17, v25  }
0x8e: {  	v24 =	vld [tilespmem:s0+$0x1400];
	v29 =	vadd.f32 v18, v19;
	v18 =	vadd.f32 v22, v21;
	v20 =	vmul.f32 $2.000000030e-01, v16  }
0x8f: {  	s21 =	simm.s32 $0x80;
	v30 =	vld [tilespmem:s0+$0x0];
	v26 =	vmul.f32 $2.000000030e-01, v17  }
0x90: {  	v32 =	vld [tilespmem:s21+$0x1440];
	v31 =	vmul.f32 $2.000000030e-01, v18;
	v16 =	vmax.f32 v16, v20  }
0x91: {  	v17 =	vmax.f32 v17, v26;
	v20 =	vld [tilespmem:s0+$0x30];
	v16 =	vmul.f32 v16, v6  }
0x92: {  	v26 =	vld [tilespmem:s0+$0x1430];
	v18 =	vmax.f32 v18, v31;
	v17 =	vmul.f32 v17, v5  }
0x93: {  	v36 =	vmul.f32 v18, v8;
	v18 =	vld [tilespmem:s21+$0x40];
	v27 =	vperm.xlane v16, v1  }
0x94: {  	v24 =	vadd.f32 v24, v30;
	v28 =	vperm.xlane v17, v1  }
0x95: {  	v33 =	vmul.f32 $2.000000030e-01, v29;
	v16 =	vadd.f32 v16, v27  }
0x96: {  	v27 =	vmul.f32 $2.000000030e-01, v24;
	v28 =	vadd.f32 v17, v28  }
0x97: {  	v29 =	vmax.f32 v29, v33;
	v22 =	vadd.f32 v26, v20;
	v17 =	vperm.xlane v16, v2  }
0x98: {  	v32 =	vadd.f32 v32, v18;
	v24 =	vmax.f32 v24, v27;
	v27 =	vperm.xlane v28, v2  }
0x99: {  	v26 =	vld [tilespmem:s21+$0x1450];
	v34 =	vmul.f32 $2.000000030e-01, v22;
	v24 =	vmul.f32 v24, v4;
	v16 =	vadd.f32 v16, v17  }
0x9a: {  	v29 =	vmul.f32 v29, v9;
	v63 =	vmul.f32 $2.000000030e-01, v32;
	v17 =	vld [tilespmem:s21+$0x50];
	v27 =	vadd.f32 v28, v27  }
0x9b: {  	v35 =	vld [tilespmem:s21+$0x1420];
	v22 =	vmax.f32 v22, v34;
	v28 =	vperm.xlane v24, v1;
	v31 =	vperm.xlane v16, v3  }
0x9c: {  	v58 =	vld [tilespmem:s21+$0x1430];
	v22 =	vmul.f32 v22, v7;
	v32 =	vmax.f32 v32, v63;
	v37 =	vperm.xlane v27, v3  }
0x9d: {  	v39 =	vld [tilespmem:s21+$0x1400];
	v32 =	vmul.f32 v32, v8;
	v28 =	vadd.f32 v24, v28;
	v24 =	vadd.f32 v16, v31  }
0x9e: {  	v61 =	vld [tilespmem:s21+$0x1410];
	v60 =	vperm.xlane v22, v1;
	v31 =	vperm.xlane v36, v1;
	v27 =	vadd.f32 v27, v37  }
0x9f: {  	v16 =	vld [tilespmem:s21+$0x30];
	v55 =	vperm.xlane v32, v1;
	v26 =	vadd.f32 v26, v17;
	v38 =	vmul.f32 $1.442695020e+00, v24  }
0xa0: {  	v59 =	vperm.xlane v28, v2;
	v33 =	vadd.f32 v22, v60;
	v22 =	vld [tilespmem:s21+$0x0];
	v27 =	vmul.f32 $1.442695020e+00, v27  }
0xa1: {  	v24 =	vld [tilespmem:s21+$0x20];
	v36 =	vadd.f32 v36, v31;
	v41 =	vmul.f32 $2.000000030e-01, v26;
	(erf) = vpow2.f32 v38  }
0xa2: {  	v31 =	vld [tilespmem:s21+$0x10];
	v28 =	vadd.f32 v28, v59;
	v42 =	vperm.xlane v33, v2;
	(erf) = vpow2.f32 v27  }
0xa3: {  	v40 =	vperm.xlane v36, v2;
	v27 =	vperm.xlane v29, v1  }
0xa4: {  	v62 =	vperm.xlane v28, v3;
	v34 =	vadd.f32 v58, v16;
	v33 =	vadd.f32 v33, v42  }
0xa5: {  	v41 =	vmax.f32 v26, v41;
	v36 =	vadd.f32 v36, v40;
	v39 =	vadd.f32 v39, v22  }
0xa6: {  	v41 =	vmul.f32 v41, v9;
	v35 =	vadd.f32 v35, v24;
	v44 =	vmul.f32 $2.000000030e-01, v34  }
0xa7: {  	v26 =	vadd.f32 v61, v31;
	v50 =	vperm.xlane v33, v3;
	v46 =	vmul.f32 $2.000000030e-01, v39  }
0xa8: {  	v28 =	vadd.f32 v28, v62;
	v49 =	vperm.xlane v36, v3;
	v61 =	vperm.xlane v41, v1  }
0xa9: {  	v27 =	vadd.f32 v29, v27;
	v43 =	vmul.f32 $2.000000030e-01, v35;
	v45 =	vmul.f32 $2.000000030e-01, v26  }
0xaa: {  	v34 =	vmax.f32 v34, v44;
	v28 =	vmul.f32 $1.442695020e+00, v28;
	v38 =	vmax.f32 v39, v46;
	v37 =	vpop (erf)  }
0xab: {  	v34 =	vmul.f32 v34, v7;
	v35 =	vmax.f32 v35, v43;
	v29 =	vmul.f32 v38, v4;
	v48 =	vpop (erf)  }
0xac: {  	v26 =	vmax.f32 v26, v45;
	v35 =	vmul.f32 v35, v6;
	v25 =	vmul.f32 v48, v25  }
0xad: {  	v33 =	vadd.f32 v33, v50;
	v26 =	vmul.f32 v26, v5;
	v45 =	vperm.xlane v29, v1  }
0xae: {  	s3 =	simm.s32 $0x100;
	v36 =	vadd.f32 v36, v49;
	(erf) = vpow2.f32 v28;
	v47 =	vperm.xlane v35, v1;
	[tilespmem:s0+$0x5010] =	vst v25  }
0xaf: {  	v51 =	vperm.xlane v26, v1;
	v53 =	vmul.f32 v37, v23;
	v29 =	vadd.f32 v29, v45;
	v52 =	vld [tilespmem:s3+$0x1450]  }
0xb0: {  	v28 =	vperm.xlane v27, v2;
	v44 =	vmul.f32 $1.442695020e+00, v33;
	v35 =	vadd.f32 v35, v47;
	v54 =	vld [tilespmem:s3+$0x1440]  }
0xb1: {  	v57 =	vperm.xlane v34, v1;
	v26 =	vadd.f32 v26, v51;
	v46 =	vperm.xlane v29, v2;
	v23 =	vld [tilespmem:s3+$0x50];
	[tilespmem:s0+$0x5020] =	vst v53  }
0xb2: {  	v32 =	vadd.f32 v32, v55;
	v36 =	vmul.f32 $1.442695020e+00, v36;
	v25 =	vperm.xlane v35, v2;
	v59 =	vld [tilespmem:s3+$0x1420]  }
0xb3: {  	v34 =	vadd.f32 v34, v57;
	v56 =	vperm.xlane v26, v2;
	v46 =	vadd.f32 v29, v46;
	v29 =	vld [tilespmem:s3+$0x20]  }
0xb4: {  	(erf) = vpow2.f32 v36;
	v39 =	vmul.f32 v48, v11;
	v62 =	vld [tilespmem:s3+$0x1400];
	v25 =	vadd.f32 v35, v25  }
0xb5: {  	v48 =	vadd.f32 v27, v28;
	v28 =	vperm.xlane v32, v2;
	v35 =	vadd.f32 v26, v56;
	v26 =	vld [tilespmem:s3+$0x40]  }
0xb6: {  	v36 =	vadd.f32 v41, v61;
	v27 =	vld [tilespmem:s3+$0x0];
	v49 =	vperm.xlane v46, v3;
	v58 =	vperm.xlane v25, v3  }
0xb7: {  	v47 =	vld [tilespmem:s3+$0x1430];
	v60 =	vperm.xlane v35, v3;
	v38 =	vadd.f32 v52, v23;
	v52 =	vadd.f32 v32, v28  }
0xb8: {  	v37 =	vmul.f32 v37, v12;
	v50 =	vld [tilespmem:s3+$0x1410];
	v61 =	vadd.f32 v46, v49;
	v42 =	vadd.f32 v25, v58  }
0xb9: {  	v53 =	vperm.xlane v48, v3;
	v28 =	vld [tilespmem:s3+$0x10];
	v35 =	vadd.f32 v35, v60;
	v45 =	vadd.f32 v59, v29  }
0xba: {  	v25 =	vld [tilespmem:s3+$0x30];
	v43 =	vadd.f32 v54, v26;
	v51 =	vmul.f32 $2.000000030e-01, v38;
	v54 =	vperm.xlane v34, v2  }
0xbb: {  	v58 =	vadd.f32 v62, v27;
	v40 =	vmul.f32 $1.442695020e+00, v61;
	v42 =	vmul.f32 $1.442695020e+00, v42  }
0xbc: {  	v35 =	vmul.f32 $1.442695020e+00, v35;
	v56 =	vmul.f32 $2.000000030e-01, v45  }
0xbd: {  	v62 =	vmul.f32 $2.000000030e-01, v58;
	v55 =	vmul.f32 $2.000000030e-01, v43  }
0xbe: {  	v57 =	vpop (erf);
	(erf) = vpow2.f32 v42;
	v50 =	vadd.f32 v50, v28;
	v59 =	vmax.f32 v45, v56  }
0xbf: {  	v45 =	vmul.f32 v57, v30;
	v47 =	vadd.f32 v47, v25;
	(erf) = vpow2.f32 v35  }
0xc0: {  	v42 =	vmul.f32 v57, v10;
	v56 =	vmax.f32 v58, v62;
	v58 =	vperm.xlane v52, v3  }
0xc1: {  	v43 =	vmax.f32 v43, v55;
	v30 =	vmul.f32 v59, v6;
	v63 =	vmul.f32 $2.000000030e-01, v47  }
0xc2: {  	v34 =	vadd.f32 v34, v54;
	v60 =	vmul.f32 $2.000000030e-01, v50;
	v35 =	vmul.f32 v43, v8  }
0xc3: {  	s22 =	smul.u32 $0xAB, s19;
	s20 =	sadd.s32 $0x1, s19;
	v42 =	vadd.f32 $0.0e+00, v42;
	v47 =	vmax.f32 v47, v63;
	v63 =	vadd.f32 v48, v53  }
0xc4: {  	s23 =	sand.u32 $0xFF, s20;
	v55 =	vmax.f32 v50, v60;
	v60 =	vperm.xlane v34, v3;
	v53 =	vperm.xlane v30, v1  }
0xc5: {  	s22 =	sshrl.u32 s22, $0x9;
	s23 =	smul.u32 $0xAB, s23;
	v59 =	vmul.f32 v55, v5;
	v43 =	vmul.f32 $1.442695020e+00, v63  }
0xc6: {  	s22 =	sand.u32 $0x7F, s22;
	v33 =	vpop (erf);
	v39 =	vadd.f32 v39, v42;
	v42 =	vperm.xlane v35, v1;
	v57 =	vadd.f32 v30, v53  }
0xc7: {  	s22 =	smul.u32 $0x3, s22;
	s23 =	sshrl.u32 s23, $0x9;
	v63 =	vperm.xlane v59, v1;
	v30 =	vpop (erf);
	(erf) = vpow2.f32 v43  }
0xc8: {  	s23 =	smul.u32 $0x3, s23;
	v32 =	vmax.f32 v38, v51;
	v61 =	vperm.xlane v57, v2;
	v62 =	vpop (erf);
	(erf) = vpow2.f32 v44  }
0xc9: {  	v41 =	vadd.f32 v52, v58;
	v44 =	vmul.f32 v56, v4;
	v31 =	vmul.f32 v62, v31  }
0xca: {  	s22 =	ssub.s32 s19, s22;
	s24 =	ssub.s32 s20, s23;
	[tilespmem:s0+$0x5000] =	vst v45;
	v38 =	vmul.f32 v47, v7;
	v34 =	vadd.f32 v34, v60;
	v43 =	vadd.f32 v59, v63  }
0xcb: {  	s23 =	sand.u32 $0xFF, s22;
	s22 =	sand.u32 $0xFF, s24;
	s24 =	simm.s32 $0x600;
	v45 =	vadd.f32 v57, v61;
	v46 =	vperm.xlane v44, v1;
	[tilespmem:s21+$0x5010] =	vst v31;
	v31 =	vmul.f32 v62, v11  }
.LBB2_5:
0xcc: {  	s29 =	sshra.s32 s24, $0x2;
	p0 =	sne.s32 s24, $0x4E00;
	s24 =	sadd.s32 $0x200, s24;
	v47 =	vperm.xlane v38, v1;
	(erf) = vpow2.f32 v40;
	v37 =	vadd.f32 v37, v39  }
0xcd: {  	v39 =	vld [tilespmem:s29+$0x1450];
	v40 =	vadd.f32 v44, v46;
	v44 =	vperm.xlane v45, v3;
	v46 =	vmul.f32 v30, v24;
	v24 =	vmovc v29  }
0xce: {  	v29 =	vperm.xlane v43, v2;
	v48 =	vld [tilespmem:s29+$0x1440];
	v38 =	vadd.f32 v38, v47;
	v47 =	vperm.xlane v36, v2  }
0xcf: {  	v49 =	vld [tilespmem:s29+$0x50];
	v44 =	vadd.f32 v45, v44;
	v45 =	vmul.f32 v32, v9;
	[tilespmem:s21+$0x5020] =	vst v46;
	v32 =	vmul.f32 $1.442695020e+00, v41  }
0xd0: {  	v21 =	vmul.f32 v33, v21;
	v46 =	vperm.xlane v40, v2;
	v43 =	vadd.f32 v43, v29;
	v41 =	vld [tilespmem:s29+$0x1420];
	v50 =	vpop (erf)  }
0xd1: {  	v47 =	vadd.f32 v36, v47;
	v51 =	vld [tilespmem:s29+$0x40];
	v44 =	vmul.f32 $1.442695020e+00, v44;
	v54 =	vmul.f32 v50, v19;
	v36 =	vpop (erf)  }
0xd2: {  	v33 =	vmul.f32 v33, v14;
	v40 =	vadd.f32 v40, v46;
	v46 =	vperm.xlane v43, v3;
	v52 =	vld [tilespmem:s29+$0x30];
	[tilespmem:s0+$0x5040] =	vst v21  }
0xd3: {  	v21 =	vadd.f32 v35, v42;
	v35 =	vperm.xlane v45, v1;
	v20 =	vmul.f32 v36, v20;
	v53 =	vld [tilespmem:s29+$0x1430];
	[tilespmem:s0+$0x5050] =	vst v54  }
0xd4: {  	v19 =	vmovc v17;
	v36 =	vmul.f32 v36, v13;
	v42 =	vperm.xlane v40, v3;
	v43 =	vadd.f32 v43, v46;
	v29 =	vld [tilespmem:s29+$0x20]  }
0xd5: {  	v50 =	vmul.f32 v50, v15;
	v39 =	vadd.f32 v39, v49;
	v54 =	vperm.xlane v21, v2;
	v46 =	vld [tilespmem:s29+$0x1400];
	v55 =	vpop (erf);
	[tilespmem:s0+$0x5030] =	vst v20  }
0xd6: {  	v17 =	vmovc v23;
	v59 =	vadd.f32 v36, v37;
	v23 =	vmovc v49;
	v43 =	vmul.f32 $1.442695020e+00, v43;
	v56 =	vld [tilespmem:s29+$0x1410];
	v48 =	vadd.f32 v48, v51  }
0xd7: {  	v36 =	vmul.f32 $2.000000030e-01, v39;
	v49 =	vadd.f32 v21, v54;
	v54 =	vperm.xlane v47, v3;
	v21 =	vmovc v18;
	v18 =	vmovc v26;
	v37 =	vld [tilespmem:s29+$0x0]  }
0xd8: {  	v58 =	vperm.xlane v38, v2;
	v33 =	vadd.f32 v33, v59;
	v26 =	vmovc v51;
	v57 =	vld [tilespmem:s29+$0x10];
	v53 =	vadd.f32 v53, v52  }
0xd9: {  	v20 =	vmovc v16;
	v16 =	vmovc v25;
	v51 =	vmul.f32 $2.000000030e-01, v48;
	v41 =	vadd.f32 v41, v29;
	(erf) = vpow2.f32 v32  }
0xda: {  	v25 =	vmovc v52;
	v33 =	vadd.f32 v50, v33;
	v32 =	vmax.f32 v39, v36;
	v59 =	vmul.f32 $2.000000030e-01, v53  }
0xdb: {  	v39 =	vmax.f32 v48, v51;
	v36 =	vmul.f32 $2.000000030e-01, v41;
	(erf) = vpow2.f32 v44  }
0xdc: {  	v44 =	vadd.f32 v46, v37;
	v46 =	vmax.f32 v53, v59;
	(erf) = vpow2.f32 v43;
	[tilespmem:s0+$0x5060] =	vst v33;
	s0 =	smov.u32 s21;
	s21 =	smov.u32 s3;
	s3 =	smov.u32 s29  }
0xdd: {  	v33 =	vadd.f32 v56, v57;
	v36 =	vmax.f32 v41, v36;
	v41 =	vmul.f32 v55, v22;
	v22 =	vmovc v27  }
0xde: {  	v34 =	vmul.f32 $1.442695020e+00, v34;
	v27 =	vmovc v37;
	v43 =	vmul.f32 v36, v6;
	v36 =	vadd.f32 v45, v35  }
0xdf: {  	v35 =	vmul.f32 v39, v8;
	v39 =	vadd.f32 v40, v42;
	v37 =	vmul.f32 $2.000000030e-01, v33;
	[tilespmem:s0+$0x5000] =	vst v41  }
0xe0: {  	v42 =	vmul.f32 v55, v10;
	v45 =	vadd.f32 v47, v54;
	v41 =	vmul.f32 $2.000000030e-01, v44  }
0xe1: {  	v48 =	vadd.f32 v38, v58;
	v47 =	vperm.xlane v43, v1;
	v40 =	vmul.f32 $1.442695020e+00, v39  }
0xe2: {  	v38 =	vmul.f32 v46, v7;
	v39 =	vmul.f32 $1.442695020e+00, v45;
	v37 =	vmax.f32 v33, v37;
	v33 =	vpop (erf)  }
0xe3: {  	v44 =	vmax.f32 v44, v41;
	v41 =	vperm.xlane v49, v3;
	v45 =	vadd.f32 v43, v47  }
0xe4: {  	v42 =	vadd.f32 $0.0e+00, v42;
	v37 =	vmul.f32 v37, v5;
	v43 =	vperm.xlane v48, v3;
	v46 =	vpop (erf)  }
.Ltmp1:
0xe5: {  	v41 =	vadd.f32 v49, v41;
	v47 =	vperm.xlane v45, v2;
	v49 =	vpop (erf);
	(erf) = vpow2.f32 v39;
	(pc) =	sbr.rel @p0 .LBB2_5-.Ltmp1, $4  }
0xe6: {  	v50 =	vperm.xlane v37, v1;
	v39 =	vadd.f32 v31, v42;
	(erf) = vpow2.f32 v34  }
0xe7: {  	v44 =	vmul.f32 v44, v4;
	v31 =	vmul.f32 v49, v28;
	v34 =	vadd.f32 v48, v43;
	v28 =	vmovc v57  }
0xe8: {  	v42 =	vperm.xlane v35, v1;
	v43 =	vadd.f32 v37, v50;
	v37 =	vmul.f32 v30, v12;
	v30 =	vmovc v46  }
0xe9: {  	v46 =	vperm.xlane v44, v1;
	v45 =	vadd.f32 v45, v47;
	[tilespmem:s21+$0x5010] =	vst v31;
	v31 =	vmul.f32 v49, v11  }
0xea: {  	v47 =	vperm.xlane v43, v2  }
0xeb: {  	v48 =	vperm.xlane v38, v1;
	(erf) = vpow2.f32 v40  }
0xec: {  	v55 =	vperm.xlane v36, v2;
	v32 =	vmul.f32 v32, v9  }
0xed: {  	v41 =	vmul.f32 $1.442695020e+00, v41;
	v35 =	vadd.f32 v35, v42;
	v34 =	vmul.f32 $1.442695020e+00, v34  }
0xee: {  	v24 =	vmul.f32 v30, v24;
	v21 =	vmul.f32 v33, v21;
	v44 =	vadd.f32 v44, v46  }
0xef: {  	v54 =	vperm.xlane v45, v3;
	v43 =	vadd.f32 v43, v47;
	v58 =	vperm.xlane v32, v1  }
0xf0: {  	v36 =	vadd.f32 v36, v55;
	v60 =	vperm.xlane v35, v2;
	v56 =	vperm.xlane v44, v2  }
0xf1: {  	v38 =	vadd.f32 v38, v48;
	(erf) = vpow2.f32 v41;
	v47 =	vperm.xlane v43, v3  }
0xf2: {  	v45 =	vadd.f32 v45, v54;
	v59 =	vperm.xlane v36, v3;
	v57 =	vadd.f32 v44, v56  }
0xf3: {  	v32 =	vadd.f32 v32, v58;
	v61 =	vperm.xlane v38, v2;
	v43 =	vadd.f32 v43, v47  }
0xf4: {  	v45 =	vmul.f32 $1.442695020e+00, v45;
	v36 =	vadd.f32 v36, v59;
	v44 =	vperm.xlane v57, v3  }
0xf5: {  	v35 =	vadd.f32 v35, v60;
	v62 =	vperm.xlane v32, v2;
	v43 =	vmul.f32 $1.442695020e+00, v43  }
0xf6: {  	(erf) = vpow2.f32 v45;
	v36 =	vmul.f32 $1.442695020e+00, v36;
	v40 =	vadd.f32 v57, v44  }
0xf7: {  	v63 =	vperm.xlane v35, v3;
	v32 =	vadd.f32 v32, v62;
	(erf) = vpow2.f32 v43  }
0xf8: {  	v38 =	vadd.f32 v38, v61;
	v40 =	vmul.f32 $1.442695020e+00, v40;
	(erf) = vpow2.f32 v36  }
0xf9: {  	v37 =	vadd.f32 v37, v39;
	v46 =	vpop (erf);
	v44 =	vperm.xlane v32, v3;
	(erf) = vpow2.f32 v34  }
0xfa: {  	v45 =	vperm.xlane v38, v3;
	v35 =	vadd.f32 v35, v63;
	v47 =	vpop (erf);
	(erf) = vpow2.f32 v40  }
0xfb: {  	v54 =	vmul.f32 v33, v14;
	v49 =	vmul.f32 v47, v13;
	v32 =	vadd.f32 v32, v44  }
0xfc: {  	v19 =	vmul.f32 v46, v19;
	v35 =	vmul.f32 $1.442695020e+00, v35;
	v36 =	vadd.f32 v38, v45  }
0xfd: {  	[tilespmem:s21+$0x5020] =	vst v24;
	v24 =	vmul.f32 v46, v15;
	v48 =	vpop (erf);
	v37 =	vadd.f32 v49, v37;
	v32 =	vmul.f32 $1.442695020e+00, v32  }
0xfe: {  	v50 =	vpop (erf);
	v51 =	vmul.f32 $1.442695020e+00, v36;
	(erf) = vpow2.f32 v35  }
0xff: {  	v52 =	vmul.f32 v48, v10;
	v53 =	vpop (erf);
	(erf) = vpow2.f32 v32;
	v32 =	vadd.f32 v54, v37  }
0x100: {  	[tilespmem:s0+$0x5040] =	vst v21;
	v20 =	vmul.f32 v47, v20;
	(erf) = vpow2.f32 v51;
	v55 =	vpop (erf)  }
0x101: {  	[tilespmem:s0+$0x5050] =	vst v19;
	v57 =	vadd.f32 $0.0e+00, v52;
	v19 =	vadd.f32 v24, v32;
	v56 =	vpop (erf)  }
0x102: {  	v30 =	vmul.f32 v30, v12;
	[tilespmem:s0+$0x5030] =	vst v20;
	v20 =	vmul.f32 v48, v22;
	v58 =	vpop (erf)  }
0x103: {  	v21 =	vadd.f32 v31, v57;
	[tilespmem:s0+$0x5060] =	vst v19;
	v19 =	vmul.f32 v55, v28;
	v59 =	vpop (erf);
	v22 =	vmul.f32 v58, v13  }
0x104: {  	v28 =	vmul.f32 v55, v11;
	v24 =	vmul.f32 v59, v10  }
0x105: {  	v21 =	vadd.f32 v30, v21;
	[tilespmem:s21+$0x5000] =	vst v20;
	v20 =	vmul.f32 v53, v29;
	v29 =	vmul.f32 v50, v14  }
0x106: {  	v24 =	vadd.f32 $0.0e+00, v24  }
0x107: {  	v21 =	vadd.f32 v22, v21;
	v22 =	vpop (erf)  }
0x108: {  	v18 =	vmul.f32 v50, v18;
	[tilespmem:s3+$0x5010] =	vst v19;
	v19 =	vadd.f32 v28, v24;
	v24 =	vmul.f32 v53, v12;
	v28 =	vpop (erf)  }
0x109: {  	v17 =	vmul.f32 v56, v17;
	[tilespmem:s3+$0x5020] =	vst v20;
	v20 =	vmul.f32 v56, v15;
	v21 =	vadd.f32 v29, v21;
	v29 =	vpop (erf)  }
0x10a: {  	v16 =	vmul.f32 v58, v16;
	[tilespmem:s21+$0x5040] =	vst v18;
	v18 =	vadd.f32 v24, v19;
	v19 =	vmul.f32 v29, v13  }
0x10b: {  	[tilespmem:s21+$0x5050] =	vst v17;
	v17 =	vadd.f32 v20, v21  }
0x10c: {  	[tilespmem:s21+$0x5030] =	vst v16;
	v16 =	vmul.f32 v59, v27;
	v20 =	vmul.f32 v22, v14;
	v18 =	vadd.f32 v19, v18  }
0x10d: {  	[tilespmem:s21+$0x5060] =	vst v17;
	v17 =	vmul.f32 v22, v26  }
0x10e: {  	[tilespmem:s3+$0x5000] =	vst v16;
	v16 =	vmul.f32 v28, v23;
	v19 =	vmul.f32 v28, v15;
	v18 =	vadd.f32 v20, v18  }
0x10f: {  	[tilespmem:s3+$0x5040] =	vst v17;
	v17 =	vmul.f32 v29, v25  }
0x110: {  	[tilespmem:s3+$0x5050] =	vst v16;
	v16 =	vadd.f32 v19, v18  }
0x111: {  	p0 =	seq.s32 s19, $0x80;
	s21 =	sshll.u32 s23, $0x8;
	[tilespmem:s3+$0x5030] =	vst v17  }
0x112: {  	s29 =	sadd.s32 $0x7C00, s21;
	[tilespmem:s3+$0x5060] =	vst v16;
	s3 =	simm.s32 @!p0 $0x5  }
0x113: {  	[spmem:s1] =	stream.indirect.scatter.add.f32 [tilespmem:s31], [sflag:$0x6], $0x80, s29, s8, $0xb8;
	[tilespmem:$0x1C100] =	vst v63  }
0x114: {  	_ =	swait.ge @!p0 [sflag:s3], $0x80  }
0x115: {  	[sflag:s3] =	ssyncset.done @!p0 $0x0  }
0x116: {  	[sflag:s3] =	ssyncadd.s32 @!p0 $0xFFFFFF80  }
0x117: {  	_ =	swait.ge @!p0 [sflag:s3], $0x80  }
0x118: {  	[sflag:s3] =	ssyncset.done @!p0 $0x0  }
0x119: {  	[sflag:s3] =	ssyncadd.s32 @!p0 $0xFFFFFF80  }
0x11a: {  	_ =	swait.ge @!p0 [sflag:s3], $0x80  }
0x11b: {  	[sflag:s3] =	ssyncset.done @!p0 $0x0  }
0x11c: {  	[sflag:s3] =	ssyncadd.s32 @!p0 $0xFFFFFF80  }
0x11d: {  	s0 =	sshll.u32 @!p0 s22, $0x8;
	_ =	swait.ge @!p0 [sflag:s3], $0x80  }
0x11e: {  	s22 =	sadd.s32 @!p0 $0x7800, s0;
	[sflag:s3] =	ssyncset.done @!p0 $0x0  }
0x11f: {  	s23 =	simm.s32 @!p0 $0x0;
	[sflag:s3] =	ssyncadd.s32 @!p0 $0xFFFFFF80;
	s3 =	simm.s32 @!p0 $0x28  }
0x120: {  	[tilespmem:s23], [sflag:$0x1] =	stream.indirect.gather @!p0 [hbm4b:s4+s3], $0x80, s22, s3, $0xb8;
	[tilespmem:$0x1C100] =	vst v63  }
0x121: {  	s22 =	sadd.s32 @!p0 $0x7C00, s0;
	s23 =	simm.s32 @!p0 $0x1400  }
0x122: {  	[tilespmem:s23], [sflag:$0x2] =	stream.indirect.gather @!p0 [hbm4b:s5+s3], $0x80, s22, s3, $0xb8;
	[tilespmem:$0x1C100] =	vst v63  }
0x123: {  	_ =	swait.ge [sflag:s13], $0x1400  }
0x124: {  	[sflag:s13] =	ssyncset.done $0x0  }
0x125: {  	[sflag:s13] =	ssyncadd.s32 $0xFFFFEC00  }
0x126: {  	_ =	swait.ge [sflag:s14], $0x1400  }
0x127: {  	[sflag:s14] =	ssyncset.done $0x0  }
0x128: {  	s3 =	simm.s32 @!p1 $0x7;
	[sflag:s14] =	ssyncadd.s32 $0xFFFFEC00  }
0x129: {  	_ =	swait.ge @!p1 [sflag:s3], $0x1400  }
0x12a: {  	[sflag:s3] =	ssyncset.done @!p1 $0x0  }
0x12b: {  	s22 =	simm.s32 $0x0;
	[sflag:s3] =	ssyncadd.s32 @!p1 $0xFFFFEC00  }
0x12c: {  	v16 =	vld [tilespmem:s22+$0x3C20]  }
0x12d: {  	v23 =	vld [tilespmem:s22+$0x2820]  }
0x12e: {  	v17 =	vld [tilespmem:s22+$0x3C10]  }
0x12f: {  	v25 =	vld [tilespmem:s22+$0x2810];
	_ =	sdelay $0x1  }
0x130: {  	v18 =	vld [tilespmem:s22+$0x3C50]  }
0x131: {  	v22 =	vld [tilespmem:s22+$0x3C40]  }
0x132: {  	v19 =	vld [tilespmem:s22+$0x2850];
	v16 =	vadd.f32 v16, v23  }
0x133: {  	v21 =	vld [tilespmem:s22+$0x2840];
	v17 =	vadd.f32 v17, v25  }
0x134: {  	v24 =	vld [tilespmem:s22+$0x3C00];
	v20 =	vmul.f32 $2.000000030e-01, v16  }
0x135: {  	v30 =	vld [tilespmem:s22+$0x2800];
	v26 =	vmul.f32 $2.000000030e-01, v17  }
0x136: {  	v16 =	vmax.f32 v16, v20  }
0x137: {  	v17 =	vmax.f32 v17, v26;
	v20 =	vld [tilespmem:s22+$0x2830];
	v16 =	vmul.f32 v16, v6  }
0x138: {  	v29 =	vadd.f32 v18, v19;
	v18 =	vadd.f32 v22, v21;
	v26 =	vld [tilespmem:s22+$0x3C30];
	v17 =	vmul.f32 v17, v5  }
0x139: {  	v27 =	vperm.xlane v16, v1  }
0x13a: {  	v24 =	vadd.f32 v24, v30;
	v31 =	vmul.f32 $2.000000030e-01, v18;
	v28 =	vperm.xlane v17, v1  }
0x13b: {  	s3 =	simm.s32 $0x80;
	v16 =	vadd.f32 v16, v27  }
0x13c: {  	v60 =	vld [tilespmem:s3+$0x3C40];
	v18 =	vmax.f32 v18, v31;
	v27 =	vmul.f32 $2.000000030e-01, v24;
	v28 =	vadd.f32 v17, v28  }
0x13d: {  	v42 =	vmul.f32 v18, v8;
	v18 =	vld [tilespmem:s3+$0x2840];
	v22 =	vadd.f32 v26, v20;
	v17 =	vperm.xlane v16, v2  }
0x13e: {  	v61 =	vmul.f32 $2.000000030e-01, v29;
	v24 =	vmax.f32 v24, v27;
	v27 =	vperm.xlane v28, v2  }
0x13f: {  	v62 =	vmul.f32 $2.000000030e-01, v22;
	v24 =	vmul.f32 v24, v4;
	v16 =	vadd.f32 v16, v17  }
0x140: {  	v63 =	vld [tilespmem:s3+$0x3C20];
	v29 =	vmax.f32 v29, v61;
	v27 =	vadd.f32 v28, v27  }
0x141: {  	v26 =	vld [tilespmem:s3+$0x3C50];
	v22 =	vmax.f32 v22, v62;
	v28 =	vperm.xlane v24, v1;
	v31 =	vperm.xlane v16, v3  }
0x142: {  	v32 =	vadd.f32 v60, v18;
	v17 =	vld [tilespmem:s3+$0x2850];
	v22 =	vmul.f32 v22, v7;
	v43 =	vperm.xlane v27, v3  }
0x143: {  	v44 =	vld [tilespmem:s3+$0x3C30];
	v29 =	vmul.f32 v29, v9;
	v28 =	vadd.f32 v24, v28;
	v24 =	vadd.f32 v16, v31  }
0x144: {  	v48 =	vld [tilespmem:s3+$0x3C00];
	v54 =	vmul.f32 $2.000000030e-01, v32;
	v47 =	vperm.xlane v22, v1;
	v27 =	vadd.f32 v27, v43  }
0x145: {  	v49 =	vld [tilespmem:s3+$0x3C10];
	v31 =	vperm.xlane v42, v1;
	v46 =	vmul.f32 $1.442695020e+00, v24  }
0x146: {  	v32 =	vmax.f32 v32, v54;
	v16 =	vld [tilespmem:s3+$0x2830];
	v45 =	vperm.xlane v28, v2;
	v27 =	vmul.f32 $1.442695020e+00, v27  }
0x147: {  	v33 =	vadd.f32 v22, v47;
	v26 =	vadd.f32 v26, v17;
	v22 =	vld [tilespmem:s3+$0x2800];
	(erf) = vpow2.f32 v46  }
0x148: {  	v32 =	vmul.f32 v32, v8;
	v24 =	vld [tilespmem:s3+$0x2820];
	v36 =	vadd.f32 v42, v31;
	(erf) = vpow2.f32 v27  }
0x149: {  	v31 =	vld [tilespmem:s3+$0x2810];
	v28 =	vadd.f32 v28, v45;
	v52 =	vmul.f32 $2.000000030e-01, v26;
	v53 =	vperm.xlane v33, v2  }
0x14a: {  	v51 =	vperm.xlane v36, v2;
	v27 =	vperm.xlane v29, v1  }
0x14b: {  	v50 =	vperm.xlane v28, v3;
	v34 =	vadd.f32 v44, v16;
	v33 =	vadd.f32 v33, v53  }
0x14c: {  	v41 =	vmax.f32 v26, v52;
	v36 =	vadd.f32 v36, v51;
	v57 =	vadd.f32 v48, v22  }
0x14d: {  	v51 =	vperm.xlane v32, v1;
	v41 =	vmul.f32 v41, v9;
	v35 =	vadd.f32 v63, v24  }
0x14e: {  	v56 =	vmul.f32 $2.000000030e-01, v34;
	v26 =	vadd.f32 v49, v31;
	v59 =	vmul.f32 $2.000000030e-01, v57  }
0x14f: {  	v28 =	vadd.f32 v28, v50;
	v48 =	vperm.xlane v33, v3;
	v55 =	vmul.f32 $2.000000030e-01, v35  }
0x150: {  	v27 =	vadd.f32 v29, v27;
	v58 =	vmul.f32 $2.000000030e-01, v26;
	v37 =	vmax.f32 v57, v59;
	v45 =	vpop (erf)  }
0x151: {  	v47 =	vperm.xlane v36, v3;
	v35 =	vmax.f32 v35, v55;
	v29 =	vmul.f32 v37, v4;
	v61 =	vpop (erf)  }
0x152: {  	v26 =	vmax.f32 v26, v58;
	v35 =	vmul.f32 v35, v6;
	v25 =	vmul.f32 v61, v25  }
0x153: {  	v32 =	vadd.f32 v32, v51;
	v26 =	vmul.f32 v26, v5;
	v52 =	vperm.xlane v29, v1  }
0x154: {  	s23 =	simm.s32 $0x100;
	v34 =	vmax.f32 v34, v56;
	v28 =	vmul.f32 $1.442695020e+00, v28;
	v60 =	vperm.xlane v35, v1;
	[tilespmem:s22+$0x6410] =	vst v25  }
0x155: {  	v49 =	vperm.xlane v26, v1;
	v62 =	vmul.f32 v45, v23;
	v29 =	vadd.f32 v29, v52;
	v50 =	vld [tilespmem:s23+$0x3C50]  }
0x156: {  	v34 =	vmul.f32 v34, v7;
	v36 =	vadd.f32 v36, v47;
	(erf) = vpow2.f32 v28;
	v63 =	vld [tilespmem:s23+$0x3C40]  }
0x157: {  	v35 =	vadd.f32 v35, v60;
	v26 =	vadd.f32 v26, v49;
	v57 =	vperm.xlane v29, v2;
	v23 =	vld [tilespmem:s23+$0x2850];
	[tilespmem:s22+$0x6420] =	vst v62  }
0x158: {  	v33 =	vadd.f32 v33, v48;
	v28 =	vperm.xlane v27, v2;
	v58 =	vmul.f32 $1.442695020e+00, v36;
	v56 =	vld [tilespmem:s23+$0x3C20]  }
0x159: {  	v25 =	vperm.xlane v35, v2;
	v53 =	vperm.xlane v26, v2;
	v46 =	vadd.f32 v29, v57;
	v29 =	vld [tilespmem:s23+$0x2820]  }
0x15a: {  	v54 =	vperm.xlane v34, v1;
	v48 =	vadd.f32 v27, v28;
	v28 =	vperm.xlane v32, v2;
	v62 =	vld [tilespmem:s23+$0x3C00]  }
0x15b: {  	(erf) = vpow2.f32 v58;
	v27 =	vld [tilespmem:s23+$0x2800];
	v25 =	vadd.f32 v35, v25;
	v35 =	vadd.f32 v26, v53  }
0x15c: {  	v47 =	vadd.f32 v34, v54;
	v38 =	vmul.f32 v61, v11;
	v61 =	vperm.xlane v41, v1  }
0x15d: {  	v32 =	vadd.f32 v32, v28;
	v26 =	vld [tilespmem:s23+$0x2840];
	v55 =	vperm.xlane v25, v3;
	v59 =	vperm.xlane v35, v3  }
0x15e: {  	v52 =	vperm.xlane v48, v3;
	v36 =	vadd.f32 v41, v61;
	v60 =	vld [tilespmem:s23+$0x3C30];
	v37 =	vadd.f32 v50, v23  }
0x15f: {  	v28 =	vld [tilespmem:s23+$0x2810];
	v49 =	vperm.xlane v46, v3;
	v40 =	vadd.f32 v25, v55;
	v35 =	vadd.f32 v35, v59  }
0x160: {  	v41 =	vmul.f32 $1.442695020e+00, v33;
	v50 =	vld [tilespmem:s23+$0x3C10];
	v44 =	vadd.f32 v56, v29;
	v58 =	vadd.f32 v62, v27  }
0x161: {  	v53 =	vperm.xlane v47, v2;
	v25 =	vld [tilespmem:s23+$0x2830];
	v62 =	vadd.f32 v46, v49;
	v49 =	vadd.f32 v48, v52  }
0x162: {  	v42 =	vadd.f32 v63, v26;
	v51 =	vmul.f32 $2.000000030e-01, v37;
	v40 =	vmul.f32 $1.442695020e+00, v40  }
0x163: {  	v35 =	vmul.f32 $1.442695020e+00, v35;
	v63 =	vmul.f32 $2.000000030e-01, v44  }
0x164: {  	v57 =	vpop (erf);
	v43 =	vmul.f32 $1.442695020e+00, v49;
	v54 =	vmul.f32 $2.000000030e-01, v42  }
0x165: {  	(erf) = vpow2.f32 v40;
	v50 =	vadd.f32 v50, v28;
	v40 =	vmul.f32 v57, v10  }
0x166: {  	v39 =	vadd.f32 v60, v25;
	v42 =	vmax.f32 v42, v54;
	(erf) = vpow2.f32 v35  }
0x167: {  	v60 =	vmax.f32 v44, v63;
	v63 =	vmul.f32 $2.000000030e-01, v58;
	v61 =	vmul.f32 $2.000000030e-01, v50  }
0x168: {  	v35 =	vmul.f32 v42, v8;
	v55 =	vmul.f32 $2.000000030e-01, v39  }
0x169: {  	(erf) = vpow2.f32 v43;
	v42 =	vmax.f32 v58, v63;
	v58 =	vperm.xlane v32, v3  }
0x16a: {  	v59 =	vmax.f32 v39, v55;
	v55 =	vmul.f32 v57, v30;
	v30 =	vmul.f32 v60, v6  }
0x16b: {  	v33 =	vpop (erf);
	v46 =	vadd.f32 v47, v53;
	(erf) = vpow2.f32 v41;
	v44 =	vmul.f32 v42, v4  }
0x16c: {  	v56 =	vmax.f32 v50, v61;
	v41 =	vperm.xlane v35, v1;
	v52 =	vperm.xlane v30, v1  }
0x16d: {  	v34 =	vmax.f32 v37, v51;
	v42 =	vmul.f32 v45, v12;
	v47 =	vmul.f32 v56, v5  }
0x16e: {  	v39 =	vmul.f32 $1.442695020e+00, v62;
	v37 =	vmul.f32 v59, v7;
	v57 =	vadd.f32 v30, v52;
	v30 =	vpop (erf)  }
0x16f: {  	v60 =	vadd.f32 $0.0e+00, v40;
	v59 =	vperm.xlane v46, v3;
	v63 =	vperm.xlane v47, v1;
	v62 =	vpop (erf)  }
0x170: {  	v40 =	vadd.f32 v32, v58;
	v61 =	vperm.xlane v57, v2;
	v31 =	vmul.f32 v62, v31  }
0x171: {  	v38 =	vadd.f32 v38, v60;
	[tilespmem:s22+$0x6400] =	vst v55;
	v32 =	vadd.f32 v46, v59;
	v46 =	vperm.xlane v44, v1  }
0x172: {  	s24 =	simm.s32 $0x600;
	v43 =	vadd.f32 v47, v63;
	v45 =	vadd.f32 v57, v61;
	[tilespmem:s3+$0x6410] =	vst v31;
	v31 =	vmul.f32 v62, v11  }
.LBB2_7:
0x173: {  	s29 =	sshra.s32 s24, $0x2;
	p1 =	sne.s32 s24, $0x4E00;
	s24 =	sadd.s32 $0x200, s24;
	v47 =	vperm.xlane v37, v1;
	(erf) = vpow2.f32 v39;
	v38 =	vadd.f32 v42, v38  }
0x174: {  	v39 =	vld [tilespmem:s29+$0x3C50];
	v42 =	vadd.f32 v44, v46;
	v44 =	vperm.xlane v45, v3;
	v46 =	vmul.f32 v30, v24;
	v24 =	vmovc v29  }
0x175: {  	v29 =	vperm.xlane v43, v2;
	v48 =	vld [tilespmem:s29+$0x3C40];
	v37 =	vadd.f32 v37, v47;
	v47 =	vperm.xlane v36, v2  }
0x176: {  	v49 =	vld [tilespmem:s29+$0x2850];
	v44 =	vadd.f32 v45, v44;
	v45 =	vmul.f32 v34, v9;
	[tilespmem:s3+$0x6420] =	vst v46;
	v34 =	vmul.f32 $1.442695020e+00, v40  }
0x177: {  	v21 =	vmul.f32 v33, v21;
	v46 =	vperm.xlane v42, v2;
	v43 =	vadd.f32 v43, v29;
	v40 =	vld [tilespmem:s29+$0x3C20];
	v50 =	vpop (erf)  }
0x178: {  	v47 =	vadd.f32 v36, v47;
	v51 =	vld [tilespmem:s29+$0x2840];
	v44 =	vmul.f32 $1.442695020e+00, v44;
	v54 =	vmul.f32 v50, v19;
	v36 =	vpop (erf)  }
0x179: {  	v33 =	vmul.f32 v33, v14;
	v42 =	vadd.f32 v42, v46;
	v46 =	vperm.xlane v43, v3;
	v52 =	vld [tilespmem:s29+$0x2830];
	[tilespmem:s22+$0x6440] =	vst v21  }
0x17a: {  	v21 =	vadd.f32 v35, v41;
	v35 =	vperm.xlane v45, v1;
	v20 =	vmul.f32 v36, v20;
	v53 =	vld [tilespmem:s29+$0x3C30];
	[tilespmem:s22+$0x6450] =	vst v54  }
0x17b: {  	v19 =	vmovc v17;
	v36 =	vmul.f32 v36, v13;
	v41 =	vperm.xlane v42, v3;
	v43 =	vadd.f32 v43, v46;
	v29 =	vld [tilespmem:s29+$0x2820]  }
0x17c: {  	v50 =	vmul.f32 v50, v15;
	v39 =	vadd.f32 v39, v49;
	v54 =	vperm.xlane v21, v2;
	v46 =	vld [tilespmem:s29+$0x3C00];
	v55 =	vpop (erf);
	[tilespmem:s22+$0x6430] =	vst v20  }
0x17d: {  	v17 =	vmovc v23;
	v59 =	vadd.f32 v36, v38;
	v23 =	vmovc v49;
	v43 =	vmul.f32 $1.442695020e+00, v43;
	v56 =	vld [tilespmem:s29+$0x3C10];
	v48 =	vadd.f32 v48, v51  }
0x17e: {  	v36 =	vmul.f32 $2.000000030e-01, v39;
	v49 =	vadd.f32 v21, v54;
	v54 =	vperm.xlane v47, v3;
	v21 =	vmovc v18;
	v18 =	vmovc v26;
	v38 =	vld [tilespmem:s29+$0x2800]  }
0x17f: {  	v58 =	vperm.xlane v37, v2;
	v33 =	vadd.f32 v33, v59;
	v26 =	vmovc v51;
	v57 =	vld [tilespmem:s29+$0x2810];
	v53 =	vadd.f32 v53, v52  }
0x180: {  	v20 =	vmovc v16;
	v16 =	vmovc v25;
	v51 =	vmul.f32 $2.000000030e-01, v48;
	v40 =	vadd.f32 v40, v29;
	(erf) = vpow2.f32 v34  }
0x181: {  	v25 =	vmovc v52;
	v33 =	vadd.f32 v50, v33;
	v34 =	vmax.f32 v39, v36;
	v59 =	vmul.f32 $2.000000030e-01, v53  }
0x182: {  	v39 =	vmax.f32 v48, v51;
	v36 =	vmul.f32 $2.000000030e-01, v40;
	(erf) = vpow2.f32 v44  }
0x183: {  	v44 =	vadd.f32 v46, v38;
	v46 =	vmax.f32 v53, v59;
	(erf) = vpow2.f32 v43;
	[tilespmem:s22+$0x6460] =	vst v33;
	s22 =	smov.u32 s3;
	s3 =	smov.u32 s23;
	s23 =	smov.u32 s29  }
0x184: {  	v33 =	vadd.f32 v56, v57;
	v36 =	vmax.f32 v40, v36;
	v40 =	vmul.f32 v55, v22;
	v22 =	vmovc v27  }
0x185: {  	v32 =	vmul.f32 $1.442695020e+00, v32;
	v27 =	vmovc v38;
	v43 =	vmul.f32 v36, v6;
	v36 =	vadd.f32 v45, v35  }
0x186: {  	v35 =	vmul.f32 v39, v8;
	v39 =	vadd.f32 v42, v41;
	v38 =	vmul.f32 $2.000000030e-01, v33;
	[tilespmem:s22+$0x6400] =	vst v40  }
0x187: {  	v41 =	vmul.f32 v55, v10;
	v42 =	vadd.f32 v47, v54;
	v40 =	vmul.f32 $2.000000030e-01, v44  }
0x188: {  	v47 =	vadd.f32 v37, v58;
	v45 =	vperm.xlane v43, v1;
	v39 =	vmul.f32 $1.442695020e+00, v39  }
0x189: {  	v37 =	vmul.f32 v46, v7;
	v42 =	vmul.f32 $1.442695020e+00, v42;
	v38 =	vmax.f32 v33, v38;
	v33 =	vpop (erf)  }
0x18a: {  	v44 =	vmax.f32 v44, v40;
	v40 =	vperm.xlane v49, v3;
	v45 =	vadd.f32 v43, v45  }
0x18b: {  	v46 =	vperm.xlane v47, v3;
	v43 =	vmul.f32 v38, v5;
	v38 =	vadd.f32 $0.0e+00, v41;
	v48 =	vpop (erf)  }
.Ltmp2:
0x18c: {  	v40 =	vadd.f32 v49, v40;
	v50 =	vperm.xlane v45, v2;
	v49 =	vpop (erf);
	(erf) = vpow2.f32 v42;
	(pc) =	sbr.rel @p1 .LBB2_7-.Ltmp2, $4  }
0x18d: {  	v41 =	vperm.xlane v43, v1;
	v38 =	vadd.f32 v31, v38;
	(erf) = vpow2.f32 v32  }
0x18e: {  	v44 =	vmul.f32 v44, v4;
	v31 =	vmul.f32 v49, v28;
	v32 =	vadd.f32 v47, v46;
	v28 =	vmovc v57  }
0x18f: {  	v42 =	vmul.f32 v30, v12;
	v30 =	vmovc v48;
	v43 =	vadd.f32 v43, v41;
	v41 =	vperm.xlane v35, v1  }
0x190: {  	v46 =	vperm.xlane v44, v1;
	v45 =	vadd.f32 v45, v50;
	[tilespmem:s3+$0x6410] =	vst v31;
	v31 =	vmul.f32 v49, v11  }
0x191: {  	v47 =	vperm.xlane v43, v2;
	(erf) = vpow2.f32 v39  }
0x192: {  	v55 =	vperm.xlane v36, v2;
	v56 =	vperm.xlane v37, v1  }
0x193: {  	v34 =	vmul.f32 v34, v9;
	v40 =	vmul.f32 $1.442695020e+00, v40  }
0x194: {  	v35 =	vadd.f32 v35, v41;
	v32 =	vmul.f32 $1.442695020e+00, v32;
	v44 =	vadd.f32 v44, v46  }
0x195: {  	v54 =	vperm.xlane v45, v3;
	v43 =	vadd.f32 v43, v47;
	v59 =	vperm.xlane v34, v1  }
0x196: {  	v36 =	vadd.f32 v36, v55;
	v62 =	vperm.xlane v35, v2;
	v57 =	vperm.xlane v44, v2  }
0x197: {  	v37 =	vadd.f32 v37, v56;
	(erf) = vpow2.f32 v40;
	v58 =	vperm.xlane v43, v3  }
0x198: {  	v45 =	vadd.f32 v45, v54;
	v61 =	vperm.xlane v36, v3;
	v44 =	vadd.f32 v44, v57  }
0x199: {  	v34 =	vadd.f32 v34, v59;
	v63 =	vperm.xlane v37, v2;
	v39 =	vadd.f32 v43, v58  }
0x19a: {  	v45 =	vmul.f32 $1.442695020e+00, v45;
	v36 =	vadd.f32 v36, v61;
	v60 =	vperm.xlane v44, v3  }
0x19b: {  	v35 =	vadd.f32 v35, v62;
	v46 =	vperm.xlane v34, v2;
	v39 =	vmul.f32 $1.442695020e+00, v39  }
0x19c: {  	(erf) = vpow2.f32 v45;
	v36 =	vmul.f32 $1.442695020e+00, v36;
	v45 =	vadd.f32 v44, v60  }
0x19d: {  	v48 =	vperm.xlane v35, v3;
	v34 =	vadd.f32 v34, v46;
	(erf) = vpow2.f32 v39  }
0x19e: {  	v37 =	vadd.f32 v37, v63;
	v47 =	vmul.f32 $1.442695020e+00, v45;
	(erf) = vpow2.f32 v36  }
0x19f: {  	v49 =	vperm.xlane v34, v3;
	(erf) = vpow2.f32 v32  }
0x1a0: {  	v50 =	vperm.xlane v37, v3;
	v35 =	vadd.f32 v35, v48;
	(erf) = vpow2.f32 v47  }
0x1a1: {  	v51 =	vpop (erf);
	v32 =	vadd.f32 v34, v49  }
0x1a2: {  	v24 =	vmul.f32 v30, v24;
	v52 =	vpop (erf);
	v35 =	vmul.f32 $1.442695020e+00, v35;
	v36 =	vadd.f32 v37, v50  }
0x1a3: {  	v54 =	vmul.f32 v52, v13;
	v53 =	vpop (erf);
	v32 =	vmul.f32 $1.442695020e+00, v32  }
0x1a4: {  	v38 =	vadd.f32 v42, v38;
	v41 =	vpop (erf);
	v55 =	vmul.f32 $1.442695020e+00, v36;
	(erf) = vpow2.f32 v35  }
0x1a5: {  	v56 =	vmul.f32 v53, v10;
	v57 =	vpop (erf);
	(erf) = vpow2.f32 v32  }
0x1a6: {  	v58 =	vmul.f32 v33, v14;
	v38 =	vadd.f32 v54, v38;
	(erf) = vpow2.f32 v55;
	v59 =	vpop (erf)  }
0x1a7: {  	v21 =	vmul.f32 v33, v21;
	v61 =	vadd.f32 $0.0e+00, v56;
	v60 =	vpop (erf)  }
0x1a8: {  	[tilespmem:s3+$0x6420] =	vst v24;
	v19 =	vmul.f32 v51, v19;
	v63 =	vmul.f32 v51, v15;
	v32 =	vadd.f32 v58, v38;
	v62 =	vpop (erf)  }
0x1a9: {  	[tilespmem:s22+$0x6440] =	vst v21;
	v20 =	vmul.f32 v52, v20;
	v45 =	vmul.f32 v30, v12;
	v44 =	vadd.f32 v31, v61;
	v43 =	vpop (erf)  }
0x1aa: {  	[tilespmem:s22+$0x6450] =	vst v19;
	v46 =	vadd.f32 v63, v32;
	v47 =	vmul.f32 v43, v10  }
0x1ab: {  	[tilespmem:s22+$0x6430] =	vst v20;
	v48 =	vmul.f32 v53, v22;
	v21 =	vadd.f32 v45, v44;
	v49 =	vmul.f32 v62, v13  }
0x1ac: {  	[tilespmem:s22+$0x6460] =	vst v46;
	v50 =	vmul.f32 v59, v28;
	v51 =	vmul.f32 v59, v11;
	v24 =	vadd.f32 $0.0e+00, v47  }
0x1ad: {  	v53 =	vmul.f32 v41, v14;
	v52 =	vmul.f32 v57, v29;
	[tilespmem:s3+$0x6400] =	vst v48;
	v54 =	vpop (erf);
	v21 =	vadd.f32 v49, v21  }
0x1ae: {  	v18 =	vmul.f32 v41, v18;
	v56 =	vmul.f32 v57, v12;
	[tilespmem:s23+$0x6410] =	vst v50;
	v57 =	vpop (erf);
	v55 =	vadd.f32 v51, v24  }
0x1af: {  	v17 =	vmul.f32 v60, v17;
	v58 =	vmul.f32 v60, v15;
	[tilespmem:s23+$0x6420] =	vst v52;
	v21 =	vadd.f32 v53, v21;
	v59 =	vpop (erf)  }
0x1b0: {  	v16 =	vmul.f32 v62, v16;
	[tilespmem:s3+$0x6440] =	vst v18;
	v61 =	vmul.f32 v59, v13;
	v60 =	vadd.f32 v56, v55  }
0x1b1: {  	[tilespmem:s3+$0x6450] =	vst v17;
	v17 =	vadd.f32 v58, v21  }
0x1b2: {  	[tilespmem:s3+$0x6430] =	vst v16;
	v16 =	vmul.f32 v43, v27;
	v62 =	vmul.f32 v54, v14;
	v18 =	vadd.f32 v61, v60  }
0x1b3: {  	[tilespmem:s3+$0x6460] =	vst v17;
	v17 =	vmul.f32 v54, v26  }
0x1b4: {  	v63 =	vmul.f32 v57, v15;
	[tilespmem:s23+$0x6400] =	vst v16;
	v16 =	vmul.f32 v57, v23;
	v18 =	vadd.f32 v62, v18  }
0x1b5: {  	[tilespmem:s23+$0x6440] =	vst v17;
	v17 =	vmul.f32 v59, v25  }
0x1b6: {  	[tilespmem:s23+$0x6450] =	vst v16;
	v16 =	vadd.f32 v63, v18  }
0x1b7: {  	[tilespmem:s23+$0x6430] =	vst v17  }
0x1b8: {  	s29 =	sadd.s32 $0x7C80, s21;
	s21 =	simm.s32 @!p0 $0x28;
	p1 =	sgt.u32 @!p0 s19, $0x7E;
	[tilespmem:s23+$0x6460] =	vst v16  }
0x1b9: {  	[spmem:s1] =	stream.indirect.scatter.add.f32 [tilespmem:s15], [sflag:$0x7], $0x80, s29, s8, $0xb8;
	[tilespmem:$0x1C100] =	vst v63  }
0x1ba: {  	p1 =	por p1, p0;
	s22 =	simm.s32 @!p0 $0x2800;
	s3 =	sadd.s32 @!p0 $0x7880, s0  }
0x1bb: {  	[tilespmem:s22], [sflag:$0x3] =	stream.indirect.gather @!p0 [hbm4b:s4+s21], $0x80, s3, s21, $0xb8;
	[tilespmem:$0x1C100] =	vst v63  }
0x1bc: {  	s3 =	sadd.s32 @!p1 $0x2, s19  }
0x1bd: {  	s0 =	sadd.s32 @!p0 $0x7C80, s0;
	s19 =	simm.s32 @!p0 $0x3C00;
	s22 =	smul.u32 @!p1 $0xAB, s3  }
0x1be: {  	[tilespmem:s19], [sflag:$0x4] =	stream.indirect.gather @!p0 [hbm4b:s5+s21], $0x80, s0, s21, $0xb8;
	[tilespmem:$0x1C100] =	vst v63  }
0x1bf: {  	s0 =	sshrl.u32 @!p1 s22, $0x9  }
0x1c0: {  	s0 =	sand.u32 @!p1 $0x7F, s0  }
0x1c1: {  	s19 =	sshll.u32 @!p1 s3, $0x8;
	s0 =	smul.u32 @!p1 $0x3, s0  }
0x1c2: {  	s21 =	sand.u32 @!p1 $0xFC00, s19  }
0x1c3: {  	s19 =	sand.u32 @!p1 $0x300, s19;
	s0 =	ssub.s32 @!p1 s3, s0;
	s3 =	sadd.s32 @!p1 s10, s21  }
0x1c4: {  	s0 =	sand.u32 @!p1 $0xFF, s0;
	s3 =	sor.u32 @!p1 s19, s3  }
0x1c5: {  	s0 =	sshll.u32 @!p1 s0, $0x8;
	s3 =	sshrl.u32 @!p1 s3, $0x3  }
0x1c6: {  	s22 =	simm.s32 @!p1 $0x0;
	s19 =	sor.u32 @!p1 $0x7800, s0;
	s21 =	sadd.s32 @!p1 s6, s3  }
0x1c7: {  	[tilespmem:s19], [sflag:$0x5] =	stream.linear.gather @!p1 [hbm4b:s21+s22], $0x80, $0x38;
	[tilespmem:$0x1C100] =	vst v63  }
0x1c8: {  	s19 =	sor.u32 @!p1 $0x7C00, s0;
	s21 =	sadd.s32 @!p1 s7, s3;
	s3 =	sor.u32 @!p1 $0x10, s3  }
0x1c9: {  	[tilespmem:s19], [sflag:$0x5] =	stream.linear.gather @!p1 [hbm4b:s21+s22], $0x80, $0x38;
	[tilespmem:$0x1C100] =	vst v63  }
0x1ca: {  	s19 =	sor.u32 @!p1 $0x7880, s0;
	s21 =	sadd.s32 @!p1 s6, s3  }
0x1cb: {  	[tilespmem:s19], [sflag:$0x5] =	stream.linear.gather @!p1 [hbm4b:s21+s22], $0x80, $0x38;
	[tilespmem:$0x1C100] =	vst v63  }
0x1cc: {  	s0 =	sor.u32 @!p1 $0x7C80, s0;
	s3 =	sadd.s32 @!p1 s7, s3  }
0x1cd: {  	[tilespmem:s0], [sflag:$0x5] =	stream.linear.gather @!p1 [hbm4b:s3+s22], $0x80, $0x38;
	[tilespmem:$0x1C100] =	vst v63  }
0x1ce: {  	p1 =	sne.s32 @!p0 s20, $0x81  }
0x1cf: {  	p0 =	por p0, !p1  }
.Ltmp3:
0x1d0: {  	_ = 	snop;
	(pc) =	sbr.rel @!p0 .LBB2_4-.Ltmp3, $2  }
0x1d1: {  	_ =	sdelay $0x2  }
0x1d2: {  	s19 =	smov.u32 s20  }
0x1d3: {  	_ =	swait.ge [sflag:s16], $0x1400  }
0x1d4: {  	[sflag:s16] =	ssyncset.done $0x0  }
0x1d5: {  	[sflag:s16] =	ssyncadd.s32 $0xFFFFEC00  }
0x1d6: {  	_ =	swait.ge [sflag:s17], $0x1400  }
0x1d7: {  	s0 =	stileid.u32;
	[sflag:s17] =	ssyncset.done $0x0  }
0x1d8: {  	s3 =	sshrl.u32 s9, $0x3;
	s18 =	sadd.s32 $0x1, s18;
	[sflag:s17] =	ssyncadd.s32 $0xFFFFEC00  }
0x1d9: {  	s0 =	sshll.u32 s0, $0x6;
	p0 =	sne.s32 s18, s25;
	[bflag:$0x0] =	sbarrier.arrive $0xFFFF  }
.Ltmp4:
0x1da: {  	s0 =	sor.u32 $0x1C08, s0;
	s19 =	rddreg [dreg:$0x11];
	(pc) =	sbr.rel @p0 .LBB2_1-.Ltmp4, $4  }
0x1db: {  	[hbm:s19], [sflag:s0] =	dma.local [spmem:s3], $0x2800  }
0x1dc: {  	_ =	swait.ge [sflag:s30], $0x2800  }
0x1dd: {  	[sflag:s30] =	ssyncset.done $0x0  }
0x1de: {  	[sflag:s30] =	ssyncadd.s32 $0xFFFFD800  }
0x1df: {  	_ =	sfence.sel $0x180000  }
0x1e0: {  	[bflag:$0x0] =	sbarrier.arrive $0xFFFF  }
0x1e1: {  	_ =	strace $0x9000004A  }
0x1e2: {  	s0 =	stileid.u32;
	[bflag:$0x2] =	sbarrier.arrive $0xFFFF  }
0x1e3: {  	p0 =	sne.s32 s0, $0x0;
	s0 =	rddreg [dreg:$0x2]  }
0x1e4: {  	s0 =	sadd.s32 @!p0 $0x100000, s0  }
0x1e5: {  	[sflag:s0] =	ssyncadd.tile.s32 @!p0 $0x1;
	_ =	shalt  }
.Lfunc_end2:
_tile_overlayer_lowered:
.L_overlay_start_2:
0x1e6: {  	(tag) =	ssettag $0x2  }
0x1e7: {  	s0 =	rddreg [dreg:$0x0];
	s2 =	stileid.u32  }
0x1e8: {  	s1 =	rddreg [dreg:$0x1];
	p0 =	sne.s32 s2, $0x0  }
0x1e9: {  	s3 =	rddreg [dreg:$0x2];
	[bflag:$0x3] =	sbarrier.arrive $0xFFFF;
	s2 =	simm.s32 @!p0 $0x1C08  }
0x1ea: {  	[timem:s3], [sflag:s2] =	dma.local @!p0 [hbm:s0], s1  }
0x1eb: {  	s0 =	simm.s32 @!p0 $0x8  }
0x1ec: {  	_ =	swait.ge @!p0 [sflag:s0], s1  }
0x1ed: {  	s1 =	ssub.s32 @!p0 $0x0, s1;
	[sflag:s0] =	ssyncset.done @!p0 $0x0  }
0x1ee: {  	[sflag:s0] =	ssyncadd.s32 @!p0 s1  }
0x1ef: {  	[bflag:$0x3] =	sbarrier.arrive $0xFFFF  }
0x1f0: {  	_ =	shalt  }

// kernel: kernel.7.cloned.1.call-start
scs
__scs_entry_jumppad:
0x0: {  	(pc) =	sbr.rel $0x88, $3  }
0x1: {  	(tag) =	ssettag $0x0;
	lr =	simm.s32 $0x1  }
0x2: {  	[smem:$0x3F8F] =	sst lr;
	_ =	strace $0xD0000000  }
0x3: {  	_ = 	snop  }
0x4: {  	_ = 	snop  }
0x5: {  	_ = 	snop  }
0x6: {  	_ = 	snop  }
0x7: {  	_ = 	snop  }
__scs_overlays_trampoline_lowered:
0x8: {  	[smem:$0x3F9E] =	sst s0  }
0x9: {  	[smem:$0x3F9F] =	sst s1  }
0xa: {  	[smem:$0x3FA0] =	sst s2  }
0xb: {  	[smem:$0x3FA1] =	sst s3  }
0xc: {  	[smem:$0x3FA2] =	sst s4  }
0xd: {  	[smem:$0x3FA3] =	sst s5  }
0xe: {  	[smem:$0x3FA4] =	sst s6  }
0xf: {  	[smem:$0x3FA5] =	sst s7  }
0x10: {  	[smem:$0x3FA6] =	sst s8  }
0x11: {  	[smem:$0x3FA7] =	sst s9;
	s0 =	simm.s32 @!p0 $0x0  }
0x12: {  	s1 =	sld [smem:$0x3F8D];
	s0 =	simm.s32 @p0 $0x1  }
0x13: {  	[smem:$0x3FA8] =	sst s0;
	s0 =	simm.s32 @!p1 $0x0  }
0x14: {  	s2 =	sld [smem:$0x3F8C];
	s0 =	simm.s32 @p1 $0x1  }
0x15: {  	[smem:$0x3FA9] =	sst s0;
	s0 =	simm.s32 @!p2 $0x0  }
0x16: {  	s3 =	sld [smem:$0x3FDB];
	s0 =	simm.s32 @p2 $0x1  }
0x17: {  	s4 =	simm.s32 $0x1BF5;
	[smem:$0x3FAB] =	sst s0  }
0x18: {  	s0 =	sld [smem:$0x3F8E];
	_ =	swait.ge [sflag:s4], $0x0  }
0x19: {  	s7 =	sld [smem:$0x3F8F]  }
0x1a: {  	s8 =	sadd.s32 $0xFFFFE003, lr  }
0x1b: {  	s9 =	sadd.s32 $0xFFFFFEF7, lr;
	s5 =	simm.s32 $0xFFFFFFFF;
	p2 =	slt.u32 s8, $0xFFFFF086  }
0x1c: {  	p1 =	slt.u32 s9, $0xF7A;
	s5 =	simm.s32 @!p2 $0x0  }
0x1d: {  	s5 =	simm.s32 @p1 $0x1;
	p0 =	seq.s32 s7, s2  }
0x1e: {  	s7 =	smul.u32 @!p0 $0xF7A, s2;
	p2 =	seq.s32 @!p0 s5, $0x0  }
0x1f: {  	s9 =	smul.u32 $0xF7A, s1;
	s8 =	simm.s32 @!p0 $0x1BF5;
	p2 =	por !p2, p0  }
0x20: {  	[sflag:s8] =	ssyncset.s32 @!p0 $0xFFFFF086;
	s6 =	sadd.s32 @!p0 s3, s7;
	s7 =	simm.s32 @!p0 $0x108  }
0x21: {  	s3 =	sadd.s32 s3, s9;
	s6 =	sadd.s32 @!p0 $0x88, s6;
	s7 =	simm.s32 @p2 $0x1082  }
0x22: {  	[simem:s7], [sflag:s8] =	dma.local @!p0 [hbm:s6], $0xF7A  }
0x23: {  	s9 =	sor.u32 $0xD0000000, s2;
	s6 =	simm.s32 $0x108;
	_ =	swait.ge @!p0 [sflag:s8], $0x0  }
0x24: {  	s3 =	sadd.s32 $0x88, s3;
	s6 =	simm.s32 @!p1 $0x1082;
	[sflag:s4] =	ssyncset.s32 $0xFFFFF086  }
0x25: {  	[simem:s6], [sflag:s4] =	dma.local [hbm:s3], $0xF7A  }
0x26: {  	[smem:$0x3F8F] =	sst s1;
	(tag) =	ssettag s2;
	_ =	strace s9  }
0x27: {  	s1 =	sld [smem:$0x3F9F]  }
0x28: {  	s2 =	sld [smem:$0x3FA0]  }
0x29: {  	s4 =	sld [smem:$0x3FA2]  }
0x2a: {  	p0 =	seq.s32 s5, $0x0;
	s5 =	sld [smem:$0x3FA3]  }
0x2b: {  	s6 =	sld [smem:$0x3FA4]  }
0x2c: {  	s7 =	sld [smem:$0x3FA5]  }
0x2d: {  	s3 =	simm.s32 $0x108;
	s8 =	sld [smem:$0x3FA6]  }
0x2e: {  	s3 =	simm.s32 @!p0 $0x1082;
	s9 =	sld [smem:$0x3FA7]  }
0x2f: {  	lr =	sadd.s32 s0, s3;
	s0 =	sld [smem:$0x3F9E]  }
0x30: {  	s3 =	sld [smem:$0x3FA1]  }
0x31: {  	[smem:$0x3FAA] =	sst s10  }
0x32: {  	s10 =	sld [smem:$0x3FA8];
	_ =	sdelay $0x3  }
0x33: {  	p0 =	seq.s32 s10, $0x1;
	s10 =	sld [smem:$0x3FAA];
	_ =	sdelay $0x3  }
0x34: {  	[smem:$0x3FAA] =	sst s10  }
0x35: {  	s10 =	sld [smem:$0x3FA9];
	_ =	sdelay $0x3  }
0x36: {  	p1 =	seq.s32 s10, $0x1;
	s10 =	sld [smem:$0x3FAA];
	_ =	sdelay $0x3  }
0x37: {  	[smem:$0x3FAA] =	sst s10  }
0x38: {  	s10 =	sld [smem:$0x3FAB]  }
0x39: {  	_ = 	snop;
	(pc) =	sbr.ind lr, $3  }
0x3a: {  	_ = 	snop  }
0x3b: {  	_ = 	snop  }
0x3c: {  	p2 =	seq.s32 s10, $0x1;
	s10 =	sld [smem:$0x3FAA]  }
0x3d: {  	_ =	shalt  }
0x3e: {  	_ =	shalt  }
0x3f: {  	_ =	shalt  }
0x40: {  	_ =	shalt  }
0x41: {  	_ =	shalt  }
0x42: {  	_ =	shalt  }
0x43: {  	_ =	shalt  }
0x44: {  	_ =	shalt  }
0x45: {  	_ =	shalt  }
0x46: {  	_ =	shalt  }
0x47: {  	_ =	shalt  }
0x48: {  	_ =	shalt  }
0x49: {  	_ =	shalt  }
0x4a: {  	_ =	shalt  }
0x4b: {  	_ =	shalt  }
0x4c: {  	_ =	shalt  }
0x4d: {  	_ =	shalt  }
0x4e: {  	_ =	shalt  }
0x4f: {  	_ =	shalt  }
0x50: {  	_ =	shalt  }
0x51: {  	_ =	shalt  }
0x52: {  	_ =	shalt  }
0x53: {  	_ =	shalt  }
0x54: {  	_ =	shalt  }
0x55: {  	_ =	shalt  }
0x56: {  	_ =	shalt  }
0x57: {  	_ =	shalt  }
0x58: {  	_ =	shalt  }
0x59: {  	_ =	shalt  }
0x5a: {  	_ =	shalt  }
0x5b: {  	_ =	shalt  }
0x5c: {  	_ =	shalt  }
0x5d: {  	_ =	shalt  }
0x5e: {  	_ =	shalt  }
0x5f: {  	_ =	shalt  }
0x60: {  	_ =	shalt  }
0x61: {  	_ =	shalt  }
0x62: {  	_ =	shalt  }
0x63: {  	_ =	shalt  }
0x64: {  	_ =	shalt  }
0x65: {  	_ =	shalt  }
0x66: {  	_ =	shalt  }
0x67: {  	_ =	shalt  }
0x68: {  	_ =	shalt  }
0x69: {  	_ =	shalt  }
0x6a: {  	_ =	shalt  }
0x6b: {  	_ =	shalt  }
0x6c: {  	_ =	shalt  }
0x6d: {  	_ =	shalt  }
0x6e: {  	_ =	shalt  }
0x6f: {  	_ =	shalt  }
0x70: {  	_ =	shalt  }
0x71: {  	_ =	shalt  }
0x72: {  	_ =	shalt  }
0x73: {  	_ =	shalt  }
0x74: {  	_ =	shalt  }
0x75: {  	_ =	shalt  }
0x76: {  	_ =	shalt  }
0x77: {  	_ =	shalt  }
0x78: {  	_ =	shalt  }
0x79: {  	_ =	shalt  }
0x7a: {  	_ =	shalt  }
0x7b: {  	_ =	shalt  }
0x7c: {  	_ =	shalt  }
0x7d: {  	_ =	shalt  }
0x7e: {  	_ =	shalt  }
0x7f: {  	_ =	shalt  }
0x80: {  	_ =	shalt  }
0x81: {  	_ =	shalt  }
0x82: {  	_ =	shalt  }
0x83: {  	_ =	shalt  }
0x84: {  	_ =	shalt  }
0x85: {  	_ =	shalt  }
0x86: {  	_ =	shalt  }
0x87: {  	_ =	shalt  }
.Lfunc_end0:
.L_simem_size_0:
called_computation_lowered:
.L_overlay_start_0:
0x88: {  	s2 =	sld [smem:$0x3FD9]  }
0x89: {  	s3 =	sld [smem:$0x3FFE];
	_ =	sdelay $0x1  }
0x8a: {  	s1 =	srdreg.scid  }
0x8b: {  	s0 =	sand.u32 $0x1, s1  }
0x8c: {  	s17 =	sshll.u32 s0, $0xA;
	s2 =	sadd.s32 s3, s2  }
0x8d: {  	s2 =	sadd.s32 s2, s17  }
0x8e: {  	[smem:$0x3FB6] =	sst s2  }
0x8f: {  	_ = 	snop  }
0x90: {  	s2 =	sld [smem:$0x3FD0];
	(tm) =	ssettm $0x1  }
0x91: {  	s18 =	sld [smem:$0x3FFB];
	_ =	sdelay $0x3  }
0x92: {  	_ =	strace s18  }
0x93: {  	s3 =	sld [smem:$0x3FFC];
	_ =	sdelay $0x3  }
0x94: {  	_ =	strace s3  }
0x95: {  	s3 =	sld [smem:$0x3FFD];
	_ =	sdelay $0x3  }
0x96: {  	_ =	strace s3  }
0x97: {  	_ =	strace $0x8FFFFFFF  }
0x98: {  	s19 =	sld [smem:$0x3FDB];
	_ =	sdelay $0x1  }
0x99: {  	s4 =	simm.s32 $_scs_section_size  }
0x9a: {  	s5 =	simm.s32 $_size__tile_overlayer_lowered;
	s6 =	simm.s32 $_tile_overlayer_lowered  }
0x9b: {  	s22 =	simm.s32 $0x1BFF;
	s21 =	sshll.u32 s6, $0x1;
	s3 =	sadd.s32 s4, s19  }
0x9c: {  	s7 =	simm.s32 $0x0;
	s20 =	sshll.u32 s5, $0x1;
	s5 =	sadd.s32 s21, s3  }
0x9d: {  	[timem:s7], [sflag:s22] =	dma.local [hbm:s5], s20  }
0x9e: {  	_ =	swait.ge [sflag:s22], s20  }
0x9f: {  	s4 =	ssub.s32 $0x0, s20;
	[sflag:s22] =	ssyncset.done $0x0  }
0xa0: {  	[sflag:s22] =	ssyncadd.s32 s4;
	_ =	sdelay $0x1  }
0xa1: {  	s23 =	simm.s32 $0x1B8B  }
0xa2: {  	_ =	swait.ge [sflag:s23], $0x1  }
0xa3: {  	[sflag:s23] =	ssyncset.done $0x0  }
0xa4: {  	s25 =	simm.s32 $0x1B8E;
	s24 =	sld [smem:$0x3FFE];
	[sflag:s23] =	ssyncadd.s32 $0xFFFFFFFF  }
0xa5: {  	s26 =	simm.s32 $execute0_lowered;
	[smem:$0x3FD2] =	sst s25  }
0xa6: {  	s5 =	sshll.u32 s26, $0x1;
	_ =	strace $0x80000046;
	[dreg:$0x1] =	wrdreg $0xFFFFFFFF  }
0xa7: {  	s28 =	simm.s32 $_size_execute0_lowered;
	s3 =	sadd.s32 s3, s5;
	[dreg:$0x0] =	wrdreg $0x0  }
0xa8: {  	s5 =	sshll.u32 s28, $0x1;
	[dreg:$0x2] =	wrdreg s3  }
0xa9: {  	[dreg:$0x3] =	wrdreg s5  }
0xaa: {  	[dreg:$0x4] =	wrdreg $0xC0  }
0xab: {  	_ =	task [dreg:s7], $0x5FFFF  }
0xac: {  	[dreg:$0x1] =	wrdreg $0xFFFFFFFF  }
0xad: {  	[dreg:$0x0] =	wrdreg $0x60  }
0xae: {  	[dreg:$0x2] =	wrdreg s24  }
0xaf: {  	[dreg:$0x3] =	wrdreg s2  }
0xb0: {  	[dreg:$0x4] =	wrdreg $0x81000  }
0xb1: {  	[dreg:$0x5] =	wrdreg $0x9  }
0xb2: {  	_ =	task.clear_ibuf [dreg:s7], $0x6FFFF;
	_ =	strace $0x90000046  }
0xb3: {  	s29 =	simm.s32 $0x9;
	_ =	strace $0x80000048  }
0xb4: {  	_ =	swait.ge [sflag:s29], $0x1  }
0xb5: {  	[sflag:s29] =	ssyncadd.s32 $0xFFFFFFFF  }
0xb6: {  	_ =	strace $0x90000048  }
0xb7: {  	_ =	sfence  }
0xb8: {  	s30 =	sld [smem:$0x0];
	_ =	sdelay $0x2  }
0xb9: {  	s31 =	sshll.u32 s1, $0xD;
	s1 =	sshrl.u32 s1, $0x2  }
0xba: {  	s3 =	sand.u32 $0x4000, s31;
	s1 =	sadd.s32 s1, s30  }
0xbb: {  	s0 =	sor.u32 s3, s0;
	s1 =	sshll.u32 s1, $0x11  }
0xbc: {  	s0 =	sor.u32 s1, s0  }
0xbd: {  	s0 =	sadd.s32 $0x8F2B, s0  }
0xbe: {  	[sflag:s0] =	ssyncadd.remote.s32 $0x1  }
0xbf: {  	_ =	sfence.sel $0xFFFF  }
0xc0: {  	[dreg:$0x0] =	wrdreg $0xFFFFFFFF;
	(pc) =	sbr.abs _section_cstart, $3  }
0xc1: {  	[dreg:$0x1] =	wrdreg $0xFFFFFFFF  }
0xc2: {  	_ =	task.clear_ibuf [dreg:s7], $0x2FFFF;
	_ =	strace $0x9FFFFFFF  }
0xc3: {  	(tm) =	ssettm $0x7FFFFFFF  }
tec
execute0_lowered:
.L_overlay_start_1:
0x0: {  	(tag) =	ssettag $0x1  }
0x1: {  	s0 =	rddreg [dreg:$0x0]  }
0x2: {  	s2 =	rddreg [dreg:$0x2];
	s1 =	srdreg.scid;
	s4 =	simm.s32 $0x0  }
0x3: {  	s9 =	stileid.u32;
	s30 =	simm.s32 $0x8;
	s31 =	simm.s32 $0x5000  }
0x4: {  	s29 =	simm.s32 $0x7C80;
	s1 =	sand.u32 $0x1, s1;
	[smem:$0x7FF] =	sst s4  }
0x5: {  	s25 =	smul.u32 $0x14000, s9;
	s5 =	sadd.s32 $0x45800, s0;
	s6 =	sadd.s32 $0x6D800, s0  }
0x6: {  	s7 =	sadd.s32 $0x3800, s0;
	s26 =	smul.u32 $0x50000, s9;
	s8 =	sadd.s32 $0x24800, s0  }
0x7: {  	s9 =	sshll.u32 s9, $0x1;
	s3 =	smul.u32 $0x140000, s1;
	_ =	strace $0x80000047  }
0x8: {  	s11 =	ssub.s32 $0x2, s1;
	s1 =	sor.u32 s1, s9;
	s10 =	sshrl.u32 s26, $0x2  }
0x9: {  	s12 =	sshrl.u32 s11, $0x1;
	s3 =	sadd.s32 s25, s3;
	s9 =	sadd.s32 s10, s2  }
0xa: {  	s10 =	smul.u32 $0x8400, s1;
	s13 =	ssub.s32 s11, s12;
	s14 =	sadd.s32 $0x5000, s9  }
0xb: {  	s11 =	simm.s32 $0x1;
	s15 =	sadd.s32 $0x7800, s9;
	[dreg:$0x5] =	wrdreg s14  }
0xc: {  	s3 =	sshrl.u32 s3, $0x3;
	s16 =	sadd.s32 $0xA000, s9;
	[dreg:$0x6] =	wrdreg s15  }
0xd: {  	s18 =	sadd.s32 $0xC800, s9;
	s0 =	sadd.s32 s3, s0;
	[dreg:$0x7] =	wrdreg s16  }
0xe: {  	s3 =	sadd.s32 $0x2800, s9;
	s17 =	sshrl.u32 s10, $0x3;
	[dreg:$0x8] =	wrdreg s18  }
0xf: {  	v0 =	vimm.s32 $0xEFCDAB89;
	v1 =	vimm.s32 $0x67452301;
	s12 =	simm.s32 $0x2;
	[dreg:$0x4] =	wrdreg s3;
	s19 =	sadd.s32 s7, s17  }
0x10: {  	v2 =	vimm.s32 $0xDCFE98BA;
	v3 =	vimm.s32 $0x54761032;
	s28 =	sadd.s32 $0x11800, s9;
	s21 =	sadd.s32 s8, s17;
	[dreg:$0x9] =	wrdreg s19  }
0x11: {  	v4 =	vimm.s32 $0xBA98FEDC;
	v5 =	vimm.s32 $0x32107654;
	s20 =	sor.u32 $0x10, s17;
	s0 =	sadd.s32 $0x95800, s0;
	[dreg:$0xa] =	wrdreg s21  }
0x12: {  	v0 =	vunpack.c.l.s4.s8 v0;
	v1 =	vunpack.c.l.s4.s8 v1;
	v2 =	vunpack.c.l.s4.s8 v2;
	s14 =	simm.s32 $0x4;
	s22 =	sadd.s32 s7, s20;
	[dreg:$0x11] =	wrdreg s0  }
0x13: {  	v3 =	vunpack.c.l.s4.s8 v3;
	v4 =	vunpack.c.l.s4.s8 v4;
	v5 =	vunpack.c.l.s4.s8 v5;
	s23 =	sor.u32 $0x20, s17;
	s4 =	sadd.s32 s8, s20;
	[dreg:$0xb] =	wrdreg s22  }
0x14: {  	v0 =	vunpack.c.0.s8.s32 v0;
	v1 =	vunpack.c.0.s8.s32 v1;
	v2 =	vunpack.c.0.s8.s32 v2;
	s15 =	simm.s32 $0x6400;
	s24 =	sadd.s32 s7, s23;
	[dreg:$0xc] =	wrdreg s4  }
0x15: {  	v3 =	vunpack.c.0.s8.s32 v3;
	v4 =	vunpack.c.0.s8.s32 v4;
	v5 =	vunpack.c.0.s8.s32 v5;
	s3 =	sor.u32 $0x30, s17;
	s25 =	sadd.s32 s8, s23;
	[dreg:$0xd] =	wrdreg s24  }
0x16: {  	v1 =	vcombine.low v1, v0;
	s16 =	simm.s32 $0x6;
	s26 =	sadd.s32 s7, s3;
	[dreg:$0xe] =	wrdreg s25  }
0x17: {  	v2 =	vcombine.low v3, v2;
	v3 =	vcombine.low v5, v4;
	s18 =	simm.s32 $0x0;
	s3 =	sadd.s32 s8, s3;
	[dreg:$0xf] =	wrdreg s26  }
0x18: {  	v0 =	vimm.f32 $0.0e+00;
	s17 =	simm.s32 $0x7;
	[dreg:$0x10] =	wrdreg s3;
	s25 =	smax.u32 s13, $0x1  }
0x19: {  	v1 =	vand.u32 $0xF, v1;
	v2 =	vand.u32 $0xF, v2;
	v3 =	vand.u32 $0xF, v3;
	s26 =	sadd.s32 $0xF000, s9;
	s3 =	simm.s32 $0x28;
	s13 =	simm.s32 $0x3  }
.LBB2_1:
0x1a: {  	s0 =	rddreg [dreg:$0x1];
	s1 =	simm.s32 $0x0;
	s4 =	simm.s32 $0x8000  }
0x1b: {  	[tilespmem:s4], [sflag:$0x8] =	stream.linear.gather [hbm4b:s0+s1], $0x100, $0x38;
	[tilespmem:$0x1C100] =	vst v63  }
0x1c: {  	_ =	swait.ge [sflag:s30], $0x100  }
0x1d: {  	[sflag:s30] =	ssyncset.done $0x0  }
0x1e: {  	s0 =	simm.s32 $0x0;
	s1 =	simm.s32 $0x200;
	[sflag:s30] =	ssyncadd.s32 $0xFFFFFF00  }
.LBB2_2:
0x1f: {  	p0 =	sne.s32 s1, $0x9E00;
	[tilespmem:s0+$0x5070] =	vst v0  }
0x20: {  	[tilespmem:s0+$0x5000] =	vst v0  }
0x21: {  	[tilespmem:s0+$0x5010] =	vst v0  }
.Ltmp0:
0x22: {  	[tilespmem:s0+$0x5020] =	vst v0;
	(pc) =	sbr.rel @p0 .LBB2_2-.Ltmp0, $4  }
0x23: {  	[tilespmem:s0+$0x5030] =	vst v0  }
0x24: {  	[tilespmem:s0+$0x5040] =	vst v0  }
0x25: {  	[tilespmem:s0+$0x5050] =	vst v0  }
0x26: {  	[tilespmem:s0+$0x5060] =	vst v0;
	s0 =	sshra.s32 s1, $0x2;
	s1 =	sadd.s32 $0x200, s1  }
0x27: {  	[tilespmem:s0+$0x5070] =	vst v0  }
0x28: {  	[tilespmem:s0+$0x5000] =	vst v0  }
0x29: {  	[tilespmem:s0+$0x5010] =	vst v0  }
0x2a: {  	[tilespmem:s0+$0x5020] =	vst v0  }
0x2b: {  	[tilespmem:s0+$0x5030] =	vst v0  }
0x2c: {  	[tilespmem:s0+$0x5040] =	vst v0  }
0x2d: {  	[tilespmem:s0+$0x5050] =	vst v0  }
0x2e: {  	[tilespmem:s0+$0x5060] =	vst v0  }
0x2f: {  	[spmem:s9] =	stream.linear.scatter [tilespmem:s31], [sflag:$0x8], $0x2800, $0x38;
	[tilespmem:$0x1C100] =	vst v63  }
0x30: {  	_ =	swait.ge [sflag:s30], $0x2800  }
0x31: {  	[sflag:s30] =	ssyncset.done $0x0  }
0x32: {  	s24 =	rddreg [dreg:$0x4];
	[sflag:s30] =	ssyncadd.s32 $0xFFFFD800  }
0x33: {  	[spmem:s24] =	stream.linear.scatter [tilespmem:s31], [sflag:$0x8], $0x2800, $0x38;
	[tilespmem:$0x1C100] =	vst v63  }
0x34: {  	_ =	swait.ge [sflag:s30], $0x2800  }
0x35: {  	[sflag:s30] =	ssyncset.done $0x0  }
0x36: {  	s1 =	rddreg [dreg:$0x5];
	[sflag:s30] =	ssyncadd.s32 $0xFFFFD800  }
0x37: {  	[spmem:s1] =	stream.linear.scatter [tilespmem:s31], [sflag:$0x8], $0x2800, $0x38;
	[tilespmem:$0x1C100] =	vst v63  }
0x38: {  	_ =	swait.ge [sflag:s30], $0x2800  }
0x39: {  	[sflag:s30] =	ssyncset.done $0x0  }
0x3a: {  	s4 =	rddreg [dreg:$0x6];
	[sflag:s30] =	ssyncadd.s32 $0xFFFFD800  }
0x3b: {  	[spmem:s4] =	stream.linear.scatter [tilespmem:s31], [sflag:$0x8], $0x2800, $0x38;
	[tilespmem:$0x1C100] =	vst v63  }
0x3c: {  	_ =	swait.ge [sflag:s30], $0x2800  }
0x3d: {  	[sflag:s30] =	ssyncset.done $0x0  }
0x3e: {  	s19 =	rddreg [dreg:$0x7];
	[sflag:s30] =	ssyncadd.s32 $0xFFFFD800  }
0x3f: {  	[spmem:s19] =	stream.linear.scatter [tilespmem:s31], [sflag:$0x8], $0x2800, $0x38;
	[tilespmem:$0x1C100] =	vst v63  }
0x40: {  	_ =	swait.ge [sflag:s30], $0x2800  }
0x41: {  	[sflag:s30] =	ssyncset.done $0x0  }
0x42: {  	s20 =	rddreg [dreg:$0x8];
	[sflag:s30] =	ssyncadd.s32 $0xFFFFD800  }
0x43: {  	[spmem:s20] =	stream.linear.scatter [tilespmem:s31], [sflag:$0x8], $0x2800, $0x38;
	[tilespmem:$0x1C100] =	vst v63  }
0x44: {  	_ =	swait.ge [sflag:s30], $0x2800  }
0x45: {  	[sflag:s30] =	ssyncset.done $0x0  }
0x46: {  	[sflag:s30] =	ssyncadd.s32 $0xFFFFD800  }
0x47: {  	[spmem:s26] =	stream.linear.scatter [tilespmem:s31], [sflag:$0x8], $0x2800, $0x38;
	[tilespmem:$0x1C100] =	vst v63  }
0x48: {  	_ =	swait.ge [sflag:s30], $0x2800  }
0x49: {  	[sflag:s30] =	ssyncset.done $0x0  }
0x4a: {  	[sflag:s30] =	ssyncadd.s32 $0xFFFFD800  }
0x4b: {  	[spmem:s28] =	stream.linear.scatter [tilespmem:s31], [sflag:$0x8], $0x2800, $0x38;
	[tilespmem:$0x1C100] =	vst v63  }
0x4c: {  	_ =	swait.ge [sflag:s30], $0x2800  }
0x4d: {  	[sflag:s30] =	ssyncset.done $0x0  }
0x4e: {  	[sflag:s30] =	ssyncadd.s32 $0xFFFFD800  }
0x4f: {  	[bflag:$0x0] =	sbarrier.arrive $0xFFFF  }
0x50: {  	v4 =	vld [tilespmem:$0x8000]  }
0x51: {  	v5 =	vld [tilespmem:$0x8010]  }
0x52: {  	v6 =	vld [tilespmem:$0x8020]  }
0x53: {  	v7 =	vld [tilespmem:$0x8030]  }
0x54: {  	v8 =	vld [tilespmem:$0x8040]  }
0x55: {  	v9 =	vld [tilespmem:$0x8050]  }
0x56: {  	v10 =	vld [tilespmem:$0x8060]  }
0x57: {  	v11 =	vld [tilespmem:$0x8070]  }
0x58: {  	v12 =	vld [tilespmem:$0x8080]  }
0x59: {  	v13 =	vld [tilespmem:$0x8090]  }
0x5a: {  	s1 =	simm.s32 $0x7800;
	s19 =	simm.s32 $0x0;
	v14 =	vld [tilespmem:$0x80A0];
	s21 =	rddreg [dreg:$0x9]  }
0x5b: {  	v15 =	vld [tilespmem:$0x80B0];
	[tilespmem:s1], [sflag:$0x8] =	stream.linear.gather [hbm4b:s21+s19], $0x80, $0x38  }
0x5c: {  	_ =	swait.ge [sflag:s30], $0x80  }
0x5d: {  	[sflag:s30] =	ssyncset.done $0x0  }
0x5e: {  	s4 =	simm.s32 $0x7C00;
	s22 =	rddreg [dreg:$0xa];
	[sflag:s30] =	ssyncadd.s32 $0xFFFFFF80  }
0x5f: {  	[tilespmem:s4], [sflag:$0x8] =	stream.linear.gather [hbm4b:s22+s19], $0x80, $0x38;
	[tilespmem:$0x1C100] =	vst v63  }
0x60: {  	_ =	swait.ge [sflag:s30], $0x80  }
0x61: {  	[sflag:s30] =	ssyncset.done $0x0  }
0x62: {  	s20 =	simm.s32 $0x7880;
	s23 =	rddreg [dreg:$0xb];
	[sflag:s30] =	ssyncadd.s32 $0xFFFFFF80  }
0x63: {  	[tilespmem:s20], [sflag:$0x8] =	stream.linear.gather [hbm4b:s23+s19], $0x80, $0x38;
	[tilespmem:$0x1C100] =	vst v63  }
0x64: {  	_ =	swait.ge [sflag:s30], $0x80  }
0x65: {  	[sflag:s30] =	ssyncset.done $0x0  }
0x66: {  	s24 =	rddreg [dreg:$0xc];
	[sflag:s30] =	ssyncadd.s32 $0xFFFFFF80  }
0x67: {  	[tilespmem:s29], [sflag:$0x8] =	stream.linear.gather [hbm4b:s24+s19], $0x80, $0x38;
	[tilespmem:$0x1C100] =	vst v63  }
0x68: {  	_ =	swait.ge [sflag:s30], $0x80  }
0x69: {  	[sflag:s30] =	ssyncset.done $0x0  }
0x6a: {  	[sflag:s30] =	ssyncadd.s32 $0xFFFFFF80  }
0x6b: {  	[tilespmem:s19], [sflag:$0x1] =	stream.indirect.gather [hbm4b:s5+s3], $0x80, s1, s3, $0xb8;
	[tilespmem:$0x1C100] =	vst v63  }
0x6c: {  	s1 =	simm.s32 $0x1400  }
0x6d: {  	[tilespmem:s1], [sflag:$0x2] =	stream.indirect.gather [hbm4b:s6+s3], $0x80, s4, s3, $0xb8;
	[tilespmem:$0x1C100] =	vst v63  }
0x6e: {  	s21 =	simm.s32 $0x2800  }
0x6f: {  	[tilespmem:s21], [sflag:$0x3] =	stream.indirect.gather [hbm4b:s5+s3], $0x80, s20, s3, $0xb8;
	[tilespmem:$0x1C100] =	vst v63  }
0x70: {  	s22 =	simm.s32 $0x3C00  }
0x71: {  	[tilespmem:s22], [sflag:$0x4] =	stream.indirect.gather [hbm4b:s6+s3], $0x80, s29, s3, $0xb8;
	[tilespmem:$0x1C100] =	vst v63  }
0x72: {  	s24 =	simm.s32 $0x7900;
	s23 =	rddreg [dreg:$0xd]  }
0x73: {  	[tilespmem:s24], [sflag:$0x5] =	stream.linear.gather [hbm4b:s23+s19], $0x80, $0x38;
	[tilespmem:$0x1C100] =	vst v63  }
0x74: {  	s4 =	rddreg [dreg:$0xe];
	s20 =	simm.s32 $0x7D00  }
0x75: {  	[tilespmem:s20], [sflag:$0x5] =	stream.linear.gather [hbm4b:s4+s19], $0x80, $0x38;
	[tilespmem:$0x1C100] =	vst v63  }
0x76: {  	s21 =	rddreg [dreg:$0xf];
	s22 =	simm.s32 $0x7980  }
0x77: {  	[tilespmem:s22], [sflag:$0x5] =	stream.linear.gather [hbm4b:s21+s19], $0x80, $0x38;
	[tilespmem:$0x1C100] =	vst v63  }
0x78: {  	s23 =	rddreg [dreg:$0x10];
	s24 =	simm.s32 $0x7D80  }
0x79: {  	[tilespmem:s24], [sflag:$0x5] =	stream.linear.gather [hbm4b:s23+s19], $0x80, $0x38;
	[tilespmem:$0x1C100] =	vst v63  }
.LBB2_4:
0x7a: {  	_ =	swait.ge [sflag:s11], $0x1400  }
0x7b: {  	[sflag:s11] =	ssyncset.done $0x0  }
0x7c: {  	[sflag:s11] =	ssyncadd.s32 $0xFFFFEC00  }
0x7d: {  	_ =	swait.ge [sflag:s12], $0x1400  }
0x7e: {  	p1 =	seq.s32 s19, $0x0;
	[sflag:s12] =	ssyncset.done $0x0  }
0x7f: {  	s0 =	simm.s32 @!p1 $0x6;
	[sflag:s12] =	ssyncadd.s32 $0xFFFFEC00  }
0x80: {  	_ =	swait.ge @!p1 [sflag:s0], $0x1400  }
0x81: {  	[sflag:s0] =	ssyncset.done @!p1 $0x0  }
0x82: {  	[sflag:s0] =	ssyncadd.s32 @!p1 $0xFFFFEC00;
	s0 =	simm.s32 $0x0  }
0x83: {  	v16 =	vld [tilespmem:s0+$0x1420]  }
0x84: {  	v23 =	vld [tilespmem:s0+$0x20]  }
0x85: {  	v17 =	vld [tilespmem:s0+$0x1410]  }
0x86: {  	v25 =	vld [tilespmem:s0+$0x10]  }
0x87: {  	v18 =	vld [tilespmem:s0+$0x1450]  }
0x88: {  	v22 =	vld [tilespmem:s0+$0x1440]  }
0x89: {  	v19 =	vld [tilespmem:s0+$0x50]  }
0x8a: {  	v21 =	vld [tilespmem:s0+$0x40];
	_ =	sdelay $0x2  }
0x8b: {  	v16 =	vadd.f32 v16, v23  }
0x8c: {  	v17 =	vadd.f32 v17, v25  }
0x8d: {  	v24 =	vld [tilespmem:s0+$0x1400];
	v29 =	vadd.f32 v18, v19;
	v18 =	vadd.f32 v22, v21;
	v20 =	vmul.f32 $2.000000030e-01, v16  }
0x8e: {  	s21 =	simm.s32 $0x80;
	v30 =	vld [tilespmem:s0+$0x0];
	v26 =	vmul.f32 $2.000000030e-01, v17  }
0x8f: {  	v32 =	vld [tilespmem:s21+$0x1440];
	v31 =	vmul.f32 $2.000000030e-01, v18;
	v16 =	vmax.f32 v16, v20  }
0x90: {  	v17 =	vmax.f32 v17, v26;
	v20 =	vld [tilespmem:s0+$0x30];
	v16 =	vmul.f32 v16, v6  }
0x91: {  	v26 =	vld [tilespmem:s0+$0x1430];
	v18 =	vmax.f32 v18, v31;
	v17 =	vmul.f32 v17, v5  }
0x92: {  	v36 =	vmul.f32 v18, v8;
	v18 =	vld [tilespmem:s21+$0x40];
	v27 =	vperm.xlane v16, v1  }
0x93: {  	v24 =	vadd.f32 v24, v30;
	v28 =	vperm.xlane v17, v1  }
0x94: {  	v33 =	vmul.f32 $2.000000030e-01, v29;
	v16 =	vadd.f32 v16, v27  }
0x95: {  	v27 =	vmul.f32 $2.000000030e-01, v24;
	v28 =	vadd.f32 v17, v28  }
0x96: {  	v29 =	vmax.f32 v29, v33;
	v22 =	vadd.f32 v26, v20;
	v17 =	vperm.xlane v16, v2  }
0x97: {  	v32 =	vadd.f32 v32, v18;
	v24 =	vmax.f32 v24, v27;
	v27 =	vperm.xlane v28, v2  }
0x98: {  	v26 =	vld [tilespmem:s21+$0x1450];
	v34 =	vmul.f32 $2.000000030e-01, v22;
	v24 =	vmul.f32 v24, v4;
	v16 =	vadd.f32 v16, v17  }
0x99: {  	v29 =	vmul.f32 v29, v9;
	v63 =	vmul.f32 $2.000000030e-01, v32;
	v17 =	vld [tilespmem:s21+$0x50];
	v27 =	vadd.f32 v28, v27  }
0x9a: {  	v35 =	vld [tilespmem:s21+$0x1420];
	v22 =	vmax.f32 v22, v34;
	v28 =	vperm.xlane v24, v1;
	v31 =	vperm.xlane v16, v3  }
0x9b: {  	v58 =	vld [tilespmem:s21+$0x1430];
	v22 =	vmul.f32 v22, v7;
	v32 =	vmax.f32 v32, v63;
	v37 =	vperm.xlane v27, v3  }
0x9c: {  	v39 =	vld [tilespmem:s21+$0x1400];
	v32 =	vmul.f32 v32, v8;
	v28 =	vadd.f32 v24, v28;
	v24 =	vadd.f32 v16, v31  }
0x9d: {  	v61 =	vld [tilespmem:s21+$0x1410];
	v60 =	vperm.xlane v22, v1;
	v31 =	vperm.xlane v36, v1;
	v27 =	vadd.f32 v27, v37  }
0x9e: {  	v16 =	vld [tilespmem:s21+$0x30];
	v55 =	vperm.xlane v32, v1;
	v26 =	vadd.f32 v26, v17;
	v38 =	vmul.f32 $1.442695020e+00, v24  }
0x9f: {  	v59 =	vperm.xlane v28, v2;
	v33 =	vadd.f32 v22, v60;
	v22 =	vld [tilespmem:s21+$0x0];
	v27 =	vmul.f32 $1.442695020e+00, v27  }
0xa0: {  	v24 =	vld [tilespmem:s21+$0x20];
	v36 =	vadd.f32 v36, v31;
	v41 =	vmul.f32 $2.000000030e-01, v26;
	(erf) = vpow2.f32 v38  }
0xa1: {  	v31 =	vld [tilespmem:s21+$0x10];
	v28 =	vadd.f32 v28, v59;
	v42 =	vperm.xlane v33, v2;
	(erf) = vpow2.f32 v27  }
0xa2: {  	v40 =	vperm.xlane v36, v2;
	v27 =	vperm.xlane v29, v1  }
0xa3: {  	v62 =	vperm.xlane v28, v3;
	v34 =	vadd.f32 v58, v16;
	v33 =	vadd.f32 v33, v42  }
0xa4: {  	v41 =	vmax.f32 v26, v41;
	v36 =	vadd.f32 v36, v40;
	v39 =	vadd.f32 v39, v22  }
0xa5: {  	v41 =	vmul.f32 v41, v9;
	v35 =	vadd.f32 v35, v24;
	v44 =	vmul.f32 $2.000000030e-01, v34  }
0xa6: {  	v26 =	vadd.f32 v61, v31;
	v50 =	vperm.xlane v33, v3;
	v46 =	vmul.f32 $2.000000030e-01, v39  }
0xa7: {  	v28 =	vadd.f32 v28, v62;
	v49 =	vperm.xlane v36, v3;
	v61 =	vperm.xlane v41, v1  }
0xa8: {  	v27 =	vadd.f32 v29, v27;
	v43 =	vmul.f32 $2.000000030e-01, v35;
	v45 =	vmul.f32 $2.000000030e-01, v26  }
0xa9: {  	v34 =	vmax.f32 v34, v44;
	v28 =	vmul.f32 $1.442695020e+00, v28;
	v38 =	vmax.f32 v39, v46;
	v37 =	vpop (erf)  }
0xaa: {  	v34 =	vmul.f32 v34, v7;
	v35 =	vmax.f32 v35, v43;
	v29 =	vmul.f32 v38, v4;
	v48 =	vpop (erf)  }
0xab: {  	v26 =	vmax.f32 v26, v45;
	v35 =	vmul.f32 v35, v6;
	v25 =	vmul.f32 v48, v25  }
0xac: {  	v33 =	vadd.f32 v33, v50;
	v26 =	vmul.f32 v26, v5;
	v45 =	vperm.xlane v29, v1  }
0xad: {  	s1 =	simm.s32 $0x100;
	v36 =	vadd.f32 v36, v49;
	(erf) = vpow2.f32 v28;
	v47 =	vperm.xlane v35, v1;
	[tilespmem:s0+$0x5010] =	vst v25  }
0xae: {  	v51 =	vperm.xlane v26, v1;
	v53 =	vmul.f32 v37, v23;
	v29 =	vadd.f32 v29, v45;
	v52 =	vld [tilespmem:s1+$0x1450]  }
0xaf: {  	v28 =	vperm.xlane v27, v2;
	v44 =	vmul.f32 $1.442695020e+00, v33;
	v35 =	vadd.f32 v35, v47;
	v54 =	vld [tilespmem:s1+$0x1440]  }
0xb0: {  	v57 =	vperm.xlane v34, v1;
	v26 =	vadd.f32 v26, v51;
	v46 =	vperm.xlane v29, v2;
	v23 =	vld [tilespmem:s1+$0x50];
	[tilespmem:s0+$0x5020] =	vst v53  }
0xb1: {  	v32 =	vadd.f32 v32, v55;
	v36 =	vmul.f32 $1.442695020e+00, v36;
	v25 =	vperm.xlane v35, v2;
	v59 =	vld [tilespmem:s1+$0x1420]  }
0xb2: {  	v34 =	vadd.f32 v34, v57;
	v56 =	vperm.xlane v26, v2;
	v46 =	vadd.f32 v29, v46;
	v29 =	vld [tilespmem:s1+$0x20]  }
0xb3: {  	(erf) = vpow2.f32 v36;
	v39 =	vmul.f32 v48, v11;
	v62 =	vld [tilespmem:s1+$0x1400];
	v25 =	vadd.f32 v35, v25  }
0xb4: {  	v48 =	vadd.f32 v27, v28;
	v28 =	vperm.xlane v32, v2;
	v35 =	vadd.f32 v26, v56;
	v26 =	vld [tilespmem:s1+$0x40]  }
0xb5: {  	v36 =	vadd.f32 v41, v61;
	v27 =	vld [tilespmem:s1+$0x0];
	v49 =	vperm.xlane v46, v3;
	v58 =	vperm.xlane v25, v3  }
0xb6: {  	v47 =	vld [tilespmem:s1+$0x1430];
	v60 =	vperm.xlane v35, v3;
	v38 =	vadd.f32 v52, v23;
	v52 =	vadd.f32 v32, v28  }
0xb7: {  	v37 =	vmul.f32 v37, v12;
	v50 =	vld [tilespmem:s1+$0x1410];
	v61 =	vadd.f32 v46, v49;
	v42 =	vadd.f32 v25, v58  }
0xb8: {  	v53 =	vperm.xlane v48, v3;
	v28 =	vld [tilespmem:s1+$0x10];
	v35 =	vadd.f32 v35, v60;
	v45 =	vadd.f32 v59, v29  }
0xb9: {  	v25 =	vld [tilespmem:s1+$0x30];
	v43 =	vadd.f32 v54, v26;
	v51 =	vmul.f32 $2.000000030e-01, v38;
	v54 =	vperm.xlane v34, v2  }
0xba: {  	v58 =	vadd.f32 v62, v27;
	v40 =	vmul.f32 $1.442695020e+00, v61;
	v42 =	vmul.f32 $1.442695020e+00, v42  }
0xbb: {  	v35 =	vmul.f32 $1.442695020e+00, v35;
	v56 =	vmul.f32 $2.000000030e-01, v45  }
0xbc: {  	v62 =	vmul.f32 $2.000000030e-01, v58;
	v55 =	vmul.f32 $2.000000030e-01, v43  }
0xbd: {  	v57 =	vpop (erf);
	(erf) = vpow2.f32 v42;
	v50 =	vadd.f32 v50, v28;
	v59 =	vmax.f32 v45, v56  }
0xbe: {  	v45 =	vmul.f32 v57, v30;
	v47 =	vadd.f32 v47, v25;
	(erf) = vpow2.f32 v35  }
0xbf: {  	v42 =	vmul.f32 v57, v10;
	v56 =	vmax.f32 v58, v62;
	v58 =	vperm.xlane v52, v3  }
0xc0: {  	v43 =	vmax.f32 v43, v55;
	v30 =	vmul.f32 v59, v6;
	v63 =	vmul.f32 $2.000000030e-01, v47  }
0xc1: {  	v34 =	vadd.f32 v34, v54;
	v60 =	vmul.f32 $2.000000030e-01, v50;
	v35 =	vmul.f32 v43, v8  }
0xc2: {  	s4 =	smul.u32 $0xAB, s19;
	s20 =	sadd.s32 $0x1, s19;
	v42 =	vadd.f32 $0.0e+00, v42;
	v47 =	vmax.f32 v47, v63;
	v63 =	vadd.f32 v48, v53  }
0xc3: {  	s22 =	sand.u32 $0xFF, s20;
	v55 =	vmax.f32 v50, v60;
	v60 =	vperm.xlane v34, v3;
	v53 =	vperm.xlane v30, v1  }
0xc4: {  	s4 =	sshrl.u32 s4, $0x9;
	s22 =	smul.u32 $0xAB, s22;
	v59 =	vmul.f32 v55, v5;
	v43 =	vmul.f32 $1.442695020e+00, v63  }
0xc5: {  	s4 =	sand.u32 $0x7F, s4;
	v33 =	vpop (erf);
	v39 =	vadd.f32 v39, v42;
	v42 =	vperm.xlane v35, v1;
	v57 =	vadd.f32 v30, v53  }
0xc6: {  	s4 =	smul.u32 $0x3, s4;
	s22 =	sshrl.u32 s22, $0x9;
	v63 =	vperm.xlane v59, v1;
	v30 =	vpop (erf);
	(erf) = vpow2.f32 v43  }
0xc7: {  	s22 =	smul.u32 $0x3, s22;
	v32 =	vmax.f32 v38, v51;
	v61 =	vperm.xlane v57, v2;
	v62 =	vpop (erf);
	(erf) = vpow2.f32 v44  }
0xc8: {  	v41 =	vadd.f32 v52, v58;
	v44 =	vmul.f32 v56, v4;
	v31 =	vmul.f32 v62, v31  }
0xc9: {  	s4 =	ssub.s32 s19, s4;
	s22 =	ssub.s32 s20, s22;
	[tilespmem:s0+$0x5000] =	vst v45;
	v38 =	vmul.f32 v47, v7;
	v34 =	vadd.f32 v34, v60;
	v43 =	vadd.f32 v59, v63  }
0xca: {  	s24 =	simm.s32 $0x600;
	s23 =	sand.u32 $0xFF, s4;
	s22 =	sand.u32 $0xFF, s22;
	v45 =	vadd.f32 v57, v61;
	v46 =	vperm.xlane v44, v1;
	[tilespmem:s21+$0x5010] =	vst v31;
	v31 =	vmul.f32 v62, v11  }
.LBB2_5:
0xcb: {  	s4 =	sshra.s32 s24, $0x2;
	p0 =	sne.s32 s24, $0x4E00;
	s24 =	sadd.s32 $0x200, s24;
	v47 =	vperm.xlane v38, v1;
	(erf) = vpow2.f32 v40;
	v37 =	vadd.f32 v37, v39  }
0xcc: {  	v39 =	vld [tilespmem:s4+$0x1450];
	v40 =	vadd.f32 v44, v46;
	v44 =	vperm.xlane v45, v3;
	v46 =	vmul.f32 v30, v24;
	v24 =	vmovc v29  }
0xcd: {  	v29 =	vperm.xlane v43, v2;
	v48 =	vld [tilespmem:s4+$0x1440];
	v38 =	vadd.f32 v38, v47;
	v47 =	vperm.xlane v36, v2  }
0xce: {  	v49 =	vld [tilespmem:s4+$0x50];
	v44 =	vadd.f32 v45, v44;
	v45 =	vmul.f32 v32, v9;
	[tilespmem:s21+$0x5020] =	vst v46;
	v32 =	vmul.f32 $1.442695020e+00, v41  }
0xcf: {  	v21 =	vmul.f32 v33, v21;
	v46 =	vperm.xlane v40, v2;
	v43 =	vadd.f32 v43, v29;
	v41 =	vld [tilespmem:s4+$0x1420];
	v50 =	vpop (erf)  }
0xd0: {  	v47 =	vadd.f32 v36, v47;
	v51 =	vld [tilespmem:s4+$0x40];
	v44 =	vmul.f32 $1.442695020e+00, v44;
	v54 =	vmul.f32 v50, v19;
	v36 =	vpop (erf)  }
0xd1: {  	v33 =	vmul.f32 v33, v14;
	v40 =	vadd.f32 v40, v46;
	v46 =	vperm.xlane v43, v3;
	v52 =	vld [tilespmem:s4+$0x30];
	[tilespmem:s0+$0x5040] =	vst v21  }
0xd2: {  	v21 =	vadd.f32 v35, v42;
	v35 =	vperm.xlane v45, v1;
	v20 =	vmul.f32 v36, v20;
	v53 =	vld [tilespmem:s4+$0x1430];
	[tilespmem:s0+$0x5050] =	vst v54  }
0xd3: {  	v19 =	vmovc v17;
	v36 =	vmul.f32 v36, v13;
	v42 =	vperm.xlane v40, v3;
	v43 =	vadd.f32 v43, v46;
	v29 =	vld [tilespmem:s4+$0x20]  }
0xd4: {  	v50 =	vmul.f32 v50, v15;
	v39 =	vadd.f32 v39, v49;
	v54 =	vperm.xlane v21, v2;
	v46 =	vld [tilespmem:s4+$0x1400];
	v55 =	vpop (erf);
	[tilespmem:s0+$0x5030] =	vst v20  }
0xd5: {  	v17 =	vmovc v23;
	v59 =	vadd.f32 v36, v37;
	v23 =	vmovc v49;
	v43 =	vmul.f32 $1.442695020e+00, v43;
	v56 =	vld [tilespmem:s4+$0x1410];
	v48 =	vadd.f32 v48, v51  }
0xd6: {  	v36 =	vmul.f32 $2.000000030e-01, v39;
	v49 =	vadd.f32 v21, v54;
	v54 =	vperm.xlane v47, v3;
	v21 =	vmovc v18;
	v18 =	vmovc v26;
	v37 =	vld [tilespmem:s4+$0x0]  }
0xd7: {  	v58 =	vperm.xlane v38, v2;
	v33 =	vadd.f32 v33, v59;
	v26 =	vmovc v51;
	v57 =	vld [tilespmem:s4+$0x10];
	v53 =	vadd.f32 v53, v52  }
0xd8: {  	v20 =	vmovc v16;
	v16 =	vmovc v25;
	v51 =	vmul.f32 $2.000000030e-01, v48;
	v41 =	vadd.f32 v41, v29;
	(erf) = vpow2.f32 v32  }
0xd9: {  	v25 =	vmovc v52;
	v33 =	vadd.f32 v50, v33;
	v32 =	vmax.f32 v39, v36;
	v59 =	vmul.f32 $2.000000030e-01, v53  }
0xda: {  	v39 =	vmax.f32 v48, v51;
	v36 =	vmul.f32 $2.000000030e-01, v41;
	(erf) = vpow2.f32 v44  }
0xdb: {  	v44 =	vadd.f32 v46, v37;
	v46 =	vmax.f32 v53, v59;
	(erf) = vpow2.f32 v43;
	[tilespmem:s0+$0x5060] =	vst v33;
	s0 =	smov.u32 s21;
	s21 =	smov.u32 s1;
	s1 =	smov.u32 s4  }
0xdc: {  	v33 =	vadd.f32 v56, v57;
	v36 =	vmax.f32 v41, v36;
	v41 =	vmul.f32 v55, v22;
	v22 =	vmovc v27  }
0xdd: {  	v34 =	vmul.f32 $1.442695020e+00, v34;
	v27 =	vmovc v37;
	v43 =	vmul.f32 v36, v6;
	v36 =	vadd.f32 v45, v35  }
0xde: {  	v35 =	vmul.f32 v39, v8;
	v39 =	vadd.f32 v40, v42;
	v37 =	vmul.f32 $2.000000030e-01, v33;
	[tilespmem:s0+$0x5000] =	vst v41  }
0xdf: {  	v42 =	vmul.f32 v55, v10;
	v45 =	vadd.f32 v47, v54;
	v41 =	vmul.f32 $2.000000030e-01, v44  }
0xe0: {  	v48 =	vadd.f32 v38, v58;
	v47 =	vperm.xlane v43, v1;
	v40 =	vmul.f32 $1.442695020e+00, v39  }
0xe1: {  	v38 =	vmul.f32 v46, v7;
	v39 =	vmul.f32 $1.442695020e+00, v45;
	v37 =	vmax.f32 v33, v37;
	v33 =	vpop (erf)  }
0xe2: {  	v44 =	vmax.f32 v44, v41;
	v41 =	vperm.xlane v49, v3;
	v45 =	vadd.f32 v43, v47  }
0xe3: {  	v42 =	vadd.f32 $0.0e+00, v42;
	v37 =	vmul.f32 v37, v5;
	v43 =	vperm.xlane v48, v3;
	v46 =	vpop (erf)  }
.Ltmp1:
0xe4: {  	v41 =	vadd.f32 v49, v41;
	v47 =	vperm.xlane v45, v2;
	v49 =	vpop (erf);
	(erf) = vpow2.f32 v39;
	(pc) =	sbr.rel @p0 .LBB2_5-.Ltmp1, $4  }
0xe5: {  	v50 =	vperm.xlane v37, v1;
	v39 =	vadd.f32 v31, v42;
	(erf) = vpow2.f32 v34  }
0xe6: {  	v44 =	vmul.f32 v44, v4;
	v31 =	vmul.f32 v49, v28;
	v34 =	vadd.f32 v48, v43;
	v28 =	vmovc v57  }
0xe7: {  	v42 =	vperm.xlane v35, v1;
	v43 =	vadd.f32 v37, v50;
	v37 =	vmul.f32 v30, v12;
	v30 =	vmovc v46  }
0xe8: {  	v46 =	vperm.xlane v44, v1;
	v45 =	vadd.f32 v45, v47;
	[tilespmem:s21+$0x5010] =	vst v31;
	v31 =	vmul.f32 v49, v11  }
0xe9: {  	v47 =	vperm.xlane v43, v2  }
0xea: {  	v48 =	vperm.xlane v38, v1;
	(erf) = vpow2.f32 v40  }
0xeb: {  	v55 =	vperm.xlane v36, v2;
	v32 =	vmul.f32 v32, v9  }
0xec: {  	v41 =	vmul.f32 $1.442695020e+00, v41;
	v35 =	vadd.f32 v35, v42;
	v34 =	vmul.f32 $1.442695020e+00, v34  }
0xed: {  	v24 =	vmul.f32 v30, v24;
	v21 =	vmul.f32 v33, v21;
	v44 =	vadd.f32 v44, v46  }
0xee: {  	v54 =	vperm.xlane v45, v3;
	v43 =	vadd.f32 v43, v47;
	v58 =	vperm.xlane v32, v1  }
0xef: {  	v36 =	vadd.f32 v36, v55;
	v60 =	vperm.xlane v35, v2;
	v56 =	vperm.xlane v44, v2  }
0xf0: {  	v38 =	vadd.f32 v38, v48;
	(erf) = vpow2.f32 v41;
	v47 =	vperm.xlane v43, v3  }
0xf1: {  	v45 =	vadd.f32 v45, v54;
	v59 =	vperm.xlane v36, v3;
	v57 =	vadd.f32 v44, v56  }
0xf2: {  	v32 =	vadd.f32 v32, v58;
	v61 =	vperm.xlane v38, v2;
	v43 =	vadd.f32 v43, v47  }
0xf3: {  	v45 =	vmul.f32 $1.442695020e+00, v45;
	v36 =	vadd.f32 v36, v59;
	v44 =	vperm.xlane v57, v3  }
0xf4: {  	v35 =	vadd.f32 v35, v60;
	v62 =	vperm.xlane v32, v2;
	v43 =	vmul.f32 $1.442695020e+00, v43  }
0xf5: {  	(erf) = vpow2.f32 v45;
	v36 =	vmul.f32 $1.442695020e+00, v36;
	v40 =	vadd.f32 v57, v44  }
0xf6: {  	v63 =	vperm.xlane v35, v3;
	v32 =	vadd.f32 v32, v62;
	(erf) = vpow2.f32 v43  }
0xf7: {  	v38 =	vadd.f32 v38, v61;
	v40 =	vmul.f32 $1.442695020e+00, v40;
	(erf) = vpow2.f32 v36  }
0xf8: {  	v37 =	vadd.f32 v37, v39;
	v46 =	vpop (erf);
	v44 =	vperm.xlane v32, v3;
	(erf) = vpow2.f32 v34  }
0xf9: {  	v45 =	vperm.xlane v38, v3;
	v35 =	vadd.f32 v35, v63;
	v47 =	vpop (erf);
	(erf) = vpow2.f32 v40  }
0xfa: {  	v54 =	vmul.f32 v33, v14;
	v49 =	vmul.f32 v47, v13;
	v32 =	vadd.f32 v32, v44  }
0xfb: {  	v19 =	vmul.f32 v46, v19;
	v35 =	vmul.f32 $1.442695020e+00, v35;
	v36 =	vadd.f32 v38, v45  }
0xfc: {  	[tilespmem:s21+$0x5020] =	vst v24;
	v24 =	vmul.f32 v46, v15;
	v48 =	vpop (erf);
	v37 =	vadd.f32 v49, v37;
	v32 =	vmul.f32 $1.442695020e+00, v32  }
0xfd: {  	v50 =	vpop (erf);
	v51 =	vmul.f32 $1.442695020e+00, v36;
	(erf) = vpow2.f32 v35  }
0xfe: {  	v52 =	vmul.f32 v48, v10;
	v53 =	vpop (erf);
	(erf) = vpow2.f32 v32;
	v32 =	vadd.f32 v54, v37  }
0xff: {  	[tilespmem:s0+$0x5040] =	vst v21;
	v20 =	vmul.f32 v47, v20;
	(erf) = vpow2.f32 v51;
	v55 =	vpop (erf)  }
0x100: {  	[tilespmem:s0+$0x5050] =	vst v19;
	v57 =	vadd.f32 $0.0e+00, v52;
	v19 =	vadd.f32 v24, v32;
	v56 =	vpop (erf)  }
0x101: {  	v30 =	vmul.f32 v30, v12;
	[tilespmem:s0+$0x5030] =	vst v20;
	v20 =	vmul.f32 v48, v22;
	v58 =	vpop (erf)  }
0x102: {  	v21 =	vadd.f32 v31, v57;
	[tilespmem:s0+$0x5060] =	vst v19;
	v19 =	vmul.f32 v55, v28;
	v59 =	vpop (erf);
	v22 =	vmul.f32 v58, v13  }
0x103: {  	v28 =	vmul.f32 v55, v11;
	v24 =	vmul.f32 v59, v10  }
0x104: {  	v21 =	vadd.f32 v30, v21;
	[tilespmem:s21+$0x5000] =	vst v20;
	v20 =	vmul.f32 v53, v29;
	v29 =	vmul.f32 v50, v14  }
0x105: {  	v24 =	vadd.f32 $0.0e+00, v24  }
0x106: {  	v21 =	vadd.f32 v22, v21;
	v22 =	vpop (erf)  }
0x107: {  	v18 =	vmul.f32 v50, v18;
	[tilespmem:s1+$0x5010] =	vst v19;
	v19 =	vadd.f32 v28, v24;
	v24 =	vmul.f32 v53, v12;
	v28 =	vpop (erf)  }
0x108: {  	v17 =	vmul.f32 v56, v17;
	[tilespmem:s1+$0x5020] =	vst v20;
	v20 =	vmul.f32 v56, v15;
	v21 =	vadd.f32 v29, v21;
	v29 =	vpop (erf)  }
0x109: {  	v16 =	vmul.f32 v58, v16;
	[tilespmem:s21+$0x5040] =	vst v18;
	v18 =	vadd.f32 v24, v19;
	v19 =	vmul.f32 v29, v13  }
0x10a: {  	[tilespmem:s21+$0x5050] =	vst v17;
	v17 =	vadd.f32 v20, v21  }
0x10b: {  	[tilespmem:s21+$0x5030] =	vst v16;
	v16 =	vmul.f32 v59, v27;
	v20 =	vmul.f32 v22, v14;
	v18 =	vadd.f32 v19, v18  }
0x10c: {  	[tilespmem:s21+$0x5060] =	vst v17;
	v17 =	vmul.f32 v22, v26  }
0x10d: {  	[tilespmem:s1+$0x5000] =	vst v16;
	v16 =	vmul.f32 v28, v23;
	v19 =	vmul.f32 v28, v15;
	v18 =	vadd.f32 v20, v18  }
0x10e: {  	[tilespmem:s1+$0x5040] =	vst v17;
	v17 =	vmul.f32 v29, v25  }
0x10f: {  	[tilespmem:s1+$0x5050] =	vst v16;
	v16 =	vadd.f32 v19, v18  }
0x110: {  	p0 =	seq.s32 s19, $0x80;
	s21 =	sshll.u32 s23, $0x8;
	[tilespmem:s1+$0x5030] =	vst v17  }
0x111: {  	s24 =	sadd.s32 $0x7C00, s21;
	[tilespmem:s1+$0x5060] =	vst v16;
	s1 =	simm.s32 @!p0 $0x5  }
0x112: {  	[spmem:s2] =	stream.indirect.scatter.add.f32 [tilespmem:s31], [sflag:$0x6], $0x80, s24, s3, $0xb8;
	[tilespmem:$0x1C100] =	vst v63  }
0x113: {  	_ =	swait.ge @!p0 [sflag:s1], $0x80  }
0x114: {  	[sflag:s1] =	ssyncset.done @!p0 $0x0  }
0x115: {  	[sflag:s1] =	ssyncadd.s32 @!p0 $0xFFFFFF80  }
0x116: {  	_ =	swait.ge @!p0 [sflag:s1], $0x80  }
0x117: {  	[sflag:s1] =	ssyncset.done @!p0 $0x0  }
0x118: {  	[sflag:s1] =	ssyncadd.s32 @!p0 $0xFFFFFF80  }
0x119: {  	_ =	swait.ge @!p0 [sflag:s1], $0x80  }
0x11a: {  	[sflag:s1] =	ssyncset.done @!p0 $0x0  }
0x11b: {  	[sflag:s1] =	ssyncadd.s32 @!p0 $0xFFFFFF80  }
0x11c: {  	_ =	swait.ge @!p0 [sflag:s1], $0x80  }
0x11d: {  	s0 =	sshll.u32 @!p0 s22, $0x8;
	s22 =	simm.s32 @!p0 $0x0;
	[sflag:s1] =	ssyncset.done @!p0 $0x0  }
0x11e: {  	s4 =	sadd.s32 @!p0 $0x7800, s0;
	[sflag:s1] =	ssyncadd.s32 @!p0 $0xFFFFFF80;
	s1 =	simm.s32 @!p0 $0x28  }
0x11f: {  	[tilespmem:s22], [sflag:$0x1] =	stream.indirect.gather @!p0 [hbm4b:s5+s1], $0x80, s4, s1, $0xb8;
	[tilespmem:$0x1C100] =	vst v63  }
0x120: {  	s4 =	sadd.s32 @!p0 $0x7C00, s0;
	s22 =	simm.s32 @!p0 $0x1400  }
0x121: {  	[tilespmem:s22], [sflag:$0x2] =	stream.indirect.gather @!p0 [hbm4b:s6+s1], $0x80, s4, s1, $0xb8;
	[tilespmem:$0x1C100] =	vst v63  }
0x122: {  	_ =	swait.ge [sflag:s13], $0x1400  }
0x123: {  	[sflag:s13] =	ssyncset.done $0x0  }
0x124: {  	[sflag:s13] =	ssyncadd.s32 $0xFFFFEC00  }
0x125: {  	_ =	swait.ge [sflag:s14], $0x1400  }
0x126: {  	[sflag:s14] =	ssyncset.done $0x0  }
0x127: {  	s1 =	simm.s32 @!p1 $0x7;
	[sflag:s14] =	ssyncadd.s32 $0xFFFFEC00  }
0x128: {  	_ =	swait.ge @!p1 [sflag:s1], $0x1400  }
0x129: {  	[sflag:s1] =	ssyncset.done @!p1 $0x0  }
0x12a: {  	s22 =	simm.s32 $0x0;
	[sflag:s1] =	ssyncadd.s32 @!p1 $0xFFFFEC00  }
0x12b: {  	v16 =	vld [tilespmem:s22+$0x3C20]  }
0x12c: {  	v23 =	vld [tilespmem:s22+$0x2820]  }
0x12d: {  	v17 =	vld [tilespmem:s22+$0x3C10]  }
0x12e: {  	v25 =	vld [tilespmem:s22+$0x2810];
	_ =	sdelay $0x1  }
0x12f: {  	v18 =	vld [tilespmem:s22+$0x3C50]  }
0x130: {  	v22 =	vld [tilespmem:s22+$0x3C40]  }
0x131: {  	v19 =	vld [tilespmem:s22+$0x2850];
	v16 =	vadd.f32 v16, v23  }
0x132: {  	v21 =	vld [tilespmem:s22+$0x2840];
	v17 =	vadd.f32 v17, v25  }
0x133: {  	v24 =	vld [tilespmem:s22+$0x3C00];
	v20 =	vmul.f32 $2.000000030e-01, v16  }
0x134: {  	v30 =	vld [tilespmem:s22+$0x2800];
	v26 =	vmul.f32 $2.000000030e-01, v17  }
0x135: {  	v16 =	vmax.f32 v16, v20  }
0x136: {  	v17 =	vmax.f32 v17, v26;
	v20 =	vld [tilespmem:s22+$0x2830];
	v16 =	vmul.f32 v16, v6  }
0x137: {  	v29 =	vadd.f32 v18, v19;
	v18 =	vadd.f32 v22, v21;
	v26 =	vld [tilespmem:s22+$0x3C30];
	v17 =	vmul.f32 v17, v5  }
0x138: {  	v27 =	vperm.xlane v16, v1  }
0x139: {  	v24 =	vadd.f32 v24, v30;
	v31 =	vmul.f32 $2.000000030e-01, v18;
	v28 =	vperm.xlane v17, v1  }
0x13a: {  	s1 =	simm.s32 $0x80;
	v16 =	vadd.f32 v16, v27  }
0x13b: {  	v60 =	vld [tilespmem:s1+$0x3C40];
	v18 =	vmax.f32 v18, v31;
	v27 =	vmul.f32 $2.000000030e-01, v24;
	v28 =	vadd.f32 v17, v28  }
0x13c: {  	v42 =	vmul.f32 v18, v8;
	v18 =	vld [tilespmem:s1+$0x2840];
	v22 =	vadd.f32 v26, v20;
	v17 =	vperm.xlane v16, v2  }
0x13d: {  	v61 =	vmul.f32 $2.000000030e-01, v29;
	v24 =	vmax.f32 v24, v27;
	v27 =	vperm.xlane v28, v2  }
0x13e: {  	v62 =	vmul.f32 $2.000000030e-01, v22;
	v24 =	vmul.f32 v24, v4;
	v16 =	vadd.f32 v16, v17  }
0x13f: {  	v63 =	vld [tilespmem:s1+$0x3C20];
	v29 =	vmax.f32 v29, v61;
	v27 =	vadd.f32 v28, v27  }
0x140: {  	v26 =	vld [tilespmem:s1+$0x3C50];
	v22 =	vmax.f32 v22, v62;
	v28 =	vperm.xlane v24, v1;
	v31 =	vperm.xlane v16, v3  }
0x141: {  	v32 =	vadd.f32 v60, v18;
	v17 =	vld [tilespmem:s1+$0x2850];
	v22 =	vmul.f32 v22, v7;
	v43 =	vperm.xlane v27, v3  }
0x142: {  	v44 =	vld [tilespmem:s1+$0x3C30];
	v29 =	vmul.f32 v29, v9;
	v28 =	vadd.f32 v24, v28;
	v24 =	vadd.f32 v16, v31  }
0x143: {  	v48 =	vld [tilespmem:s1+$0x3C00];
	v54 =	vmul.f32 $2.000000030e-01, v32;
	v47 =	vperm.xlane v22, v1;
	v27 =	vadd.f32 v27, v43  }
0x144: {  	v49 =	vld [tilespmem:s1+$0x3C10];
	v31 =	vperm.xlane v42, v1;
	v46 =	vmul.f32 $1.442695020e+00, v24  }
0x145: {  	v32 =	vmax.f32 v32, v54;
	v16 =	vld [tilespmem:s1+$0x2830];
	v45 =	vperm.xlane v28, v2;
	v27 =	vmul.f32 $1.442695020e+00, v27  }
0x146: {  	v33 =	vadd.f32 v22, v47;
	v26 =	vadd.f32 v26, v17;
	v22 =	vld [tilespmem:s1+$0x2800];
	(erf) = vpow2.f32 v46  }
0x147: {  	v32 =	vmul.f32 v32, v8;
	v24 =	vld [tilespmem:s1+$0x2820];
	v36 =	vadd.f32 v42, v31;
	(erf) = vpow2.f32 v27  }
0x148: {  	v31 =	vld [tilespmem:s1+$0x2810];
	v28 =	vadd.f32 v28, v45;
	v52 =	vmul.f32 $2.000000030e-01, v26;
	v53 =	vperm.xlane v33, v2  }
0x149: {  	v51 =	vperm.xlane v36, v2;
	v27 =	vperm.xlane v29, v1  }
0x14a: {  	v50 =	vperm.xlane v28, v3;
	v34 =	vadd.f32 v44, v16;
	v33 =	vadd.f32 v33, v53  }
0x14b: {  	v41 =	vmax.f32 v26, v52;
	v36 =	vadd.f32 v36, v51;
	v57 =	vadd.f32 v48, v22  }
0x14c: {  	v51 =	vperm.xlane v32, v1;
	v41 =	vmul.f32 v41, v9;
	v35 =	vadd.f32 v63, v24  }
0x14d: {  	v56 =	vmul.f32 $2.000000030e-01, v34;
	v26 =	vadd.f32 v49, v31;
	v59 =	vmul.f32 $2.000000030e-01, v57  }
0x14e: {  	v28 =	vadd.f32 v28, v50;
	v48 =	vperm.xlane v33, v3;
	v55 =	vmul.f32 $2.000000030e-01, v35  }
0x14f: {  	v27 =	vadd.f32 v29, v27;
	v58 =	vmul.f32 $2.000000030e-01, v26;
	v37 =	vmax.f32 v57, v59;
	v45 =	vpop (erf)  }
0x150: {  	v47 =	vperm.xlane v36, v3;
	v35 =	vmax.f32 v35, v55;
	v29 =	vmul.f32 v37, v4;
	v61 =	vpop (erf)  }
0x151: {  	v26 =	vmax.f32 v26, v58;
	v35 =	vmul.f32 v35, v6;
	v25 =	vmul.f32 v61, v25  }
0x152: {  	v32 =	vadd.f32 v32, v51;
	v26 =	vmul.f32 v26, v5;
	v52 =	vperm.xlane v29, v1  }
0x153: {  	s23 =	simm.s32 $0x100;
	v34 =	vmax.f32 v34, v56;
	v28 =	vmul.f32 $1.442695020e+00, v28;
	v60 =	vperm.xlane v35, v1;
	[tilespmem:s22+$0x6410] =	vst v25  }
0x154: {  	v49 =	vperm.xlane v26, v1;
	v62 =	vmul.f32 v45, v23;
	v29 =	vadd.f32 v29, v52;
	v50 =	vld [tilespmem:s23+$0x3C50]  }
0x155: {  	v34 =	vmul.f32 v34, v7;
	v36 =	vadd.f32 v36, v47;
	(erf) = vpow2.f32 v28;
	v63 =	vld [tilespmem:s23+$0x3C40]  }
0x156: {  	v35 =	vadd.f32 v35, v60;
	v26 =	vadd.f32 v26, v49;
	v57 =	vperm.xlane v29, v2;
	v23 =	vld [tilespmem:s23+$0x2850];
	[tilespmem:s22+$0x6420] =	vst v62  }
0x157: {  	v33 =	vadd.f32 v33, v48;
	v28 =	vperm.xlane v27, v2;
	v58 =	vmul.f32 $1.442695020e+00, v36;
	v56 =	vld [tilespmem:s23+$0x3C20]  }
0x158: {  	v25 =	vperm.xlane v35, v2;
	v53 =	vperm.xlane v26, v2;
	v46 =	vadd.f32 v29, v57;
	v29 =	vld [tilespmem:s23+$0x2820]  }
0x159: {  	v54 =	vperm.xlane v34, v1;
	v48 =	vadd.f32 v27, v28;
	v28 =	vperm.xlane v32, v2;
	v62 =	vld [tilespmem:s23+$0x3C00]  }
0x15a: {  	(erf) = vpow2.f32 v58;
	v27 =	vld [tilespmem:s23+$0x2800];
	v25 =	vadd.f32 v35, v25;
	v35 =	vadd.f32 v26, v53  }
0x15b: {  	v47 =	vadd.f32 v34, v54;
	v38 =	vmul.f32 v61, v11;
	v61 =	vperm.xlane v41, v1  }
0x15c: {  	v32 =	vadd.f32 v32, v28;
	v26 =	vld [tilespmem:s23+$0x2840];
	v55 =	vperm.xlane v25, v3;
	v59 =	vperm.xlane v35, v3  }
0x15d: {  	v52 =	vperm.xlane v48, v3;
	v36 =	vadd.f32 v41, v61;
	v60 =	vld [tilespmem:s23+$0x3C30];
	v37 =	vadd.f32 v50, v23  }
0x15e: {  	v28 =	vld [tilespmem:s23+$0x2810];
	v49 =	vperm.xlane v46, v3;
	v40 =	vadd.f32 v25, v55;
	v35 =	vadd.f32 v35, v59  }
0x15f: {  	v41 =	vmul.f32 $1.442695020e+00, v33;
	v50 =	vld [tilespmem:s23+$0x3C10];
	v44 =	vadd.f32 v56, v29;
	v58 =	vadd.f32 v62, v27  }
0x160: {  	v53 =	vperm.xlane v47, v2;
	v25 =	vld [tilespmem:s23+$0x2830];
	v62 =	vadd.f32 v46, v49;
	v49 =	vadd.f32 v48, v52  }
0x161: {  	v42 =	vadd.f32 v63, v26;
	v51 =	vmul.f32 $2.000000030e-01, v37;
	v40 =	vmul.f32 $1.442695020e+00, v40  }
0x162: {  	v35 =	vmul.f32 $1.442695020e+00, v35;
	v63 =	vmul.f32 $2.000000030e-01, v44  }
0x163: {  	v57 =	vpop (erf);
	v43 =	vmul.f32 $1.442695020e+00, v49;
	v54 =	vmul.f32 $2.000000030e-01, v42  }
0x164: {  	(erf) = vpow2.f32 v40;
	v50 =	vadd.f32 v50, v28;
	v40 =	vmul.f32 v57, v10  }
0x165: {  	v39 =	vadd.f32 v60, v25;
	v42 =	vmax.f32 v42, v54;
	(erf) = vpow2.f32 v35  }
0x166: {  	v60 =	vmax.f32 v44, v63;
	v63 =	vmul.f32 $2.000000030e-01, v58;
	v61 =	vmul.f32 $2.000000030e-01, v50  }
0x167: {  	v35 =	vmul.f32 v42, v8;
	v55 =	vmul.f32 $2.000000030e-01, v39  }
0x168: {  	(erf) = vpow2.f32 v43;
	v42 =	vmax.f32 v58, v63;
	v58 =	vperm.xlane v32, v3  }
0x169: {  	v59 =	vmax.f32 v39, v55;
	v55 =	vmul.f32 v57, v30;
	v30 =	vmul.f32 v60, v6  }
0x16a: {  	v33 =	vpop (erf);
	v46 =	vadd.f32 v47, v53;
	(erf) = vpow2.f32 v41;
	v44 =	vmul.f32 v42, v4  }
0x16b: {  	v56 =	vmax.f32 v50, v61;
	v41 =	vperm.xlane v35, v1;
	v52 =	vperm.xlane v30, v1  }
0x16c: {  	v34 =	vmax.f32 v37, v51;
	v42 =	vmul.f32 v45, v12;
	v47 =	vmul.f32 v56, v5  }
0x16d: {  	v39 =	vmul.f32 $1.442695020e+00, v62;
	v37 =	vmul.f32 v59, v7;
	v57 =	vadd.f32 v30, v52;
	v30 =	vpop (erf)  }
0x16e: {  	v60 =	vadd.f32 $0.0e+00, v40;
	v59 =	vperm.xlane v46, v3;
	v63 =	vperm.xlane v47, v1;
	v62 =	vpop (erf)  }
0x16f: {  	v40 =	vadd.f32 v32, v58;
	v61 =	vperm.xlane v57, v2;
	v31 =	vmul.f32 v62, v31  }
0x170: {  	v38 =	vadd.f32 v38, v60;
	[tilespmem:s22+$0x6400] =	vst v55;
	v32 =	vadd.f32 v46, v59;
	v46 =	vperm.xlane v44, v1  }
0x171: {  	s24 =	simm.s32 $0x600;
	v43 =	vadd.f32 v47, v63;
	v45 =	vadd.f32 v57, v61;
	[tilespmem:s1+$0x6410] =	vst v31;
	v31 =	vmul.f32 v62, v11  }
.LBB2_7:
0x172: {  	s4 =	sshra.s32 s24, $0x2;
	p1 =	sne.s32 s24, $0x4E00;
	s24 =	sadd.s32 $0x200, s24;
	v47 =	vperm.xlane v37, v1;
	(erf) = vpow2.f32 v39;
	v38 =	vadd.f32 v42, v38  }
0x173: {  	v39 =	vld [tilespmem:s4+$0x3C50];
	v42 =	vadd.f32 v44, v46;
	v44 =	vperm.xlane v45, v3;
	v46 =	vmul.f32 v30, v24;
	v24 =	vmovc v29  }
0x174: {  	v29 =	vperm.xlane v43, v2;
	v48 =	vld [tilespmem:s4+$0x3C40];
	v37 =	vadd.f32 v37, v47;
	v47 =	vperm.xlane v36, v2  }
0x175: {  	v49 =	vld [tilespmem:s4+$0x2850];
	v44 =	vadd.f32 v45, v44;
	v45 =	vmul.f32 v34, v9;
	[tilespmem:s1+$0x6420] =	vst v46;
	v34 =	vmul.f32 $1.442695020e+00, v40  }
0x176: {  	v21 =	vmul.f32 v33, v21;
	v46 =	vperm.xlane v42, v2;
	v43 =	vadd.f32 v43, v29;
	v40 =	vld [tilespmem:s4+$0x3C20];
	v50 =	vpop (erf)  }
0x177: {  	v47 =	vadd.f32 v36, v47;
	v51 =	vld [tilespmem:s4+$0x2840];
	v44 =	vmul.f32 $1.442695020e+00, v44;
	v54 =	vmul.f32 v50, v19;
	v36 =	vpop (erf)  }
0x178: {  	v33 =	vmul.f32 v33, v14;
	v42 =	vadd.f32 v42, v46;
	v46 =	vperm.xlane v43, v3;
	v52 =	vld [tilespmem:s4+$0x2830];
	[tilespmem:s22+$0x6440] =	vst v21  }
0x179: {  	v21 =	vadd.f32 v35, v41;
	v35 =	vperm.xlane v45, v1;
	v20 =	vmul.f32 v36, v20;
	v53 =	vld [tilespmem:s4+$0x3C30];
	[tilespmem:s22+$0x6450] =	vst v54  }
0x17a: {  	v19 =	vmovc v17;
	v36 =	vmul.f32 v36, v13;
	v41 =	vperm.xlane v42, v3;
	v43 =	vadd.f32 v43, v46;
	v29 =	vld [tilespmem:s4+$0x2820]  }
0x17b: {  	v50 =	vmul.f32 v50, v15;
	v39 =	vadd.f32 v39, v49;
	v54 =	vperm.xlane v21, v2;
	v46 =	vld [tilespmem:s4+$0x3C00];
	v55 =	vpop (erf);
	[tilespmem:s22+$0x6430] =	vst v20  }
0x17c: {  	v17 =	vmovc v23;
	v59 =	vadd.f32 v36, v38;
	v23 =	vmovc v49;
	v43 =	vmul.f32 $1.442695020e+00, v43;
	v56 =	vld [tilespmem:s4+$0x3C10];
	v48 =	vadd.f32 v48, v51  }
0x17d: {  	v36 =	vmul.f32 $2.000000030e-01, v39;
	v49 =	vadd.f32 v21, v54;
	v54 =	vperm.xlane v47, v3;
	v21 =	vmovc v18;
	v18 =	vmovc v26;
	v38 =	vld [tilespmem:s4+$0x2800]  }
0x17e: {  	v58 =	vperm.xlane v37, v2;
	v33 =	vadd.f32 v33, v59;
	v26 =	vmovc v51;
	v57 =	vld [tilespmem:s4+$0x2810];
	v53 =	vadd.f32 v53, v52  }
0x17f: {  	v20 =	vmovc v16;
	v16 =	vmovc v25;
	v51 =	vmul.f32 $2.000000030e-01, v48;
	v40 =	vadd.f32 v40, v29;
	(erf) = vpow2.f32 v34  }
0x180: {  	v25 =	vmovc v52;
	v33 =	vadd.f32 v50, v33;
	v34 =	vmax.f32 v39, v36;
	v59 =	vmul.f32 $2.000000030e-01, v53  }
0x181: {  	v39 =	vmax.f32 v48, v51;
	v36 =	vmul.f32 $2.000000030e-01, v40;
	(erf) = vpow2.f32 v44  }
0x182: {  	v44 =	vadd.f32 v46, v38;
	v46 =	vmax.f32 v53, v59;
	(erf) = vpow2.f32 v43;
	[tilespmem:s22+$0x6460] =	vst v33;
	s22 =	smov.u32 s1;
	s1 =	smov.u32 s23;
	s23 =	smov.u32 s4  }
0x183: {  	v33 =	vadd.f32 v56, v57;
	v36 =	vmax.f32 v40, v36;
	v40 =	vmul.f32 v55, v22;
	v22 =	vmovc v27  }
0x184: {  	v32 =	vmul.f32 $1.442695020e+00, v32;
	v27 =	vmovc v38;
	v43 =	vmul.f32 v36, v6;
	v36 =	vadd.f32 v45, v35  }
0x185: {  	v35 =	vmul.f32 v39, v8;
	v39 =	vadd.f32 v42, v41;
	v38 =	vmul.f32 $2.000000030e-01, v33;
	[tilespmem:s22+$0x6400] =	vst v40  }
0x186: {  	v41 =	vmul.f32 v55, v10;
	v42 =	vadd.f32 v47, v54;
	v40 =	vmul.f32 $2.000000030e-01, v44  }
0x187: {  	v47 =	vadd.f32 v37, v58;
	v45 =	vperm.xlane v43, v1;
	v39 =	vmul.f32 $1.442695020e+00, v39  }
0x188: {  	v37 =	vmul.f32 v46, v7;
	v42 =	vmul.f32 $1.442695020e+00, v42;
	v38 =	vmax.f32 v33, v38;
	v33 =	vpop (erf)  }
0x189: {  	v44 =	vmax.f32 v44, v40;
	v40 =	vperm.xlane v49, v3;
	v45 =	vadd.f32 v43, v45  }
0x18a: {  	v46 =	vperm.xlane v47, v3;
	v43 =	vmul.f32 v38, v5;
	v38 =	vadd.f32 $0.0e+00, v41;
	v48 =	vpop (erf)  }
.Ltmp2:
0x18b: {  	v40 =	vadd.f32 v49, v40;
	v50 =	vperm.xlane v45, v2;
	v49 =	vpop (erf);
	(erf) = vpow2.f32 v42;
	(pc) =	sbr.rel @p1 .LBB2_7-.Ltmp2, $4  }
0x18c: {  	v41 =	vperm.xlane v43, v1;
	v38 =	vadd.f32 v31, v38;
	(erf) = vpow2.f32 v32  }
0x18d: {  	v44 =	vmul.f32 v44, v4;
	v31 =	vmul.f32 v49, v28;
	v32 =	vadd.f32 v47, v46;
	v28 =	vmovc v57  }
0x18e: {  	v42 =	vmul.f32 v30, v12;
	v30 =	vmovc v48;
	v43 =	vadd.f32 v43, v41;
	v41 =	vperm.xlane v35, v1  }
0x18f: {  	v46 =	vperm.xlane v44, v1;
	v45 =	vadd.f32 v45, v50;
	[tilespmem:s1+$0x6410] =	vst v31;
	v31 =	vmul.f32 v49, v11  }
0x190: {  	v47 =	vperm.xlane v43, v2;
	(erf) = vpow2.f32 v39  }
0x191: {  	v55 =	vperm.xlane v36, v2;
	v56 =	vperm.xlane v37, v1  }
0x192: {  	v34 =	vmul.f32 v34, v9;
	v40 =	vmul.f32 $1.442695020e+00, v40  }
0x193: {  	v35 =	vadd.f32 v35, v41;
	v32 =	vmul.f32 $1.442695020e+00, v32;
	v44 =	vadd.f32 v44, v46  }
0x194: {  	v54 =	vperm.xlane v45, v3;
	v43 =	vadd.f32 v43, v47;
	v59 =	vperm.xlane v34, v1  }
0x195: {  	v36 =	vadd.f32 v36, v55;
	v62 =	vperm.xlane v35, v2;
	v57 =	vperm.xlane v44, v2  }
0x196: {  	v37 =	vadd.f32 v37, v56;
	(erf) = vpow2.f32 v40;
	v58 =	vperm.xlane v43, v3  }
0x197: {  	v45 =	vadd.f32 v45, v54;
	v61 =	vperm.xlane v36, v3;
	v44 =	vadd.f32 v44, v57  }
0x198: {  	v34 =	vadd.f32 v34, v59;
	v63 =	vperm.xlane v37, v2;
	v39 =	vadd.f32 v43, v58  }
0x199: {  	v45 =	vmul.f32 $1.442695020e+00, v45;
	v36 =	vadd.f32 v36, v61;
	v60 =	vperm.xlane v44, v3  }
0x19a: {  	v35 =	vadd.f32 v35, v62;
	v46 =	vperm.xlane v34, v2;
	v39 =	vmul.f32 $1.442695020e+00, v39  }
0x19b: {  	(erf) = vpow2.f32 v45;
	v36 =	vmul.f32 $1.442695020e+00, v36;
	v45 =	vadd.f32 v44, v60  }
0x19c: {  	v48 =	vperm.xlane v35, v3;
	v34 =	vadd.f32 v34, v46;
	(erf) = vpow2.f32 v39  }
0x19d: {  	v37 =	vadd.f32 v37, v63;
	v47 =	vmul.f32 $1.442695020e+00, v45;
	(erf) = vpow2.f32 v36  }
0x19e: {  	v49 =	vperm.xlane v34, v3;
	(erf) = vpow2.f32 v32  }
0x19f: {  	v50 =	vperm.xlane v37, v3;
	v35 =	vadd.f32 v35, v48;
	(erf) = vpow2.f32 v47  }
0x1a0: {  	v51 =	vpop (erf);
	v32 =	vadd.f32 v34, v49  }
0x1a1: {  	v24 =	vmul.f32 v30, v24;
	v52 =	vpop (erf);
	v35 =	vmul.f32 $1.442695020e+00, v35;
	v36 =	vadd.f32 v37, v50  }
0x1a2: {  	v54 =	vmul.f32 v52, v13;
	v53 =	vpop (erf);
	v32 =	vmul.f32 $1.442695020e+00, v32  }
0x1a3: {  	v38 =	vadd.f32 v42, v38;
	v41 =	vpop (erf);
	v55 =	vmul.f32 $1.442695020e+00, v36;
	(erf) = vpow2.f32 v35  }
0x1a4: {  	v56 =	vmul.f32 v53, v10;
	v57 =	vpop (erf);
	(erf) = vpow2.f32 v32  }
0x1a5: {  	v58 =	vmul.f32 v33, v14;
	v38 =	vadd.f32 v54, v38;
	(erf) = vpow2.f32 v55;
	v59 =	vpop (erf)  }
0x1a6: {  	v21 =	vmul.f32 v33, v21;
	v61 =	vadd.f32 $0.0e+00, v56;
	v60 =	vpop (erf)  }
0x1a7: {  	[tilespmem:s1+$0x6420] =	vst v24;
	v19 =	vmul.f32 v51, v19;
	v63 =	vmul.f32 v51, v15;
	v32 =	vadd.f32 v58, v38;
	v62 =	vpop (erf)  }
0x1a8: {  	[tilespmem:s22+$0x6440] =	vst v21;
	v20 =	vmul.f32 v52, v20;
	v45 =	vmul.f32 v30, v12;
	v44 =	vadd.f32 v31, v61;
	v43 =	vpop (erf)  }
0x1a9: {  	[tilespmem:s22+$0x6450] =	vst v19;
	v46 =	vadd.f32 v63, v32;
	v47 =	vmul.f32 v43, v10  }
0x1aa: {  	[tilespmem:s22+$0x6430] =	vst v20;
	v48 =	vmul.f32 v53, v22;
	v21 =	vadd.f32 v45, v44;
	v49 =	vmul.f32 v62, v13  }
0x1ab: {  	[tilespmem:s22+$0x6460] =	vst v46;
	v50 =	vmul.f32 v59, v28;
	v51 =	vmul.f32 v59, v11;
	v24 =	vadd.f32 $0.0e+00, v47  }
0x1ac: {  	v53 =	vmul.f32 v41, v14;
	v52 =	vmul.f32 v57, v29;
	[tilespmem:s1+$0x6400] =	vst v48;
	v54 =	vpop (erf);
	v21 =	vadd.f32 v49, v21  }
0x1ad: {  	v18 =	vmul.f32 v41, v18;
	v56 =	vmul.f32 v57, v12;
	[tilespmem:s23+$0x6410] =	vst v50;
	v57 =	vpop (erf);
	v55 =	vadd.f32 v51, v24  }
0x1ae: {  	v17 =	vmul.f32 v60, v17;
	v58 =	vmul.f32 v60, v15;
	[tilespmem:s23+$0x6420] =	vst v52;
	v21 =	vadd.f32 v53, v21;
	v59 =	vpop (erf)  }
0x1af: {  	v16 =	vmul.f32 v62, v16;
	[tilespmem:s1+$0x6440] =	vst v18;
	v61 =	vmul.f32 v59, v13;
	v60 =	vadd.f32 v56, v55  }
0x1b0: {  	[tilespmem:s1+$0x6450] =	vst v17;
	v17 =	vadd.f32 v58, v21  }
0x1b1: {  	[tilespmem:s1+$0x6430] =	vst v16;
	v16 =	vmul.f32 v43, v27;
	v62 =	vmul.f32 v54, v14;
	v18 =	vadd.f32 v61, v60  }
0x1b2: {  	[tilespmem:s1+$0x6460] =	vst v17;
	v17 =	vmul.f32 v54, v26  }
0x1b3: {  	v63 =	vmul.f32 v57, v15;
	[tilespmem:s23+$0x6400] =	vst v16;
	v16 =	vmul.f32 v57, v23;
	v18 =	vadd.f32 v62, v18  }
0x1b4: {  	[tilespmem:s23+$0x6440] =	vst v17;
	v17 =	vmul.f32 v59, v25  }
0x1b5: {  	[tilespmem:s23+$0x6450] =	vst v16;
	v16 =	vadd.f32 v63, v18  }
0x1b6: {  	[tilespmem:s23+$0x6430] =	vst v17  }
0x1b7: {  	s24 =	sadd.s32 $0x7C80, s21;
	s4 =	simm.s32 @!p0 $0x28;
	p1 =	sgt.u32 @!p0 s19, $0x7E;
	[tilespmem:s23+$0x6460] =	vst v16  }
0x1b8: {  	[spmem:s2] =	stream.indirect.scatter.add.f32 [tilespmem:s15], [sflag:$0x7], $0x80, s24, s3, $0xb8;
	[tilespmem:$0x1C100] =	vst v63  }
0x1b9: {  	s21 =	simm.s32 @!p0 $0x2800;
	p1 =	por p1, p0;
	s1 =	sadd.s32 @!p0 $0x7880, s0  }
0x1ba: {  	[tilespmem:s21], [sflag:$0x3] =	stream.indirect.gather @!p0 [hbm4b:s5+s4], $0x80, s1, s4, $0xb8;
	[tilespmem:$0x1C100] =	vst v63  }
0x1bb: {  	s1 =	sadd.s32 @!p1 $0x2, s19  }
0x1bc: {  	s0 =	sadd.s32 @!p0 $0x7C80, s0;
	s19 =	simm.s32 @!p0 $0x3C00;
	s21 =	smul.u32 @!p1 $0xAB, s1  }
0x1bd: {  	[tilespmem:s19], [sflag:$0x4] =	stream.indirect.gather @!p0 [hbm4b:s6+s4], $0x80, s0, s4, $0xb8;
	[tilespmem:$0x1C100] =	vst v63  }
0x1be: {  	s0 =	sshrl.u32 @!p1 s21, $0x9  }
0x1bf: {  	s0 =	sand.u32 @!p1 $0x7F, s0  }
0x1c0: {  	s4 =	sshll.u32 @!p1 s1, $0x8;
	s0 =	smul.u32 @!p1 $0x3, s0  }
0x1c1: {  	s19 =	sand.u32 @!p1 $0xFC00, s4  }
0x1c2: {  	s4 =	sand.u32 @!p1 $0x300, s4;
	s0 =	ssub.s32 @!p1 s1, s0;
	s1 =	sadd.s32 @!p1 s10, s19  }
0x1c3: {  	s0 =	sand.u32 @!p1 $0xFF, s0;
	s1 =	sor.u32 @!p1 s4, s1  }
0x1c4: {  	s0 =	sshll.u32 @!p1 s0, $0x8;
	s1 =	sshrl.u32 @!p1 s1, $0x3  }
0x1c5: {  	s21 =	simm.s32 @!p1 $0x0;
	s4 =	sor.u32 @!p1 $0x7800, s0;
	s19 =	sadd.s32 @!p1 s7, s1  }
0x1c6: {  	[tilespmem:s4], [sflag:$0x5] =	stream.linear.gather @!p1 [hbm4b:s19+s21], $0x80, $0x38;
	[tilespmem:$0x1C100] =	vst v63  }
0x1c7: {  	s4 =	sor.u32 @!p1 $0x7C00, s0;
	s19 =	sadd.s32 @!p1 s8, s1;
	s1 =	sor.u32 @!p1 $0x10, s1  }
0x1c8: {  	[tilespmem:s4], [sflag:$0x5] =	stream.linear.gather @!p1 [hbm4b:s19+s21], $0x80, $0x38;
	[tilespmem:$0x1C100] =	vst v63  }
0x1c9: {  	s4 =	sor.u32 @!p1 $0x7880, s0;
	s19 =	sadd.s32 @!p1 s7, s1  }
0x1ca: {  	[tilespmem:s4], [sflag:$0x5] =	stream.linear.gather @!p1 [hbm4b:s19+s21], $0x80, $0x38;
	[tilespmem:$0x1C100] =	vst v63  }
0x1cb: {  	s0 =	sor.u32 @!p1 $0x7C80, s0;
	s1 =	sadd.s32 @!p1 s8, s1  }
0x1cc: {  	[tilespmem:s0], [sflag:$0x5] =	stream.linear.gather @!p1 [hbm4b:s1+s21], $0x80, $0x38;
	[tilespmem:$0x1C100] =	vst v63  }
0x1cd: {  	p1 =	sne.s32 @!p0 s20, $0x81  }
0x1ce: {  	p0 =	por p0, !p1  }
.Ltmp3:
0x1cf: {  	_ = 	snop;
	(pc) =	sbr.rel @!p0 .LBB2_4-.Ltmp3, $2  }
0x1d0: {  	_ =	sdelay $0x2  }
0x1d1: {  	s19 =	smov.u32 s20  }
0x1d2: {  	_ =	swait.ge [sflag:s16], $0x1400  }
0x1d3: {  	[sflag:s16] =	ssyncset.done $0x0  }
0x1d4: {  	[sflag:s16] =	ssyncadd.s32 $0xFFFFEC00  }
0x1d5: {  	_ =	swait.ge [sflag:s17], $0x1400  }
0x1d6: {  	s0 =	stileid.u32;
	[sflag:s17] =	ssyncset.done $0x0  }
0x1d7: {  	s1 =	sshrl.u32 s9, $0x3;
	s18 =	sadd.s32 $0x1, s18;
	[sflag:s17] =	ssyncadd.s32 $0xFFFFEC00  }
0x1d8: {  	s0 =	sshll.u32 s0, $0x6;
	p0 =	sne.s32 s18, s25;
	[bflag:$0x0] =	sbarrier.arrive $0xFFFF  }
.Ltmp4:
0x1d9: {  	s0 =	sor.u32 $0x1C08, s0;
	s4 =	rddreg [dreg:$0x11];
	(pc) =	sbr.rel @p0 .LBB2_1-.Ltmp4, $4  }
0x1da: {  	[hbm:s4], [sflag:s0] =	dma.local [spmem:s1], $0x2800  }
0x1db: {  	_ =	swait.ge [sflag:s30], $0x2800  }
0x1dc: {  	[sflag:s30] =	ssyncset.done $0x0  }
0x1dd: {  	[sflag:s30] =	ssyncadd.s32 $0xFFFFD800  }
0x1de: {  	_ =	sfence.sel $0x180000  }
0x1df: {  	[bflag:$0x0] =	sbarrier.arrive $0xFFFF  }
0x1e0: {  	_ =	strace $0x90000047  }
0x1e1: {  	s0 =	stileid.u32;
	[bflag:$0x2] =	sbarrier.arrive $0xFFFF  }
0x1e2: {  	p0 =	sne.s32 s0, $0x0;
	s0 =	rddreg [dreg:$0x3]  }
0x1e3: {  	s0 =	sadd.s32 @!p0 $0x100000, s0  }
0x1e4: {  	[sflag:s0] =	ssyncadd.tile.s32 @!p0 $0x1;
	_ =	shalt  }
.Lfunc_end2:
_tile_overlayer_lowered:
.L_overlay_start_2:
0x1e5: {  	(tag) =	ssettag $0x2  }
0x1e6: {  	s0 =	rddreg [dreg:$0x0];
	s2 =	stileid.u32  }
0x1e7: {  	s1 =	rddreg [dreg:$0x1];
	p0 =	sne.s32 s2, $0x0  }
0x1e8: {  	s3 =	rddreg [dreg:$0x2];
	[bflag:$0x3] =	sbarrier.arrive $0xFFFF;
	s2 =	simm.s32 @!p0 $0x1C08  }
0x1e9: {  	[timem:s3], [sflag:s2] =	dma.local @!p0 [hbm:s0], s1  }
0x1ea: {  	s0 =	simm.s32 @!p0 $0x8  }
0x1eb: {  	_ =	swait.ge @!p0 [sflag:s0], s1  }
0x1ec: {  	s1 =	ssub.s32 @!p0 $0x0, s1;
	[sflag:s0] =	ssyncset.done @!p0 $0x0  }
0x1ed: {  	[sflag:s0] =	ssyncadd.s32 @!p0 s1  }
0x1ee: {  	[bflag:$0x3] =	sbarrier.arrive $0xFFFF  }
0x1ef: {  	_ =	shalt  }

</sc_bundles>
